<compile_context>
chip_gen: v7x
topology: tpu7x:2x2x1
jax: 0.10.2.dev20260603
libtpu: 0.0.44.dev20260713+nightly
codegen_flags: <defaults>
</compile_context>

<pallas_src>
import dataclasses
import functools

import jax
import jax.numpy as jnp
from jax import lax
from jax.experimental import pallas as pl
from jax.experimental.pallas import tpu as pltpu
from jax.experimental.pallas import tpu_sc as plsc

N = 10000
E = 320000
F = 128
NS = 16
B = 64
MEGA = 512
EPT = 20480
E_PAD = EPT * NS
RPT = 624
REM = N - NS * RPT
EPS = 1e-30


def _sc_compiler_params():
  cp = pltpu.CompilerParams()
  if "needs_layout_passes" in pltpu.CompilerParams.__dataclass_fields__:
    cp = dataclasses.replace(cp, needs_layout_passes=False)
  return cp


def _deg_body(niA_hbm, w_hbm, deg_hbm,
              msg_v, niB_v, w_v, t6_v, degacc_sh):
  core = lax.axis_index("c")
  sid = lax.axis_index("s")
  ebase = sid * EPT
  nioff = core * E_PAD
  tslice = sid * RPT
  coreN = core * N

  fz16 = jnp.zeros((16,), jnp.float32)
  iota16 = lax.iota(jnp.int32, 16)
  z16i = jnp.zeros((16,), jnp.int32)

  @pl.loop(0, B)
  def _(r):
    for c in range(F // 16):
      msg_v[r, pl.ds(c * 16, 16)] = fz16

  off = 0
  for ln in (B,) * 9 + (48,):
    pltpu.sync_copy(msg_v.at[pl.ds(0, ln)],
                    degacc_sh.at[pl.ds(tslice + off, ln)])
    off += ln

  @pl.when(sid == NS - 1)
  def _():
    pltpu.sync_copy(msg_v.at[pl.ds(0, REM)],
                    degacc_sh.at[pl.ds(NS * RPT, REM)])

  plsc.subcore_barrier()

  @pl.loop(0, EPT, step=B)
  def _(eoff):
    src = ebase + eoff
    pltpu.sync_copy(niA_hbm.at[pl.ds(nioff + src, B)], niB_v)
    pltpu.sync_copy(w_hbm.at[pl.ds(src, B)], w_v)
    for e0 in range(0, B, 16):
      w16 = w_v[pl.ds(e0, 16)]
      plsc.store_scatter(msg_v, [iota16 + e0, z16i], w16)
    pltpu.sync_copy(msg_v, degacc_sh.at[niB_v], add=True)

  plsc.subcore_barrier()

  for c0 in range(0, RPT - 48, B):
    pltpu.sync_copy(degacc_sh.at[pl.ds(tslice + c0, B)], msg_v)
    for rr in range(0, B, 16):
      t6_v[pl.ds(c0 + rr, 16)] = plsc.load_gather(
          msg_v, [iota16 + rr, z16i])
  pltpu.sync_copy(degacc_sh.at[pl.ds(tslice + RPT - 48, 48)],
                  msg_v.at[pl.ds(0, 48)])
  for rr in range(0, 48, 16):
    t6_v[pl.ds(RPT - 48 + rr, 16)] = plsc.load_gather(
        msg_v, [iota16 + rr, z16i])
  pltpu.sync_copy(t6_v, deg_hbm.at[pl.ds(coreN + tslice, RPT)])

  @pl.when(sid == NS - 1)
  def _():
    pltpu.sync_copy(degacc_sh.at[pl.ds(NS * RPT, REM)],
                    msg_v.at[pl.ds(0, REM)])
    t6_v[pl.ds(0, 16)] = plsc.load_gather(msg_v, [iota16, z16i])
    pltpu.sync_copy(t6_v.at[pl.ds(0, REM)],
                    deg_hbm.at[pl.ds(coreN + NS * RPT, REM)])


def _sc_degrees(niA, w):
  mesh = plsc.VectorSubcoreMesh(core_axis_name="c", subcore_axis_name="s")
  scratch = [
      pltpu.VMEM((B, F), jnp.float32),
      pltpu.VMEM((B,), jnp.int32),
      pltpu.VMEM((B,), jnp.float32),
      pltpu.VMEM((RPT,), jnp.float32),
      pltpu.VMEM_SHARED((N, F), jnp.float32),
  ]
  f = pl.kernel(_deg_body,
                out_type=jax.ShapeDtypeStruct((2 * N,), jnp.float32),
                mesh=mesh, scratch_types=scratch,
                compiler_params=_sc_compiler_params())
  return f(niA, w)


def _prop_body(x_hbm, ri_hbm, sc_hbm, niA_hbm, rig_hbm, w_hbm, deg_hbm,
               p1_hbm, s2_hbm,
               rows_v, rows2_v, ric_v, ric2_v, ni_v, w_v, wn_v, sc_v, sc2_v,
               deg1d_v, gsem0, gsem1, ssem0, ssem1, acc_sh):
  core = lax.axis_index("c")
  sid = lax.axis_index("s")
  ebase = sid * EPT
  nioff = core * E_PAD
  tslice = sid * RPT
  coreN = core * N

  fz16 = jnp.zeros((16,), jnp.float32)
  z16i = jnp.zeros((16,), jnp.int32)

  pltpu.sync_copy(deg_hbm.at[pl.ds(coreN, N)], deg1d_v)

  def zero_rows_v():
    @pl.loop(0, B)
    def _(r):
      for c in range(F // 16):
        rows_v[r, pl.ds(c * 16, 16)] = fz16

  def zero_acc_slice():
    off = 0
    for ln in (B,) * 9 + (48,):
      pltpu.sync_copy(rows_v.at[pl.ds(0, ln)],
                      acc_sh.at[pl.ds(tslice + off, ln)])
      off += ln

    @pl.when(sid == NS - 1)
    def _():
      pltpu.sync_copy(rows_v.at[pl.ds(0, REM)],
                      acc_sh.at[pl.ds(NS * RPT, REM)])

  def copy_acc_out(dst_hbm):
    off = 0
    for ln in (B,) * 9 + (48,):
      pltpu.sync_copy(acc_sh.at[pl.ds(tslice + off, ln)],
                      rows_v.at[pl.ds(0, ln)])
      pltpu.sync_copy(rows_v.at[pl.ds(0, ln)],
                      dst_hbm.at[pl.ds(coreN + tslice + off, ln)])
      off += ln

    @pl.when(sid == NS - 1)
    def _():
      pltpu.sync_copy(acc_sh.at[pl.ds(NS * RPT, REM)],
                      rows_v.at[pl.ds(0, REM)])
      pltpu.sync_copy(rows_v.at[pl.ds(0, REM)],
                      dst_hbm.at[pl.ds(coreN + NS * RPT, REM)])

  zero_rows_v()
  zero_acc_slice()
  plsc.subcore_barrier()

  def run_round(table_hbm, gidx_hbm, gidx_off):
    @pl.loop(0, EPT, step=MEGA)
    def _(moff):
      src = ebase + moff
      pltpu.sync_copy(niA_hbm.at[pl.ds(nioff + src, MEGA)], ni_v)
      pltpu.sync_copy(w_hbm.at[pl.ds(src, MEGA)], w_v)

      @pl.loop(0, MEGA, step=2 * B)
      def _(cb0):
        pltpu.sync_copy(sc_hbm.at[pl.ds(src + cb0, B)], sc_v)
        pltpu.sync_copy(sc_hbm.at[pl.ds(src + cb0 + B, B)], sc2_v)
        pltpu.sync_copy(gidx_hbm.at[pl.ds(gidx_off + src + cb0, B)], ric_v)
        pltpu.sync_copy(gidx_hbm.at[pl.ds(gidx_off + src + cb0 + B, B)],
                        ric2_v)
        g0 = pltpu.async_copy(table_hbm.at[ric_v], rows_v, gsem0)
        g1 = pltpu.async_copy(table_hbm.at[ric2_v], rows2_v, gsem1)
        scats = []
        for cb, rows, scref, g, ssem in (
            (cb0, rows_v, sc_v, g0, ssem0),
            (cb0 + B, rows2_v, sc2_v, g1, ssem1)):
          for e0 in range(0, B, 16):
            ni16 = ni_v[pl.ds(cb + e0, 16)]
            dv = plsc.load_gather(deg1d_v, [ni16])
            w16 = w_v[pl.ds(cb + e0, 16)]
            wn_v[pl.ds(cb + e0, 16)] = w16 / jnp.maximum(dv, EPS)
          g.wait()

          @pl.loop(0, B)
          def _(e, _rows=rows, _cb=cb):
            wf = plsc.load_gather(wn_v, [z16i + (_cb + e)])
            for c in range(F // 16):
              sl = pl.ds(c * 16, 16)
              _rows[e, sl] = _rows[e, sl] * wf

          scats.append(
              pltpu.async_copy(rows, acc_sh.at[scref], ssem, add=True))
        for s_ in scats:
          s_.wait()

  run_round(x_hbm, ri_hbm, 0)
  plsc.subcore_barrier()
  copy_acc_out(p1_hbm)
  zero_rows_v()
  zero_acc_slice()
  plsc.subcore_barrier()

  run_round(p1_hbm, rig_hbm, nioff)
  plsc.subcore_barrier()
  copy_acc_out(s2_hbm)


def _sc_prop(x, ri, sc_, niA, rig, w, deg):
  mesh = plsc.VectorSubcoreMesh(core_axis_name="c", subcore_axis_name="s")
  out_types = (jax.ShapeDtypeStruct((2 * N, F), jnp.float32),
               jax.ShapeDtypeStruct((2 * N, F), jnp.float32))
  scratch = [
      pltpu.VMEM((B, F), jnp.float32),
      pltpu.VMEM((B, F), jnp.float32),
      pltpu.VMEM((B,), jnp.int32),
      pltpu.VMEM((B,), jnp.int32),
      pltpu.VMEM((MEGA,), jnp.int32),
      pltpu.VMEM((MEGA,), jnp.float32),
      pltpu.VMEM((MEGA,), jnp.float32),
      pltpu.VMEM((B,), jnp.int32),
      pltpu.VMEM((B,), jnp.int32),
      pltpu.VMEM((N,), jnp.float32),
      pltpu.SemaphoreType.DMA,
      pltpu.SemaphoreType.DMA,
      pltpu.SemaphoreType.DMA,
      pltpu.SemaphoreType.DMA,
      pltpu.VMEM_SHARED((N, F), jnp.float32),
  ]
  f = pl.kernel(_prop_body, out_type=out_types, mesh=mesh,
                scratch_types=scratch,
                compiler_params=_sc_compiler_params())
  return f(x, ri, sc_, niA, rig, w, deg)


def _tc_body(x_r, p1i_r, p1o_r, s2i_r, s2o_r, wc_r, bc_r, wl_r, bl_r, o_r):
  wc = wc_r[...]
  hp = jax.lax.Precision.HIGHEST
  G = (jnp.dot(x_r[...], wc[0:128], preferred_element_type=jnp.float32,
               precision=hp)
       + jnp.dot(p1i_r[...], wc[128:256], preferred_element_type=jnp.float32,
                 precision=hp)
       + jnp.dot(p1o_r[...], wc[256:384], preferred_element_type=jnp.float32,
                 precision=hp)
       + jnp.dot(s2i_r[...], wc[384:512], preferred_element_type=jnp.float32,
                 precision=hp)
       + jnp.dot(s2o_r[...], wc[512:640], preferred_element_type=jnp.float32,
                 precision=hp)
       + bc_r[...])
  Z = jax.nn.sigmoid(G[:, :F])
  T = jnp.tanh(G[:, F:])
  H = (1.0 - Z) * T
  alpha = 1.6732632423543772
  scale = 1.0507009873554805
  h = scale * jnp.where(H > 0, H, alpha * (jnp.exp(H) - 1.0))
  o_r[...] = jnp.dot(h, wl_r[...], preferred_element_type=jnp.float32,
                     precision=hp) + bl_r[...]


def _tc_final(x, p1, s2, Wcat, bcat, Wl, bl):
  BLK = 400
  nblk = N // BLK
  out_dim = Wl.shape[1]
  return pl.pallas_call(
      _tc_body,
      grid=(nblk,),
      in_specs=[
          pl.BlockSpec((BLK, F), lambda i: (i, 0)),
          pl.BlockSpec((BLK, F), lambda i: (i, 0)),
          pl.BlockSpec((BLK, F), lambda i, _n=nblk: (i + _n, 0)),
          pl.BlockSpec((BLK, F), lambda i: (i, 0)),
          pl.BlockSpec((BLK, F), lambda i, _n=nblk: (i + _n, 0)),
          pl.BlockSpec((5 * F, 2 * F), lambda i: (0, 0)),
          pl.BlockSpec((1, 2 * F), lambda i: (0, 0)),
          pl.BlockSpec((F, out_dim), lambda i: (0, 0)),
          pl.BlockSpec((1, out_dim), lambda i: (0, 0)),
      ],
      out_specs=pl.BlockSpec((BLK, out_dim), lambda i: (i, 0)),
      out_shape=jax.ShapeDtypeStruct((N, out_dim), jnp.float32),
  )(x, p1, p1, s2, s2, Wcat, bcat, Wl, bl)


def _cat_w(W):
  A = W[0, 0, :F] + W[1, 0, :F] - W[0, 2, :F] - W[1, 2, :F]
  return jnp.concatenate(
      [A, W[1, 1, :F], W[0, 1, :F], 2.0 * W[1, 2, :F], 2.0 * W[0, 2, :F]],
      axis=0)


def kernel(x, edge_index, edge_weight, Wz, bz, Wr, br, Wh, bh, Wl, bl):
  row = edge_index[0]
  col = edge_index[1]
  pad = E_PAD - E
  ri = jnp.pad(row, (0, pad))
  sc_ = jnp.pad(col, (0, pad))
  w = jnp.pad(edge_weight, (0, pad))
  niA = jnp.concatenate([sc_, ri])
  rig = jnp.concatenate([ri, ri + N])

  deg = _sc_degrees(niA, w)
  p1, s2 = _sc_prop(x, ri, sc_, niA, rig, w, deg)

  Wcat = jnp.concatenate([_cat_w(Wz), _cat_w(Wh)], axis=1)
  bcat = jnp.concatenate([bz, bh]).reshape(1, 2 * F)
  out = _tc_final(x, p1, s2, Wcat, bcat, Wl, bl.reshape(1, -1))
  return out

# --- scband reference (transcript-rebuilt; emitter-appended) ---
"""Pipeline reference for scband-recurrent-gcn-16664473108915 (READ-ONLY COPY).

The authoritative reference and input builder live on the scoring server;
editing this copy changes nothing except your own understanding.
"""

import jax, jax.numpy as jnp
import numpy as np

N = 10000
E = 320000
F_IN = 128
HID = 128
OUT = 12
K = 3

def _glorot(key, shape):
    fan = shape[-2] + shape[-1]
    return jax.random.normal(key, shape, dtype=jnp.float32) * (2.0 / fan) ** 0.5

def setup_inputs(seed: int = 0):
    key = jax.random.key(seed)
    ks = jax.random.split(key, 8)
    x = jax.random.normal(ks[0], (N, F_IN), dtype=jnp.float32)
    edge_index = jax.random.randint(ks[1], (2, E), 0, N, dtype=jnp.int32)
    edge_weight = jax.random.uniform(ks[2], (E,), dtype=jnp.float32)
    Wz = _glorot(ks[3], (2, K, F_IN + HID, HID))
    Wr = _glorot(ks[4], (2, K, F_IN + HID, HID))
    Wh = _glorot(ks[5], (2, K, F_IN + HID, HID))
    bz = jnp.zeros((HID,), dtype=jnp.float32)
    br = jnp.zeros((HID,), dtype=jnp.float32)
    bh = jnp.zeros((HID,), dtype=jnp.float32)
    Wl = _glorot(ks[6], (HID, OUT))
    bl = jnp.zeros((OUT,), dtype=jnp.float32)
    return {"x": x, "edge_index": edge_index, "edge_weight": edge_weight,
            "Wz": Wz, "bz": bz, "Wr": Wr, "br": br, "Wh": Wh, "bh": bh,
            "Wl": Wl, "bl": bl}

def _dconv(X, row, col, norm_out, norm_in, W, b):
    # Diffusion convolution (DConv from torch_geometric_temporal):
    # weight W has shape [2, K, in_ch, out_ch] for out/in random-walk directions.
    n = X.shape[0]
    def prop(x, norm):
        msg = norm[:, None] * jnp.take(x, row, axis=0)
        return jax.ops.segment_sum(msg, col, num_segments=n)
    Tx_0 = X
    Tx_1 = X
    H = X @ W[0, 0] + X @ W[1, 0]
    kk = W.shape[1]
    Tx_1_o = X
    Tx_1_i = X
    if kk > 1:
        Tx_1_o = prop(X, norm_out)
        Tx_1_i = prop(X, norm_in)
        H = H + Tx_1_o @ W[0, 1] + Tx_1_i @ W[1, 1]
    for k in range(2, kk):
        Tx_2_o = 2.0 * prop(Tx_1_o, norm_out) - Tx_0
        Tx_2_i = 2.0 * prop(Tx_1_i, norm_in) - Tx_0
        H = H + Tx_2_o @ W[0, k] + Tx_2_i @ W[1, k]
        Tx_0, Tx_1_o, Tx_1_i = Tx_1, Tx_2_o, Tx_2_i
    return H + b

def _forward(x, edge_index, edge_weight, Wz, bz, Wr, br, Wh, bh, Wl, bl):
    n = x.shape[0]
    row, col = edge_index[0], edge_index[1]
    # degrees from weighted adjacency (equivalent to to_dense_adj + row/col sums,
    # computed sparsely to avoid materializing N x N)
    deg_out = jax.ops.segment_sum(edge_weight, row, num_segments=n)
    deg_in = jax.ops.segment_sum(edge_weight, col, num_segments=n)
    norm_out = edge_weight * jnp.take(1.0 / deg_out, row)
    norm_in = edge_weight * jnp.take(1.0 / deg_in, col)
    # DCRNN GRU cell with H initialized to zeros
    H0 = jnp.zeros((n, HID), dtype=x.dtype)
    XH = jnp.concatenate([x, H0], axis=1)
    Z = jax.nn.sigmoid(_dconv(XH, row, col, norm_out, norm_in, Wz, bz))
    R = jax.nn.sigmoid(_dconv(XH, row, col, norm_out, norm_in, Wr, br))
    XRH = jnp.concatenate([x, R * H0], axis=1)
    H_tilde = jnp.tanh(_dconv(XRH, row, col, norm_out, norm_in, Wh, bh))
    H = Z * H0 + (1.0 - Z) * H_tilde
    # RecurrentGCN head
    h = jax.nn.selu(H)
    return h @ Wl + bl

def reference(x, edge_index, edge_weight, Wz, bz, Wr, br, Wh, bh, Wl, bl):
    return _forward(x, edge_index, edge_weight, Wz, bz, Wr, br, Wh, bh, Wl, bl)

if __name__ == "__main__":
    import jax
    _d = setup_inputs()
    print(jax.jit(kernel)(*tuple(_d.values())))

</pallas_src>

<mosaic_0001>
#map = affine_map<(d0, d1) -> (0, 0)>
#map1 = affine_map<(d0, d1) -> (0)>
module attributes {stable_mosaic.version = 14 : i64} {
  func.func @_prop_body(%arg0: i32, %arg1: i32, %arg2: memref<10000x128xf32, #tpu.memory_space<hbm>>, %arg3: memref<327680xi32, #tpu.memory_space<hbm>>, %arg4: memref<327680xi32, #tpu.memory_space<hbm>>, %arg5: memref<655360xi32, #tpu.memory_space<hbm>>, %arg6: memref<655360xi32, #tpu.memory_space<hbm>>, %arg7: memref<327680xf32, #tpu.memory_space<hbm>>, %arg8: memref<20000xf32, #tpu.memory_space<hbm>>, %arg9: memref<20000x128xf32, #tpu.memory_space<hbm>>, %arg10: memref<20000x128xf32, #tpu.memory_space<hbm>>, %arg11: memref<64x128xf32, #tpu.memory_space<vmem>>, %arg12: memref<64x128xf32, #tpu.memory_space<vmem>>, %arg13: memref<64xi32, #tpu.memory_space<vmem>>, %arg14: memref<64xi32, #tpu.memory_space<vmem>>, %arg15: memref<512xi32, #tpu.memory_space<vmem>>, %arg16: memref<512xf32, #tpu.memory_space<vmem>>, %arg17: memref<512xf32, #tpu.memory_space<vmem>>, %arg18: memref<64xi32, #tpu.memory_space<vmem>>, %arg19: memref<64xi32, #tpu.memory_space<vmem>>, %arg20: memref<10000xf32, #tpu.memory_space<vmem>>, %arg21: memref<!tpu.dma_semaphore, #tpu.memory_space<semaphore_mem>>, %arg22: memref<!tpu.dma_semaphore, #tpu.memory_space<semaphore_mem>>, %arg23: memref<!tpu.dma_semaphore, #tpu.memory_space<semaphore_mem>>, %arg24: memref<!tpu.dma_semaphore, #tpu.memory_space<semaphore_mem>>, %arg25: memref<10000x128xf32, #tpu.memory_space<vmem_shared>>) attributes {dimension_semantics = [#tpu.dimension_semantics<core_parallel>, #tpu.dimension_semantics<subcore_parallel>], iteration_bounds = array<i64: 2, 16>, scalar_prefetch = 0 : i64, scratch_operands = 15 : i64, tpu.core_type = #tpu.core_type<sc_vector_subcore>, window_params = [{transform_indices = #map}, {transform_indices = #map1}, {transform_indices = #map1}, {transform_indices = #map1}, {transform_indices = #map1}, {transform_indices = #map1}, {transform_indices = #map1}, {transform_indices = #map}, {transform_indices = #map}]} {
    %mul3A = arith.constant 20480 : i32
    %mul3A_0 = arith.muli %arg1, %mul3A : i32
    %mul3A_1 = arith.constant 327680 : i32
    %mul3A_2 = arith.muli %arg0, %mul3A_1 : i32
    %mul3A_3 = arith.constant 624 : i32
    %mul3A_4 = arith.muli %arg1, %mul3A_3 : i32
    %mul3A_5 = arith.constant 10000 : i32
    %mul3A_6 = arith.muli %arg0, %mul3A_5 : i32
    %broadcast_in_dim3A = arith.constant 0.000000e+00 : f32
    %broadcast_in_dim3A_7 = vector.broadcast %broadcast_in_dim3A : f32 to vector<16xf32>
    %broadcast_in_dim3A_8 = arith.constant 0 : i32
    %broadcast_in_dim3A_9 = vector.broadcast %broadcast_in_dim3A_8 : i32 to vector<16xi32>
    "tpu.region"() ({
      %run_scoped3A = tpu.sem_alloc : memref<!tpu.dma_semaphore, #tpu.memory_space<semaphore_mem>>
      %dma_start3A = tpu.memref_slice %arg8[%mul3A_6] : memref<20000xf32, #tpu.memory_space<hbm>> -> memref<10000xf32, #tpu.memory_space<hbm>>
      %dma_start3A_188 = tpu.memref_slice %arg8[%mul3A_6] : memref<20000xf32, #tpu.memory_space<hbm>> -> memref<10000xf32, #tpu.memory_space<hbm>>
      tpu.enqueue_dma source(%dma_start3A_188 : memref<10000xf32, #tpu.memory_space<hbm>>) target(%arg20 : memref<10000xf32, #tpu.memory_space<vmem>>) target_semaphore(%run_scoped3A : memref<!tpu.dma_semaphore, #tpu.memory_space<semaphore_mem>>)
      %dma_wait3A = tpu.memref_slice %arg8[%mul3A_6] : memref<20000xf32, #tpu.memory_space<hbm>> -> memref<10000xf32, #tpu.memory_space<hbm>>
      %dma_wait3A_189 = tpu.memref_slice %arg8[%mul3A_6] : memref<20000xf32, #tpu.memory_space<hbm>> -> memref<10000xf32, #tpu.memory_space<hbm>>
      tpu.wait_dma2 semaphore(%run_scoped3A : memref<!tpu.dma_semaphore, #tpu.memory_space<semaphore_mem>>) src(%dma_wait3A_189 : memref<10000xf32, #tpu.memory_space<hbm>>) dst(%arg20 : memref<10000xf32, #tpu.memory_space<vmem>>)
      tpu.yield
    }) : () -> ()
    %scan3A = arith.constant 0 : i32
    %scan3A_10 = arith.constant 64 : i32
    %scan3A_11 = arith.addi %scan3A, %scan3A_10 : i32
    %scan3A_12 = arith.constant 1 : i32
    scf.for %scan3A_188 = %scan3A to %scan3A_11 step %scan3A_12  : i32 {
      %mul3A_189 = arith.constant 1 : i32
      %mul3A_190 = arith.muli %scan3A_188, %mul3A_189 : i32
      %add3A_191 = arith.constant 0 : i32
      %add3A_192 = arith.addi %add3A_191, %mul3A_190 : i32
      %swap3A = arith.index_cast %add3A_192 : i32 to index
      %swap3A_193 = arith.constant 0 : index
      %swap3A_194 = tpu.vector_load %arg11[%swap3A, %swap3A_193] {strides = array<i32>} : memref<64x128xf32, #tpu.memory_space<vmem>>, vector<16xf32>,
      tpu.vector_store %arg11[%swap3A, %swap3A_193], %broadcast_in_dim3A_7 {strides = array<i32>} : memref<64x128xf32, #tpu.memory_space<vmem>>, vector<16xf32>,
      %swap3A_195 = arith.index_cast %add3A_192 : i32 to index
      %swap3A_196 = arith.constant 16 : index
      %swap3A_197 = tpu.vector_load %arg11[%swap3A_195, %swap3A_196] {strides = array<i32>} : memref<64x128xf32, #tpu.memory_space<vmem>>, vector<16xf32>,
      tpu.vector_store %arg11[%swap3A_195, %swap3A_196], %broadcast_in_dim3A_7 {strides = array<i32>} : memref<64x128xf32, #tpu.memory_space<vmem>>, vector<16xf32>,
      %swap3A_198 = arith.index_cast %add3A_192 : i32 to index
      %swap3A_199 = arith.constant 32 : index
      %swap3A_200 = tpu.vector_load %arg11[%swap3A_198, %swap3A_199] {strides = array<i32>} : memref<64x128xf32, #tpu.memory_space<vmem>>, vector<16xf32>,
      tpu.vector_store %arg11[%swap3A_198, %swap3A_199], %broadcast_in_dim3A_7 {strides = array<i32>} : memref<64x128xf32, #tpu.memory_space<vmem>>, vector<16xf32>,
      %swap3A_201 = arith.index_cast %add3A_192 : i32 to index
      %swap3A_202 = arith.constant 48 : index
      %swap3A_203 = tpu.vector_load %arg11[%swap3A_201, %swap3A_202] {strides = array<i32>} : memref<64x128xf32, #tpu.memory_space<vmem>>, vector<16xf32>,
      tpu.vector_store %arg11[%swap3A_201, %swap3A_202], %broadcast_in_dim3A_7 {strides = array<i32>} : memref<64x128xf32, #tpu.memory_space<vmem>>, vector<16xf32>,
      %swap3A_204 = arith.index_cast %add3A_192 : i32 to index
      %swap3A_205 = arith.constant 64 : index
      %swap3A_206 = tpu.vector_load %arg11[%swap3A_204, %swap3A_205] {strides = array<i32>} : memref<64x128xf32, #tpu.memory_space<vmem>>, vector<16xf32>,
      tpu.vector_store %arg11[%swap3A_204, %swap3A_205], %broadcast_in_dim3A_7 {strides = array<i32>} : memref<64x128xf32, #tpu.memory_space<vmem>>, vector<16xf32>,
      %swap3A_207 = arith.index_cast %add3A_192 : i32 to index
      %swap3A_208 = arith.constant 80 : index
      %swap3A_209 = tpu.vector_load %arg11[%swap3A_207, %swap3A_208] {strides = array<i32>} : memref<64x128xf32, #tpu.memory_space<vmem>>, vector<16xf32>,
      tpu.vector_store %arg11[%swap3A_207, %swap3A_208], %broadcast_in_dim3A_7 {strides = array<i32>} : memref<64x128xf32, #tpu.memory_space<vmem>>, vector<16xf32>,
      %swap3A_210 = arith.index_cast %add3A_192 : i32 to index
      %swap3A_211 = arith.constant 96 : index
      %swap3A_212 = tpu.vector_load %arg11[%swap3A_210, %swap3A_211] {strides = array<i32>} : memref<64x128xf32, #tpu.memory_space<vmem>>, vector<16xf32>,
      tpu.vector_store %arg11[%swap3A_210, %swap3A_211], %broadcast_in_dim3A_7 {strides = array<i32>} : memref<64x128xf32, #tpu.memory_space<vmem>>, vector<16xf32>,
      %swap3A_213 = arith.index_cast %add3A_192 : i32 to index
      %swap3A_214 = arith.constant 112 : index
      %swap3A_215 = tpu.vector_load %arg11[%swap3A_213, %swap3A_214] {strides = array<i32>} : memref<64x128xf32, #tpu.memory_space<vmem>>, vector<16xf32>,
      tpu.vector_store %arg11[%swap3A_213, %swap3A_214], %broadcast_in_dim3A_7 {strides = array<i32>} : memref<64x128xf32, #tpu.memory_space<vmem>>, vector<16xf32>,
    }
    %scan3A_13 = arith.constant 64 : i32
    %add3A = arith.constant 0 : i32
    %add3A_14 = arith.addi %mul3A_4, %add3A : i32
    "tpu.region"() ({
      %run_scoped3A = tpu.sem_alloc : memref<!tpu.dma_semaphore, #tpu.memory_space<semaphore_mem>>
      %dma_start3A = arith.constant 0 : i32
      %dma_start3A_188 = arith.constant 0 : i32
      %dma_start3A_189 = tpu.memref_slice %arg11[%dma_start3A, %dma_start3A_188] : memref<64x128xf32, #tpu.memory_space<vmem>> -> memref<64x128xf32, #tpu.memory_space<vmem>>
      %dma_start3A_190 = arith.constant 0 : i32
      %dma_start3A_191 = tpu.memref_slice %arg25[%add3A_14, %dma_start3A_190] : memref<10000x128xf32, #tpu.memory_space<vmem_shared>> -> memref<64x128xf32, #tpu.memory_space<vmem_shared>>
      %dma_start3A_192 = arith.constant 0 : i32
      %dma_start3A_193 = tpu.memref_slice %arg25[%add3A_14, %dma_start3A_192] : memref<10000x128xf32, #tpu.memory_space<vmem_shared>> -> memref<64x128xf32, #tpu.memory_space<vmem_shared>>
      %dma_start3A_194 = arith.constant 0 : i32
      %dma_start3A_195 = arith.constant 0 : i32
      %dma_start3A_196 = tpu.memref_slice %arg11[%dma_start3A_194, %dma_start3A_195] : memref<64x128xf32, #tpu.memory_space<vmem>> -> memref<64x128xf32, #tpu.memory_space<vmem>>
      tpu.enqueue_dma source(%dma_start3A_196 : memref<64x128xf32, #tpu.memory_space<vmem>>) target(%dma_start3A_193 : memref<64x128xf32, #tpu.memory_space<vmem_shared>>) target_semaphore(%run_scoped3A : memref<!tpu.dma_semaphore, #tpu.memory_space<semaphore_mem>>)
      %dma_wait3A = arith.constant 0 : i32
      %dma_wait3A_197 = arith.constant 0 : i32
      %dma_wait3A_198 = tpu.memref_slice %arg11[%dma_wait3A, %dma_wait3A_197] : memref<64x128xf32, #tpu.memory_space<vmem>> -> memref<64x128xf32, #tpu.memory_space<vmem>>
      %dma_wait3A_199 = arith.constant 0 : i32
      %dma_wait3A_200 = tpu.memref_slice %arg25[%add3A_14, %dma_wait3A_199] : memref<10000x128xf32, #tpu.memory_space<vmem_shared>> -> memref<64x128xf32, #tpu.memory_space<vmem_shared>>
      %dma_wait3A_201 = arith.constant 0 : i32
      %dma_wait3A_202 = tpu.memref_slice %arg25[%add3A_14, %dma_wait3A_201] : memref<10000x128xf32, #tpu.memory_space<vmem_shared>> -> memref<64x128xf32, #tpu.memory_space<vmem_shared>>
      %dma_wait3A_203 = arith.constant 0 : i32
      %dma_wait3A_204 = arith.constant 0 : i32
      %dma_wait3A_205 = tpu.memref_slice %arg11[%dma_wait3A_203, %dma_wait3A_204] : memref<64x128xf32, #tpu.memory_space<vmem>> -> memref<64x128xf32, #tpu.memory_space<vmem>>
      tpu.wait_dma2 semaphore(%run_scoped3A : memref<!tpu.dma_semaphore, #tpu.memory_space<semaphore_mem>>) src(%dma_wait3A_205 : memref<64x128xf32, #tpu.memory_space<vmem>>) dst(%dma_wait3A_202 : memref<64x128xf32, #tpu.memory_space<vmem_shared>>)
      tpu.yield
    }) : () -> ()
    %add3A_15 = arith.constant 64 : i32
    %add3A_16 = arith.addi %mul3A_4, %add3A_15 : i32
    "tpu.region"() ({
      %run_scoped3A = tpu.sem_alloc : memref<!tpu.dma_semaphore, #tpu.memory_space<semaphore_mem>>
      %dma_start3A = arith.constant 0 : i32
      %dma_start3A_188 = arith.constant 0 : i32
      %dma_start3A_189 = tpu.memref_slice %arg11[%dma_start3A, %dma_start3A_188] : memref<64x128xf32, #tpu.memory_space<vmem>> -> memref<64x128xf32, #tpu.memory_space<vmem>>
      %dma_start3A_190 = arith.constant 0 : i32
      %dma_start3A_191 = tpu.memref_slice %arg25[%add3A_16, %dma_start3A_190] : memref<10000x128xf32, #tpu.memory_space<vmem_shared>> -> memref<64x128xf32, #tpu.memory_space<vmem_shared>>
      %dma_start3A_192 = arith.constant 0 : i32
      %dma_start3A_193 = tpu.memref_slice %arg25[%add3A_16, %dma_start3A_192] : memref<10000x128xf32, #tpu.memory_space<vmem_shared>> -> memref<64x128xf32, #tpu.memory_space<vmem_shared>>
      %dma_start3A_194 = arith.constant 0 : i32
      %dma_start3A_195 = arith.constant 0 : i32
      %dma_start3A_196 = tpu.memref_slice %arg11[%dma_start3A_194, %dma_start3A_195] : memref<64x128xf32, #tpu.memory_space<vmem>> -> memref<64x128xf32, #tpu.memory_space<vmem>>
      tpu.enqueue_dma source(%dma_start3A_196 : memref<64x128xf32, #tpu.memory_space<vmem>>) target(%dma_start3A_193 : memref<64x128xf32, #tpu.memory_space<vmem_shared>>) target_semaphore(%run_scoped3A : memref<!tpu.dma_semaphore, #tpu.memory_space<semaphore_mem>>)
      %dma_wait3A = arith.constant 0 : i32
      %dma_wait3A_197 = arith.constant 0 : i32
      %dma_wait3A_198 = tpu.memref_slice %arg11[%dma_wait3A, %dma_wait3A_197] : memref<64x128xf32, #tpu.memory_space<vmem>> -> memref<64x128xf32, #tpu.memory_space<vmem>>
      %dma_wait3A_199 = arith.constant 0 : i32
      %dma_wait3A_200 = tpu.memref_slice %arg25[%add3A_16, %dma_wait3A_199] : memref<10000x128xf32, #tpu.memory_space<vmem_shared>> -> memref<64x128xf32, #tpu.memory_space<vmem_shared>>
      %dma_wait3A_201 = arith.constant 0 : i32
      %dma_wait3A_202 = tpu.memref_slice %arg25[%add3A_16, %dma_wait3A_201] : memref<10000x128xf32, #tpu.memory_space<vmem_shared>> -> memref<64x128xf32, #tpu.memory_space<vmem_shared>>
      %dma_wait3A_203 = arith.constant 0 : i32
      %dma_wait3A_204 = arith.constant 0 : i32
      %dma_wait3A_205 = tpu.memref_slice %arg11[%dma_wait3A_203, %dma_wait3A_204] : memref<64x128xf32, #tpu.memory_space<vmem>> -> memref<64x128xf32, #tpu.memory_space<vmem>>
      tpu.wait_dma2 semaphore(%run_scoped3A : memref<!tpu.dma_semaphore, #tpu.memory_space<semaphore_mem>>) src(%dma_wait3A_205 : memref<64x128xf32, #tpu.memory_space<vmem>>) dst(%dma_wait3A_202 : memref<64x128xf32, #tpu.memory_space<vmem_shared>>)
      tpu.yield
    }) : () -> ()
    %add3A_17 = arith.constant 128 : i32
    %add3A_18 = arith.addi %mul3A_4, %add3A_17 : i32
    "tpu.region"() ({
      %run_scoped3A = tpu.sem_alloc : memref<!tpu.dma_semaphore, #tpu.memory_space<semaphore_mem>>
      %dma_start3A = arith.constant 0 : i32
      %dma_start3A_188 = arith.constant 0 : i32
      %dma_start3A_189 = tpu.memref_slice %arg11[%dma_start3A, %dma_start3A_188] : memref<64x128xf32, #tpu.memory_space<vmem>> -> memref<64x128xf32, #tpu.memory_space<vmem>>
      %dma_start3A_190 = arith.constant 0 : i32
      %dma_start3A_191 = tpu.memref_slice %arg25[%add3A_18, %dma_start3A_190] : memref<10000x128xf32, #tpu.memory_space<vmem_shared>> -> memref<64x128xf32, #tpu.memory_space<vmem_shared>>
      %dma_start3A_192 = arith.constant 0 : i32
      %dma_start3A_193 = tpu.memref_slice %arg25[%add3A_18, %dma_start3A_192] : memref<10000x128xf32, #tpu.memory_space<vmem_shared>> -> memref<64x128xf32, #tpu.memory_space<vmem_shared>>
      %dma_start3A_194 = arith.constant 0 : i32
      %dma_start3A_195 = arith.constant 0 : i32
      %dma_start3A_196 = tpu.memref_slice %arg11[%dma_start3A_194, %dma_start3A_195] : memref<64x128xf32, #tpu.memory_space<vmem>> -> memref<64x128xf32, #tpu.memory_space<vmem>>
      tpu.enqueue_dma source(%dma_start3A_196 : memref<64x128xf32, #tpu.memory_space<vmem>>) target(%dma_start3A_193 : memref<64x128xf32, #tpu.memory_space<vmem_shared>>) target_semaphore(%run_scoped3A : memref<!tpu.dma_semaphore, #tpu.memory_space<semaphore_mem>>)
      %dma_wait3A = arith.constant 0 : i32
      %dma_wait3A_197 = arith.constant 0 : i32
      %dma_wait3A_198 = tpu.memref_slice %arg11[%dma_wait3A, %dma_wait3A_197] : memref<64x128xf32, #tpu.memory_space<vmem>> -> memref<64x128xf32, #tpu.memory_space<vmem>>
      %dma_wait3A_199 = arith.constant 0 : i32
      %dma_wait3A_200 = tpu.memref_slice %arg25[%add3A_18, %dma_wait3A_199] : memref<10000x128xf32, #tpu.memory_space<vmem_shared>> -> memref<64x128xf32, #tpu.memory_space<vmem_shared>>
      %dma_wait3A_201 = arith.constant 0 : i32
      %dma_wait3A_202 = tpu.memref_slice %arg25[%add3A_18, %dma_wait3A_201] : memref<10000x128xf32, #tpu.memory_space<vmem_shared>> -> memref<64x128xf32, #tpu.memory_space<vmem_shared>>
      %dma_wait3A_203 = arith.constant 0 : i32
      %dma_wait3A_204 = arith.constant 0 : i32
      %dma_wait3A_205 = tpu.memref_slice %arg11[%dma_wait3A_203, %dma_wait3A_204] : memref<64x128xf32, #tpu.memory_space<vmem>> -> memref<64x128xf32, #tpu.memory_space<vmem>>
      tpu.wait_dma2 semaphore(%run_scoped3A : memref<!tpu.dma_semaphore, #tpu.memory_space<semaphore_mem>>) src(%dma_wait3A_205 : memref<64x128xf32, #tpu.memory_space<vmem>>) dst(%dma_wait3A_202 : memref<64x128xf32, #tpu.memory_space<vmem_shared>>)
      tpu.yield
    }) : () -> ()
    %add3A_19 = arith.constant 192 : i32
    %add3A_20 = arith.addi %mul3A_4, %add3A_19 : i32
    "tpu.region"() ({
      %run_scoped3A = tpu.sem_alloc : memref<!tpu.dma_semaphore, #tpu.memory_space<semaphore_mem>>
      %dma_start3A = arith.constant 0 : i32
      %dma_start3A_188 = arith.constant 0 : i32
      %dma_start3A_189 = tpu.memref_slice %arg11[%dma_start3A, %dma_start3A_188] : memref<64x128xf32, #tpu.memory_space<vmem>> -> memref<64x128xf32, #tpu.memory_space<vmem>>
      %dma_start3A_190 = arith.constant 0 : i32
      %dma_start3A_191 = tpu.memref_slice %arg25[%add3A_20, %dma_start3A_190] : memref<10000x128xf32, #tpu.memory_space<vmem_shared>> -> memref<64x128xf32, #tpu.memory_space<vmem_shared>>
      %dma_start3A_192 = arith.constant 0 : i32
      %dma_start3A_193 = tpu.memref_slice %arg25[%add3A_20, %dma_start3A_192] : memref<10000x128xf32, #tpu.memory_space<vmem_shared>> -> memref<64x128xf32, #tpu.memory_space<vmem_shared>>
      %dma_start3A_194 = arith.constant 0 : i32
      %dma_start3A_195 = arith.constant 0 : i32
      %dma_start3A_196 = tpu.memref_slice %arg11[%dma_start3A_194, %dma_start3A_195] : memref<64x128xf32, #tpu.memory_space<vmem>> -> memref<64x128xf32, #tpu.memory_space<vmem>>
      tpu.enqueue_dma source(%dma_start3A_196 : memref<64x128xf32, #tpu.memory_space<vmem>>) target(%dma_start3A_193 : memref<64x128xf32, #tpu.memory_space<vmem_shared>>) target_semaphore(%run_scoped3A : memref<!tpu.dma_semaphore, #tpu.memory_space<semaphore_mem>>)
      %dma_wait3A = arith.constant 0 : i32
      %dma_wait3A_197 = arith.constant 0 : i32
      %dma_wait3A_198 = tpu.memref_slice %arg11[%dma_wait3A, %dma_wait3A_197] : memref<64x128xf32, #tpu.memory_space<vmem>> -> memref<64x128xf32, #tpu.memory_space<vmem>>
      %dma_wait3A_199 = arith.constant 0 : i32
      %dma_wait3A_200 = tpu.memref_slice %arg25[%add3A_20, %dma_wait3A_199] : memref<10000x128xf32, #tpu.memory_space<vmem_shared>> -> memref<64x128xf32, #tpu.memory_space<vmem_shared>>
      %dma_wait3A_201 = arith.constant 0 : i32
      %dma_wait3A_202 = tpu.memref_slice %arg25[%add3A_20, %dma_wait3A_201] : memref<10000x128xf32, #tpu.memory_space<vmem_shared>> -> memref<64x128xf32, #tpu.memory_space<vmem_shared>>
      %dma_wait3A_203 = arith.constant 0 : i32
      %dma_wait3A_204 = arith.constant 0 : i32
      %dma_wait3A_205 = tpu.memref_slice %arg11[%dma_wait3A_203, %dma_wait3A_204] : memref<64x128xf32, #tpu.memory_space<vmem>> -> memref<64x128xf32, #tpu.memory_space<vmem>>
      tpu.wait_dma2 semaphore(%run_scoped3A : memref<!tpu.dma_semaphore, #tpu.memory_space<semaphore_mem>>) src(%dma_wait3A_205 : memref<64x128xf32, #tpu.memory_space<vmem>>) dst(%dma_wait3A_202 : memref<64x128xf32, #tpu.memory_space<vmem_shared>>)
      tpu.yield
    }) : () -> ()
    %add3A_21 = arith.constant 256 : i32
    %add3A_22 = arith.addi %mul3A_4, %add3A_21 : i32
    "tpu.region"() ({
      %run_scoped3A = tpu.sem_alloc : memref<!tpu.dma_semaphore, #tpu.memory_space<semaphore_mem>>
      %dma_start3A = arith.constant 0 : i32
      %dma_start3A_188 = arith.constant 0 : i32
      %dma_start3A_189 = tpu.memref_slice %arg11[%dma_start3A, %dma_start3A_188] : memref<64x128xf32, #tpu.memory_space<vmem>> -> memref<64x128xf32, #tpu.memory_space<vmem>>
      %dma_start3A_190 = arith.constant 0 : i32
      %dma_start3A_191 = tpu.memref_slice %arg25[%add3A_22, %dma_start3A_190] : memref<10000x128xf32, #tpu.memory_space<vmem_shared>> -> memref<64x128xf32, #tpu.memory_space<vmem_shared>>
      %dma_start3A_192 = arith.constant 0 : i32
      %dma_start3A_193 = tpu.memref_slice %arg25[%add3A_22, %dma_start3A_192] : memref<10000x128xf32, #tpu.memory_space<vmem_shared>> -> memref<64x128xf32, #tpu.memory_space<vmem_shared>>
      %dma_start3A_194 = arith.constant 0 : i32
      %dma_start3A_195 = arith.constant 0 : i32
      %dma_start3A_196 = tpu.memref_slice %arg11[%dma_start3A_194, %dma_start3A_195] : memref<64x128xf32, #tpu.memory_space<vmem>> -> memref<64x128xf32, #tpu.memory_space<vmem>>
      tpu.enqueue_dma source(%dma_start3A_196 : memref<64x128xf32, #tpu.memory_space<vmem>>) target(%dma_start3A_193 : memref<64x128xf32, #tpu.memory_space<vmem_shared>>) target_semaphore(%run_scoped3A : memref<!tpu.dma_semaphore, #tpu.memory_space<semaphore_mem>>)
      %dma_wait3A = arith.constant 0 : i32
      %dma_wait3A_197 = arith.constant 0 : i32
      %dma_wait3A_198 = tpu.memref_slice %arg11[%dma_wait3A, %dma_wait3A_197] : memref<64x128xf32, #tpu.memory_space<vmem>> -> memref<64x128xf32, #tpu.memory_space<vmem>>
      %dma_wait3A_199 = arith.constant 0 : i32
      %dma_wait3A_200 = tpu.memref_slice %arg25[%add3A_22, %dma_wait3A_199] : memref<10000x128xf32, #tpu.memory_space<vmem_shared>> -> memref<64x128xf32, #tpu.memory_space<vmem_shared>>
      %dma_wait3A_201 = arith.constant 0 : i32
      %dma_wait3A_202 = tpu.memref_slice %arg25[%add3A_22, %dma_wait3A_201] : memref<10000x128xf32, #tpu.memory_space<vmem_shared>> -> memref<64x128xf32, #tpu.memory_space<vmem_shared>>
      %dma_wait3A_203 = arith.constant 0 : i32
      %dma_wait3A_204 = arith.constant 0 : i32
      %dma_wait3A_205 = tpu.memref_slice %arg11[%dma_wait3A_203, %dma_wait3A_204] : memref<64x128xf32, #tpu.memory_space<vmem>> -> memref<64x128xf32, #tpu.memory_space<vmem>>
      tpu.wait_dma2 semaphore(%run_scoped3A : memref<!tpu.dma_semaphore, #tpu.memory_space<semaphore_mem>>) src(%dma_wait3A_205 : memref<64x128xf32, #tpu.memory_space<vmem>>) dst(%dma_wait3A_202 : memref<64x128xf32, #tpu.memory_space<vmem_shared>>)
      tpu.yield
    }) : () -> ()
    %add3A_23 = arith.constant 320 : i32
    %add3A_24 = arith.addi %mul3A_4, %add3A_23 : i32
    "tpu.region"() ({
      %run_scoped3A = tpu.sem_alloc : memref<!tpu.dma_semaphore, #tpu.memory_space<semaphore_mem>>
      %dma_start3A = arith.constant 0 : i32
      %dma_start3A_188 = arith.constant 0 : i32
      %dma_start3A_189 = tpu.memref_slice %arg11[%dma_start3A, %dma_start3A_188] : memref<64x128xf32, #tpu.memory_space<vmem>> -> memref<64x128xf32, #tpu.memory_space<vmem>>
      %dma_start3A_190 = arith.constant 0 : i32
      %dma_start3A_191 = tpu.memref_slice %arg25[%add3A_24, %dma_start3A_190] : memref<10000x128xf32, #tpu.memory_space<vmem_shared>> -> memref<64x128xf32, #tpu.memory_space<vmem_shared>>
      %dma_start3A_192 = arith.constant 0 : i32
      %dma_start3A_193 = tpu.memref_slice %arg25[%add3A_24, %dma_start3A_192] : memref<10000x128xf32, #tpu.memory_space<vmem_shared>> -> memref<64x128xf32, #tpu.memory_space<vmem_shared>>
      %dma_start3A_194 = arith.constant 0 : i32
      %dma_start3A_195 = arith.constant 0 : i32
      %dma_start3A_196 = tpu.memref_slice %arg11[%dma_start3A_194, %dma_start3A_195] : memref<64x128xf32, #tpu.memory_space<vmem>> -> memref<64x128xf32, #tpu.memory_space<vmem>>
      tpu.enqueue_dma source(%dma_start3A_196 : memref<64x128xf32, #tpu.memory_space<vmem>>) target(%dma_start3A_193 : memref<64x128xf32, #tpu.memory_space<vmem_shared>>) target_semaphore(%run_scoped3A : memref<!tpu.dma_semaphore, #tpu.memory_space<semaphore_mem>>)
      %dma_wait3A = arith.constant 0 : i32
      %dma_wait3A_197 = arith.constant 0 : i32
      %dma_wait3A_198 = tpu.memref_slice %arg11[%dma_wait3A, %dma_wait3A_197] : memref<64x128xf32, #tpu.memory_space<vmem>> -> memref<64x128xf32, #tpu.memory_space<vmem>>
      %dma_wait3A_199 = arith.constant 0 : i32
      %dma_wait3A_200 = tpu.memref_slice %arg25[%add3A_24, %dma_wait3A_199] : memref<10000x128xf32, #tpu.memory_space<vmem_shared>> -> memref<64x128xf32, #tpu.memory_space<vmem_shared>>
      %dma_wait3A_201 = arith.constant 0 : i32
      %dma_wait3A_202 = tpu.memref_slice %arg25[%add3A_24, %dma_wait3A_201] : memref<10000x128xf32, #tpu.memory_space<vmem_shared>> -> memref<64x128xf32, #tpu.memory_space<vmem_shared>>
      %dma_wait3A_203 = arith.constant 0 : i32
      %dma_wait3A_204 = arith.constant 0 : i32
      %dma_wait3A_205 = tpu.memref_slice %arg11[%dma_wait3A_203, %dma_wait3A_204] : memref<64x128xf32, #tpu.memory_space<vmem>> -> memref<64x128xf32, #tpu.memory_space<vmem>>
      tpu.wait_dma2 semaphore(%run_scoped3A : memref<!tpu.dma_semaphore, #tpu.memory_space<semaphore_mem>>) src(%dma_wait3A_205 : memref<64x128xf32, #tpu.memory_space<vmem>>) dst(%dma_wait3A_202 : memref<64x128xf32, #tpu.memory_space<vmem_shared>>)
      tpu.yield
    }) : () -> ()
    %add3A_25 = arith.constant 384 : i32
    %add3A_26 = arith.addi %mul3A_4, %add3A_25 : i32
    "tpu.region"() ({
      %run_scoped3A = tpu.sem_alloc : memref<!tpu.dma_semaphore, #tpu.memory_space<semaphore_mem>>
      %dma_start3A = arith.constant 0 : i32
      %dma_start3A_188 = arith.constant 0 : i32
      %dma_start3A_189 = tpu.memref_slice %arg11[%dma_start3A, %dma_start3A_188] : memref<64x128xf32, #tpu.memory_space<vmem>> -> memref<64x128xf32, #tpu.memory_space<vmem>>
      %dma_start3A_190 = arith.constant 0 : i32
      %dma_start3A_191 = tpu.memref_slice %arg25[%add3A_26, %dma_start3A_190] : memref<10000x128xf32, #tpu.memory_space<vmem_shared>> -> memref<64x128xf32, #tpu.memory_space<vmem_shared>>
      %dma_start3A_192 = arith.constant 0 : i32
      %dma_start3A_193 = tpu.memref_slice %arg25[%add3A_26, %dma_start3A_192] : memref<10000x128xf32, #tpu.memory_space<vmem_shared>> -> memref<64x128xf32, #tpu.memory_space<vmem_shared>>
      %dma_start3A_194 = arith.constant 0 : i32
      %dma_start3A_195 = arith.constant 0 : i32
      %dma_start3A_196 = tpu.memref_slice %arg11[%dma_start3A_194, %dma_start3A_195] : memref<64x128xf32, #tpu.memory_space<vmem>> -> memref<64x128xf32, #tpu.memory_space<vmem>>
      tpu.enqueue_dma source(%dma_start3A_196 : memref<64x128xf32, #tpu.memory_space<vmem>>) target(%dma_start3A_193 : memref<64x128xf32, #tpu.memory_space<vmem_shared>>) target_semaphore(%run_scoped3A : memref<!tpu.dma_semaphore, #tpu.memory_space<semaphore_mem>>)
      %dma_wait3A = arith.constant 0 : i32
      %dma_wait3A_197 = arith.constant 0 : i32
      %dma_wait3A_198 = tpu.memref_slice %arg11[%dma_wait3A, %dma_wait3A_197] : memref<64x128xf32, #tpu.memory_space<vmem>> -> memref<64x128xf32, #tpu.memory_space<vmem>>
      %dma_wait3A_199 = arith.constant 0 : i32
      %dma_wait3A_200 = tpu.memref_slice %arg25[%add3A_26, %dma_wait3A_199] : memref<10000x128xf32, #tpu.memory_space<vmem_shared>> -> memref<64x128xf32, #tpu.memory_space<vmem_shared>>
      %dma_wait3A_201 = arith.constant 0 : i32
      %dma_wait3A_202 = tpu.memref_slice %arg25[%add3A_26, %dma_wait3A_201] : memref<10000x128xf32, #tpu.memory_space<vmem_shared>> -> memref<64x128xf32, #tpu.memory_space<vmem_shared>>
      %dma_wait3A_203 = arith.constant 0 : i32
      %dma_wait3A_204 = arith.constant 0 : i32
      %dma_wait3A_205 = tpu.memref_slice %arg11[%dma_wait3A_203, %dma_wait3A_204] : memref<64x128xf32, #tpu.memory_space<vmem>> -> memref<64x128xf32, #tpu.memory_space<vmem>>
      tpu.wait_dma2 semaphore(%run_scoped3A : memref<!tpu.dma_semaphore, #tpu.memory_space<semaphore_mem>>) src(%dma_wait3A_205 : memref<64x128xf32, #tpu.memory_space<vmem>>) dst(%dma_wait3A_202 : memref<64x128xf32, #tpu.memory_space<vmem_shared>>)
      tpu.yield
    }) : () -> ()
    %add3A_27 = arith.constant 448 : i32
    %add3A_28 = arith.addi %mul3A_4, %add3A_27 : i32
    "tpu.region"() ({
      %run_scoped3A = tpu.sem_alloc : memref<!tpu.dma_semaphore, #tpu.memory_space<semaphore_mem>>
      %dma_start3A = arith.constant 0 : i32
      %dma_start3A_188 = arith.constant 0 : i32
      %dma_start3A_189 = tpu.memref_slice %arg11[%dma_start3A, %dma_start3A_188] : memref<64x128xf32, #tpu.memory_space<vmem>> -> memref<64x128xf32, #tpu.memory_space<vmem>>
      %dma_start3A_190 = arith.constant 0 : i32
      %dma_start3A_191 = tpu.memref_slice %arg25[%add3A_28, %dma_start3A_190] : memref<10000x128xf32, #tpu.memory_space<vmem_shared>> -> memref<64x128xf32, #tpu.memory_space<vmem_shared>>
      %dma_start3A_192 = arith.constant 0 : i32
      %dma_start3A_193 = tpu.memref_slice %arg25[%add3A_28, %dma_start3A_192] : memref<10000x128xf32, #tpu.memory_space<vmem_shared>> -> memref<64x128xf32, #tpu.memory_space<vmem_shared>>
      %dma_start3A_194 = arith.constant 0 : i32
      %dma_start3A_195 = arith.constant 0 : i32
      %dma_start3A_196 = tpu.memref_slice %arg11[%dma_start3A_194, %dma_start3A_195] : memref<64x128xf32, #tpu.memory_space<vmem>> -> memref<64x128xf32, #tpu.memory_space<vmem>>
      tpu.enqueue_dma source(%dma_start3A_196 : memref<64x128xf32, #tpu.memory_space<vmem>>) target(%dma_start3A_193 : memref<64x128xf32, #tpu.memory_space<vmem_shared>>) target_semaphore(%run_scoped3A : memref<!tpu.dma_semaphore, #tpu.memory_space<semaphore_mem>>)
      %dma_wait3A = arith.constant 0 : i32
      %dma_wait3A_197 = arith.constant 0 : i32
      %dma_wait3A_198 = tpu.memref_slice %arg11[%dma_wait3A, %dma_wait3A_197] : memref<64x128xf32, #tpu.memory_space<vmem>> -> memref<64x128xf32, #tpu.memory_space<vmem>>
      %dma_wait3A_199 = arith.constant 0 : i32
      %dma_wait3A_200 = tpu.memref_slice %arg25[%add3A_28, %dma_wait3A_199] : memref<10000x128xf32, #tpu.memory_space<vmem_shared>> -> memref<64x128xf32, #tpu.memory_space<vmem_shared>>
      %dma_wait3A_201 = arith.constant 0 : i32
      %dma_wait3A_202 = tpu.memref_slice %arg25[%add3A_28, %dma_wait3A_201] : memref<10000x128xf32, #tpu.memory_space<vmem_shared>> -> memref<64x128xf32, #tpu.memory_space<vmem_shared>>
      %dma_wait3A_203 = arith.constant 0 : i32
      %dma_wait3A_204 = arith.constant 0 : i32
      %dma_wait3A_205 = tpu.memref_slice %arg11[%dma_wait3A_203, %dma_wait3A_204] : memref<64x128xf32, #tpu.memory_space<vmem>> -> memref<64x128xf32, #tpu.memory_space<vmem>>
      tpu.wait_dma2 semaphore(%run_scoped3A : memref<!tpu.dma_semaphore, #tpu.memory_space<semaphore_mem>>) src(%dma_wait3A_205 : memref<64x128xf32, #tpu.memory_space<vmem>>) dst(%dma_wait3A_202 : memref<64x128xf32, #tpu.memory_space<vmem_shared>>)
      tpu.yield
    }) : () -> ()
    %add3A_29 = arith.constant 512 : i32
    %add3A_30 = arith.addi %mul3A_4, %add3A_29 : i32
    "tpu.region"() ({
      %run_scoped3A = tpu.sem_alloc : memref<!tpu.dma_semaphore, #tpu.memory_space<semaphore_mem>>
      %dma_start3A = arith.constant 0 : i32
      %dma_start3A_188 = arith.constant 0 : i32
      %dma_start3A_189 = tpu.memref_slice %arg11[%dma_start3A, %dma_start3A_188] : memref<64x128xf32, #tpu.memory_space<vmem>> -> memref<64x128xf32, #tpu.memory_space<vmem>>
      %dma_start3A_190 = arith.constant 0 : i32
      %dma_start3A_191 = tpu.memref_slice %arg25[%add3A_30, %dma_start3A_190] : memref<10000x128xf32, #tpu.memory_space<vmem_shared>> -> memref<64x128xf32, #tpu.memory_space<vmem_shared>>
      %dma_start3A_192 = arith.constant 0 : i32
      %dma_start3A_193 = tpu.memref_slice %arg25[%add3A_30, %dma_start3A_192] : memref<10000x128xf32, #tpu.memory_space<vmem_shared>> -> memref<64x128xf32, #tpu.memory_space<vmem_shared>>
      %dma_start3A_194 = arith.constant 0 : i32
      %dma_start3A_195 = arith.constant 0 : i32
      %dma_start3A_196 = tpu.memref_slice %arg11[%dma_start3A_194, %dma_start3A_195] : memref<64x128xf32, #tpu.memory_space<vmem>> -> memref<64x128xf32, #tpu.memory_space<vmem>>
      tpu.enqueue_dma source(%dma_start3A_196 : memref<64x128xf32, #tpu.memory_space<vmem>>) target(%dma_start3A_193 : memref<64x128xf32, #tpu.memory_space<vmem_shared>>) target_semaphore(%run_scoped3A : memref<!tpu.dma_semaphore, #tpu.memory_space<semaphore_mem>>)
      %dma_wait3A = arith.constant 0 : i32
      %dma_wait3A_197 = arith.constant 0 : i32
      %dma_wait3A_198 = tpu.memref_slice %arg11[%dma_wait3A, %dma_wait3A_197] : memref<64x128xf32, #tpu.memory_space<vmem>> -> memref<64x128xf32, #tpu.memory_space<vmem>>
      %dma_wait3A_199 = arith.constant 0 : i32
      %dma_wait3A_200 = tpu.memref_slice %arg25[%add3A_30, %dma_wait3A_199] : memref<10000x128xf32, #tpu.memory_space<vmem_shared>> -> memref<64x128xf32, #tpu.memory_space<vmem_shared>>
      %dma_wait3A_201 = arith.constant 0 : i32
      %dma_wait3A_202 = tpu.memref_slice %arg25[%add3A_30, %dma_wait3A_201] : memref<10000x128xf32, #tpu.memory_space<vmem_shared>> -> memref<64x128xf32, #tpu.memory_space<vmem_shared>>
      %dma_wait3A_203 = arith.constant 0 : i32
      %dma_wait3A_204 = arith.constant 0 : i32
      %dma_wait3A_205 = tpu.memref_slice %arg11[%dma_wait3A_203, %dma_wait3A_204] : memref<64x128xf32, #tpu.memory_space<vmem>> -> memref<64x128xf32, #tpu.memory_space<vmem>>
      tpu.wait_dma2 semaphore(%run_scoped3A : memref<!tpu.dma_semaphore, #tpu.memory_space<semaphore_mem>>) src(%dma_wait3A_205 : memref<64x128xf32, #tpu.memory_space<vmem>>) dst(%dma_wait3A_202 : memref<64x128xf32, #tpu.memory_space<vmem_shared>>)
      tpu.yield
    }) : () -> ()
    %add3A_31 = arith.constant 576 : i32
    %add3A_32 = arith.addi %mul3A_4, %add3A_31 : i32
    "tpu.region"() ({
      %run_scoped3A = tpu.sem_alloc : memref<!tpu.dma_semaphore, #tpu.memory_space<semaphore_mem>>
      %dma_start3A = arith.constant 0 : i32
      %dma_start3A_188 = arith.constant 0 : i32
      %dma_start3A_189 = tpu.memref_slice %arg11[%dma_start3A, %dma_start3A_188] : memref<64x128xf32, #tpu.memory_space<vmem>> -> memref<48x128xf32, #tpu.memory_space<vmem>>
      %dma_start3A_190 = arith.constant 0 : i32
      %dma_start3A_191 = tpu.memref_slice %arg25[%add3A_32, %dma_start3A_190] : memref<10000x128xf32, #tpu.memory_space<vmem_shared>> -> memref<48x128xf32, #tpu.memory_space<vmem_shared>>
      %dma_start3A_192 = arith.constant 0 : i32
      %dma_start3A_193 = tpu.memref_slice %arg25[%add3A_32, %dma_start3A_192] : memref<10000x128xf32, #tpu.memory_space<vmem_shared>> -> memref<48x128xf32, #tpu.memory_space<vmem_shared>>
      %dma_start3A_194 = arith.constant 0 : i32
      %dma_start3A_195 = arith.constant 0 : i32
      %dma_start3A_196 = tpu.memref_slice %arg11[%dma_start3A_194, %dma_start3A_195] : memref<64x128xf32, #tpu.memory_space<vmem>> -> memref<48x128xf32, #tpu.memory_space<vmem>>
      tpu.enqueue_dma source(%dma_start3A_196 : memref<48x128xf32, #tpu.memory_space<vmem>>) target(%dma_start3A_193 : memref<48x128xf32, #tpu.memory_space<vmem_shared>>) target_semaphore(%run_scoped3A : memref<!tpu.dma_semaphore, #tpu.memory_space<semaphore_mem>>)
      %dma_wait3A = arith.constant 0 : i32
      %dma_wait3A_197 = arith.constant 0 : i32
      %dma_wait3A_198 = tpu.memref_slice %arg11[%dma_wait3A, %dma_wait3A_197] : memref<64x128xf32, #tpu.memory_space<vmem>> -> memref<48x128xf32, #tpu.memory_space<vmem>>
      %dma_wait3A_199 = arith.constant 0 : i32
      %dma_wait3A_200 = tpu.memref_slice %arg25[%add3A_32, %dma_wait3A_199] : memref<10000x128xf32, #tpu.memory_space<vmem_shared>> -> memref<48x128xf32, #tpu.memory_space<vmem_shared>>
      %dma_wait3A_201 = arith.constant 0 : i32
      %dma_wait3A_202 = tpu.memref_slice %arg25[%add3A_32, %dma_wait3A_201] : memref<10000x128xf32, #tpu.memory_space<vmem_shared>> -> memref<48x128xf32, #tpu.memory_space<vmem_shared>>
      %dma_wait3A_203 = arith.constant 0 : i32
      %dma_wait3A_204 = arith.constant 0 : i32
      %dma_wait3A_205 = tpu.memref_slice %arg11[%dma_wait3A_203, %dma_wait3A_204] : memref<64x128xf32, #tpu.memory_space<vmem>> -> memref<48x128xf32, #tpu.memory_space<vmem>>
      tpu.wait_dma2 semaphore(%run_scoped3A : memref<!tpu.dma_semaphore, #tpu.memory_space<semaphore_mem>>) src(%dma_wait3A_205 : memref<48x128xf32, #tpu.memory_space<vmem>>) dst(%dma_wait3A_202 : memref<48x128xf32, #tpu.memory_space<vmem_shared>>)
      tpu.yield
    }) : () -> ()
    %eq3A = arith.constant 15 : i32
    %eq3A_33 = arith.cmpi eq, %arg1, %eq3A : i32
    %convert_element_type3A = arith.extui %eq3A_33 : i1 to i32
    %cond3A = arith.constant 0 : i32
    %cond3A_34 = arith.cmpi ne, %convert_element_type3A, %cond3A : i32
    scf.if %cond3A_34 {
      "tpu.region"() ({
        %run_scoped3A = tpu.sem_alloc : memref<!tpu.dma_semaphore, #tpu.memory_space<semaphore_mem>>
        %dma_start3A = arith.constant 0 : i32
        %dma_start3A_188 = arith.constant 0 : i32
        %dma_start3A_189 = tpu.memref_slice %arg11[%dma_start3A, %dma_start3A_188] : memref<64x128xf32, #tpu.memory_space<vmem>> -> memref<16x128xf32, #tpu.memory_space<vmem>>
        %dma_start3A_190 = arith.constant 9984 : i32
        %dma_start3A_191 = arith.constant 0 : i32
        %dma_start3A_192 = tpu.memref_slice %arg25[%dma_start3A_190, %dma_start3A_191] : memref<10000x128xf32, #tpu.memory_space<vmem_shared>> -> memref<16x128xf32, #tpu.memory_space<vmem_shared>>
        %dma_start3A_193 = arith.constant 9984 : i32
        %dma_start3A_194 = arith.constant 0 : i32
        %dma_start3A_195 = tpu.memref_slice %arg25[%dma_start3A_193, %dma_start3A_194] : memref<10000x128xf32, #tpu.memory_space<vmem_shared>> -> memref<16x128xf32, #tpu.memory_space<vmem_shared>>
        %dma_start3A_196 = arith.constant 0 : i32
        %dma_start3A_197 = arith.constant 0 : i32
        %dma_start3A_198 = tpu.memref_slice %arg11[%dma_start3A_196, %dma_start3A_197] : memref<64x128xf32, #tpu.memory_space<vmem>> -> memref<16x128xf32, #tpu.memory_space<vmem>>
        tpu.enqueue_dma source(%dma_start3A_198 : memref<16x128xf32, #tpu.memory_space<vmem>>) target(%dma_start3A_195 : memref<16x128xf32, #tpu.memory_space<vmem_shared>>) target_semaphore(%run_scoped3A : memref<!tpu.dma_semaphore, #tpu.memory_space<semaphore_mem>>)
        %dma_wait3A = arith.constant 0 : i32
        %dma_wait3A_199 = arith.constant 0 : i32
        %dma_wait3A_200 = tpu.memref_slice %arg11[%dma_wait3A, %dma_wait3A_199] : memref<64x128xf32, #tpu.memory_space<vmem>> -> memref<16x128xf32, #tpu.memory_space<vmem>>
        %dma_wait3A_201 = arith.constant 9984 : i32
        %dma_wait3A_202 = arith.constant 0 : i32
        %dma_wait3A_203 = tpu.memref_slice %arg25[%dma_wait3A_201, %dma_wait3A_202] : memref<10000x128xf32, #tpu.memory_space<vmem_shared>> -> memref<16x128xf32, #tpu.memory_space<vmem_shared>>
        %dma_wait3A_204 = arith.constant 9984 : i32
        %dma_wait3A_205 = arith.constant 0 : i32
        %dma_wait3A_206 = tpu.memref_slice %arg25[%dma_wait3A_204, %dma_wait3A_205] : memref<10000x128xf32, #tpu.memory_space<vmem_shared>> -> memref<16x128xf32, #tpu.memory_space<vmem_shared>>
        %dma_wait3A_207 = arith.constant 0 : i32
        %dma_wait3A_208 = arith.constant 0 : i32
        %dma_wait3A_209 = tpu.memref_slice %arg11[%dma_wait3A_207, %dma_wait3A_208] : memref<64x128xf32, #tpu.memory_space<vmem>> -> memref<16x128xf32, #tpu.memory_space<vmem>>
        tpu.wait_dma2 semaphore(%run_scoped3A : memref<!tpu.dma_semaphore, #tpu.memory_space<semaphore_mem>>) src(%dma_wait3A_209 : memref<16x128xf32, #tpu.memory_space<vmem>>) dst(%dma_wait3A_206 : memref<16x128xf32, #tpu.memory_space<vmem_shared>>)
        tpu.yield
      }) : () -> ()
    } else {
    }
    %barrier3A = arith.constant 0 : index
    tpu.barrier barrier_id(%barrier3A)
    %scan3A_35 = arith.constant 0 : i32
    %scan3A_36 = arith.constant 40 : i32
    %scan3A_37 = arith.addi %scan3A_35, %scan3A_36 : i32
    %scan3A_38 = arith.constant 1 : i32
    scf.for %scan3A_188 = %scan3A_35 to %scan3A_37 step %scan3A_38  : i32 {
      %mul3A_189 = arith.constant 512 : i32
      %mul3A_190 = arith.muli %scan3A_188, %mul3A_189 : i32
      %add3A_191 = arith.constant 0 : i32
      %add3A_192 = arith.addi %add3A_191, %mul3A_190 : i32
      %add3A_193 = arith.addi %mul3A_0, %add3A_192 : i32
      %add3A_194 = arith.addi %mul3A_2, %add3A_193 : i32
      "tpu.region"() ({
        %run_scoped3A = tpu.sem_alloc : memref<!tpu.dma_semaphore, #tpu.memory_space<semaphore_mem>>
        %dma_start3A = tpu.memref_slice %arg5[%add3A_194] : memref<655360xi32, #tpu.memory_space<hbm>> -> memref<512xi32, #tpu.memory_space<hbm>>
        %dma_start3A_200 = tpu.memref_slice %arg5[%add3A_194] : memref<655360xi32, #tpu.memory_space<hbm>> -> memref<512xi32, #tpu.memory_space<hbm>>
        tpu.enqueue_dma source(%dma_start3A_200 : memref<512xi32, #tpu.memory_space<hbm>>) target(%arg15 : memref<512xi32, #tpu.memory_space<vmem>>) target_semaphore(%run_scoped3A : memref<!tpu.dma_semaphore, #tpu.memory_space<semaphore_mem>>)
        %dma_wait3A = tpu.memref_slice %arg5[%add3A_194] : memref<655360xi32, #tpu.memory_space<hbm>> -> memref<512xi32, #tpu.memory_space<hbm>>
        %dma_wait3A_201 = tpu.memref_slice %arg5[%add3A_194] : memref<655360xi32, #tpu.memory_space<hbm>> -> memref<512xi32, #tpu.memory_space<hbm>>
        tpu.wait_dma2 semaphore(%run_scoped3A : memref<!tpu.dma_semaphore, #tpu.memory_space<semaphore_mem>>) src(%dma_wait3A_201 : memref<512xi32, #tpu.memory_space<hbm>>) dst(%arg15 : memref<512xi32, #tpu.memory_space<vmem>>)
        tpu.yield
      }) : () -> ()
      "tpu.region"() ({
        %run_scoped3A = tpu.sem_alloc : memref<!tpu.dma_semaphore, #tpu.memory_space<semaphore_mem>>
        %dma_start3A = tpu.memref_slice %arg7[%add3A_193] : memref<327680xf32, #tpu.memory_space<hbm>> -> memref<512xf32, #tpu.memory_space<hbm>>
        %dma_start3A_200 = tpu.memref_slice %arg7[%add3A_193] : memref<327680xf32, #tpu.memory_space<hbm>> -> memref<512xf32, #tpu.memory_space<hbm>>
        tpu.enqueue_dma source(%dma_start3A_200 : memref<512xf32, #tpu.memory_space<hbm>>) target(%arg16 : memref<512xf32, #tpu.memory_space<vmem>>) target_semaphore(%run_scoped3A : memref<!tpu.dma_semaphore, #tpu.memory_space<semaphore_mem>>)
        %dma_wait3A = tpu.memref_slice %arg7[%add3A_193] : memref<327680xf32, #tpu.memory_space<hbm>> -> memref<512xf32, #tpu.memory_space<hbm>>
        %dma_wait3A_201 = tpu.memref_slice %arg7[%add3A_193] : memref<327680xf32, #tpu.memory_space<hbm>> -> memref<512xf32, #tpu.memory_space<hbm>>
        tpu.wait_dma2 semaphore(%run_scoped3A : memref<!tpu.dma_semaphore, #tpu.memory_space<semaphore_mem>>) src(%dma_wait3A_201 : memref<512xf32, #tpu.memory_space<hbm>>) dst(%arg16 : memref<512xf32, #tpu.memory_space<vmem>>)
        tpu.yield
      }) : () -> ()
      %scan3A_195 = arith.constant 0 : i32
      %scan3A_196 = arith.constant 4 : i32
      %scan3A_197 = arith.addi %scan3A_195, %scan3A_196 : i32
      %scan3A_198 = arith.constant 1 : i32
      scf.for %scan3A_200 = %scan3A_195 to %scan3A_197 step %scan3A_198  : i32 {
        %mul3A_201 = arith.constant 128 : i32
        %mul3A_202 = arith.muli %scan3A_200, %mul3A_201 : i32
        %add3A_203 = arith.constant 0 : i32
        %add3A_204 = arith.addi %add3A_203, %mul3A_202 : i32
        %add3A_205 = arith.addi %add3A_193, %add3A_204 : i32
        "tpu.region"() ({
          %run_scoped3A = tpu.sem_alloc : memref<!tpu.dma_semaphore, #tpu.memory_space<semaphore_mem>>
          %dma_start3A_382 = tpu.memref_slice %arg4[%add3A_205] : memref<327680xi32, #tpu.memory_space<hbm>> -> memref<64xi32, #tpu.memory_space<hbm>>
          %dma_start3A_383 = tpu.memref_slice %arg4[%add3A_205] : memref<327680xi32, #tpu.memory_space<hbm>> -> memref<64xi32, #tpu.memory_space<hbm>>
          tpu.enqueue_dma source(%dma_start3A_383 : memref<64xi32, #tpu.memory_space<hbm>>) target(%arg18 : memref<64xi32, #tpu.memory_space<vmem>>) target_semaphore(%run_scoped3A : memref<!tpu.dma_semaphore, #tpu.memory_space<semaphore_mem>>)
          %dma_wait3A_384 = tpu.memref_slice %arg4[%add3A_205] : memref<327680xi32, #tpu.memory_space<hbm>> -> memref<64xi32, #tpu.memory_space<hbm>>
          %dma_wait3A_385 = tpu.memref_slice %arg4[%add3A_205] : memref<327680xi32, #tpu.memory_space<hbm>> -> memref<64xi32, #tpu.memory_space<hbm>>
          tpu.wait_dma2 semaphore(%run_scoped3A : memref<!tpu.dma_semaphore, #tpu.memory_space<semaphore_mem>>) src(%dma_wait3A_385 : memref<64xi32, #tpu.memory_space<hbm>>) dst(%arg18 : memref<64xi32, #tpu.memory_space<vmem>>)
          tpu.yield
        }) : () -> ()
        %add3A_206 = arith.addi %add3A_193, %add3A_204 : i32
        %add3A_207 = arith.constant 64 : i32
        %add3A_208 = arith.addi %add3A_206, %add3A_207 : i32
        "tpu.region"() ({
          %run_scoped3A = tpu.sem_alloc : memref<!tpu.dma_semaphore, #tpu.memory_space<semaphore_mem>>
          %dma_start3A_382 = tpu.memref_slice %arg4[%add3A_208] : memref<327680xi32, #tpu.memory_space<hbm>> -> memref<64xi32, #tpu.memory_space<hbm>>
          %dma_start3A_383 = tpu.memref_slice %arg4[%add3A_208] : memref<327680xi32, #tpu.memory_space<hbm>> -> memref<64xi32, #tpu.memory_space<hbm>>
          tpu.enqueue_dma source(%dma_start3A_383 : memref<64xi32, #tpu.memory_space<hbm>>) target(%arg19 : memref<64xi32, #tpu.memory_space<vmem>>) target_semaphore(%run_scoped3A : memref<!tpu.dma_semaphore, #tpu.memory_space<semaphore_mem>>)
          %dma_wait3A_384 = tpu.memref_slice %arg4[%add3A_208] : memref<327680xi32, #tpu.memory_space<hbm>> -> memref<64xi32, #tpu.memory_space<hbm>>
          %dma_wait3A_385 = tpu.memref_slice %arg4[%add3A_208] : memref<327680xi32, #tpu.memory_space<hbm>> -> memref<64xi32, #tpu.memory_space<hbm>>
          tpu.wait_dma2 semaphore(%run_scoped3A : memref<!tpu.dma_semaphore, #tpu.memory_space<semaphore_mem>>) src(%dma_wait3A_385 : memref<64xi32, #tpu.memory_space<hbm>>) dst(%arg19 : memref<64xi32, #tpu.memory_space<vmem>>)
          tpu.yield
        }) : () -> ()
        %add3A_209 = arith.constant 0 : i32
        %add3A_210 = arith.addi %add3A_209, %add3A_193 : i32
        %add3A_211 = arith.addi %add3A_210, %add3A_204 : i32
        "tpu.region"() ({
          %run_scoped3A = tpu.sem_alloc : memref<!tpu.dma_semaphore, #tpu.memory_space<semaphore_mem>>
          %dma_start3A_382 = tpu.memref_slice %arg3[%add3A_211] : memref<327680xi32, #tpu.memory_space<hbm>> -> memref<64xi32, #tpu.memory_space<hbm>>
          %dma_start3A_383 = tpu.memref_slice %arg3[%add3A_211] : memref<327680xi32, #tpu.memory_space<hbm>> -> memref<64xi32, #tpu.memory_space<hbm>>
          tpu.enqueue_dma source(%dma_start3A_383 : memref<64xi32, #tpu.memory_space<hbm>>) target(%arg13 : memref<64xi32, #tpu.memory_space<vmem>>) target_semaphore(%run_scoped3A : memref<!tpu.dma_semaphore, #tpu.memory_space<semaphore_mem>>)
          %dma_wait3A_384 = tpu.memref_slice %arg3[%add3A_211] : memref<327680xi32, #tpu.memory_space<hbm>> -> memref<64xi32, #tpu.memory_space<hbm>>
          %dma_wait3A_385 = tpu.memref_slice %arg3[%add3A_211] : memref<327680xi32, #tpu.memory_space<hbm>> -> memref<64xi32, #tpu.memory_space<hbm>>
          tpu.wait_dma2 semaphore(%run_scoped3A : memref<!tpu.dma_semaphore, #tpu.memory_space<semaphore_mem>>) src(%dma_wait3A_385 : memref<64xi32, #tpu.memory_space<hbm>>) dst(%arg13 : memref<64xi32, #tpu.memory_space<vmem>>)
          tpu.yield
        }) : () -> ()
        %add3A_212 = arith.constant 0 : i32
        %add3A_213 = arith.addi %add3A_212, %add3A_193 : i32
        %add3A_214 = arith.addi %add3A_213, %add3A_204 : i32
        %add3A_215 = arith.constant 64 : i32
        %add3A_216 = arith.addi %add3A_214, %add3A_215 : i32
        "tpu.region"() ({
          %run_scoped3A = tpu.sem_alloc : memref<!tpu.dma_semaphore, #tpu.memory_space<semaphore_mem>>
          %dma_start3A_382 = tpu.memref_slice %arg3[%add3A_216] : memref<327680xi32, #tpu.memory_space<hbm>> -> memref<64xi32, #tpu.memory_space<hbm>>
          %dma_start3A_383 = tpu.memref_slice %arg3[%add3A_216] : memref<327680xi32, #tpu.memory_space<hbm>> -> memref<64xi32, #tpu.memory_space<hbm>>
          tpu.enqueue_dma source(%dma_start3A_383 : memref<64xi32, #tpu.memory_space<hbm>>) target(%arg14 : memref<64xi32, #tpu.memory_space<vmem>>) target_semaphore(%run_scoped3A : memref<!tpu.dma_semaphore, #tpu.memory_space<semaphore_mem>>)
          %dma_wait3A_384 = tpu.memref_slice %arg3[%add3A_216] : memref<327680xi32, #tpu.memory_space<hbm>> -> memref<64xi32, #tpu.memory_space<hbm>>
          %dma_wait3A_385 = tpu.memref_slice %arg3[%add3A_216] : memref<327680xi32, #tpu.memory_space<hbm>> -> memref<64xi32, #tpu.memory_space<hbm>>
          tpu.wait_dma2 semaphore(%run_scoped3A : memref<!tpu.dma_semaphore, #tpu.memory_space<semaphore_mem>>) src(%dma_wait3A_385 : memref<64xi32, #tpu.memory_space<hbm>>) dst(%arg14 : memref<64xi32, #tpu.memory_space<vmem>>)
          tpu.yield
        }) : () -> ()
        %dma_start3A = arith.constant 0 : i32
        %dma_start3A_217 = arith.constant 0 : i32
        %dma_start3A_218 = tpu.memref_slice %arg2[%dma_start3A, %dma_start3A_217] : memref<10000x128xf32, #tpu.memory_space<hbm>> -> memref<10000x128xf32, #tpu.memory_space<hbm>>
        tpu.enqueue_indirect_dma source(%dma_start3A_218 : memref<10000x128xf32, #tpu.memory_space<hbm>>) target(%arg11 : memref<64x128xf32, #tpu.memory_space<vmem>>) offsets(%arg13 : memref<64xi32, #tpu.memory_space<vmem>>) semaphore(%arg21 : memref<!tpu.dma_semaphore, #tpu.memory_space<semaphore_mem>>)
        %dma_start3A_219 = arith.constant 0 : i32
        %dma_start3A_220 = arith.constant 0 : i32
        %dma_start3A_221 = tpu.memref_slice %arg2[%dma_start3A_219, %dma_start3A_220] : memref<10000x128xf32, #tpu.memory_space<hbm>> -> memref<10000x128xf32, #tpu.memory_space<hbm>>
        tpu.enqueue_indirect_dma source(%dma_start3A_221 : memref<10000x128xf32, #tpu.memory_space<hbm>>) target(%arg12 : memref<64x128xf32, #tpu.memory_space<vmem>>) offsets(%arg14 : memref<64xi32, #tpu.memory_space<vmem>>) semaphore(%arg22 : memref<!tpu.dma_semaphore, #tpu.memory_space<semaphore_mem>>)
        %add3A_222 = arith.constant 64 : i32
        %add3A_223 = arith.addi %add3A_204, %add3A_222 : i32
        %add3A_224 = arith.constant 0 : i32
        %add3A_225 = arith.addi %add3A_204, %add3A_224 : i32
        %get3A = arith.index_cast %add3A_225 : i32 to index
        %get3A_226 = tpu.vector_load %arg15[%get3A] {strides = array<i32>} : memref<512xi32, #tpu.memory_space<vmem>>, vector<16xi32>,
        %gather3A = tpu.vector_load_idx %arg20[%get3A_226] : memref<10000xf32, #tpu.memory_space<vmem>>[vector<16xi32>], vector<16xf32>,
        %add3A_227 = arith.constant 0 : i32
        %add3A_228 = arith.addi %add3A_204, %add3A_227 : i32
        %get3A_229 = arith.index_cast %add3A_228 : i32 to index
        %get3A_230 = tpu.vector_load %arg16[%get3A_229] {strides = array<i32>} : memref<512xf32, #tpu.memory_space<vmem>>, vector<16xf32>,
        %max3A = arith.constant 1.000000e-30 : f32
        %max3A_231 = vector.broadcast %max3A : f32 to vector<16xf32>
        %max3A_232 = arith.maximumf %gather3A, %max3A_231 : vector<16xf32>
        %div3A = arith.divf %get3A_230, %max3A_232 : vector<16xf32>
        %add3A_233 = arith.constant 0 : i32
        %add3A_234 = arith.addi %add3A_204, %add3A_233 : i32
        %swap3A = arith.index_cast %add3A_234 : i32 to index
        %swap3A_235 = tpu.vector_load %arg17[%swap3A] {strides = array<i32>} : memref<512xf32, #tpu.memory_space<vmem>>, vector<16xf32>,
        tpu.vector_store %arg17[%swap3A], %div3A {strides = array<i32>} : memref<512xf32, #tpu.memory_space<vmem>>, vector<16xf32>,
        %add3A_236 = arith.constant 16 : i32
        %add3A_237 = arith.addi %add3A_204, %add3A_236 : i32
        %get3A_238 = arith.index_cast %add3A_237 : i32 to index
        %get3A_239 = tpu.vector_load %arg15[%get3A_238] {strides = array<i32>} : memref<512xi32, #tpu.memory_space<vmem>>, vector<16xi32>,
        %gather3A_240 = tpu.vector_load_idx %arg20[%get3A_239] : memref<10000xf32, #tpu.memory_space<vmem>>[vector<16xi32>], vector<16xf32>,
        %add3A_241 = arith.constant 16 : i32
        %add3A_242 = arith.addi %add3A_204, %add3A_241 : i32
        %get3A_243 = arith.index_cast %add3A_242 : i32 to index
        %get3A_244 = tpu.vector_load %arg16[%get3A_243] {strides = array<i32>} : memref<512xf32, #tpu.memory_space<vmem>>, vector<16xf32>,
        %max3A_245 = arith.constant 1.000000e-30 : f32
        %max3A_246 = vector.broadcast %max3A_245 : f32 to vector<16xf32>
        %max3A_247 = arith.maximumf %gather3A_240, %max3A_246 : vector<16xf32>
        %div3A_248 = arith.divf %get3A_244, %max3A_247 : vector<16xf32>
        %add3A_249 = arith.constant 16 : i32
        %add3A_250 = arith.addi %add3A_204, %add3A_249 : i32
        %swap3A_251 = arith.index_cast %add3A_250 : i32 to index
        %swap3A_252 = tpu.vector_load %arg17[%swap3A_251] {strides = array<i32>} : memref<512xf32, #tpu.memory_space<vmem>>, vector<16xf32>,
        tpu.vector_store %arg17[%swap3A_251], %div3A_248 {strides = array<i32>} : memref<512xf32, #tpu.memory_space<vmem>>, vector<16xf32>,
        %add3A_253 = arith.constant 32 : i32
        %add3A_254 = arith.addi %add3A_204, %add3A_253 : i32
        %get3A_255 = arith.index_cast %add3A_254 : i32 to index
        %get3A_256 = tpu.vector_load %arg15[%get3A_255] {strides = array<i32>} : memref<512xi32, #tpu.memory_space<vmem>>, vector<16xi32>,
        %gather3A_257 = tpu.vector_load_idx %arg20[%get3A_256] : memref<10000xf32, #tpu.memory_space<vmem>>[vector<16xi32>], vector<16xf32>,
        %add3A_258 = arith.constant 32 : i32
        %add3A_259 = arith.addi %add3A_204, %add3A_258 : i32
        %get3A_260 = arith.index_cast %add3A_259 : i32 to index
        %get3A_261 = tpu.vector_load %arg16[%get3A_260] {strides = array<i32>} : memref<512xf32, #tpu.memory_space<vmem>>, vector<16xf32>,
        %max3A_262 = arith.constant 1.000000e-30 : f32
        %max3A_263 = vector.broadcast %max3A_262 : f32 to vector<16xf32>
        %max3A_264 = arith.maximumf %gather3A_257, %max3A_263 : vector<16xf32>
        %div3A_265 = arith.divf %get3A_261, %max3A_264 : vector<16xf32>
        %add3A_266 = arith.constant 32 : i32
        %add3A_267 = arith.addi %add3A_204, %add3A_266 : i32
        %swap3A_268 = arith.index_cast %add3A_267 : i32 to index
        %swap3A_269 = tpu.vector_load %arg17[%swap3A_268] {strides = array<i32>} : memref<512xf32, #tpu.memory_space<vmem>>, vector<16xf32>,
        tpu.vector_store %arg17[%swap3A_268], %div3A_265 {strides = array<i32>} : memref<512xf32, #tpu.memory_space<vmem>>, vector<16xf32>,
        %add3A_270 = arith.constant 48 : i32
        %add3A_271 = arith.addi %add3A_204, %add3A_270 : i32
        %get3A_272 = arith.index_cast %add3A_271 : i32 to index
        %get3A_273 = tpu.vector_load %arg15[%get3A_272] {strides = array<i32>} : memref<512xi32, #tpu.memory_space<vmem>>, vector<16xi32>,
        %gather3A_274 = tpu.vector_load_idx %arg20[%get3A_273] : memref<10000xf32, #tpu.memory_space<vmem>>[vector<16xi32>], vector<16xf32>,
        %add3A_275 = arith.constant 48 : i32
        %add3A_276 = arith.addi %add3A_204, %add3A_275 : i32
        %get3A_277 = arith.index_cast %add3A_276 : i32 to index
        %get3A_278 = tpu.vector_load %arg16[%get3A_277] {strides = array<i32>} : memref<512xf32, #tpu.memory_space<vmem>>, vector<16xf32>,
        %max3A_279 = arith.constant 1.000000e-30 : f32
        %max3A_280 = vector.broadcast %max3A_279 : f32 to vector<16xf32>
        %max3A_281 = arith.maximumf %gather3A_274, %max3A_280 : vector<16xf32>
        %div3A_282 = arith.divf %get3A_278, %max3A_281 : vector<16xf32>
        %add3A_283 = arith.constant 48 : i32
        %add3A_284 = arith.addi %add3A_204, %add3A_283 : i32
        %swap3A_285 = arith.index_cast %add3A_284 : i32 to index
        %swap3A_286 = tpu.vector_load %arg17[%swap3A_285] {strides = array<i32>} : memref<512xf32, #tpu.memory_space<vmem>>, vector<16xf32>,
        tpu.vector_store %arg17[%swap3A_285], %div3A_282 {strides = array<i32>} : memref<512xf32, #tpu.memory_space<vmem>>, vector<16xf32>,
        %dma_wait3A = arith.constant 0 : i32
        %dma_wait3A_287 = arith.constant 0 : i32
        %dma_wait3A_288 = tpu.memref_slice %arg2[%dma_wait3A, %dma_wait3A_287] : memref<10000x128xf32, #tpu.memory_space<hbm>> -> memref<10000x128xf32, #tpu.memory_space<hbm>>
        tpu.wait_indirect_dma semaphore(%arg21 : memref<!tpu.dma_semaphore, #tpu.memory_space<semaphore_mem>>) src(%dma_wait3A_288 : memref<10000x128xf32, #tpu.memory_space<hbm>>) dst(%arg11 : memref<64x128xf32, #tpu.memory_space<vmem>>)
        %scan3A_289 = arith.constant 0 : i32
        %scan3A_290 = arith.constant 64 : i32
        %scan3A_291 = arith.addi %scan3A_289, %scan3A_290 : i32
        %scan3A_292 = arith.constant 1 : i32
        scf.for %scan3A_382 = %scan3A_289 to %scan3A_291 step %scan3A_292  : i32 {
          %mul3A_383 = arith.constant 1 : i32
          %mul3A_384 = arith.muli %scan3A_382, %mul3A_383 : i32
          %add3A_385 = arith.constant 0 : i32
          %add3A_386 = arith.addi %add3A_385, %mul3A_384 : i32
          %add3A_387 = arith.addi %add3A_204, %add3A_386 : i32
          %add3A_388 = vector.broadcast %add3A_387 : i32 to vector<16xi32>
          %add3A_389 = arith.addi %broadcast_in_dim3A_9, %add3A_388 : vector<16xi32>
          %gather3A_390 = tpu.vector_load_idx %arg17[%add3A_389] : memref<512xf32, #tpu.memory_space<vmem>>[vector<16xi32>], vector<16xf32>,
          %get3A_391 = arith.index_cast %add3A_386 : i32 to index
          %get3A_392 = arith.constant 0 : index
          %get3A_393 = tpu.vector_load %arg11[%get3A_391, %get3A_392] {strides = array<i32>} : memref<64x128xf32, #tpu.memory_space<vmem>>, vector<16xf32>,
          %mul3A_394 = arith.mulf %get3A_393, %gather3A_390 : vector<16xf32>
          %swap3A_395 = arith.index_cast %add3A_386 : i32 to index
          %swap3A_396 = arith.constant 0 : index
          %swap3A_397 = tpu.vector_load %arg11[%swap3A_395, %swap3A_396] {strides = array<i32>} : memref<64x128xf32, #tpu.memory_space<vmem>>, vector<16xf32>,
          tpu.vector_store %arg11[%swap3A_395, %swap3A_396], %mul3A_394 {strides = array<i32>} : memref<64x128xf32, #tpu.memory_space<vmem>>, vector<16xf32>,
          %get3A_398 = arith.index_cast %add3A_386 : i32 to index
          %get3A_399 = arith.constant 16 : index
          %get3A_400 = tpu.vector_load %arg11[%get3A_398, %get3A_399] {strides = array<i32>} : memref<64x128xf32, #tpu.memory_space<vmem>>, vector<16xf32>,
          %mul3A_401 = arith.mulf %get3A_400, %gather3A_390 : vector<16xf32>
          %swap3A_402 = arith.index_cast %add3A_386 : i32 to index
          %swap3A_403 = arith.constant 16 : index
          %swap3A_404 = tpu.vector_load %arg11[%swap3A_402, %swap3A_403] {strides = array<i32>} : memref<64x128xf32, #tpu.memory_space<vmem>>, vector<16xf32>,
          tpu.vector_store %arg11[%swap3A_402, %swap3A_403], %mul3A_401 {strides = array<i32>} : memref<64x128xf32, #tpu.memory_space<vmem>>, vector<16xf32>,
          %get3A_405 = arith.index_cast %add3A_386 : i32 to index
          %get3A_406 = arith.constant 32 : index
          %get3A_407 = tpu.vector_load %arg11[%get3A_405, %get3A_406] {strides = array<i32>} : memref<64x128xf32, #tpu.memory_space<vmem>>, vector<16xf32>,
          %mul3A_408 = arith.mulf %get3A_407, %gather3A_390 : vector<16xf32>
          %swap3A_409 = arith.index_cast %add3A_386 : i32 to index
          %swap3A_410 = arith.constant 32 : index
          %swap3A_411 = tpu.vector_load %arg11[%swap3A_409, %swap3A_410] {strides = array<i32>} : memref<64x128xf32, #tpu.memory_space<vmem>>, vector<16xf32>,
          tpu.vector_store %arg11[%swap3A_409, %swap3A_410], %mul3A_408 {strides = array<i32>} : memref<64x128xf32, #tpu.memory_space<vmem>>, vector<16xf32>,
          %get3A_412 = arith.index_cast %add3A_386 : i32 to index
          %get3A_413 = arith.constant 48 : index
          %get3A_414 = tpu.vector_load %arg11[%get3A_412, %get3A_413] {strides = array<i32>} : memref<64x128xf32, #tpu.memory_space<vmem>>, vector<16xf32>,
          %mul3A_415 = arith.mulf %get3A_414, %gather3A_390 : vector<16xf32>
          %swap3A_416 = arith.index_cast %add3A_386 : i32 to index
          %swap3A_417 = arith.constant 48 : index
          %swap3A_418 = tpu.vector_load %arg11[%swap3A_416, %swap3A_417] {strides = array<i32>} : memref<64x128xf32, #tpu.memory_space<vmem>>, vector<16xf32>,
          tpu.vector_store %arg11[%swap3A_416, %swap3A_417], %mul3A_415 {strides = array<i32>} : memref<64x128xf32, #tpu.memory_space<vmem>>, vector<16xf32>,
          %get3A_419 = arith.index_cast %add3A_386 : i32 to index
          %get3A_420 = arith.constant 64 : index
          %get3A_421 = tpu.vector_load %arg11[%get3A_419, %get3A_420] {strides = array<i32>} : memref<64x128xf32, #tpu.memory_space<vmem>>, vector<16xf32>,
          %mul3A_422 = arith.mulf %get3A_421, %gather3A_390 : vector<16xf32>
          %swap3A_423 = arith.index_cast %add3A_386 : i32 to index
          %swap3A_424 = arith.constant 64 : index
          %swap3A_425 = tpu.vector_load %arg11[%swap3A_423, %swap3A_424] {strides = array<i32>} : memref<64x128xf32, #tpu.memory_space<vmem>>, vector<16xf32>,
          tpu.vector_store %arg11[%swap3A_423, %swap3A_424], %mul3A_422 {strides = array<i32>} : memref<64x128xf32, #tpu.memory_space<vmem>>, vector<16xf32>,
          %get3A_426 = arith.index_cast %add3A_386 : i32 to index
          %get3A_427 = arith.constant 80 : index
          %get3A_428 = tpu.vector_load %arg11[%get3A_426, %get3A_427] {strides = array<i32>} : memref<64x128xf32, #tpu.memory_space<vmem>>, vector<16xf32>,
          %mul3A_429 = arith.mulf %get3A_428, %gather3A_390 : vector<16xf32>
          %swap3A_430 = arith.index_cast %add3A_386 : i32 to index
          %swap3A_431 = arith.constant 80 : index
          %swap3A_432 = tpu.vector_load %arg11[%swap3A_430, %swap3A_431] {strides = array<i32>} : memref<64x128xf32, #tpu.memory_space<vmem>>, vector<16xf32>,
          tpu.vector_store %arg11[%swap3A_430, %swap3A_431], %mul3A_429 {strides = array<i32>} : memref<64x128xf32, #tpu.memory_space<vmem>>, vector<16xf32>,
          %get3A_433 = arith.index_cast %add3A_386 : i32 to index
          %get3A_434 = arith.constant 96 : index
          %get3A_435 = tpu.vector_load %arg11[%get3A_433, %get3A_434] {strides = array<i32>} : memref<64x128xf32, #tpu.memory_space<vmem>>, vector<16xf32>,
          %mul3A_436 = arith.mulf %get3A_435, %gather3A_390 : vector<16xf32>
          %swap3A_437 = arith.index_cast %add3A_386 : i32 to index
          %swap3A_438 = arith.constant 96 : index
          %swap3A_439 = tpu.vector_load %arg11[%swap3A_437, %swap3A_438] {strides = array<i32>} : memref<64x128xf32, #tpu.memory_space<vmem>>, vector<16xf32>,
          tpu.vector_store %arg11[%swap3A_437, %swap3A_438], %mul3A_436 {strides = array<i32>} : memref<64x128xf32, #tpu.memory_space<vmem>>, vector<16xf32>,
          %get3A_440 = arith.index_cast %add3A_386 : i32 to index
          %get3A_441 = arith.constant 112 : index
          %get3A_442 = tpu.vector_load %arg11[%get3A_440, %get3A_441] {strides = array<i32>} : memref<64x128xf32, #tpu.memory_space<vmem>>, vector<16xf32>,
          %mul3A_443 = arith.mulf %get3A_442, %gather3A_390 : vector<16xf32>
          %swap3A_444 = arith.index_cast %add3A_386 : i32 to index
          %swap3A_445 = arith.constant 112 : index
          %swap3A_446 = tpu.vector_load %arg11[%swap3A_444, %swap3A_445] {strides = array<i32>} : memref<64x128xf32, #tpu.memory_space<vmem>>, vector<16xf32>,
          tpu.vector_store %arg11[%swap3A_444, %swap3A_445], %mul3A_443 {strides = array<i32>} : memref<64x128xf32, #tpu.memory_space<vmem>>, vector<16xf32>,
        }
        %scan3A_293 = arith.constant 64 : i32
        %dma_start3A_294 = arith.constant 0 : i32
        %dma_start3A_295 = arith.constant 0 : i32
        %dma_start3A_296 = tpu.memref_slice %arg25[%dma_start3A_294, %dma_start3A_295] : memref<10000x128xf32, #tpu.memory_space<vmem_shared>> -> memref<10000x128xf32, #tpu.memory_space<vmem_shared>>
        tpu.enqueue_indirect_dma source(%arg11 : memref<64x128xf32, #tpu.memory_space<vmem>>) target(%dma_start3A_296 : memref<10000x128xf32, #tpu.memory_space<vmem_shared>>) offsets(%arg18 : memref<64xi32, #tpu.memory_space<vmem>>) semaphore(%arg23 : memref<!tpu.dma_semaphore, #tpu.memory_space<semaphore_mem>>) {add = true}
        %add3A_297 = arith.constant 0 : i32
        %add3A_298 = arith.addi %add3A_223, %add3A_297 : i32
        %get3A_299 = arith.index_cast %add3A_298 : i32 to index
        %get3A_300 = tpu.vector_load %arg15[%get3A_299] {strides = array<i32>} : memref<512xi32, #tpu.memory_space<vmem>>, vector<16xi32>,
        %gather3A_301 = tpu.vector_load_idx %arg20[%get3A_300] : memref<10000xf32, #tpu.memory_space<vmem>>[vector<16xi32>], vector<16xf32>,
        %add3A_302 = arith.constant 0 : i32
        %add3A_303 = arith.addi %add3A_223, %add3A_302 : i32
        %get3A_304 = arith.index_cast %add3A_303 : i32 to index
        %get3A_305 = tpu.vector_load %arg16[%get3A_304] {strides = array<i32>} : memref<512xf32, #tpu.memory_space<vmem>>, vector<16xf32>,
        %max3A_306 = arith.constant 1.000000e-30 : f32
        %max3A_307 = vector.broadcast %max3A_306 : f32 to vector<16xf32>
        %max3A_308 = arith.maximumf %gather3A_301, %max3A_307 : vector<16xf32>
        %div3A_309 = arith.divf %get3A_305, %max3A_308 : vector<16xf32>
        %add3A_310 = arith.constant 0 : i32
        %add3A_311 = arith.addi %add3A_223, %add3A_310 : i32
        %swap3A_312 = arith.index_cast %add3A_311 : i32 to index
        %swap3A_313 = tpu.vector_load %arg17[%swap3A_312] {strides = array<i32>} : memref<512xf32, #tpu.memory_space<vmem>>, vector<16xf32>,
        tpu.vector_store %arg17[%swap3A_312], %div3A_309 {strides = array<i32>} : memref<512xf32, #tpu.memory_space<vmem>>, vector<16xf32>,
        %add3A_314 = arith.constant 16 : i32
        %add3A_315 = arith.addi %add3A_223, %add3A_314 : i32
        %get3A_316 = arith.index_cast %add3A_315 : i32 to index
        %get3A_317 = tpu.vector_load %arg15[%get3A_316] {strides = array<i32>} : memref<512xi32, #tpu.memory_space<vmem>>, vector<16xi32>,
        %gather3A_318 = tpu.vector_load_idx %arg20[%get3A_317] : memref<10000xf32, #tpu.memory_space<vmem>>[vector<16xi32>], vector<16xf32>,
        %add3A_319 = arith.constant 16 : i32
        %add3A_320 = arith.addi %add3A_223, %add3A_319 : i32
        %get3A_321 = arith.index_cast %add3A_320 : i32 to index
        %get3A_322 = tpu.vector_load %arg16[%get3A_321] {strides = array<i32>} : memref<512xf32, #tpu.memory_space<vmem>>, vector<16xf32>,
        %max3A_323 = arith.constant 1.000000e-30 : f32
        %max3A_324 = vector.broadcast %max3A_323 : f32 to vector<16xf32>
        %max3A_325 = arith.maximumf %gather3A_318, %max3A_324 : vector<16xf32>
        %div3A_326 = arith.divf %get3A_322, %max3A_325 : vector<16xf32>
        %add3A_327 = arith.constant 16 : i32
        %add3A_328 = arith.addi %add3A_223, %add3A_327 : i32
        %swap3A_329 = arith.index_cast %add3A_328 : i32 to index
        %swap3A_330 = tpu.vector_load %arg17[%swap3A_329] {strides = array<i32>} : memref<512xf32, #tpu.memory_space<vmem>>, vector<16xf32>,
        tpu.vector_store %arg17[%swap3A_329], %div3A_326 {strides = array<i32>} : memref<512xf32, #tpu.memory_space<vmem>>, vector<16xf32>,
        %add3A_331 = arith.constant 32 : i32
        %add3A_332 = arith.addi %add3A_223, %add3A_331 : i32
        %get3A_333 = arith.index_cast %add3A_332 : i32 to index
        %get3A_334 = tpu.vector_load %arg15[%get3A_333] {strides = array<i32>} : memref<512xi32, #tpu.memory_space<vmem>>, vector<16xi32>,
        %gather3A_335 = tpu.vector_load_idx %arg20[%get3A_334] : memref<10000xf32, #tpu.memory_space<vmem>>[vector<16xi32>], vector<16xf32>,
        %add3A_336 = arith.constant 32 : i32
        %add3A_337 = arith.addi %add3A_223, %add3A_336 : i32
        %get3A_338 = arith.index_cast %add3A_337 : i32 to index
        %get3A_339 = tpu.vector_load %arg16[%get3A_338] {strides = array<i32>} : memref<512xf32, #tpu.memory_space<vmem>>, vector<16xf32>,
        %max3A_340 = arith.constant 1.000000e-30 : f32
        %max3A_341 = vector.broadcast %max3A_340 : f32 to vector<16xf32>
        %max3A_342 = arith.maximumf %gather3A_335, %max3A_341 : vector<16xf32>
        %div3A_343 = arith.divf %get3A_339, %max3A_342 : vector<16xf32>
        %add3A_344 = arith.constant 32 : i32
        %add3A_345 = arith.addi %add3A_223, %add3A_344 : i32
        %swap3A_346 = arith.index_cast %add3A_345 : i32 to index
        %swap3A_347 = tpu.vector_load %arg17[%swap3A_346] {strides = array<i32>} : memref<512xf32, #tpu.memory_space<vmem>>, vector<16xf32>,
        tpu.vector_store %arg17[%swap3A_346], %div3A_343 {strides = array<i32>} : memref<512xf32, #tpu.memory_space<vmem>>, vector<16xf32>,
        %add3A_348 = arith.constant 48 : i32
        %add3A_349 = arith.addi %add3A_223, %add3A_348 : i32
        %get3A_350 = arith.index_cast %add3A_349 : i32 to index
        %get3A_351 = tpu.vector_load %arg15[%get3A_350] {strides = array<i32>} : memref<512xi32, #tpu.memory_space<vmem>>, vector<16xi32>,
        %gather3A_352 = tpu.vector_load_idx %arg20[%get3A_351] : memref<10000xf32, #tpu.memory_space<vmem>>[vector<16xi32>], vector<16xf32>,
        %add3A_353 = arith.constant 48 : i32
        %add3A_354 = arith.addi %add3A_223, %add3A_353 : i32
        %get3A_355 = arith.index_cast %add3A_354 : i32 to index
        %get3A_356 = tpu.vector_load %arg16[%get3A_355] {strides = array<i32>} : memref<512xf32, #tpu.memory_space<vmem>>, vector<16xf32>,
        %max3A_357 = arith.constant 1.000000e-30 : f32
        %max3A_358 = vector.broadcast %max3A_357 : f32 to vector<16xf32>
        %max3A_359 = arith.maximumf %gather3A_352, %max3A_358 : vector<16xf32>
        %div3A_360 = arith.divf %get3A_356, %max3A_359 : vector<16xf32>
        %add3A_361 = arith.constant 48 : i32
        %add3A_362 = arith.addi %add3A_223, %add3A_361 : i32
        %swap3A_363 = arith.index_cast %add3A_362 : i32 to index
        %swap3A_364 = tpu.vector_load %arg17[%swap3A_363] {strides = array<i32>} : memref<512xf32, #tpu.memory_space<vmem>>, vector<16xf32>,
        tpu.vector_store %arg17[%swap3A_363], %div3A_360 {strides = array<i32>} : memref<512xf32, #tpu.memory_space<vmem>>, vector<16xf32>,
        %dma_wait3A_365 = arith.constant 0 : i32
        %dma_wait3A_366 = arith.constant 0 : i32
        %dma_wait3A_367 = tpu.memref_slice %arg2[%dma_wait3A_365, %dma_wait3A_366] : memref<10000x128xf32, #tpu.memory_space<hbm>> -> memref<10000x128xf32, #tpu.memory_space<hbm>>
        tpu.wait_indirect_dma semaphore(%arg22 : memref<!tpu.dma_semaphore, #tpu.memory_space<semaphore_mem>>) src(%dma_wait3A_367 : memref<10000x128xf32, #tpu.memory_space<hbm>>) dst(%arg12 : memref<64x128xf32, #tpu.memory_space<vmem>>)
        %scan3A_368 = arith.constant 0 : i32
        %scan3A_369 = arith.constant 64 : i32
        %scan3A_370 = arith.addi %scan3A_368, %scan3A_369 : i32
        %scan3A_371 = arith.constant 1 : i32
        scf.for %scan3A_382 = %scan3A_368 to %scan3A_370 step %scan3A_371  : i32 {
          %mul3A_383 = arith.constant 1 : i32
          %mul3A_384 = arith.muli %scan3A_382, %mul3A_383 : i32
          %add3A_385 = arith.constant 0 : i32
          %add3A_386 = arith.addi %add3A_385, %mul3A_384 : i32
          %add3A_387 = arith.addi %add3A_223, %add3A_386 : i32
          %add3A_388 = vector.broadcast %add3A_387 : i32 to vector<16xi32>
          %add3A_389 = arith.addi %broadcast_in_dim3A_9, %add3A_388 : vector<16xi32>
          %gather3A_390 = tpu.vector_load_idx %arg17[%add3A_389] : memref<512xf32, #tpu.memory_space<vmem>>[vector<16xi32>], vector<16xf32>,
          %get3A_391 = arith.index_cast %add3A_386 : i32 to index
          %get3A_392 = arith.constant 0 : index
          %get3A_393 = tpu.vector_load %arg12[%get3A_391, %get3A_392] {strides = array<i32>} : memref<64x128xf32, #tpu.memory_space<vmem>>, vector<16xf32>,
          %mul3A_394 = arith.mulf %get3A_393, %gather3A_390 : vector<16xf32>
          %swap3A_395 = arith.index_cast %add3A_386 : i32 to index
          %swap3A_396 = arith.constant 0 : index
          %swap3A_397 = tpu.vector_load %arg12[%swap3A_395, %swap3A_396] {strides = array<i32>} : memref<64x128xf32, #tpu.memory_space<vmem>>, vector<16xf32>,
          tpu.vector_store %arg12[%swap3A_395, %swap3A_396], %mul3A_394 {strides = array<i32>} : memref<64x128xf32, #tpu.memory_space<vmem>>, vector<16xf32>,
          %get3A_398 = arith.index_cast %add3A_386 : i32 to index
          %get3A_399 = arith.constant 16 : index
          %get3A_400 = tpu.vector_load %arg12[%get3A_398, %get3A_399] {strides = array<i32>} : memref<64x128xf32, #tpu.memory_space<vmem>>, vector<16xf32>,
          %mul3A_401 = arith.mulf %get3A_400, %gather3A_390 : vector<16xf32>
          %swap3A_402 = arith.index_cast %add3A_386 : i32 to index
          %swap3A_403 = arith.constant 16 : index
          %swap3A_404 = tpu.vector_load %arg12[%swap3A_402, %swap3A_403] {strides = array<i32>} : memref<64x128xf32, #tpu.memory_space<vmem>>, vector<16xf32>,
          tpu.vector_store %arg12[%swap3A_402, %swap3A_403], %mul3A_401 {strides = array<i32>} : memref<64x128xf32, #tpu.memory_space<vmem>>, vector<16xf32>,
          %get3A_405 = arith.index_cast %add3A_386 : i32 to index
          %get3A_406 = arith.constant 32 : index
          %get3A_407 = tpu.vector_load %arg12[%get3A_405, %get3A_406] {strides = array<i32>} : memref<64x128xf32, #tpu.memory_space<vmem>>, vector<16xf32>,
          %mul3A_408 = arith.mulf %get3A_407, %gather3A_390 : vector<16xf32>
          %swap3A_409 = arith.index_cast %add3A_386 : i32 to index
          %swap3A_410 = arith.constant 32 : index
          %swap3A_411 = tpu.vector_load %arg12[%swap3A_409, %swap3A_410] {strides = array<i32>} : memref<64x128xf32, #tpu.memory_space<vmem>>, vector<16xf32>,
          tpu.vector_store %arg12[%swap3A_409, %swap3A_410], %mul3A_408 {strides = array<i32>} : memref<64x128xf32, #tpu.memory_space<vmem>>, vector<16xf32>,
          %get3A_412 = arith.index_cast %add3A_386 : i32 to index
          %get3A_413 = arith.constant 48 : index
          %get3A_414 = tpu.vector_load %arg12[%get3A_412, %get3A_413] {strides = array<i32>} : memref<64x128xf32, #tpu.memory_space<vmem>>, vector<16xf32>,
          %mul3A_415 = arith.mulf %get3A_414, %gather3A_390 : vector<16xf32>
          %swap3A_416 = arith.index_cast %add3A_386 : i32 to index
          %swap3A_417 = arith.constant 48 : index
          %swap3A_418 = tpu.vector_load %arg12[%swap3A_416, %swap3A_417] {strides = array<i32>} : memref<64x128xf32, #tpu.memory_space<vmem>>, vector<16xf32>,
          tpu.vector_store %arg12[%swap3A_416, %swap3A_417], %mul3A_415 {strides = array<i32>} : memref<64x128xf32, #tpu.memory_space<vmem>>, vector<16xf32>,
          %get3A_419 = arith.index_cast %add3A_386 : i32 to index
          %get3A_420 = arith.constant 64 : index
          %get3A_421 = tpu.vector_load %arg12[%get3A_419, %get3A_420] {strides = array<i32>} : memref<64x128xf32, #tpu.memory_space<vmem>>, vector<16xf32>,
          %mul3A_422 = arith.mulf %get3A_421, %gather3A_390 : vector<16xf32>
          %swap3A_423 = arith.index_cast %add3A_386 : i32 to index
          %swap3A_424 = arith.constant 64 : index
          %swap3A_425 = tpu.vector_load %arg12[%swap3A_423, %swap3A_424] {strides = array<i32>} : memref<64x128xf32, #tpu.memory_space<vmem>>, vector<16xf32>,
          tpu.vector_store %arg12[%swap3A_423, %swap3A_424], %mul3A_422 {strides = array<i32>} : memref<64x128xf32, #tpu.memory_space<vmem>>, vector<16xf32>,
          %get3A_426 = arith.index_cast %add3A_386 : i32 to index
          %get3A_427 = arith.constant 80 : index
          %get3A_428 = tpu.vector_load %arg12[%get3A_426, %get3A_427] {strides = array<i32>} : memref<64x128xf32, #tpu.memory_space<vmem>>, vector<16xf32>,
          %mul3A_429 = arith.mulf %get3A_428, %gather3A_390 : vector<16xf32>
          %swap3A_430 = arith.index_cast %add3A_386 : i32 to index
          %swap3A_431 = arith.constant 80 : index
          %swap3A_432 = tpu.vector_load %arg12[%swap3A_430, %swap3A_431] {strides = array<i32>} : memref<64x128xf32, #tpu.memory_space<vmem>>, vector<16xf32>,
          tpu.vector_store %arg12[%swap3A_430, %swap3A_431], %mul3A_429 {strides = array<i32>} : memref<64x128xf32, #tpu.memory_space<vmem>>, vector<16xf32>,
          %get3A_433 = arith.index_cast %add3A_386 : i32 to index
          %get3A_434 = arith.constant 96 : index
          %get3A_435 = tpu.vector_load %arg12[%get3A_433, %get3A_434] {strides = array<i32>} : memref<64x128xf32, #tpu.memory_space<vmem>>, vector<16xf32>,
          %mul3A_436 = arith.mulf %get3A_435, %gather3A_390 : vector<16xf32>
          %swap3A_437 = arith.index_cast %add3A_386 : i32 to index
          %swap3A_438 = arith.constant 96 : index
          %swap3A_439 = tpu.vector_load %arg12[%swap3A_437, %swap3A_438] {strides = array<i32>} : memref<64x128xf32, #tpu.memory_space<vmem>>, vector<16xf32>,
          tpu.vector_store %arg12[%swap3A_437, %swap3A_438], %mul3A_436 {strides = array<i32>} : memref<64x128xf32, #tpu.memory_space<vmem>>, vector<16xf32>,
          %get3A_440 = arith.index_cast %add3A_386 : i32 to index
          %get3A_441 = arith.constant 112 : index
          %get3A_442 = tpu.vector_load %arg12[%get3A_440, %get3A_441] {strides = array<i32>} : memref<64x128xf32, #tpu.memory_space<vmem>>, vector<16xf32>,
          %mul3A_443 = arith.mulf %get3A_442, %gather3A_390 : vector<16xf32>
          %swap3A_444 = arith.index_cast %add3A_386 : i32 to index
          %swap3A_445 = arith.constant 112 : index
          %swap3A_446 = tpu.vector_load %arg12[%swap3A_444, %swap3A_445] {strides = array<i32>} : memref<64x128xf32, #tpu.memory_space<vmem>>, vector<16xf32>,
          tpu.vector_store %arg12[%swap3A_444, %swap3A_445], %mul3A_443 {strides = array<i32>} : memref<64x128xf32, #tpu.memory_space<vmem>>, vector<16xf32>,
        }
        %scan3A_372 = arith.constant 64 : i32
        %dma_start3A_373 = arith.constant 0 : i32
        %dma_start3A_374 = arith.constant 0 : i32
        %dma_start3A_375 = tpu.memref_slice %arg25[%dma_start3A_373, %dma_start3A_374] : memref<10000x128xf32, #tpu.memory_space<vmem_shared>> -> memref<10000x128xf32, #tpu.memory_space<vmem_shared>>
        tpu.enqueue_indirect_dma source(%arg12 : memref<64x128xf32, #tpu.memory_space<vmem>>) target(%dma_start3A_375 : memref<10000x128xf32, #tpu.memory_space<vmem_shared>>) offsets(%arg19 : memref<64xi32, #tpu.memory_space<vmem>>) semaphore(%arg24 : memref<!tpu.dma_semaphore, #tpu.memory_space<semaphore_mem>>) {add = true}
        %dma_wait3A_376 = arith.constant 0 : i32
        %dma_wait3A_377 = arith.constant 0 : i32
        %dma_wait3A_378 = tpu.memref_slice %arg25[%dma_wait3A_376, %dma_wait3A_377] : memref<10000x128xf32, #tpu.memory_space<vmem_shared>> -> memref<10000x128xf32, #tpu.memory_space<vmem_shared>>
        tpu.wait_indirect_dma semaphore(%arg23 : memref<!tpu.dma_semaphore, #tpu.memory_space<semaphore_mem>>) src(%arg11 : memref<64x128xf32, #tpu.memory_space<vmem>>) dst(%dma_wait3A_378 : memref<10000x128xf32, #tpu.memory_space<vmem_shared>>)
        %dma_wait3A_379 = arith.constant 0 : i32
        %dma_wait3A_380 = arith.constant 0 : i32
        %dma_wait3A_381 = tpu.memref_slice %arg25[%dma_wait3A_379, %dma_wait3A_380] : memref<10000x128xf32, #tpu.memory_space<vmem_shared>> -> memref<10000x128xf32, #tpu.memory_space<vmem_shared>>
        tpu.wait_indirect_dma semaphore(%arg24 : memref<!tpu.dma_semaphore, #tpu.memory_space<semaphore_mem>>) src(%arg12 : memref<64x128xf32, #tpu.memory_space<vmem>>) dst(%dma_wait3A_381 : memref<10000x128xf32, #tpu.memory_space<vmem_shared>>)
      }
      %scan3A_199 = arith.constant 4 : i32
    }
    %scan3A_39 = arith.constant 40 : i32
    %barrier3A_40 = arith.constant 0 : index
    tpu.barrier barrier_id(%barrier3A_40)
    %add3A_41 = arith.constant 0 : i32
    %add3A_42 = arith.addi %mul3A_4, %add3A_41 : i32
    "tpu.region"() ({
      %run_scoped3A = tpu.sem_alloc : memref<!tpu.dma_semaphore, #tpu.memory_space<semaphore_mem>>
      %dma_start3A = arith.constant 0 : i32
      %dma_start3A_188 = arith.constant 0 : i32
      %dma_start3A_189 = tpu.memref_slice %arg11[%dma_start3A, %dma_start3A_188] : memref<64x128xf32, #tpu.memory_space<vmem>> -> memref<64x128xf32, #tpu.memory_space<vmem>>
      %dma_start3A_190 = arith.constant 0 : i32
      %dma_start3A_191 = tpu.memref_slice %arg25[%add3A_42, %dma_start3A_190] : memref<10000x128xf32, #tpu.memory_space<vmem_shared>> -> memref<64x128xf32, #tpu.memory_space<vmem_shared>>
      %dma_start3A_192 = arith.constant 0 : i32
      %dma_start3A_193 = arith.constant 0 : i32
      %dma_start3A_194 = tpu.memref_slice %arg11[%dma_start3A_192, %dma_start3A_193] : memref<64x128xf32, #tpu.memory_space<vmem>> -> memref<64x128xf32, #tpu.memory_space<vmem>>
      %dma_start3A_195 = arith.constant 0 : i32
      %dma_start3A_196 = tpu.memref_slice %arg25[%add3A_42, %dma_start3A_195] : memref<10000x128xf32, #tpu.memory_space<vmem_shared>> -> memref<64x128xf32, #tpu.memory_space<vmem_shared>>
      tpu.enqueue_dma source(%dma_start3A_196 : memref<64x128xf32, #tpu.memory_space<vmem_shared>>) target(%dma_start3A_194 : memref<64x128xf32, #tpu.memory_space<vmem>>) target_semaphore(%run_scoped3A : memref<!tpu.dma_semaphore, #tpu.memory_space<semaphore_mem>>)
      %dma_wait3A = arith.constant 0 : i32
      %dma_wait3A_197 = arith.constant 0 : i32
      %dma_wait3A_198 = tpu.memref_slice %arg11[%dma_wait3A, %dma_wait3A_197] : memref<64x128xf32, #tpu.memory_space<vmem>> -> memref<64x128xf32, #tpu.memory_space<vmem>>
      %dma_wait3A_199 = arith.constant 0 : i32
      %dma_wait3A_200 = tpu.memref_slice %arg25[%add3A_42, %dma_wait3A_199] : memref<10000x128xf32, #tpu.memory_space<vmem_shared>> -> memref<64x128xf32, #tpu.memory_space<vmem_shared>>
      %dma_wait3A_201 = arith.constant 0 : i32
      %dma_wait3A_202 = arith.constant 0 : i32
      %dma_wait3A_203 = tpu.memref_slice %arg11[%dma_wait3A_201, %dma_wait3A_202] : memref<64x128xf32, #tpu.memory_space<vmem>> -> memref<64x128xf32, #tpu.memory_space<vmem>>
      %dma_wait3A_204 = arith.constant 0 : i32
      %dma_wait3A_205 = tpu.memref_slice %arg25[%add3A_42, %dma_wait3A_204] : memref<10000x128xf32, #tpu.memory_space<vmem_shared>> -> memref<64x128xf32, #tpu.memory_space<vmem_shared>>
      tpu.wait_dma2 semaphore(%run_scoped3A : memref<!tpu.dma_semaphore, #tpu.memory_space<semaphore_mem>>) src(%dma_wait3A_205 : memref<64x128xf32, #tpu.memory_space<vmem_shared>>) dst(%dma_wait3A_203 : memref<64x128xf32, #tpu.memory_space<vmem>>)
      tpu.yield
    }) : () -> ()
    %add3A_43 = arith.addi %mul3A_6, %mul3A_4 : i32
    %add3A_44 = arith.constant 0 : i32
    %add3A_45 = arith.addi %add3A_43, %add3A_44 : i32
    "tpu.region"() ({
      %run_scoped3A = tpu.sem_alloc : memref<!tpu.dma_semaphore, #tpu.memory_space<semaphore_mem>>
      %dma_start3A = arith.constant 0 : i32
      %dma_start3A_188 = arith.constant 0 : i32
      %dma_start3A_189 = tpu.memref_slice %arg11[%dma_start3A, %dma_start3A_188] : memref<64x128xf32, #tpu.memory_space<vmem>> -> memref<64x128xf32, #tpu.memory_space<vmem>>
      %dma_start3A_190 = arith.constant 0 : i32
      %dma_start3A_191 = tpu.memref_slice %arg9[%add3A_45, %dma_start3A_190] : memref<20000x128xf32, #tpu.memory_space<hbm>> -> memref<64x128xf32, #tpu.memory_space<hbm>>
      %dma_start3A_192 = arith.constant 0 : i32
      %dma_start3A_193 = tpu.memref_slice %arg9[%add3A_45, %dma_start3A_192] : memref<20000x128xf32, #tpu.memory_space<hbm>> -> memref<64x128xf32, #tpu.memory_space<hbm>>
      %dma_start3A_194 = arith.constant 0 : i32
      %dma_start3A_195 = arith.constant 0 : i32
      %dma_start3A_196 = tpu.memref_slice %arg11[%dma_start3A_194, %dma_start3A_195] : memref<64x128xf32, #tpu.memory_space<vmem>> -> memref<64x128xf32, #tpu.memory_space<vmem>>
      tpu.enqueue_dma source(%dma_start3A_196 : memref<64x128xf32, #tpu.memory_space<vmem>>) target(%dma_start3A_193 : memref<64x128xf32, #tpu.memory_space<hbm>>) target_semaphore(%run_scoped3A : memref<!tpu.dma_semaphore, #tpu.memory_space<semaphore_mem>>)
      %dma_wait3A = arith.constant 0 : i32
      %dma_wait3A_197 = arith.constant 0 : i32
      %dma_wait3A_198 = tpu.memref_slice %arg11[%dma_wait3A, %dma_wait3A_197] : memref<64x128xf32, #tpu.memory_space<vmem>> -> memref<64x128xf32, #tpu.memory_space<vmem>>
      %dma_wait3A_199 = arith.constant 0 : i32
      %dma_wait3A_200 = tpu.memref_slice %arg9[%add3A_45, %dma_wait3A_199] : memref<20000x128xf32, #tpu.memory_space<hbm>> -> memref<64x128xf32, #tpu.memory_space<hbm>>
      %dma_wait3A_201 = arith.constant 0 : i32
      %dma_wait3A_202 = tpu.memref_slice %arg9[%add3A_45, %dma_wait3A_201] : memref<20000x128xf32, #tpu.memory_space<hbm>> -> memref<64x128xf32, #tpu.memory_space<hbm>>
      %dma_wait3A_203 = arith.constant 0 : i32
      %dma_wait3A_204 = arith.constant 0 : i32
      %dma_wait3A_205 = tpu.memref_slice %arg11[%dma_wait3A_203, %dma_wait3A_204] : memref<64x128xf32, #tpu.memory_space<vmem>> -> memref<64x128xf32, #tpu.memory_space<vmem>>
      tpu.wait_dma2 semaphore(%run_scoped3A : memref<!tpu.dma_semaphore, #tpu.memory_space<semaphore_mem>>) src(%dma_wait3A_205 : memref<64x128xf32, #tpu.memory_space<vmem>>) dst(%dma_wait3A_202 : memref<64x128xf32, #tpu.memory_space<hbm>>)
      tpu.yield
    }) : () -> ()
    %add3A_46 = arith.constant 64 : i32
    %add3A_47 = arith.addi %mul3A_4, %add3A_46 : i32
    "tpu.region"() ({
      %run_scoped3A = tpu.sem_alloc : memref<!tpu.dma_semaphore, #tpu.memory_space<semaphore_mem>>
      %dma_start3A = arith.constant 0 : i32
      %dma_start3A_188 = arith.constant 0 : i32
      %dma_start3A_189 = tpu.memref_slice %arg11[%dma_start3A, %dma_start3A_188] : memref<64x128xf32, #tpu.memory_space<vmem>> -> memref<64x128xf32, #tpu.memory_space<vmem>>
      %dma_start3A_190 = arith.constant 0 : i32
      %dma_start3A_191 = tpu.memref_slice %arg25[%add3A_47, %dma_start3A_190] : memref<10000x128xf32, #tpu.memory_space<vmem_shared>> -> memref<64x128xf32, #tpu.memory_space<vmem_shared>>
      %dma_start3A_192 = arith.constant 0 : i32
      %dma_start3A_193 = arith.constant 0 : i32
      %dma_start3A_194 = tpu.memref_slice %arg11[%dma_start3A_192, %dma_start3A_193] : memref<64x128xf32, #tpu.memory_space<vmem>> -> memref<64x128xf32, #tpu.memory_space<vmem>>
      %dma_start3A_195 = arith.constant 0 : i32
      %dma_start3A_196 = tpu.memref_slice %arg25[%add3A_47, %dma_start3A_195] : memref<10000x128xf32, #tpu.memory_space<vmem_shared>> -> memref<64x128xf32, #tpu.memory_space<vmem_shared>>
      tpu.enqueue_dma source(%dma_start3A_196 : memref<64x128xf32, #tpu.memory_space<vmem_shared>>) target(%dma_start3A_194 : memref<64x128xf32, #tpu.memory_space<vmem>>) target_semaphore(%run_scoped3A : memref<!tpu.dma_semaphore, #tpu.memory_space<semaphore_mem>>)
      %dma_wait3A = arith.constant 0 : i32
      %dma_wait3A_197 = arith.constant 0 : i32
      %dma_wait3A_198 = tpu.memref_slice %arg11[%dma_wait3A, %dma_wait3A_197] : memref<64x128xf32, #tpu.memory_space<vmem>> -> memref<64x128xf32, #tpu.memory_space<vmem>>
      %dma_wait3A_199 = arith.constant 0 : i32
      %dma_wait3A_200 = tpu.memref_slice %arg25[%add3A_47, %dma_wait3A_199] : memref<10000x128xf32, #tpu.memory_space<vmem_shared>> -> memref<64x128xf32, #tpu.memory_space<vmem_shared>>
      %dma_wait3A_201 = arith.constant 0 : i32
      %dma_wait3A_202 = arith.constant 0 : i32
      %dma_wait3A_203 = tpu.memref_slice %arg11[%dma_wait3A_201, %dma_wait3A_202] : memref<64x128xf32, #tpu.memory_space<vmem>> -> memref<64x128xf32, #tpu.memory_space<vmem>>
      %dma_wait3A_204 = arith.constant 0 : i32
      %dma_wait3A_205 = tpu.memref_slice %arg25[%add3A_47, %dma_wait3A_204] : memref<10000x128xf32, #tpu.memory_space<vmem_shared>> -> memref<64x128xf32, #tpu.memory_space<vmem_shared>>
      tpu.wait_dma2 semaphore(%run_scoped3A : memref<!tpu.dma_semaphore, #tpu.memory_space<semaphore_mem>>) src(%dma_wait3A_205 : memref<64x128xf32, #tpu.memory_space<vmem_shared>>) dst(%dma_wait3A_203 : memref<64x128xf32, #tpu.memory_space<vmem>>)
      tpu.yield
    }) : () -> ()
    %add3A_48 = arith.addi %mul3A_6, %mul3A_4 : i32
    %add3A_49 = arith.constant 64 : i32
    %add3A_50 = arith.addi %add3A_48, %add3A_49 : i32
    "tpu.region"() ({
      %run_scoped3A = tpu.sem_alloc : memref<!tpu.dma_semaphore, #tpu.memory_space<semaphore_mem>>
      %dma_start3A = arith.constant 0 : i32
      %dma_start3A_188 = arith.constant 0 : i32
      %dma_start3A_189 = tpu.memref_slice %arg11[%dma_start3A, %dma_start3A_188] : memref<64x128xf32, #tpu.memory_space<vmem>> -> memref<64x128xf32, #tpu.memory_space<vmem>>
      %dma_start3A_190 = arith.constant 0 : i32
      %dma_start3A_191 = tpu.memref_slice %arg9[%add3A_50, %dma_start3A_190] : memref<20000x128xf32, #tpu.memory_space<hbm>> -> memref<64x128xf32, #tpu.memory_space<hbm>>
      %dma_start3A_192 = arith.constant 0 : i32
      %dma_start3A_193 = tpu.memref_slice %arg9[%add3A_50, %dma_start3A_192] : memref<20000x128xf32, #tpu.memory_space<hbm>> -> memref<64x128xf32, #tpu.memory_space<hbm>>
      %dma_start3A_194 = arith.constant 0 : i32
      %dma_start3A_195 = arith.constant 0 : i32
      %dma_start3A_196 = tpu.memref_slice %arg11[%dma_start3A_194, %dma_start3A_195] : memref<64x128xf32, #tpu.memory_space<vmem>> -> memref<64x128xf32, #tpu.memory_space<vmem>>
      tpu.enqueue_dma source(%dma_start3A_196 : memref<64x128xf32, #tpu.memory_space<vmem>>) target(%dma_start3A_193 : memref<64x128xf32, #tpu.memory_space<hbm>>) target_semaphore(%run_scoped3A : memref<!tpu.dma_semaphore, #tpu.memory_space<semaphore_mem>>)
      %dma_wait3A = arith.constant 0 : i32
      %dma_wait3A_197 = arith.constant 0 : i32
      %dma_wait3A_198 = tpu.memref_slice %arg11[%dma_wait3A, %dma_wait3A_197] : memref<64x128xf32, #tpu.memory_space<vmem>> -> memref<64x128xf32, #tpu.memory_space<vmem>>
      %dma_wait3A_199 = arith.constant 0 : i32
      %dma_wait3A_200 = tpu.memref_slice %arg9[%add3A_50, %dma_wait3A_199] : memref<20000x128xf32, #tpu.memory_space<hbm>> -> memref<64x128xf32, #tpu.memory_space<hbm>>
      %dma_wait3A_201 = arith.constant 0 : i32
      %dma_wait3A_202 = tpu.memref_slice %arg9[%add3A_50, %dma_wait3A_201] : memref<20000x128xf32, #tpu.memory_space<hbm>> -> memref<64x128xf32, #tpu.memory_space<hbm>>
      %dma_wait3A_203 = arith.constant 0 : i32
      %dma_wait3A_204 = arith.constant 0 : i32
      %dma_wait3A_205 = tpu.memref_slice %arg11[%dma_wait3A_203, %dma_wait3A_204] : memref<64x128xf32, #tpu.memory_space<vmem>> -> memref<64x128xf32, #tpu.memory_space<vmem>>
      tpu.wait_dma2 semaphore(%run_scoped3A : memref<!tpu.dma_semaphore, #tpu.memory_space<semaphore_mem>>) src(%dma_wait3A_205 : memref<64x128xf32, #tpu.memory_space<vmem>>) dst(%dma_wait3A_202 : memref<64x128xf32, #tpu.memory_space<hbm>>)
      tpu.yield
    }) : () -> ()
    %add3A_51 = arith.constant 128 : i32
    %add3A_52 = arith.addi %mul3A_4, %add3A_51 : i32
    "tpu.region"() ({
      %run_scoped3A = tpu.sem_alloc : memref<!tpu.dma_semaphore, #tpu.memory_space<semaphore_mem>>
      %dma_start3A = arith.constant 0 : i32
      %dma_start3A_188 = arith.constant 0 : i32
      %dma_start3A_189 = tpu.memref_slice %arg11[%dma_start3A, %dma_start3A_188] : memref<64x128xf32, #tpu.memory_space<vmem>> -> memref<64x128xf32, #tpu.memory_space<vmem>>
      %dma_start3A_190 = arith.constant 0 : i32
      %dma_start3A_191 = tpu.memref_slice %arg25[%add3A_52, %dma_start3A_190] : memref<10000x128xf32, #tpu.memory_space<vmem_shared>> -> memref<64x128xf32, #tpu.memory_space<vmem_shared>>
      %dma_start3A_192 = arith.constant 0 : i32
      %dma_start3A_193 = arith.constant 0 : i32
      %dma_start3A_194 = tpu.memref_slice %arg11[%dma_start3A_192, %dma_start3A_193] : memref<64x128xf32, #tpu.memory_space<vmem>> -> memref<64x128xf32, #tpu.memory_space<vmem>>
      %dma_start3A_195 = arith.constant 0 : i32
      %dma_start3A_196 = tpu.memref_slice %arg25[%add3A_52, %dma_start3A_195] : memref<10000x128xf32, #tpu.memory_space<vmem_shared>> -> memref<64x128xf32, #tpu.memory_space<vmem_shared>>
      tpu.enqueue_dma source(%dma_start3A_196 : memref<64x128xf32, #tpu.memory_space<vmem_shared>>) target(%dma_start3A_194 : memref<64x128xf32, #tpu.memory_space<vmem>>) target_semaphore(%run_scoped3A : memref<!tpu.dma_semaphore, #tpu.memory_space<semaphore_mem>>)
      %dma_wait3A = arith.constant 0 : i32
      %dma_wait3A_197 = arith.constant 0 : i32
      %dma_wait3A_198 = tpu.memref_slice %arg11[%dma_wait3A, %dma_wait3A_197] : memref<64x128xf32, #tpu.memory_space<vmem>> -> memref<64x128xf32, #tpu.memory_space<vmem>>
      %dma_wait3A_199 = arith.constant 0 : i32
      %dma_wait3A_200 = tpu.memref_slice %arg25[%add3A_52, %dma_wait3A_199] : memref<10000x128xf32, #tpu.memory_space<vmem_shared>> -> memref<64x128xf32, #tpu.memory_space<vmem_shared>>
      %dma_wait3A_201 = arith.constant 0 : i32
      %dma_wait3A_202 = arith.constant 0 : i32
      %dma_wait3A_203 = tpu.memref_slice %arg11[%dma_wait3A_201, %dma_wait3A_202] : memref<64x128xf32, #tpu.memory_space<vmem>> -> memref<64x128xf32, #tpu.memory_space<vmem>>
      %dma_wait3A_204 = arith.constant 0 : i32
      %dma_wait3A_205 = tpu.memref_slice %arg25[%add3A_52, %dma_wait3A_204] : memref<10000x128xf32, #tpu.memory_space<vmem_shared>> -> memref<64x128xf32, #tpu.memory_space<vmem_shared>>
      tpu.wait_dma2 semaphore(%run_scoped3A : memref<!tpu.dma_semaphore, #tpu.memory_space<semaphore_mem>>) src(%dma_wait3A_205 : memref<64x128xf32, #tpu.memory_space<vmem_shared>>) dst(%dma_wait3A_203 : memref<64x128xf32, #tpu.memory_space<vmem>>)
      tpu.yield
    }) : () -> ()
    %add3A_53 = arith.addi %mul3A_6, %mul3A_4 : i32
    %add3A_54 = arith.constant 128 : i32
    %add3A_55 = arith.addi %add3A_53, %add3A_54 : i32
    "tpu.region"() ({
      %run_scoped3A = tpu.sem_alloc : memref<!tpu.dma_semaphore, #tpu.memory_space<semaphore_mem>>
      %dma_start3A = arith.constant 0 : i32
      %dma_start3A_188 = arith.constant 0 : i32
      %dma_start3A_189 = tpu.memref_slice %arg11[%dma_start3A, %dma_start3A_188] : memref<64x128xf32, #tpu.memory_space<vmem>> -> memref<64x128xf32, #tpu.memory_space<vmem>>
      %dma_start3A_190 = arith.constant 0 : i32
      %dma_start3A_191 = tpu.memref_slice %arg9[%add3A_55, %dma_start3A_190] : memref<20000x128xf32, #tpu.memory_space<hbm>> -> memref<64x128xf32, #tpu.memory_space<hbm>>
      %dma_start3A_192 = arith.constant 0 : i32
      %dma_start3A_193 = tpu.memref_slice %arg9[%add3A_55, %dma_start3A_192] : memref<20000x128xf32, #tpu.memory_space<hbm>> -> memref<64x128xf32, #tpu.memory_space<hbm>>
      %dma_start3A_194 = arith.constant 0 : i32
      %dma_start3A_195 = arith.constant 0 : i32
      %dma_start3A_196 = tpu.memref_slice %arg11[%dma_start3A_194, %dma_start3A_195] : memref<64x128xf32, #tpu.memory_space<vmem>> -> memref<64x128xf32, #tpu.memory_space<vmem>>
      tpu.enqueue_dma source(%dma_start3A_196 : memref<64x128xf32, #tpu.memory_space<vmem>>) target(%dma_start3A_193 : memref<64x128xf32, #tpu.memory_space<hbm>>) target_semaphore(%run_scoped3A : memref<!tpu.dma_semaphore, #tpu.memory_space<semaphore_mem>>)
      %dma_wait3A = arith.constant 0 : i32
      %dma_wait3A_197 = arith.constant 0 : i32
      %dma_wait3A_198 = tpu.memref_slice %arg11[%dma_wait3A, %dma_wait3A_197] : memref<64x128xf32, #tpu.memory_space<vmem>> -> memref<64x128xf32, #tpu.memory_space<vmem>>
      %dma_wait3A_199 = arith.constant 0 : i32
      %dma_wait3A_200 = tpu.memref_slice %arg9[%add3A_55, %dma_wait3A_199] : memref<20000x128xf32, #tpu.memory_space<hbm>> -> memref<64x128xf32, #tpu.memory_space<hbm>>
      %dma_wait3A_201 = arith.constant 0 : i32
      %dma_wait3A_202 = tpu.memref_slice %arg9[%add3A_55, %dma_wait3A_201] : memref<20000x128xf32, #tpu.memory_space<hbm>> -> memref<64x128xf32, #tpu.memory_space<hbm>>
      %dma_wait3A_203 = arith.constant 0 : i32
      %dma_wait3A_204 = arith.constant 0 : i32
      %dma_wait3A_205 = tpu.memref_slice %arg11[%dma_wait3A_203, %dma_wait3A_204] : memref<64x128xf32, #tpu.memory_space<vmem>> -> memref<64x128xf32, #tpu.memory_space<vmem>>
      tpu.wait_dma2 semaphore(%run_scoped3A : memref<!tpu.dma_semaphore, #tpu.memory_space<semaphore_mem>>) src(%dma_wait3A_205 : memref<64x128xf32, #tpu.memory_space<vmem>>) dst(%dma_wait3A_202 : memref<64x128xf32, #tpu.memory_space<hbm>>)
      tpu.yield
    }) : () -> ()
    %add3A_56 = arith.constant 192 : i32
    %add3A_57 = arith.addi %mul3A_4, %add3A_56 : i32
    "tpu.region"() ({
      %run_scoped3A = tpu.sem_alloc : memref<!tpu.dma_semaphore, #tpu.memory_space<semaphore_mem>>
      %dma_start3A = arith.constant 0 : i32
      %dma_start3A_188 = arith.constant 0 : i32
      %dma_start3A_189 = tpu.memref_slice %arg11[%dma_start3A, %dma_start3A_188] : memref<64x128xf32, #tpu.memory_space<vmem>> -> memref<64x128xf32, #tpu.memory_space<vmem>>
      %dma_start3A_190 = arith.constant 0 : i32
      %dma_start3A_191 = tpu.memref_slice %arg25[%add3A_57, %dma_start3A_190] : memref<10000x128xf32, #tpu.memory_space<vmem_shared>> -> memref<64x128xf32, #tpu.memory_space<vmem_shared>>
      %dma_start3A_192 = arith.constant 0 : i32
      %dma_start3A_193 = arith.constant 0 : i32
      %dma_start3A_194 = tpu.memref_slice %arg11[%dma_start3A_192, %dma_start3A_193] : memref<64x128xf32, #tpu.memory_space<vmem>> -> memref<64x128xf32, #tpu.memory_space<vmem>>
      %dma_start3A_195 = arith.constant 0 : i32
      %dma_start3A_196 = tpu.memref_slice %arg25[%add3A_57, %dma_start3A_195] : memref<10000x128xf32, #tpu.memory_space<vmem_shared>> -> memref<64x128xf32, #tpu.memory_space<vmem_shared>>
      tpu.enqueue_dma source(%dma_start3A_196 : memref<64x128xf32, #tpu.memory_space<vmem_shared>>) target(%dma_start3A_194 : memref<64x128xf32, #tpu.memory_space<vmem>>) target_semaphore(%run_scoped3A : memref<!tpu.dma_semaphore, #tpu.memory_space<semaphore_mem>>)
      %dma_wait3A = arith.constant 0 : i32
      %dma_wait3A_197 = arith.constant 0 : i32
      %dma_wait3A_198 = tpu.memref_slice %arg11[%dma_wait3A, %dma_wait3A_197] : memref<64x128xf32, #tpu.memory_space<vmem>> -> memref<64x128xf32, #tpu.memory_space<vmem>>
      %dma_wait3A_199 = arith.constant 0 : i32
      %dma_wait3A_200 = tpu.memref_slice %arg25[%add3A_57, %dma_wait3A_199] : memref<10000x128xf32, #tpu.memory_space<vmem_shared>> -> memref<64x128xf32, #tpu.memory_space<vmem_shared>>
      %dma_wait3A_201 = arith.constant 0 : i32
      %dma_wait3A_202 = arith.constant 0 : i32
      %dma_wait3A_203 = tpu.memref_slice %arg11[%dma_wait3A_201, %dma_wait3A_202] : memref<64x128xf32, #tpu.memory_space<vmem>> -> memref<64x128xf32, #tpu.memory_space<vmem>>
      %dma_wait3A_204 = arith.constant 0 : i32
      %dma_wait3A_205 = tpu.memref_slice %arg25[%add3A_57, %dma_wait3A_204] : memref<10000x128xf32, #tpu.memory_space<vmem_shared>> -> memref<64x128xf32, #tpu.memory_space<vmem_shared>>
      tpu.wait_dma2 semaphore(%run_scoped3A : memref<!tpu.dma_semaphore, #tpu.memory_space<semaphore_mem>>) src(%dma_wait3A_205 : memref<64x128xf32, #tpu.memory_space<vmem_shared>>) dst(%dma_wait3A_203 : memref<64x128xf32, #tpu.memory_space<vmem>>)
      tpu.yield
    }) : () -> ()
    %add3A_58 = arith.addi %mul3A_6, %mul3A_4 : i32
    %add3A_59 = arith.constant 192 : i32
    %add3A_60 = arith.addi %add3A_58, %add3A_59 : i32
    "tpu.region"() ({
      %run_scoped3A = tpu.sem_alloc : memref<!tpu.dma_semaphore, #tpu.memory_space<semaphore_mem>>
      %dma_start3A = arith.constant 0 : i32
      %dma_start3A_188 = arith.constant 0 : i32
      %dma_start3A_189 = tpu.memref_slice %arg11[%dma_start3A, %dma_start3A_188] : memref<64x128xf32, #tpu.memory_space<vmem>> -> memref<64x128xf32, #tpu.memory_space<vmem>>
      %dma_start3A_190 = arith.constant 0 : i32
      %dma_start3A_191 = tpu.memref_slice %arg9[%add3A_60, %dma_start3A_190] : memref<20000x128xf32, #tpu.memory_space<hbm>> -> memref<64x128xf32, #tpu.memory_space<hbm>>
      %dma_start3A_192 = arith.constant 0 : i32
      %dma_start3A_193 = tpu.memref_slice %arg9[%add3A_60, %dma_start3A_192] : memref<20000x128xf32, #tpu.memory_space<hbm>> -> memref<64x128xf32, #tpu.memory_space<hbm>>
      %dma_start3A_194 = arith.constant 0 : i32
      %dma_start3A_195 = arith.constant 0 : i32
      %dma_start3A_196 = tpu.memref_slice %arg11[%dma_start3A_194, %dma_start3A_195] : memref<64x128xf32, #tpu.memory_space<vmem>> -> memref<64x128xf32, #tpu.memory_space<vmem>>
      tpu.enqueue_dma source(%dma_start3A_196 : memref<64x128xf32, #tpu.memory_space<vmem>>) target(%dma_start3A_193 : memref<64x128xf32, #tpu.memory_space<hbm>>) target_semaphore(%run_scoped3A : memref<!tpu.dma_semaphore, #tpu.memory_space<semaphore_mem>>)
      %dma_wait3A = arith.constant 0 : i32
      %dma_wait3A_197 = arith.constant 0 : i32
      %dma_wait3A_198 = tpu.memref_slice %arg11[%dma_wait3A, %dma_wait3A_197] : memref<64x128xf32, #tpu.memory_space<vmem>> -> memref<64x128xf32, #tpu.memory_space<vmem>>
      %dma_wait3A_199 = arith.constant 0 : i32
      %dma_wait3A_200 = tpu.memref_slice %arg9[%add3A_60, %dma_wait3A_199] : memref<20000x128xf32, #tpu.memory_space<hbm>> -> memref<64x128xf32, #tpu.memory_space<hbm>>
      %dma_wait3A_201 = arith.constant 0 : i32
      %dma_wait3A_202 = tpu.memref_slice %arg9[%add3A_60, %dma_wait3A_201] : memref<20000x128xf32, #tpu.memory_space<hbm>> -> memref<64x128xf32, #tpu.memory_space<hbm>>
      %dma_wait3A_203 = arith.constant 0 : i32
      %dma_wait3A_204 = arith.constant 0 : i32
      %dma_wait3A_205 = tpu.memref_slice %arg11[%dma_wait3A_203, %dma_wait3A_204] : memref<64x128xf32, #tpu.memory_space<vmem>> -> memref<64x128xf32, #tpu.memory_space<vmem>>
      tpu.wait_dma2 semaphore(%run_scoped3A : memref<!tpu.dma_semaphore, #tpu.memory_space<semaphore_mem>>) src(%dma_wait3A_205 : memref<64x128xf32, #tpu.memory_space<vmem>>) dst(%dma_wait3A_202 : memref<64x128xf32, #tpu.memory_space<hbm>>)
      tpu.yield
    }) : () -> ()
    %add3A_61 = arith.constant 256 : i32
    %add3A_62 = arith.addi %mul3A_4, %add3A_61 : i32
    "tpu.region"() ({
      %run_scoped3A = tpu.sem_alloc : memref<!tpu.dma_semaphore, #tpu.memory_space<semaphore_mem>>
      %dma_start3A = arith.constant 0 : i32
      %dma_start3A_188 = arith.constant 0 : i32
      %dma_start3A_189 = tpu.memref_slice %arg11[%dma_start3A, %dma_start3A_188] : memref<64x128xf32, #tpu.memory_space<vmem>> -> memref<64x128xf32, #tpu.memory_space<vmem>>
      %dma_start3A_190 = arith.constant 0 : i32
      %dma_start3A_191 = tpu.memref_slice %arg25[%add3A_62, %dma_start3A_190] : memref<10000x128xf32, #tpu.memory_space<vmem_shared>> -> memref<64x128xf32, #tpu.memory_space<vmem_shared>>
      %dma_start3A_192 = arith.constant 0 : i32
      %dma_start3A_193 = arith.constant 0 : i32
      %dma_start3A_194 = tpu.memref_slice %arg11[%dma_start3A_192, %dma_start3A_193] : memref<64x128xf32, #tpu.memory_space<vmem>> -> memref<64x128xf32, #tpu.memory_space<vmem>>
      %dma_start3A_195 = arith.constant 0 : i32
      %dma_start3A_196 = tpu.memref_slice %arg25[%add3A_62, %dma_start3A_195] : memref<10000x128xf32, #tpu.memory_space<vmem_shared>> -> memref<64x128xf32, #tpu.memory_space<vmem_shared>>
      tpu.enqueue_dma source(%dma_start3A_196 : memref<64x128xf32, #tpu.memory_space<vmem_shared>>) target(%dma_start3A_194 : memref<64x128xf32, #tpu.memory_space<vmem>>) target_semaphore(%run_scoped3A : memref<!tpu.dma_semaphore, #tpu.memory_space<semaphore_mem>>)
      %dma_wait3A = arith.constant 0 : i32
      %dma_wait3A_197 = arith.constant 0 : i32
      %dma_wait3A_198 = tpu.memref_slice %arg11[%dma_wait3A, %dma_wait3A_197] : memref<64x128xf32, #tpu.memory_space<vmem>> -> memref<64x128xf32, #tpu.memory_space<vmem>>
      %dma_wait3A_199 = arith.constant 0 : i32
      %dma_wait3A_200 = tpu.memref_slice %arg25[%add3A_62, %dma_wait3A_199] : memref<10000x128xf32, #tpu.memory_space<vmem_shared>> -> memref<64x128xf32, #tpu.memory_space<vmem_shared>>
      %dma_wait3A_201 = arith.constant 0 : i32
      %dma_wait3A_202 = arith.constant 0 : i32
      %dma_wait3A_203 = tpu.memref_slice %arg11[%dma_wait3A_201, %dma_wait3A_202] : memref<64x128xf32, #tpu.memory_space<vmem>> -> memref<64x128xf32, #tpu.memory_space<vmem>>
      %dma_wait3A_204 = arith.constant 0 : i32
      %dma_wait3A_205 = tpu.memref_slice %arg25[%add3A_62, %dma_wait3A_204] : memref<10000x128xf32, #tpu.memory_space<vmem_shared>> -> memref<64x128xf32, #tpu.memory_space<vmem_shared>>
      tpu.wait_dma2 semaphore(%run_scoped3A : memref<!tpu.dma_semaphore, #tpu.memory_space<semaphore_mem>>) src(%dma_wait3A_205 : memref<64x128xf32, #tpu.memory_space<vmem_shared>>) dst(%dma_wait3A_203 : memref<64x128xf32, #tpu.memory_space<vmem>>)
      tpu.yield
    }) : () -> ()
    %add3A_63 = arith.addi %mul3A_6, %mul3A_4 : i32
    %add3A_64 = arith.constant 256 : i32
    %add3A_65 = arith.addi %add3A_63, %add3A_64 : i32
    "tpu.region"() ({
      %run_scoped3A = tpu.sem_alloc : memref<!tpu.dma_semaphore, #tpu.memory_space<semaphore_mem>>
      %dma_start3A = arith.constant 0 : i32
      %dma_start3A_188 = arith.constant 0 : i32
      %dma_start3A_189 = tpu.memref_slice %arg11[%dma_start3A, %dma_start3A_188] : memref<64x128xf32, #tpu.memory_space<vmem>> -> memref<64x128xf32, #tpu.memory_space<vmem>>
      %dma_start3A_190 = arith.constant 0 : i32
      %dma_start3A_191 = tpu.memref_slice %arg9[%add3A_65, %dma_start3A_190] : memref<20000x128xf32, #tpu.memory_space<hbm>> -> memref<64x128xf32, #tpu.memory_space<hbm>>
      %dma_start3A_192 = arith.constant 0 : i32
      %dma_start3A_193 = tpu.memref_slice %arg9[%add3A_65, %dma_start3A_192] : memref<20000x128xf32, #tpu.memory_space<hbm>> -> memref<64x128xf32, #tpu.memory_space<hbm>>
      %dma_start3A_194 = arith.constant 0 : i32
      %dma_start3A_195 = arith.constant 0 : i32
      %dma_start3A_196 = tpu.memref_slice %arg11[%dma_start3A_194, %dma_start3A_195] : memref<64x128xf32, #tpu.memory_space<vmem>> -> memref<64x128xf32, #tpu.memory_space<vmem>>
      tpu.enqueue_dma source(%dma_start3A_196 : memref<64x128xf32, #tpu.memory_space<vmem>>) target(%dma_start3A_193 : memref<64x128xf32, #tpu.memory_space<hbm>>) target_semaphore(%run_scoped3A : memref<!tpu.dma_semaphore, #tpu.memory_space<semaphore_mem>>)
      %dma_wait3A = arith.constant 0 : i32
      %dma_wait3A_197 = arith.constant 0 : i32
      %dma_wait3A_198 = tpu.memref_slice %arg11[%dma_wait3A, %dma_wait3A_197] : memref<64x128xf32, #tpu.memory_space<vmem>> -> memref<64x128xf32, #tpu.memory_space<vmem>>
      %dma_wait3A_199 = arith.constant 0 : i32
      %dma_wait3A_200 = tpu.memref_slice %arg9[%add3A_65, %dma_wait3A_199] : memref<20000x128xf32, #tpu.memory_space<hbm>> -> memref<64x128xf32, #tpu.memory_space<hbm>>
      %dma_wait3A_201 = arith.constant 0 : i32
      %dma_wait3A_202 = tpu.memref_slice %arg9[%add3A_65, %dma_wait3A_201] : memref<20000x128xf32, #tpu.memory_space<hbm>> -> memref<64x128xf32, #tpu.memory_space<hbm>>
      %dma_wait3A_203 = arith.constant 0 : i32
      %dma_wait3A_204 = arith.constant 0 : i32
      %dma_wait3A_205 = tpu.memref_slice %arg11[%dma_wait3A_203, %dma_wait3A_204] : memref<64x128xf32, #tpu.memory_space<vmem>> -> memref<64x128xf32, #tpu.memory_space<vmem>>
      tpu.wait_dma2 semaphore(%run_scoped3A : memref<!tpu.dma_semaphore, #tpu.memory_space<semaphore_mem>>) src(%dma_wait3A_205 : memref<64x128xf32, #tpu.memory_space<vmem>>) dst(%dma_wait3A_202 : memref<64x128xf32, #tpu.memory_space<hbm>>)
      tpu.yield
    }) : () -> ()
    %add3A_66 = arith.constant 320 : i32
    %add3A_67 = arith.addi %mul3A_4, %add3A_66 : i32
    "tpu.region"() ({
      %run_scoped3A = tpu.sem_alloc : memref<!tpu.dma_semaphore, #tpu.memory_space<semaphore_mem>>
      %dma_start3A = arith.constant 0 : i32
      %dma_start3A_188 = arith.constant 0 : i32
      %dma_start3A_189 = tpu.memref_slice %arg11[%dma_start3A, %dma_start3A_188] : memref<64x128xf32, #tpu.memory_space<vmem>> -> memref<64x128xf32, #tpu.memory_space<vmem>>
      %dma_start3A_190 = arith.constant 0 : i32
      %dma_start3A_191 = tpu.memref_slice %arg25[%add3A_67, %dma_start3A_190] : memref<10000x128xf32, #tpu.memory_space<vmem_shared>> -> memref<64x128xf32, #tpu.memory_space<vmem_shared>>
      %dma_start3A_192 = arith.constant 0 : i32
      %dma_start3A_193 = arith.constant 0 : i32
      %dma_start3A_194 = tpu.memref_slice %arg11[%dma_start3A_192, %dma_start3A_193] : memref<64x128xf32, #tpu.memory_space<vmem>> -> memref<64x128xf32, #tpu.memory_space<vmem>>
      %dma_start3A_195 = arith.constant 0 : i32
      %dma_start3A_196 = tpu.memref_slice %arg25[%add3A_67, %dma_start3A_195] : memref<10000x128xf32, #tpu.memory_space<vmem_shared>> -> memref<64x128xf32, #tpu.memory_space<vmem_shared>>
      tpu.enqueue_dma source(%dma_start3A_196 : memref<64x128xf32, #tpu.memory_space<vmem_shared>>) target(%dma_start3A_194 : memref<64x128xf32, #tpu.memory_space<vmem>>) target_semaphore(%run_scoped3A : memref<!tpu.dma_semaphore, #tpu.memory_space<semaphore_mem>>)
      %dma_wait3A = arith.constant 0 : i32
      %dma_wait3A_197 = arith.constant 0 : i32
      %dma_wait3A_198 = tpu.memref_slice %arg11[%dma_wait3A, %dma_wait3A_197] : memref<64x128xf32, #tpu.memory_space<vmem>> -> memref<64x128xf32, #tpu.memory_space<vmem>>
      %dma_wait3A_199 = arith.constant 0 : i32
      %dma_wait3A_200 = tpu.memref_slice %arg25[%add3A_67, %dma_wait3A_199] : memref<10000x128xf32, #tpu.memory_space<vmem_shared>> -> memref<64x128xf32, #tpu.memory_space<vmem_shared>>
      %dma_wait3A_201 = arith.constant 0 : i32
      %dma_wait3A_202 = arith.constant 0 : i32
      %dma_wait3A_203 = tpu.memref_slice %arg11[%dma_wait3A_201, %dma_wait3A_202] : memref<64x128xf32, #tpu.memory_space<vmem>> -> memref<64x128xf32, #tpu.memory_space<vmem>>
      %dma_wait3A_204 = arith.constant 0 : i32
      %dma_wait3A_205 = tpu.memref_slice %arg25[%add3A_67, %dma_wait3A_204] : memref<10000x128xf32, #tpu.memory_space<vmem_shared>> -> memref<64x128xf32, #tpu.memory_space<vmem_shared>>
      tpu.wait_dma2 semaphore(%run_scoped3A : memref<!tpu.dma_semaphore, #tpu.memory_space<semaphore_mem>>) src(%dma_wait3A_205 : memref<64x128xf32, #tpu.memory_space<vmem_shared>>) dst(%dma_wait3A_203 : memref<64x128xf32, #tpu.memory_space<vmem>>)
      tpu.yield
    }) : () -> ()
    %add3A_68 = arith.addi %mul3A_6, %mul3A_4 : i32
    %add3A_69 = arith.constant 320 : i32
    %add3A_70 = arith.addi %add3A_68, %add3A_69 : i32
    "tpu.region"() ({
      %run_scoped3A = tpu.sem_alloc : memref<!tpu.dma_semaphore, #tpu.memory_space<semaphore_mem>>
      %dma_start3A = arith.constant 0 : i32
      %dma_start3A_188 = arith.constant 0 : i32
      %dma_start3A_189 = tpu.memref_slice %arg11[%dma_start3A, %dma_start3A_188] : memref<64x128xf32, #tpu.memory_space<vmem>> -> memref<64x128xf32, #tpu.memory_space<vmem>>
      %dma_start3A_190 = arith.constant 0 : i32
      %dma_start3A_191 = tpu.memref_slice %arg9[%add3A_70, %dma_start3A_190] : memref<20000x128xf32, #tpu.memory_space<hbm>> -> memref<64x128xf32, #tpu.memory_space<hbm>>
      %dma_start3A_192 = arith.constant 0 : i32
      %dma_start3A_193 = tpu.memref_slice %arg9[%add3A_70, %dma_start3A_192] : memref<20000x128xf32, #tpu.memory_space<hbm>> -> memref<64x128xf32, #tpu.memory_space<hbm>>
      %dma_start3A_194 = arith.constant 0 : i32
      %dma_start3A_195 = arith.constant 0 : i32
      %dma_start3A_196 = tpu.memref_slice %arg11[%dma_start3A_194, %dma_start3A_195] : memref<64x128xf32, #tpu.memory_space<vmem>> -> memref<64x128xf32, #tpu.memory_space<vmem>>
      tpu.enqueue_dma source(%dma_start3A_196 : memref<64x128xf32, #tpu.memory_space<vmem>>) target(%dma_start3A_193 : memref<64x128xf32, #tpu.memory_space<hbm>>) target_semaphore(%run_scoped3A : memref<!tpu.dma_semaphore, #tpu.memory_space<semaphore_mem>>)
      %dma_wait3A = arith.constant 0 : i32
      %dma_wait3A_197 = arith.constant 0 : i32
      %dma_wait3A_198 = tpu.memref_slice %arg11[%dma_wait3A, %dma_wait3A_197] : memref<64x128xf32, #tpu.memory_space<vmem>> -> memref<64x128xf32, #tpu.memory_space<vmem>>
      %dma_wait3A_199 = arith.constant 0 : i32
      %dma_wait3A_200 = tpu.memref_slice %arg9[%add3A_70, %dma_wait3A_199] : memref<20000x128xf32, #tpu.memory_space<hbm>> -> memref<64x128xf32, #tpu.memory_space<hbm>>
      %dma_wait3A_201 = arith.constant 0 : i32
      %dma_wait3A_202 = tpu.memref_slice %arg9[%add3A_70, %dma_wait3A_201] : memref<20000x128xf32, #tpu.memory_space<hbm>> -> memref<64x128xf32, #tpu.memory_space<hbm>>
      %dma_wait3A_203 = arith.constant 0 : i32
      %dma_wait3A_204 = arith.constant 0 : i32
      %dma_wait3A_205 = tpu.memref_slice %arg11[%dma_wait3A_203, %dma_wait3A_204] : memref<64x128xf32, #tpu.memory_space<vmem>> -> memref<64x128xf32, #tpu.memory_space<vmem>>
      tpu.wait_dma2 semaphore(%run_scoped3A : memref<!tpu.dma_semaphore, #tpu.memory_space<semaphore_mem>>) src(%dma_wait3A_205 : memref<64x128xf32, #tpu.memory_space<vmem>>) dst(%dma_wait3A_202 : memref<64x128xf32, #tpu.memory_space<hbm>>)
      tpu.yield
    }) : () -> ()
    %add3A_71 = arith.constant 384 : i32
    %add3A_72 = arith.addi %mul3A_4, %add3A_71 : i32
    "tpu.region"() ({
      %run_scoped3A = tpu.sem_alloc : memref<!tpu.dma_semaphore, #tpu.memory_space<semaphore_mem>>
      %dma_start3A = arith.constant 0 : i32
      %dma_start3A_188 = arith.constant 0 : i32
      %dma_start3A_189 = tpu.memref_slice %arg11[%dma_start3A, %dma_start3A_188] : memref<64x128xf32, #tpu.memory_space<vmem>> -> memref<64x128xf32, #tpu.memory_space<vmem>>
      %dma_start3A_190 = arith.constant 0 : i32
      %dma_start3A_191 = tpu.memref_slice %arg25[%add3A_72, %dma_start3A_190] : memref<10000x128xf32, #tpu.memory_space<vmem_shared>> -> memref<64x128xf32, #tpu.memory_space<vmem_shared>>
      %dma_start3A_192 = arith.constant 0 : i32
      %dma_start3A_193 = arith.constant 0 : i32
      %dma_start3A_194 = tpu.memref_slice %arg11[%dma_start3A_192, %dma_start3A_193] : memref<64x128xf32, #tpu.memory_space<vmem>> -> memref<64x128xf32, #tpu.memory_space<vmem>>
      %dma_start3A_195 = arith.constant 0 : i32
      %dma_start3A_196 = tpu.memref_slice %arg25[%add3A_72, %dma_start3A_195] : memref<10000x128xf32, #tpu.memory_space<vmem_shared>> -> memref<64x128xf32, #tpu.memory_space<vmem_shared>>
      tpu.enqueue_dma source(%dma_start3A_196 : memref<64x128xf32, #tpu.memory_space<vmem_shared>>) target(%dma_start3A_194 : memref<64x128xf32, #tpu.memory_space<vmem>>) target_semaphore(%run_scoped3A : memref<!tpu.dma_semaphore, #tpu.memory_space<semaphore_mem>>)
      %dma_wait3A = arith.constant 0 : i32
      %dma_wait3A_197 = arith.constant 0 : i32
      %dma_wait3A_198 = tpu.memref_slice %arg11[%dma_wait3A, %dma_wait3A_197] : memref<64x128xf32, #tpu.memory_space<vmem>> -> memref<64x128xf32, #tpu.memory_space<vmem>>
      %dma_wait3A_199 = arith.constant 0 : i32
      %dma_wait3A_200 = tpu.memref_slice %arg25[%add3A_72, %dma_wait3A_199] : memref<10000x128xf32, #tpu.memory_space<vmem_shared>> -> memref<64x128xf32, #tpu.memory_space<vmem_shared>>
      %dma_wait3A_201 = arith.constant 0 : i32
      %dma_wait3A_202 = arith.constant 0 : i32
      %dma_wait3A_203 = tpu.memref_slice %arg11[%dma_wait3A_201, %dma_wait3A_202] : memref<64x128xf32, #tpu.memory_space<vmem>> -> memref<64x128xf32, #tpu.memory_space<vmem>>
      %dma_wait3A_204 = arith.constant 0 : i32
      %dma_wait3A_205 = tpu.memref_slice %arg25[%add3A_72, %dma_wait3A_204] : memref<10000x128xf32, #tpu.memory_space<vmem_shared>> -> memref<64x128xf32, #tpu.memory_space<vmem_shared>>
      tpu.wait_dma2 semaphore(%run_scoped3A : memref<!tpu.dma_semaphore, #tpu.memory_space<semaphore_mem>>) src(%dma_wait3A_205 : memref<64x128xf32, #tpu.memory_space<vmem_shared>>) dst(%dma_wait3A_203 : memref<64x128xf32, #tpu.memory_space<vmem>>)
      tpu.yield
    }) : () -> ()
    %add3A_73 = arith.addi %mul3A_6, %mul3A_4 : i32
    %add3A_74 = arith.constant 384 : i32
    %add3A_75 = arith.addi %add3A_73, %add3A_74 : i32
    "tpu.region"() ({
      %run_scoped3A = tpu.sem_alloc : memref<!tpu.dma_semaphore, #tpu.memory_space<semaphore_mem>>
      %dma_start3A = arith.constant 0 : i32
      %dma_start3A_188 = arith.constant 0 : i32
      %dma_start3A_189 = tpu.memref_slice %arg11[%dma_start3A, %dma_start3A_188] : memref<64x128xf32, #tpu.memory_space<vmem>> -> memref<64x128xf32, #tpu.memory_space<vmem>>
      %dma_start3A_190 = arith.constant 0 : i32
      %dma_start3A_191 = tpu.memref_slice %arg9[%add3A_75, %dma_start3A_190] : memref<20000x128xf32, #tpu.memory_space<hbm>> -> memref<64x128xf32, #tpu.memory_space<hbm>>
      %dma_start3A_192 = arith.constant 0 : i32
      %dma_start3A_193 = tpu.memref_slice %arg9[%add3A_75, %dma_start3A_192] : memref<20000x128xf32, #tpu.memory_space<hbm>> -> memref<64x128xf32, #tpu.memory_space<hbm>>
      %dma_start3A_194 = arith.constant 0 : i32
      %dma_start3A_195 = arith.constant 0 : i32
      %dma_start3A_196 = tpu.memref_slice %arg11[%dma_start3A_194, %dma_start3A_195] : memref<64x128xf32, #tpu.memory_space<vmem>> -> memref<64x128xf32, #tpu.memory_space<vmem>>
      tpu.enqueue_dma source(%dma_start3A_196 : memref<64x128xf32, #tpu.memory_space<vmem>>) target(%dma_start3A_193 : memref<64x128xf32, #tpu.memory_space<hbm>>) target_semaphore(%run_scoped3A : memref<!tpu.dma_semaphore, #tpu.memory_space<semaphore_mem>>)
      %dma_wait3A = arith.constant 0 : i32
      %dma_wait3A_197 = arith.constant 0 : i32
      %dma_wait3A_198 = tpu.memref_slice %arg11[%dma_wait3A, %dma_wait3A_197] : memref<64x128xf32, #tpu.memory_space<vmem>> -> memref<64x128xf32, #tpu.memory_space<vmem>>
      %dma_wait3A_199 = arith.constant 0 : i32
      %dma_wait3A_200 = tpu.memref_slice %arg9[%add3A_75, %dma_wait3A_199] : memref<20000x128xf32, #tpu.memory_space<hbm>> -> memref<64x128xf32, #tpu.memory_space<hbm>>
      %dma_wait3A_201 = arith.constant 0 : i32
      %dma_wait3A_202 = tpu.memref_slice %arg9[%add3A_75, %dma_wait3A_201] : memref<20000x128xf32, #tpu.memory_space<hbm>> -> memref<64x128xf32, #tpu.memory_space<hbm>>
      %dma_wait3A_203 = arith.constant 0 : i32
      %dma_wait3A_204 = arith.constant 0 : i32
      %dma_wait3A_205 = tpu.memref_slice %arg11[%dma_wait3A_203, %dma_wait3A_204] : memref<64x128xf32, #tpu.memory_space<vmem>> -> memref<64x128xf32, #tpu.memory_space<vmem>>
      tpu.wait_dma2 semaphore(%run_scoped3A : memref<!tpu.dma_semaphore, #tpu.memory_space<semaphore_mem>>) src(%dma_wait3A_205 : memref<64x128xf32, #tpu.memory_space<vmem>>) dst(%dma_wait3A_202 : memref<64x128xf32, #tpu.memory_space<hbm>>)
      tpu.yield
    }) : () -> ()
    %add3A_76 = arith.constant 448 : i32
    %add3A_77 = arith.addi %mul3A_4, %add3A_76 : i32
    "tpu.region"() ({
      %run_scoped3A = tpu.sem_alloc : memref<!tpu.dma_semaphore, #tpu.memory_space<semaphore_mem>>
      %dma_start3A = arith.constant 0 : i32
      %dma_start3A_188 = arith.constant 0 : i32
      %dma_start3A_189 = tpu.memref_slice %arg11[%dma_start3A, %dma_start3A_188] : memref<64x128xf32, #tpu.memory_space<vmem>> -> memref<64x128xf32, #tpu.memory_space<vmem>>
      %dma_start3A_190 = arith.constant 0 : i32
      %dma_start3A_191 = tpu.memref_slice %arg25[%add3A_77, %dma_start3A_190] : memref<10000x128xf32, #tpu.memory_space<vmem_shared>> -> memref<64x128xf32, #tpu.memory_space<vmem_shared>>
      %dma_start3A_192 = arith.constant 0 : i32
      %dma_start3A_193 = arith.constant 0 : i32
      %dma_start3A_194 = tpu.memref_slice %arg11[%dma_start3A_192, %dma_start3A_193] : memref<64x128xf32, #tpu.memory_space<vmem>> -> memref<64x128xf32, #tpu.memory_space<vmem>>
      %dma_start3A_195 = arith.constant 0 : i32
      %dma_start3A_196 = tpu.memref_slice %arg25[%add3A_77, %dma_start3A_195] : memref<10000x128xf32, #tpu.memory_space<vmem_shared>> -> memref<64x128xf32, #tpu.memory_space<vmem_shared>>
      tpu.enqueue_dma source(%dma_start3A_196 : memref<64x128xf32, #tpu.memory_space<vmem_shared>>) target(%dma_start3A_194 : memref<64x128xf32, #tpu.memory_space<vmem>>) target_semaphore(%run_scoped3A : memref<!tpu.dma_semaphore, #tpu.memory_space<semaphore_mem>>)
      %dma_wait3A = arith.constant 0 : i32
      %dma_wait3A_197 = arith.constant 0 : i32
      %dma_wait3A_198 = tpu.memref_slice %arg11[%dma_wait3A, %dma_wait3A_197] : memref<64x128xf32, #tpu.memory_space<vmem>> -> memref<64x128xf32, #tpu.memory_space<vmem>>
      %dma_wait3A_199 = arith.constant 0 : i32
      %dma_wait3A_200 = tpu.memref_slice %arg25[%add3A_77, %dma_wait3A_199] : memref<10000x128xf32, #tpu.memory_space<vmem_shared>> -> memref<64x128xf32, #tpu.memory_space<vmem_shared>>
      %dma_wait3A_201 = arith.constant 0 : i32
      %dma_wait3A_202 = arith.constant 0 : i32
      %dma_wait3A_203 = tpu.memref_slice %arg11[%dma_wait3A_201, %dma_wait3A_202] : memref<64x128xf32, #tpu.memory_space<vmem>> -> memref<64x128xf32, #tpu.memory_space<vmem>>
      %dma_wait3A_204 = arith.constant 0 : i32
      %dma_wait3A_205 = tpu.memref_slice %arg25[%add3A_77, %dma_wait3A_204] : memref<10000x128xf32, #tpu.memory_space<vmem_shared>> -> memref<64x128xf32, #tpu.memory_space<vmem_shared>>
      tpu.wait_dma2 semaphore(%run_scoped3A : memref<!tpu.dma_semaphore, #tpu.memory_space<semaphore_mem>>) src(%dma_wait3A_205 : memref<64x128xf32, #tpu.memory_space<vmem_shared>>) dst(%dma_wait3A_203 : memref<64x128xf32, #tpu.memory_space<vmem>>)
      tpu.yield
    }) : () -> ()
    %add3A_78 = arith.addi %mul3A_6, %mul3A_4 : i32
    %add3A_79 = arith.constant 448 : i32
    %add3A_80 = arith.addi %add3A_78, %add3A_79 : i32
    "tpu.region"() ({
      %run_scoped3A = tpu.sem_alloc : memref<!tpu.dma_semaphore, #tpu.memory_space<semaphore_mem>>
      %dma_start3A = arith.constant 0 : i32
      %dma_start3A_188 = arith.constant 0 : i32
      %dma_start3A_189 = tpu.memref_slice %arg11[%dma_start3A, %dma_start3A_188] : memref<64x128xf32, #tpu.memory_space<vmem>> -> memref<64x128xf32, #tpu.memory_space<vmem>>
      %dma_start3A_190 = arith.constant 0 : i32
      %dma_start3A_191 = tpu.memref_slice %arg9[%add3A_80, %dma_start3A_190] : memref<20000x128xf32, #tpu.memory_space<hbm>> -> memref<64x128xf32, #tpu.memory_space<hbm>>
      %dma_start3A_192 = arith.constant 0 : i32
      %dma_start3A_193 = tpu.memref_slice %arg9[%add3A_80, %dma_start3A_192] : memref<20000x128xf32, #tpu.memory_space<hbm>> -> memref<64x128xf32, #tpu.memory_space<hbm>>
      %dma_start3A_194 = arith.constant 0 : i32
      %dma_start3A_195 = arith.constant 0 : i32
      %dma_start3A_196 = tpu.memref_slice %arg11[%dma_start3A_194, %dma_start3A_195] : memref<64x128xf32, #tpu.memory_space<vmem>> -> memref<64x128xf32, #tpu.memory_space<vmem>>
      tpu.enqueue_dma source(%dma_start3A_196 : memref<64x128xf32, #tpu.memory_space<vmem>>) target(%dma_start3A_193 : memref<64x128xf32, #tpu.memory_space<hbm>>) target_semaphore(%run_scoped3A : memref<!tpu.dma_semaphore, #tpu.memory_space<semaphore_mem>>)
      %dma_wait3A = arith.constant 0 : i32
      %dma_wait3A_197 = arith.constant 0 : i32
      %dma_wait3A_198 = tpu.memref_slice %arg11[%dma_wait3A, %dma_wait3A_197] : memref<64x128xf32, #tpu.memory_space<vmem>> -> memref<64x128xf32, #tpu.memory_space<vmem>>
      %dma_wait3A_199 = arith.constant 0 : i32
      %dma_wait3A_200 = tpu.memref_slice %arg9[%add3A_80, %dma_wait3A_199] : memref<20000x128xf32, #tpu.memory_space<hbm>> -> memref<64x128xf32, #tpu.memory_space<hbm>>
      %dma_wait3A_201 = arith.constant 0 : i32
      %dma_wait3A_202 = tpu.memref_slice %arg9[%add3A_80, %dma_wait3A_201] : memref<20000x128xf32, #tpu.memory_space<hbm>> -> memref<64x128xf32, #tpu.memory_space<hbm>>
      %dma_wait3A_203 = arith.constant 0 : i32
      %dma_wait3A_204 = arith.constant 0 : i32
      %dma_wait3A_205 = tpu.memref_slice %arg11[%dma_wait3A_203, %dma_wait3A_204] : memref<64x128xf32, #tpu.memory_space<vmem>> -> memref<64x128xf32, #tpu.memory_space<vmem>>
      tpu.wait_dma2 semaphore(%run_scoped3A : memref<!tpu.dma_semaphore, #tpu.memory_space<semaphore_mem>>) src(%dma_wait3A_205 : memref<64x128xf32, #tpu.memory_space<vmem>>) dst(%dma_wait3A_202 : memref<64x128xf32, #tpu.memory_space<hbm>>)
      tpu.yield
    }) : () -> ()
    %add3A_81 = arith.constant 512 : i32
    %add3A_82 = arith.addi %mul3A_4, %add3A_81 : i32
    "tpu.region"() ({
      %run_scoped3A = tpu.sem_alloc : memref<!tpu.dma_semaphore, #tpu.memory_space<semaphore_mem>>
      %dma_start3A = arith.constant 0 : i32
      %dma_start3A_188 = arith.constant 0 : i32
      %dma_start3A_189 = tpu.memref_slice %arg11[%dma_start3A, %dma_start3A_188] : memref<64x128xf32, #tpu.memory_space<vmem>> -> memref<64x128xf32, #tpu.memory_space<vmem>>
      %dma_start3A_190 = arith.constant 0 : i32
      %dma_start3A_191 = tpu.memref_slice %arg25[%add3A_82, %dma_start3A_190] : memref<10000x128xf32, #tpu.memory_space<vmem_shared>> -> memref<64x128xf32, #tpu.memory_space<vmem_shared>>
      %dma_start3A_192 = arith.constant 0 : i32
      %dma_start3A_193 = arith.constant 0 : i32
      %dma_start3A_194 = tpu.memref_slice %arg11[%dma_start3A_192, %dma_start3A_193] : memref<64x128xf32, #tpu.memory_space<vmem>> -> memref<64x128xf32, #tpu.memory_space<vmem>>
      %dma_start3A_195 = arith.constant 0 : i32
      %dma_start3A_196 = tpu.memref_slice %arg25[%add3A_82, %dma_start3A_195] : memref<10000x128xf32, #tpu.memory_space<vmem_shared>> -> memref<64x128xf32, #tpu.memory_space<vmem_shared>>
      tpu.enqueue_dma source(%dma_start3A_196 : memref<64x128xf32, #tpu.memory_space<vmem_shared>>) target(%dma_start3A_194 : memref<64x128xf32, #tpu.memory_space<vmem>>) target_semaphore(%run_scoped3A : memref<!tpu.dma_semaphore, #tpu.memory_space<semaphore_mem>>)
      %dma_wait3A = arith.constant 0 : i32
      %dma_wait3A_197 = arith.constant 0 : i32
      %dma_wait3A_198 = tpu.memref_slice %arg11[%dma_wait3A, %dma_wait3A_197] : memref<64x128xf32, #tpu.memory_space<vmem>> -> memref<64x128xf32, #tpu.memory_space<vmem>>
      %dma_wait3A_199 = arith.constant 0 : i32
      %dma_wait3A_200 = tpu.memref_slice %arg25[%add3A_82, %dma_wait3A_199] : memref<10000x128xf32, #tpu.memory_space<vmem_shared>> -> memref<64x128xf32, #tpu.memory_space<vmem_shared>>
      %dma_wait3A_201 = arith.constant 0 : i32
      %dma_wait3A_202 = arith.constant 0 : i32
      %dma_wait3A_203 = tpu.memref_slice %arg11[%dma_wait3A_201, %dma_wait3A_202] : memref<64x128xf32, #tpu.memory_space<vmem>> -> memref<64x128xf32, #tpu.memory_space<vmem>>
      %dma_wait3A_204 = arith.constant 0 : i32
      %dma_wait3A_205 = tpu.memref_slice %arg25[%add3A_82, %dma_wait3A_204] : memref<10000x128xf32, #tpu.memory_space<vmem_shared>> -> memref<64x128xf32, #tpu.memory_space<vmem_shared>>
      tpu.wait_dma2 semaphore(%run_scoped3A : memref<!tpu.dma_semaphore, #tpu.memory_space<semaphore_mem>>) src(%dma_wait3A_205 : memref<64x128xf32, #tpu.memory_space<vmem_shared>>) dst(%dma_wait3A_203 : memref<64x128xf32, #tpu.memory_space<vmem>>)
      tpu.yield
    }) : () -> ()
    %add3A_83 = arith.addi %mul3A_6, %mul3A_4 : i32
    %add3A_84 = arith.constant 512 : i32
    %add3A_85 = arith.addi %add3A_83, %add3A_84 : i32
    "tpu.region"() ({
      %run_scoped3A = tpu.sem_alloc : memref<!tpu.dma_semaphore, #tpu.memory_space<semaphore_mem>>
      %dma_start3A = arith.constant 0 : i32
      %dma_start3A_188 = arith.constant 0 : i32
      %dma_start3A_189 = tpu.memref_slice %arg11[%dma_start3A, %dma_start3A_188] : memref<64x128xf32, #tpu.memory_space<vmem>> -> memref<64x128xf32, #tpu.memory_space<vmem>>
      %dma_start3A_190 = arith.constant 0 : i32
      %dma_start3A_191 = tpu.memref_slice %arg9[%add3A_85, %dma_start3A_190] : memref<20000x128xf32, #tpu.memory_space<hbm>> -> memref<64x128xf32, #tpu.memory_space<hbm>>
      %dma_start3A_192 = arith.constant 0 : i32
      %dma_start3A_193 = tpu.memref_slice %arg9[%add3A_85, %dma_start3A_192] : memref<20000x128xf32, #tpu.memory_space<hbm>> -> memref<64x128xf32, #tpu.memory_space<hbm>>
      %dma_start3A_194 = arith.constant 0 : i32
      %dma_start3A_195 = arith.constant 0 : i32
      %dma_start3A_196 = tpu.memref_slice %arg11[%dma_start3A_194, %dma_start3A_195] : memref<64x128xf32, #tpu.memory_space<vmem>> -> memref<64x128xf32, #tpu.memory_space<vmem>>
      tpu.enqueue_dma source(%dma_start3A_196 : memref<64x128xf32, #tpu.memory_space<vmem>>) target(%dma_start3A_193 : memref<64x128xf32, #tpu.memory_space<hbm>>) target_semaphore(%run_scoped3A : memref<!tpu.dma_semaphore, #tpu.memory_space<semaphore_mem>>)
      %dma_wait3A = arith.constant 0 : i32
      %dma_wait3A_197 = arith.constant 0 : i32
      %dma_wait3A_198 = tpu.memref_slice %arg11[%dma_wait3A, %dma_wait3A_197] : memref<64x128xf32, #tpu.memory_space<vmem>> -> memref<64x128xf32, #tpu.memory_space<vmem>>
      %dma_wait3A_199 = arith.constant 0 : i32
      %dma_wait3A_200 = tpu.memref_slice %arg9[%add3A_85, %dma_wait3A_199] : memref<20000x128xf32, #tpu.memory_space<hbm>> -> memref<64x128xf32, #tpu.memory_space<hbm>>
      %dma_wait3A_201 = arith.constant 0 : i32
      %dma_wait3A_202 = tpu.memref_slice %arg9[%add3A_85, %dma_wait3A_201] : memref<20000x128xf32, #tpu.memory_space<hbm>> -> memref<64x128xf32, #tpu.memory_space<hbm>>
      %dma_wait3A_203 = arith.constant 0 : i32
      %dma_wait3A_204 = arith.constant 0 : i32
      %dma_wait3A_205 = tpu.memref_slice %arg11[%dma_wait3A_203, %dma_wait3A_204] : memref<64x128xf32, #tpu.memory_space<vmem>> -> memref<64x128xf32, #tpu.memory_space<vmem>>
      tpu.wait_dma2 semaphore(%run_scoped3A : memref<!tpu.dma_semaphore, #tpu.memory_space<semaphore_mem>>) src(%dma_wait3A_205 : memref<64x128xf32, #tpu.memory_space<vmem>>) dst(%dma_wait3A_202 : memref<64x128xf32, #tpu.memory_space<hbm>>)
      tpu.yield
    }) : () -> ()
    %add3A_86 = arith.constant 576 : i32
    %add3A_87 = arith.addi %mul3A_4, %add3A_86 : i32
    "tpu.region"() ({
      %run_scoped3A = tpu.sem_alloc : memref<!tpu.dma_semaphore, #tpu.memory_space<semaphore_mem>>
      %dma_start3A = arith.constant 0 : i32
      %dma_start3A_188 = arith.constant 0 : i32
      %dma_start3A_189 = tpu.memref_slice %arg11[%dma_start3A, %dma_start3A_188] : memref<64x128xf32, #tpu.memory_space<vmem>> -> memref<48x128xf32, #tpu.memory_space<vmem>>
      %dma_start3A_190 = arith.constant 0 : i32
      %dma_start3A_191 = tpu.memref_slice %arg25[%add3A_87, %dma_start3A_190] : memref<10000x128xf32, #tpu.memory_space<vmem_shared>> -> memref<48x128xf32, #tpu.memory_space<vmem_shared>>
      %dma_start3A_192 = arith.constant 0 : i32
      %dma_start3A_193 = arith.constant 0 : i32
      %dma_start3A_194 = tpu.memref_slice %arg11[%dma_start3A_192, %dma_start3A_193] : memref<64x128xf32, #tpu.memory_space<vmem>> -> memref<48x128xf32, #tpu.memory_space<vmem>>
      %dma_start3A_195 = arith.constant 0 : i32
      %dma_start3A_196 = tpu.memref_slice %arg25[%add3A_87, %dma_start3A_195] : memref<10000x128xf32, #tpu.memory_space<vmem_shared>> -> memref<48x128xf32, #tpu.memory_space<vmem_shared>>
      tpu.enqueue_dma source(%dma_start3A_196 : memref<48x128xf32, #tpu.memory_space<vmem_shared>>) target(%dma_start3A_194 : memref<48x128xf32, #tpu.memory_space<vmem>>) target_semaphore(%run_scoped3A : memref<!tpu.dma_semaphore, #tpu.memory_space<semaphore_mem>>)
      %dma_wait3A = arith.constant 0 : i32
      %dma_wait3A_197 = arith.constant 0 : i32
      %dma_wait3A_198 = tpu.memref_slice %arg11[%dma_wait3A, %dma_wait3A_197] : memref<64x128xf32, #tpu.memory_space<vmem>> -> memref<48x128xf32, #tpu.memory_space<vmem>>
      %dma_wait3A_199 = arith.constant 0 : i32
      %dma_wait3A_200 = tpu.memref_slice %arg25[%add3A_87, %dma_wait3A_199] : memref<10000x128xf32, #tpu.memory_space<vmem_shared>> -> memref<48x128xf32, #tpu.memory_space<vmem_shared>>
      %dma_wait3A_201 = arith.constant 0 : i32
      %dma_wait3A_202 = arith.constant 0 : i32
      %dma_wait3A_203 = tpu.memref_slice %arg11[%dma_wait3A_201, %dma_wait3A_202] : memref<64x128xf32, #tpu.memory_space<vmem>> -> memref<48x128xf32, #tpu.memory_space<vmem>>
      %dma_wait3A_204 = arith.constant 0 : i32
      %dma_wait3A_205 = tpu.memref_slice %arg25[%add3A_87, %dma_wait3A_204] : memref<10000x128xf32, #tpu.memory_space<vmem_shared>> -> memref<48x128xf32, #tpu.memory_space<vmem_shared>>
      tpu.wait_dma2 semaphore(%run_scoped3A : memref<!tpu.dma_semaphore, #tpu.memory_space<semaphore_mem>>) src(%dma_wait3A_205 : memref<48x128xf32, #tpu.memory_space<vmem_shared>>) dst(%dma_wait3A_203 : memref<48x128xf32, #tpu.memory_space<vmem>>)
      tpu.yield
    }) : () -> ()
    %add3A_88 = arith.addi %mul3A_6, %mul3A_4 : i32
    %add3A_89 = arith.constant 576 : i32
    %add3A_90 = arith.addi %add3A_88, %add3A_89 : i32
    "tpu.region"() ({
      %run_scoped3A = tpu.sem_alloc : memref<!tpu.dma_semaphore, #tpu.memory_space<semaphore_mem>>
      %dma_start3A = arith.constant 0 : i32
      %dma_start3A_188 = arith.constant 0 : i32
      %dma_start3A_189 = tpu.memref_slice %arg11[%dma_start3A, %dma_start3A_188] : memref<64x128xf32, #tpu.memory_space<vmem>> -> memref<48x128xf32, #tpu.memory_space<vmem>>
      %dma_start3A_190 = arith.constant 0 : i32
      %dma_start3A_191 = tpu.memref_slice %arg9[%add3A_90, %dma_start3A_190] : memref<20000x128xf32, #tpu.memory_space<hbm>> -> memref<48x128xf32, #tpu.memory_space<hbm>>
      %dma_start3A_192 = arith.constant 0 : i32
      %dma_start3A_193 = tpu.memref_slice %arg9[%add3A_90, %dma_start3A_192] : memref<20000x128xf32, #tpu.memory_space<hbm>> -> memref<48x128xf32, #tpu.memory_space<hbm>>
      %dma_start3A_194 = arith.constant 0 : i32
      %dma_start3A_195 = arith.constant 0 : i32
      %dma_start3A_196 = tpu.memref_slice %arg11[%dma_start3A_194, %dma_start3A_195] : memref<64x128xf32, #tpu.memory_space<vmem>> -> memref<48x128xf32, #tpu.memory_space<vmem>>
      tpu.enqueue_dma source(%dma_start3A_196 : memref<48x128xf32, #tpu.memory_space<vmem>>) target(%dma_start3A_193 : memref<48x128xf32, #tpu.memory_space<hbm>>) target_semaphore(%run_scoped3A : memref<!tpu.dma_semaphore, #tpu.memory_space<semaphore_mem>>)
      %dma_wait3A = arith.constant 0 : i32
      %dma_wait3A_197 = arith.constant 0 : i32
      %dma_wait3A_198 = tpu.memref_slice %arg11[%dma_wait3A, %dma_wait3A_197] : memref<64x128xf32, #tpu.memory_space<vmem>> -> memref<48x128xf32, #tpu.memory_space<vmem>>
      %dma_wait3A_199 = arith.constant 0 : i32
      %dma_wait3A_200 = tpu.memref_slice %arg9[%add3A_90, %dma_wait3A_199] : memref<20000x128xf32, #tpu.memory_space<hbm>> -> memref<48x128xf32, #tpu.memory_space<hbm>>
      %dma_wait3A_201 = arith.constant 0 : i32
      %dma_wait3A_202 = tpu.memref_slice %arg9[%add3A_90, %dma_wait3A_201] : memref<20000x128xf32, #tpu.memory_space<hbm>> -> memref<48x128xf32, #tpu.memory_space<hbm>>
      %dma_wait3A_203 = arith.constant 0 : i32
      %dma_wait3A_204 = arith.constant 0 : i32
      %dma_wait3A_205 = tpu.memref_slice %arg11[%dma_wait3A_203, %dma_wait3A_204] : memref<64x128xf32, #tpu.memory_space<vmem>> -> memref<48x128xf32, #tpu.memory_space<vmem>>
      tpu.wait_dma2 semaphore(%run_scoped3A : memref<!tpu.dma_semaphore, #tpu.memory_space<semaphore_mem>>) src(%dma_wait3A_205 : memref<48x128xf32, #tpu.memory_space<vmem>>) dst(%dma_wait3A_202 : memref<48x128xf32, #tpu.memory_space<hbm>>)
      tpu.yield
    }) : () -> ()
    %eq3A_91 = arith.constant 15 : i32
    %eq3A_92 = arith.cmpi eq, %arg1, %eq3A_91 : i32
    %convert_element_type3A_93 = arith.extui %eq3A_92 : i1 to i32
    %cond3A_94 = arith.constant 0 : i32
    %cond3A_95 = arith.cmpi ne, %convert_element_type3A_93, %cond3A_94 : i32
    scf.if %cond3A_95 {
      "tpu.region"() ({
        %run_scoped3A = tpu.sem_alloc : memref<!tpu.dma_semaphore, #tpu.memory_space<semaphore_mem>>
        %dma_start3A = arith.constant 0 : i32
        %dma_start3A_190 = arith.constant 0 : i32
        %dma_start3A_191 = tpu.memref_slice %arg11[%dma_start3A, %dma_start3A_190] : memref<64x128xf32, #tpu.memory_space<vmem>> -> memref<16x128xf32, #tpu.memory_space<vmem>>
        %dma_start3A_192 = arith.constant 9984 : i32
        %dma_start3A_193 = arith.constant 0 : i32
        %dma_start3A_194 = tpu.memref_slice %arg25[%dma_start3A_192, %dma_start3A_193] : memref<10000x128xf32, #tpu.memory_space<vmem_shared>> -> memref<16x128xf32, #tpu.memory_space<vmem_shared>>
        %dma_start3A_195 = arith.constant 0 : i32
        %dma_start3A_196 = arith.constant 0 : i32
        %dma_start3A_197 = tpu.memref_slice %arg11[%dma_start3A_195, %dma_start3A_196] : memref<64x128xf32, #tpu.memory_space<vmem>> -> memref<16x128xf32, #tpu.memory_space<vmem>>
        %dma_start3A_198 = arith.constant 9984 : i32
        %dma_start3A_199 = arith.constant 0 : i32
        %dma_start3A_200 = tpu.memref_slice %arg25[%dma_start3A_198, %dma_start3A_199] : memref<10000x128xf32, #tpu.memory_space<vmem_shared>> -> memref<16x128xf32, #tpu.memory_space<vmem_shared>>
        tpu.enqueue_dma source(%dma_start3A_200 : memref<16x128xf32, #tpu.memory_space<vmem_shared>>) target(%dma_start3A_197 : memref<16x128xf32, #tpu.memory_space<vmem>>) target_semaphore(%run_scoped3A : memref<!tpu.dma_semaphore, #tpu.memory_space<semaphore_mem>>)
        %dma_wait3A = arith.constant 0 : i32
        %dma_wait3A_201 = arith.constant 0 : i32
        %dma_wait3A_202 = tpu.memref_slice %arg11[%dma_wait3A, %dma_wait3A_201] : memref<64x128xf32, #tpu.memory_space<vmem>> -> memref<16x128xf32, #tpu.memory_space<vmem>>
        %dma_wait3A_203 = arith.constant 9984 : i32
        %dma_wait3A_204 = arith.constant 0 : i32
        %dma_wait3A_205 = tpu.memref_slice %arg25[%dma_wait3A_203, %dma_wait3A_204] : memref<10000x128xf32, #tpu.memory_space<vmem_shared>> -> memref<16x128xf32, #tpu.memory_space<vmem_shared>>
        %dma_wait3A_206 = arith.constant 0 : i32
        %dma_wait3A_207 = arith.constant 0 : i32
        %dma_wait3A_208 = tpu.memref_slice %arg11[%dma_wait3A_206, %dma_wait3A_207] : memref<64x128xf32, #tpu.memory_space<vmem>> -> memref<16x128xf32, #tpu.memory_space<vmem>>
        %dma_wait3A_209 = arith.constant 9984 : i32
        %dma_wait3A_210 = arith.constant 0 : i32
        %dma_wait3A_211 = tpu.memref_slice %arg25[%dma_wait3A_209, %dma_wait3A_210] : memref<10000x128xf32, #tpu.memory_space<vmem_shared>> -> memref<16x128xf32, #tpu.memory_space<vmem_shared>>
        tpu.wait_dma2 semaphore(%run_scoped3A : memref<!tpu.dma_semaphore, #tpu.memory_space<semaphore_mem>>) src(%dma_wait3A_211 : memref<16x128xf32, #tpu.memory_space<vmem_shared>>) dst(%dma_wait3A_208 : memref<16x128xf32, #tpu.memory_space<vmem>>)
        tpu.yield
      }) : () -> ()
      %add3A_188 = arith.constant 9984 : i32
      %add3A_189 = arith.addi %mul3A_6, %add3A_188 : i32
      "tpu.region"() ({
        %run_scoped3A = tpu.sem_alloc : memref<!tpu.dma_semaphore, #tpu.memory_space<semaphore_mem>>
        %dma_start3A = arith.constant 0 : i32
        %dma_start3A_190 = arith.constant 0 : i32
        %dma_start3A_191 = tpu.memref_slice %arg11[%dma_start3A, %dma_start3A_190] : memref<64x128xf32, #tpu.memory_space<vmem>> -> memref<16x128xf32, #tpu.memory_space<vmem>>
        %dma_start3A_192 = arith.constant 0 : i32
        %dma_start3A_193 = tpu.memref_slice %arg9[%add3A_189, %dma_start3A_192] : memref<20000x128xf32, #tpu.memory_space<hbm>> -> memref<16x128xf32, #tpu.memory_space<hbm>>
        %dma_start3A_194 = arith.constant 0 : i32
        %dma_start3A_195 = tpu.memref_slice %arg9[%add3A_189, %dma_start3A_194] : memref<20000x128xf32, #tpu.memory_space<hbm>> -> memref<16x128xf32, #tpu.memory_space<hbm>>
        %dma_start3A_196 = arith.constant 0 : i32
        %dma_start3A_197 = arith.constant 0 : i32
        %dma_start3A_198 = tpu.memref_slice %arg11[%dma_start3A_196, %dma_start3A_197] : memref<64x128xf32, #tpu.memory_space<vmem>> -> memref<16x128xf32, #tpu.memory_space<vmem>>
        tpu.enqueue_dma source(%dma_start3A_198 : memref<16x128xf32, #tpu.memory_space<vmem>>) target(%dma_start3A_195 : memref<16x128xf32, #tpu.memory_space<hbm>>) target_semaphore(%run_scoped3A : memref<!tpu.dma_semaphore, #tpu.memory_space<semaphore_mem>>)
        %dma_wait3A = arith.constant 0 : i32
        %dma_wait3A_199 = arith.constant 0 : i32
        %dma_wait3A_200 = tpu.memref_slice %arg11[%dma_wait3A, %dma_wait3A_199] : memref<64x128xf32, #tpu.memory_space<vmem>> -> memref<16x128xf32, #tpu.memory_space<vmem>>
        %dma_wait3A_201 = arith.constant 0 : i32
        %dma_wait3A_202 = tpu.memref_slice %arg9[%add3A_189, %dma_wait3A_201] : memref<20000x128xf32, #tpu.memory_space<hbm>> -> memref<16x128xf32, #tpu.memory_space<hbm>>
        %dma_wait3A_203 = arith.constant 0 : i32
        %dma_wait3A_204 = tpu.memref_slice %arg9[%add3A_189, %dma_wait3A_203] : memref<20000x128xf32, #tpu.memory_space<hbm>> -> memref<16x128xf32, #tpu.memory_space<hbm>>
        %dma_wait3A_205 = arith.constant 0 : i32
        %dma_wait3A_206 = arith.constant 0 : i32
        %dma_wait3A_207 = tpu.memref_slice %arg11[%dma_wait3A_205, %dma_wait3A_206] : memref<64x128xf32, #tpu.memory_space<vmem>> -> memref<16x128xf32, #tpu.memory_space<vmem>>
        tpu.wait_dma2 semaphore(%run_scoped3A : memref<!tpu.dma_semaphore, #tpu.memory_space<semaphore_mem>>) src(%dma_wait3A_207 : memref<16x128xf32, #tpu.memory_space<vmem>>) dst(%dma_wait3A_204 : memref<16x128xf32, #tpu.memory_space<hbm>>)
        tpu.yield
      }) : () -> ()
    } else {
    }
    %scan3A_96 = arith.constant 0 : i32
    %scan3A_97 = arith.constant 64 : i32
    %scan3A_98 = arith.addi %scan3A_96, %scan3A_97 : i32
    %scan3A_99 = arith.constant 1 : i32
    scf.for %scan3A_188 = %scan3A_96 to %scan3A_98 step %scan3A_99  : i32 {
      %mul3A_189 = arith.constant 1 : i32
      %mul3A_190 = arith.muli %scan3A_188, %mul3A_189 : i32
      %add3A_191 = arith.constant 0 : i32
      %add3A_192 = arith.addi %add3A_191, %mul3A_190 : i32
      %swap3A = arith.index_cast %add3A_192 : i32 to index
      %swap3A_193 = arith.constant 0 : index
      %swap3A_194 = tpu.vector_load %arg11[%swap3A, %swap3A_193] {strides = array<i32>} : memref<64x128xf32, #tpu.memory_space<vmem>>, vector<16xf32>,
      tpu.vector_store %arg11[%swap3A, %swap3A_193], %broadcast_in_dim3A_7 {strides = array<i32>} : memref<64x128xf32, #tpu.memory_space<vmem>>, vector<16xf32>,
      %swap3A_195 = arith.index_cast %add3A_192 : i32 to index
      %swap3A_196 = arith.constant 16 : index
      %swap3A_197 = tpu.vector_load %arg11[%swap3A_195, %swap3A_196] {strides = array<i32>} : memref<64x128xf32, #tpu.memory_space<vmem>>, vector<16xf32>,
      tpu.vector_store %arg11[%swap3A_195, %swap3A_196], %broadcast_in_dim3A_7 {strides = array<i32>} : memref<64x128xf32, #tpu.memory_space<vmem>>, vector<16xf32>,
      %swap3A_198 = arith.index_cast %add3A_192 : i32 to index
      %swap3A_199 = arith.constant 32 : index
      %swap3A_200 = tpu.vector_load %arg11[%swap3A_198, %swap3A_199] {strides = array<i32>} : memref<64x128xf32, #tpu.memory_space<vmem>>, vector<16xf32>,
      tpu.vector_store %arg11[%swap3A_198, %swap3A_199], %broadcast_in_dim3A_7 {strides = array<i32>} : memref<64x128xf32, #tpu.memory_space<vmem>>, vector<16xf32>,
      %swap3A_201 = arith.index_cast %add3A_192 : i32 to index
      %swap3A_202 = arith.constant 48 : index
      %swap3A_203 = tpu.vector_load %arg11[%swap3A_201, %swap3A_202] {strides = array<i32>} : memref<64x128xf32, #tpu.memory_space<vmem>>, vector<16xf32>,
      tpu.vector_store %arg11[%swap3A_201, %swap3A_202], %broadcast_in_dim3A_7 {strides = array<i32>} : memref<64x128xf32, #tpu.memory_space<vmem>>, vector<16xf32>,
      %swap3A_204 = arith.index_cast %add3A_192 : i32 to index
      %swap3A_205 = arith.constant 64 : index
      %swap3A_206 = tpu.vector_load %arg11[%swap3A_204, %swap3A_205] {strides = array<i32>} : memref<64x128xf32, #tpu.memory_space<vmem>>, vector<16xf32>,
      tpu.vector_store %arg11[%swap3A_204, %swap3A_205], %broadcast_in_dim3A_7 {strides = array<i32>} : memref<64x128xf32, #tpu.memory_space<vmem>>, vector<16xf32>,
      %swap3A_207 = arith.index_cast %add3A_192 : i32 to index
      %swap3A_208 = arith.constant 80 : index
      %swap3A_209 = tpu.vector_load %arg11[%swap3A_207, %swap3A_208] {strides = array<i32>} : memref<64x128xf32, #tpu.memory_space<vmem>>, vector<16xf32>,
      tpu.vector_store %arg11[%swap3A_207, %swap3A_208], %broadcast_in_dim3A_7 {strides = array<i32>} : memref<64x128xf32, #tpu.memory_space<vmem>>, vector<16xf32>,
      %swap3A_210 = arith.index_cast %add3A_192 : i32 to index
      %swap3A_211 = arith.constant 96 : index
      %swap3A_212 = tpu.vector_load %arg11[%swap3A_210, %swap3A_211] {strides = array<i32>} : memref<64x128xf32, #tpu.memory_space<vmem>>, vector<16xf32>,
      tpu.vector_store %arg11[%swap3A_210, %swap3A_211], %broadcast_in_dim3A_7 {strides = array<i32>} : memref<64x128xf32, #tpu.memory_space<vmem>>, vector<16xf32>,
      %swap3A_213 = arith.index_cast %add3A_192 : i32 to index
      %swap3A_214 = arith.constant 112 : index
      %swap3A_215 = tpu.vector_load %arg11[%swap3A_213, %swap3A_214] {strides = array<i32>} : memref<64x128xf32, #tpu.memory_space<vmem>>, vector<16xf32>,
      tpu.vector_store %arg11[%swap3A_213, %swap3A_214], %broadcast_in_dim3A_7 {strides = array<i32>} : memref<64x128xf32, #tpu.memory_space<vmem>>, vector<16xf32>,
    }
    %scan3A_100 = arith.constant 64 : i32
    %add3A_101 = arith.constant 0 : i32
    %add3A_102 = arith.addi %mul3A_4, %add3A_101 : i32
    "tpu.region"() ({
      %run_scoped3A = tpu.sem_alloc : memref<!tpu.dma_semaphore, #tpu.memory_space<semaphore_mem>>
      %dma_start3A = arith.constant 0 : i32
      %dma_start3A_188 = arith.constant 0 : i32
      %dma_start3A_189 = tpu.memref_slice %arg11[%dma_start3A, %dma_start3A_188] : memref<64x128xf32, #tpu.memory_space<vmem>> -> memref<64x128xf32, #tpu.memory_space<vmem>>
      %dma_start3A_190 = arith.constant 0 : i32
      %dma_start3A_191 = tpu.memref_slice %arg25[%add3A_102, %dma_start3A_190] : memref<10000x128xf32, #tpu.memory_space<vmem_shared>> -> memref<64x128xf32, #tpu.memory_space<vmem_shared>>
      %dma_start3A_192 = arith.constant 0 : i32
      %dma_start3A_193 = tpu.memref_slice %arg25[%add3A_102, %dma_start3A_192] : memref<10000x128xf32, #tpu.memory_space<vmem_shared>> -> memref<64x128xf32, #tpu.memory_space<vmem_shared>>
      %dma_start3A_194 = arith.constant 0 : i32
      %dma_start3A_195 = arith.constant 0 : i32
      %dma_start3A_196 = tpu.memref_slice %arg11[%dma_start3A_194, %dma_start3A_195] : memref<64x128xf32, #tpu.memory_space<vmem>> -> memref<64x128xf32, #tpu.memory_space<vmem>>
      tpu.enqueue_dma source(%dma_start3A_196 : memref<64x128xf32, #tpu.memory_space<vmem>>) target(%dma_start3A_193 : memref<64x128xf32, #tpu.memory_space<vmem_shared>>) target_semaphore(%run_scoped3A : memref<!tpu.dma_semaphore, #tpu.memory_space<semaphore_mem>>)
      %dma_wait3A = arith.constant 0 : i32
      %dma_wait3A_197 = arith.constant 0 : i32
      %dma_wait3A_198 = tpu.memref_slice %arg11[%dma_wait3A, %dma_wait3A_197] : memref<64x128xf32, #tpu.memory_space<vmem>> -> memref<64x128xf32, #tpu.memory_space<vmem>>
      %dma_wait3A_199 = arith.constant 0 : i32
      %dma_wait3A_200 = tpu.memref_slice %arg25[%add3A_102, %dma_wait3A_199] : memref<10000x128xf32, #tpu.memory_space<vmem_shared>> -> memref<64x128xf32, #tpu.memory_space<vmem_shared>>
      %dma_wait3A_201 = arith.constant 0 : i32
      %dma_wait3A_202 = tpu.memref_slice %arg25[%add3A_102, %dma_wait3A_201] : memref<10000x128xf32, #tpu.memory_space<vmem_shared>> -> memref<64x128xf32, #tpu.memory_space<vmem_shared>>
      %dma_wait3A_203 = arith.constant 0 : i32
      %dma_wait3A_204 = arith.constant 0 : i32
      %dma_wait3A_205 = tpu.memref_slice %arg11[%dma_wait3A_203, %dma_wait3A_204] : memref<64x128xf32, #tpu.memory_space<vmem>> -> memref<64x128xf32, #tpu.memory_space<vmem>>
      tpu.wait_dma2 semaphore(%run_scoped3A : memref<!tpu.dma_semaphore, #tpu.memory_space<semaphore_mem>>) src(%dma_wait3A_205 : memref<64x128xf32, #tpu.memory_space<vmem>>) dst(%dma_wait3A_202 : memref<64x128xf32, #tpu.memory_space<vmem_shared>>)
      tpu.yield
    }) : () -> ()
    %add3A_103 = arith.constant 64 : i32
    %add3A_104 = arith.addi %mul3A_4, %add3A_103 : i32
    "tpu.region"() ({
      %run_scoped3A = tpu.sem_alloc : memref<!tpu.dma_semaphore, #tpu.memory_space<semaphore_mem>>
      %dma_start3A = arith.constant 0 : i32
      %dma_start3A_188 = arith.constant 0 : i32
      %dma_start3A_189 = tpu.memref_slice %arg11[%dma_start3A, %dma_start3A_188] : memref<64x128xf32, #tpu.memory_space<vmem>> -> memref<64x128xf32, #tpu.memory_space<vmem>>
      %dma_start3A_190 = arith.constant 0 : i32
      %dma_start3A_191 = tpu.memref_slice %arg25[%add3A_104, %dma_start3A_190] : memref<10000x128xf32, #tpu.memory_space<vmem_shared>> -> memref<64x128xf32, #tpu.memory_space<vmem_shared>>
      %dma_start3A_192 = arith.constant 0 : i32
      %dma_start3A_193 = tpu.memref_slice %arg25[%add3A_104, %dma_start3A_192] : memref<10000x128xf32, #tpu.memory_space<vmem_shared>> -> memref<64x128xf32, #tpu.memory_space<vmem_shared>>
      %dma_start3A_194 = arith.constant 0 : i32
      %dma_start3A_195 = arith.constant 0 : i32
      %dma_start3A_196 = tpu.memref_slice %arg11[%dma_start3A_194, %dma_start3A_195] : memref<64x128xf32, #tpu.memory_space<vmem>> -> memref<64x128xf32, #tpu.memory_space<vmem>>
      tpu.enqueue_dma source(%dma_start3A_196 : memref<64x128xf32, #tpu.memory_space<vmem>>) target(%dma_start3A_193 : memref<64x128xf32, #tpu.memory_space<vmem_shared>>) target_semaphore(%run_scoped3A : memref<!tpu.dma_semaphore, #tpu.memory_space<semaphore_mem>>)
      %dma_wait3A = arith.constant 0 : i32
      %dma_wait3A_197 = arith.constant 0 : i32
      %dma_wait3A_198 = tpu.memref_slice %arg11[%dma_wait3A, %dma_wait3A_197] : memref<64x128xf32, #tpu.memory_space<vmem>> -> memref<64x128xf32, #tpu.memory_space<vmem>>
      %dma_wait3A_199 = arith.constant 0 : i32
      %dma_wait3A_200 = tpu.memref_slice %arg25[%add3A_104, %dma_wait3A_199] : memref<10000x128xf32, #tpu.memory_space<vmem_shared>> -> memref<64x128xf32, #tpu.memory_space<vmem_shared>>
      %dma_wait3A_201 = arith.constant 0 : i32
      %dma_wait3A_202 = tpu.memref_slice %arg25[%add3A_104, %dma_wait3A_201] : memref<10000x128xf32, #tpu.memory_space<vmem_shared>> -> memref<64x128xf32, #tpu.memory_space<vmem_shared>>
      %dma_wait3A_203 = arith.constant 0 : i32
      %dma_wait3A_204 = arith.constant 0 : i32
      %dma_wait3A_205 = tpu.memref_slice %arg11[%dma_wait3A_203, %dma_wait3A_204] : memref<64x128xf32, #tpu.memory_space<vmem>> -> memref<64x128xf32, #tpu.memory_space<vmem>>
      tpu.wait_dma2 semaphore(%run_scoped3A : memref<!tpu.dma_semaphore, #tpu.memory_space<semaphore_mem>>) src(%dma_wait3A_205 : memref<64x128xf32, #tpu.memory_space<vmem>>) dst(%dma_wait3A_202 : memref<64x128xf32, #tpu.memory_space<vmem_shared>>)
      tpu.yield
    }) : () -> ()
    %add3A_105 = arith.constant 128 : i32
    %add3A_106 = arith.addi %mul3A_4, %add3A_105 : i32
    "tpu.region"() ({
      %run_scoped3A = tpu.sem_alloc : memref<!tpu.dma_semaphore, #tpu.memory_space<semaphore_mem>>
      %dma_start3A = arith.constant 0 : i32
      %dma_start3A_188 = arith.constant 0 : i32
      %dma_start3A_189 = tpu.memref_slice %arg11[%dma_start3A, %dma_start3A_188] : memref<64x128xf32, #tpu.memory_space<vmem>> -> memref<64x128xf32, #tpu.memory_space<vmem>>
      %dma_start3A_190 = arith.constant 0 : i32
      %dma_start3A_191 = tpu.memref_slice %arg25[%add3A_106, %dma_start3A_190] : memref<10000x128xf32, #tpu.memory_space<vmem_shared>> -> memref<64x128xf32, #tpu.memory_space<vmem_shared>>
      %dma_start3A_192 = arith.constant 0 : i32
      %dma_start3A_193 = tpu.memref_slice %arg25[%add3A_106, %dma_start3A_192] : memref<10000x128xf32, #tpu.memory_space<vmem_shared>> -> memref<64x128xf32, #tpu.memory_space<vmem_shared>>
      %dma_start3A_194 = arith.constant 0 : i32
      %dma_start3A_195 = arith.constant 0 : i32
      %dma_start3A_196 = tpu.memref_slice %arg11[%dma_start3A_194, %dma_start3A_195] : memref<64x128xf32, #tpu.memory_space<vmem>> -> memref<64x128xf32, #tpu.memory_space<vmem>>
      tpu.enqueue_dma source(%dma_start3A_196 : memref<64x128xf32, #tpu.memory_space<vmem>>) target(%dma_start3A_193 : memref<64x128xf32, #tpu.memory_space<vmem_shared>>) target_semaphore(%run_scoped3A : memref<!tpu.dma_semaphore, #tpu.memory_space<semaphore_mem>>)
      %dma_wait3A = arith.constant 0 : i32
      %dma_wait3A_197 = arith.constant 0 : i32
      %dma_wait3A_198 = tpu.memref_slice %arg11[%dma_wait3A, %dma_wait3A_197] : memref<64x128xf32, #tpu.memory_space<vmem>> -> memref<64x128xf32, #tpu.memory_space<vmem>>
      %dma_wait3A_199 = arith.constant 0 : i32
      %dma_wait3A_200 = tpu.memref_slice %arg25[%add3A_106, %dma_wait3A_199] : memref<10000x128xf32, #tpu.memory_space<vmem_shared>> -> memref<64x128xf32, #tpu.memory_space<vmem_shared>>
      %dma_wait3A_201 = arith.constant 0 : i32
      %dma_wait3A_202 = tpu.memref_slice %arg25[%add3A_106, %dma_wait3A_201] : memref<10000x128xf32, #tpu.memory_space<vmem_shared>> -> memref<64x128xf32, #tpu.memory_space<vmem_shared>>
      %dma_wait3A_203 = arith.constant 0 : i32
      %dma_wait3A_204 = arith.constant 0 : i32
      %dma_wait3A_205 = tpu.memref_slice %arg11[%dma_wait3A_203, %dma_wait3A_204] : memref<64x128xf32, #tpu.memory_space<vmem>> -> memref<64x128xf32, #tpu.memory_space<vmem>>
      tpu.wait_dma2 semaphore(%run_scoped3A : memref<!tpu.dma_semaphore, #tpu.memory_space<semaphore_mem>>) src(%dma_wait3A_205 : memref<64x128xf32, #tpu.memory_space<vmem>>) dst(%dma_wait3A_202 : memref<64x128xf32, #tpu.memory_space<vmem_shared>>)
      tpu.yield
    }) : () -> ()
    %add3A_107 = arith.constant 192 : i32
    %add3A_108 = arith.addi %mul3A_4, %add3A_107 : i32
    "tpu.region"() ({
      %run_scoped3A = tpu.sem_alloc : memref<!tpu.dma_semaphore, #tpu.memory_space<semaphore_mem>>
      %dma_start3A = arith.constant 0 : i32
      %dma_start3A_188 = arith.constant 0 : i32
      %dma_start3A_189 = tpu.memref_slice %arg11[%dma_start3A, %dma_start3A_188] : memref<64x128xf32, #tpu.memory_space<vmem>> -> memref<64x128xf32, #tpu.memory_space<vmem>>
      %dma_start3A_190 = arith.constant 0 : i32
      %dma_start3A_191 = tpu.memref_slice %arg25[%add3A_108, %dma_start3A_190] : memref<10000x128xf32, #tpu.memory_space<vmem_shared>> -> memref<64x128xf32, #tpu.memory_space<vmem_shared>>
      %dma_start3A_192 = arith.constant 0 : i32
      %dma_start3A_193 = tpu.memref_slice %arg25[%add3A_108, %dma_start3A_192] : memref<10000x128xf32, #tpu.memory_space<vmem_shared>> -> memref<64x128xf32, #tpu.memory_space<vmem_shared>>
      %dma_start3A_194 = arith.constant 0 : i32
      %dma_start3A_195 = arith.constant 0 : i32
      %dma_start3A_196 = tpu.memref_slice %arg11[%dma_start3A_194, %dma_start3A_195] : memref<64x128xf32, #tpu.memory_space<vmem>> -> memref<64x128xf32, #tpu.memory_space<vmem>>
      tpu.enqueue_dma source(%dma_start3A_196 : memref<64x128xf32, #tpu.memory_space<vmem>>) target(%dma_start3A_193 : memref<64x128xf32, #tpu.memory_space<vmem_shared>>) target_semaphore(%run_scoped3A : memref<!tpu.dma_semaphore, #tpu.memory_space<semaphore_mem>>)
      %dma_wait3A = arith.constant 0 : i32
      %dma_wait3A_197 = arith.constant 0 : i32
      %dma_wait3A_198 = tpu.memref_slice %arg11[%dma_wait3A, %dma_wait3A_197] : memref<64x128xf32, #tpu.memory_space<vmem>> -> memref<64x128xf32, #tpu.memory_space<vmem>>
      %dma_wait3A_199 = arith.constant 0 : i32
      %dma_wait3A_200 = tpu.memref_slice %arg25[%add3A_108, %dma_wait3A_199] : memref<10000x128xf32, #tpu.memory_space<vmem_shared>> -> memref<64x128xf32, #tpu.memory_space<vmem_shared>>
      %dma_wait3A_201 = arith.constant 0 : i32
      %dma_wait3A_202 = tpu.memref_slice %arg25[%add3A_108, %dma_wait3A_201] : memref<10000x128xf32, #tpu.memory_space<vmem_shared>> -> memref<64x128xf32, #tpu.memory_space<vmem_shared>>
      %dma_wait3A_203 = arith.constant 0 : i32
      %dma_wait3A_204 = arith.constant 0 : i32
      %dma_wait3A_205 = tpu.memref_slice %arg11[%dma_wait3A_203, %dma_wait3A_204] : memref<64x128xf32, #tpu.memory_space<vmem>> -> memref<64x128xf32, #tpu.memory_space<vmem>>
      tpu.wait_dma2 semaphore(%run_scoped3A : memref<!tpu.dma_semaphore, #tpu.memory_space<semaphore_mem>>) src(%dma_wait3A_205 : memref<64x128xf32, #tpu.memory_space<vmem>>) dst(%dma_wait3A_202 : memref<64x128xf32, #tpu.memory_space<vmem_shared>>)
      tpu.yield
    }) : () -> ()
    %add3A_109 = arith.constant 256 : i32
    %add3A_110 = arith.addi %mul3A_4, %add3A_109 : i32
    "tpu.region"() ({
      %run_scoped3A = tpu.sem_alloc : memref<!tpu.dma_semaphore, #tpu.memory_space<semaphore_mem>>
      %dma_start3A = arith.constant 0 : i32
      %dma_start3A_188 = arith.constant 0 : i32
      %dma_start3A_189 = tpu.memref_slice %arg11[%dma_start3A, %dma_start3A_188] : memref<64x128xf32, #tpu.memory_space<vmem>> -> memref<64x128xf32, #tpu.memory_space<vmem>>
      %dma_start3A_190 = arith.constant 0 : i32
      %dma_start3A_191 = tpu.memref_slice %arg25[%add3A_110, %dma_start3A_190] : memref<10000x128xf32, #tpu.memory_space<vmem_shared>> -> memref<64x128xf32, #tpu.memory_space<vmem_shared>>
      %dma_start3A_192 = arith.constant 0 : i32
      %dma_start3A_193 = tpu.memref_slice %arg25[%add3A_110, %dma_start3A_192] : memref<10000x128xf32, #tpu.memory_space<vmem_shared>> -> memref<64x128xf32, #tpu.memory_space<vmem_shared>>
      %dma_start3A_194 = arith.constant 0 : i32
      %dma_start3A_195 = arith.constant 0 : i32
      %dma_start3A_196 = tpu.memref_slice %arg11[%dma_start3A_194, %dma_start3A_195] : memref<64x128xf32, #tpu.memory_space<vmem>> -> memref<64x128xf32, #tpu.memory_space<vmem>>
      tpu.enqueue_dma source(%dma_start3A_196 : memref<64x128xf32, #tpu.memory_space<vmem>>) target(%dma_start3A_193 : memref<64x128xf32, #tpu.memory_space<vmem_shared>>) target_semaphore(%run_scoped3A : memref<!tpu.dma_semaphore, #tpu.memory_space<semaphore_mem>>)
      %dma_wait3A = arith.constant 0 : i32
      %dma_wait3A_197 = arith.constant 0 : i32
      %dma_wait3A_198 = tpu.memref_slice %arg11[%dma_wait3A, %dma_wait3A_197] : memref<64x128xf32, #tpu.memory_space<vmem>> -> memref<64x128xf32, #tpu.memory_space<vmem>>
      %dma_wait3A_199 = arith.constant 0 : i32
      %dma_wait3A_200 = tpu.memref_slice %arg25[%add3A_110, %dma_wait3A_199] : memref<10000x128xf32, #tpu.memory_space<vmem_shared>> -> memref<64x128xf32, #tpu.memory_space<vmem_shared>>
      %dma_wait3A_201 = arith.constant 0 : i32
      %dma_wait3A_202 = tpu.memref_slice %arg25[%add3A_110, %dma_wait3A_201] : memref<10000x128xf32, #tpu.memory_space<vmem_shared>> -> memref<64x128xf32, #tpu.memory_space<vmem_shared>>
      %dma_wait3A_203 = arith.constant 0 : i32
      %dma_wait3A_204 = arith.constant 0 : i32
      %dma_wait3A_205 = tpu.memref_slice %arg11[%dma_wait3A_203, %dma_wait3A_204] : memref<64x128xf32, #tpu.memory_space<vmem>> -> memref<64x128xf32, #tpu.memory_space<vmem>>
      tpu.wait_dma2 semaphore(%run_scoped3A : memref<!tpu.dma_semaphore, #tpu.memory_space<semaphore_mem>>) src(%dma_wait3A_205 : memref<64x128xf32, #tpu.memory_space<vmem>>) dst(%dma_wait3A_202 : memref<64x128xf32, #tpu.memory_space<vmem_shared>>)
      tpu.yield
    }) : () -> ()
    %add3A_111 = arith.constant 320 : i32
    %add3A_112 = arith.addi %mul3A_4, %add3A_111 : i32
    "tpu.region"() ({
      %run_scoped3A = tpu.sem_alloc : memref<!tpu.dma_semaphore, #tpu.memory_space<semaphore_mem>>
      %dma_start3A = arith.constant 0 : i32
      %dma_start3A_188 = arith.constant 0 : i32
      %dma_start3A_189 = tpu.memref_slice %arg11[%dma_start3A, %dma_start3A_188] : memref<64x128xf32, #tpu.memory_space<vmem>> -> memref<64x128xf32, #tpu.memory_space<vmem>>
      %dma_start3A_190 = arith.constant 0 : i32
      %dma_start3A_191 = tpu.memref_slice %arg25[%add3A_112, %dma_start3A_190] : memref<10000x128xf32, #tpu.memory_space<vmem_shared>> -> memref<64x128xf32, #tpu.memory_space<vmem_shared>>
      %dma_start3A_192 = arith.constant 0 : i32
      %dma_start3A_193 = tpu.memref_slice %arg25[%add3A_112, %dma_start3A_192] : memref<10000x128xf32, #tpu.memory_space<vmem_shared>> -> memref<64x128xf32, #tpu.memory_space<vmem_shared>>
      %dma_start3A_194 = arith.constant 0 : i32
      %dma_start3A_195 = arith.constant 0 : i32
      %dma_start3A_196 = tpu.memref_slice %arg11[%dma_start3A_194, %dma_start3A_195] : memref<64x128xf32, #tpu.memory_space<vmem>> -> memref<64x128xf32, #tpu.memory_space<vmem>>
      tpu.enqueue_dma source(%dma_start3A_196 : memref<64x128xf32, #tpu.memory_space<vmem>>) target(%dma_start3A_193 : memref<64x128xf32, #tpu.memory_space<vmem_shared>>) target_semaphore(%run_scoped3A : memref<!tpu.dma_semaphore, #tpu.memory_space<semaphore_mem>>)
      %dma_wait3A = arith.constant 0 : i32
      %dma_wait3A_197 = arith.constant 0 : i32
      %dma_wait3A_198 = tpu.memref_slice %arg11[%dma_wait3A, %dma_wait3A_197] : memref<64x128xf32, #tpu.memory_space<vmem>> -> memref<64x128xf32, #tpu.memory_space<vmem>>
      %dma_wait3A_199 = arith.constant 0 : i32
      %dma_wait3A_200 = tpu.memref_slice %arg25[%add3A_112, %dma_wait3A_199] : memref<10000x128xf32, #tpu.memory_space<vmem_shared>> -> memref<64x128xf32, #tpu.memory_space<vmem_shared>>
      %dma_wait3A_201 = arith.constant 0 : i32
      %dma_wait3A_202 = tpu.memref_slice %arg25[%add3A_112, %dma_wait3A_201] : memref<10000x128xf32, #tpu.memory_space<vmem_shared>> -> memref<64x128xf32, #tpu.memory_space<vmem_shared>>
      %dma_wait3A_203 = arith.constant 0 : i32
      %dma_wait3A_204 = arith.constant 0 : i32
      %dma_wait3A_205 = tpu.memref_slice %arg11[%dma_wait3A_203, %dma_wait3A_204] : memref<64x128xf32, #tpu.memory_space<vmem>> -> memref<64x128xf32, #tpu.memory_space<vmem>>
      tpu.wait_dma2 semaphore(%run_scoped3A : memref<!tpu.dma_semaphore, #tpu.memory_space<semaphore_mem>>) src(%dma_wait3A_205 : memref<64x128xf32, #tpu.memory_space<vmem>>) dst(%dma_wait3A_202 : memref<64x128xf32, #tpu.memory_space<vmem_shared>>)
      tpu.yield
    }) : () -> ()
    %add3A_113 = arith.constant 384 : i32
    %add3A_114 = arith.addi %mul3A_4, %add3A_113 : i32
    "tpu.region"() ({
      %run_scoped3A = tpu.sem_alloc : memref<!tpu.dma_semaphore, #tpu.memory_space<semaphore_mem>>
      %dma_start3A = arith.constant 0 : i32
      %dma_start3A_188 = arith.constant 0 : i32
      %dma_start3A_189 = tpu.memref_slice %arg11[%dma_start3A, %dma_start3A_188] : memref<64x128xf32, #tpu.memory_space<vmem>> -> memref<64x128xf32, #tpu.memory_space<vmem>>
      %dma_start3A_190 = arith.constant 0 : i32
      %dma_start3A_191 = tpu.memref_slice %arg25[%add3A_114, %dma_start3A_190] : memref<10000x128xf32, #tpu.memory_space<vmem_shared>> -> memref<64x128xf32, #tpu.memory_space<vmem_shared>>
      %dma_start3A_192 = arith.constant 0 : i32
      %dma_start3A_193 = tpu.memref_slice %arg25[%add3A_114, %dma_start3A_192] : memref<10000x128xf32, #tpu.memory_space<vmem_shared>> -> memref<64x128xf32, #tpu.memory_space<vmem_shared>>
      %dma_start3A_194 = arith.constant 0 : i32
      %dma_start3A_195 = arith.constant 0 : i32
      %dma_start3A_196 = tpu.memref_slice %arg11[%dma_start3A_194, %dma_start3A_195] : memref<64x128xf32, #tpu.memory_space<vmem>> -> memref<64x128xf32, #tpu.memory_space<vmem>>
      tpu.enqueue_dma source(%dma_start3A_196 : memref<64x128xf32, #tpu.memory_space<vmem>>) target(%dma_start3A_193 : memref<64x128xf32, #tpu.memory_space<vmem_shared>>) target_semaphore(%run_scoped3A : memref<!tpu.dma_semaphore, #tpu.memory_space<semaphore_mem>>)
      %dma_wait3A = arith.constant 0 : i32
      %dma_wait3A_197 = arith.constant 0 : i32
      %dma_wait3A_198 = tpu.memref_slice %arg11[%dma_wait3A, %dma_wait3A_197] : memref<64x128xf32, #tpu.memory_space<vmem>> -> memref<64x128xf32, #tpu.memory_space<vmem>>
      %dma_wait3A_199 = arith.constant 0 : i32
      %dma_wait3A_200 = tpu.memref_slice %arg25[%add3A_114, %dma_wait3A_199] : memref<10000x128xf32, #tpu.memory_space<vmem_shared>> -> memref<64x128xf32, #tpu.memory_space<vmem_shared>>
      %dma_wait3A_201 = arith.constant 0 : i32
      %dma_wait3A_202 = tpu.memref_slice %arg25[%add3A_114, %dma_wait3A_201] : memref<10000x128xf32, #tpu.memory_space<vmem_shared>> -> memref<64x128xf32, #tpu.memory_space<vmem_shared>>
      %dma_wait3A_203 = arith.constant 0 : i32
      %dma_wait3A_204 = arith.constant 0 : i32
      %dma_wait3A_205 = tpu.memref_slice %arg11[%dma_wait3A_203, %dma_wait3A_204] : memref<64x128xf32, #tpu.memory_space<vmem>> -> memref<64x128xf32, #tpu.memory_space<vmem>>
      tpu.wait_dma2 semaphore(%run_scoped3A : memref<!tpu.dma_semaphore, #tpu.memory_space<semaphore_mem>>) src(%dma_wait3A_205 : memref<64x128xf32, #tpu.memory_space<vmem>>) dst(%dma_wait3A_202 : memref<64x128xf32, #tpu.memory_space<vmem_shared>>)
      tpu.yield
    }) : () -> ()
    %add3A_115 = arith.constant 448 : i32
    %add3A_116 = arith.addi %mul3A_4, %add3A_115 : i32
    "tpu.region"() ({
      %run_scoped3A = tpu.sem_alloc : memref<!tpu.dma_semaphore, #tpu.memory_space<semaphore_mem>>
      %dma_start3A = arith.constant 0 : i32
      %dma_start3A_188 = arith.constant 0 : i32
      %dma_start3A_189 = tpu.memref_slice %arg11[%dma_start3A, %dma_start3A_188] : memref<64x128xf32, #tpu.memory_space<vmem>> -> memref<64x128xf32, #tpu.memory_space<vmem>>
      %dma_start3A_190 = arith.constant 0 : i32
      %dma_start3A_191 = tpu.memref_slice %arg25[%add3A_116, %dma_start3A_190] : memref<10000x128xf32, #tpu.memory_space<vmem_shared>> -> memref<64x128xf32, #tpu.memory_space<vmem_shared>>
      %dma_start3A_192 = arith.constant 0 : i32
      %dma_start3A_193 = tpu.memref_slice %arg25[%add3A_116, %dma_start3A_192] : memref<10000x128xf32, #tpu.memory_space<vmem_shared>> -> memref<64x128xf32, #tpu.memory_space<vmem_shared>>
      %dma_start3A_194 = arith.constant 0 : i32
      %dma_start3A_195 = arith.constant 0 : i32
      %dma_start3A_196 = tpu.memref_slice %arg11[%dma_start3A_194, %dma_start3A_195] : memref<64x128xf32, #tpu.memory_space<vmem>> -> memref<64x128xf32, #tpu.memory_space<vmem>>
      tpu.enqueue_dma source(%dma_start3A_196 : memref<64x128xf32, #tpu.memory_space<vmem>>) target(%dma_start3A_193 : memref<64x128xf32, #tpu.memory_space<vmem_shared>>) target_semaphore(%run_scoped3A : memref<!tpu.dma_semaphore, #tpu.memory_space<semaphore_mem>>)
      %dma_wait3A = arith.constant 0 : i32
      %dma_wait3A_197 = arith.constant 0 : i32
      %dma_wait3A_198 = tpu.memref_slice %arg11[%dma_wait3A, %dma_wait3A_197] : memref<64x128xf32, #tpu.memory_space<vmem>> -> memref<64x128xf32, #tpu.memory_space<vmem>>
      %dma_wait3A_199 = arith.constant 0 : i32
      %dma_wait3A_200 = tpu.memref_slice %arg25[%add3A_116, %dma_wait3A_199] : memref<10000x128xf32, #tpu.memory_space<vmem_shared>> -> memref<64x128xf32, #tpu.memory_space<vmem_shared>>
      %dma_wait3A_201 = arith.constant 0 : i32
      %dma_wait3A_202 = tpu.memref_slice %arg25[%add3A_116, %dma_wait3A_201] : memref<10000x128xf32, #tpu.memory_space<vmem_shared>> -> memref<64x128xf32, #tpu.memory_space<vmem_shared>>
      %dma_wait3A_203 = arith.constant 0 : i32
      %dma_wait3A_204 = arith.constant 0 : i32
      %dma_wait3A_205 = tpu.memref_slice %arg11[%dma_wait3A_203, %dma_wait3A_204] : memref<64x128xf32, #tpu.memory_space<vmem>> -> memref<64x128xf32, #tpu.memory_space<vmem>>
      tpu.wait_dma2 semaphore(%run_scoped3A : memref<!tpu.dma_semaphore, #tpu.memory_space<semaphore_mem>>) src(%dma_wait3A_205 : memref<64x128xf32, #tpu.memory_space<vmem>>) dst(%dma_wait3A_202 : memref<64x128xf32, #tpu.memory_space<vmem_shared>>)
      tpu.yield
    }) : () -> ()
    %add3A_117 = arith.constant 512 : i32
    %add3A_118 = arith.addi %mul3A_4, %add3A_117 : i32
    "tpu.region"() ({
      %run_scoped3A = tpu.sem_alloc : memref<!tpu.dma_semaphore, #tpu.memory_space<semaphore_mem>>
      %dma_start3A = arith.constant 0 : i32
      %dma_start3A_188 = arith.constant 0 : i32
      %dma_start3A_189 = tpu.memref_slice %arg11[%dma_start3A, %dma_start3A_188] : memref<64x128xf32, #tpu.memory_space<vmem>> -> memref<64x128xf32, #tpu.memory_space<vmem>>
      %dma_start3A_190 = arith.constant 0 : i32
      %dma_start3A_191 = tpu.memref_slice %arg25[%add3A_118, %dma_start3A_190] : memref<10000x128xf32, #tpu.memory_space<vmem_shared>> -> memref<64x128xf32, #tpu.memory_space<vmem_shared>>
      %dma_start3A_192 = arith.constant 0 : i32
      %dma_start3A_193 = tpu.memref_slice %arg25[%add3A_118, %dma_start3A_192] : memref<10000x128xf32, #tpu.memory_space<vmem_shared>> -> memref<64x128xf32, #tpu.memory_space<vmem_shared>>
      %dma_start3A_194 = arith.constant 0 : i32
      %dma_start3A_195 = arith.constant 0 : i32
      %dma_start3A_196 = tpu.memref_slice %arg11[%dma_start3A_194, %dma_start3A_195] : memref<64x128xf32, #tpu.memory_space<vmem>> -> memref<64x128xf32, #tpu.memory_space<vmem>>
      tpu.enqueue_dma source(%dma_start3A_196 : memref<64x128xf32, #tpu.memory_space<vmem>>) target(%dma_start3A_193 : memref<64x128xf32, #tpu.memory_space<vmem_shared>>) target_semaphore(%run_scoped3A : memref<!tpu.dma_semaphore, #tpu.memory_space<semaphore_mem>>)
      %dma_wait3A = arith.constant 0 : i32
      %dma_wait3A_197 = arith.constant 0 : i32
      %dma_wait3A_198 = tpu.memref_slice %arg11[%dma_wait3A, %dma_wait3A_197] : memref<64x128xf32, #tpu.memory_space<vmem>> -> memref<64x128xf32, #tpu.memory_space<vmem>>
      %dma_wait3A_199 = arith.constant 0 : i32
      %dma_wait3A_200 = tpu.memref_slice %arg25[%add3A_118, %dma_wait3A_199] : memref<10000x128xf32, #tpu.memory_space<vmem_shared>> -> memref<64x128xf32, #tpu.memory_space<vmem_shared>>
      %dma_wait3A_201 = arith.constant 0 : i32
      %dma_wait3A_202 = tpu.memref_slice %arg25[%add3A_118, %dma_wait3A_201] : memref<10000x128xf32, #tpu.memory_space<vmem_shared>> -> memref<64x128xf32, #tpu.memory_space<vmem_shared>>
      %dma_wait3A_203 = arith.constant 0 : i32
      %dma_wait3A_204 = arith.constant 0 : i32
      %dma_wait3A_205 = tpu.memref_slice %arg11[%dma_wait3A_203, %dma_wait3A_204] : memref<64x128xf32, #tpu.memory_space<vmem>> -> memref<64x128xf32, #tpu.memory_space<vmem>>
      tpu.wait_dma2 semaphore(%run_scoped3A : memref<!tpu.dma_semaphore, #tpu.memory_space<semaphore_mem>>) src(%dma_wait3A_205 : memref<64x128xf32, #tpu.memory_space<vmem>>) dst(%dma_wait3A_202 : memref<64x128xf32, #tpu.memory_space<vmem_shared>>)
      tpu.yield
    }) : () -> ()
    %add3A_119 = arith.constant 576 : i32
    %add3A_120 = arith.addi %mul3A_4, %add3A_119 : i32
    "tpu.region"() ({
      %run_scoped3A = tpu.sem_alloc : memref<!tpu.dma_semaphore, #tpu.memory_space<semaphore_mem>>
      %dma_start3A = arith.constant 0 : i32
      %dma_start3A_188 = arith.constant 0 : i32
      %dma_start3A_189 = tpu.memref_slice %arg11[%dma_start3A, %dma_start3A_188] : memref<64x128xf32, #tpu.memory_space<vmem>> -> memref<48x128xf32, #tpu.memory_space<vmem>>
      %dma_start3A_190 = arith.constant 0 : i32
      %dma_start3A_191 = tpu.memref_slice %arg25[%add3A_120, %dma_start3A_190] : memref<10000x128xf32, #tpu.memory_space<vmem_shared>> -> memref<48x128xf32, #tpu.memory_space<vmem_shared>>
      %dma_start3A_192 = arith.constant 0 : i32
      %dma_start3A_193 = tpu.memref_slice %arg25[%add3A_120, %dma_start3A_192] : memref<10000x128xf32, #tpu.memory_space<vmem_shared>> -> memref<48x128xf32, #tpu.memory_space<vmem_shared>>
      %dma_start3A_194 = arith.constant 0 : i32
      %dma_start3A_195 = arith.constant 0 : i32
      %dma_start3A_196 = tpu.memref_slice %arg11[%dma_start3A_194, %dma_start3A_195] : memref<64x128xf32, #tpu.memory_space<vmem>> -> memref<48x128xf32, #tpu.memory_space<vmem>>
      tpu.enqueue_dma source(%dma_start3A_196 : memref<48x128xf32, #tpu.memory_space<vmem>>) target(%dma_start3A_193 : memref<48x128xf32, #tpu.memory_space<vmem_shared>>) target_semaphore(%run_scoped3A : memref<!tpu.dma_semaphore, #tpu.memory_space<semaphore_mem>>)
      %dma_wait3A = arith.constant 0 : i32
      %dma_wait3A_197 = arith.constant 0 : i32
      %dma_wait3A_198 = tpu.memref_slice %arg11[%dma_wait3A, %dma_wait3A_197] : memref<64x128xf32, #tpu.memory_space<vmem>> -> memref<48x128xf32, #tpu.memory_space<vmem>>
      %dma_wait3A_199 = arith.constant 0 : i32
      %dma_wait3A_200 = tpu.memref_slice %arg25[%add3A_120, %dma_wait3A_199] : memref<10000x128xf32, #tpu.memory_space<vmem_shared>> -> memref<48x128xf32, #tpu.memory_space<vmem_shared>>
      %dma_wait3A_201 = arith.constant 0 : i32
      %dma_wait3A_202 = tpu.memref_slice %arg25[%add3A_120, %dma_wait3A_201] : memref<10000x128xf32, #tpu.memory_space<vmem_shared>> -> memref<48x128xf32, #tpu.memory_space<vmem_shared>>
      %dma_wait3A_203 = arith.constant 0 : i32
      %dma_wait3A_204 = arith.constant 0 : i32
      %dma_wait3A_205 = tpu.memref_slice %arg11[%dma_wait3A_203, %dma_wait3A_204] : memref<64x128xf32, #tpu.memory_space<vmem>> -> memref<48x128xf32, #tpu.memory_space<vmem>>
      tpu.wait_dma2 semaphore(%run_scoped3A : memref<!tpu.dma_semaphore, #tpu.memory_space<semaphore_mem>>) src(%dma_wait3A_205 : memref<48x128xf32, #tpu.memory_space<vmem>>) dst(%dma_wait3A_202 : memref<48x128xf32, #tpu.memory_space<vmem_shared>>)
      tpu.yield
    }) : () -> ()
    %eq3A_121 = arith.constant 15 : i32
    %eq3A_122 = arith.cmpi eq, %arg1, %eq3A_121 : i32
    %convert_element_type3A_123 = arith.extui %eq3A_122 : i1 to i32
    %cond3A_124 = arith.constant 0 : i32
    %cond3A_125 = arith.cmpi ne, %convert_element_type3A_123, %cond3A_124 : i32
    scf.if %cond3A_125 {
      "tpu.region"() ({
        %run_scoped3A = tpu.sem_alloc : memref<!tpu.dma_semaphore, #tpu.memory_space<semaphore_mem>>
        %dma_start3A = arith.constant 0 : i32
        %dma_start3A_188 = arith.constant 0 : i32
        %dma_start3A_189 = tpu.memref_slice %arg11[%dma_start3A, %dma_start3A_188] : memref<64x128xf32, #tpu.memory_space<vmem>> -> memref<16x128xf32, #tpu.memory_space<vmem>>
        %dma_start3A_190 = arith.constant 9984 : i32
        %dma_start3A_191 = arith.constant 0 : i32
        %dma_start3A_192 = tpu.memref_slice %arg25[%dma_start3A_190, %dma_start3A_191] : memref<10000x128xf32, #tpu.memory_space<vmem_shared>> -> memref<16x128xf32, #tpu.memory_space<vmem_shared>>
        %dma_start3A_193 = arith.constant 9984 : i32
        %dma_start3A_194 = arith.constant 0 : i32
        %dma_start3A_195 = tpu.memref_slice %arg25[%dma_start3A_193, %dma_start3A_194] : memref<10000x128xf32, #tpu.memory_space<vmem_shared>> -> memref<16x128xf32, #tpu.memory_space<vmem_shared>>
        %dma_start3A_196 = arith.constant 0 : i32
        %dma_start3A_197 = arith.constant 0 : i32
        %dma_start3A_198 = tpu.memref_slice %arg11[%dma_start3A_196, %dma_start3A_197] : memref<64x128xf32, #tpu.memory_space<vmem>> -> memref<16x128xf32, #tpu.memory_space<vmem>>
        tpu.enqueue_dma source(%dma_start3A_198 : memref<16x128xf32, #tpu.memory_space<vmem>>) target(%dma_start3A_195 : memref<16x128xf32, #tpu.memory_space<vmem_shared>>) target_semaphore(%run_scoped3A : memref<!tpu.dma_semaphore, #tpu.memory_space<semaphore_mem>>)
        %dma_wait3A = arith.constant 0 : i32
        %dma_wait3A_199 = arith.constant 0 : i32
        %dma_wait3A_200 = tpu.memref_slice %arg11[%dma_wait3A, %dma_wait3A_199] : memref<64x128xf32, #tpu.memory_space<vmem>> -> memref<16x128xf32, #tpu.memory_space<vmem>>
        %dma_wait3A_201 = arith.constant 9984 : i32
        %dma_wait3A_202 = arith.constant 0 : i32
        %dma_wait3A_203 = tpu.memref_slice %arg25[%dma_wait3A_201, %dma_wait3A_202] : memref<10000x128xf32, #tpu.memory_space<vmem_shared>> -> memref<16x128xf32, #tpu.memory_space<vmem_shared>>
        %dma_wait3A_204 = arith.constant 9984 : i32
        %dma_wait3A_205 = arith.constant 0 : i32
        %dma_wait3A_206 = tpu.memref_slice %arg25[%dma_wait3A_204, %dma_wait3A_205] : memref<10000x128xf32, #tpu.memory_space<vmem_shared>> -> memref<16x128xf32, #tpu.memory_space<vmem_shared>>
        %dma_wait3A_207 = arith.constant 0 : i32
        %dma_wait3A_208 = arith.constant 0 : i32
        %dma_wait3A_209 = tpu.memref_slice %arg11[%dma_wait3A_207, %dma_wait3A_208] : memref<64x128xf32, #tpu.memory_space<vmem>> -> memref<16x128xf32, #tpu.memory_space<vmem>>
        tpu.wait_dma2 semaphore(%run_scoped3A : memref<!tpu.dma_semaphore, #tpu.memory_space<semaphore_mem>>) src(%dma_wait3A_209 : memref<16x128xf32, #tpu.memory_space<vmem>>) dst(%dma_wait3A_206 : memref<16x128xf32, #tpu.memory_space<vmem_shared>>)
        tpu.yield
      }) : () -> ()
    } else {
    }
    %barrier3A_126 = arith.constant 0 : index
    tpu.barrier barrier_id(%barrier3A_126)
    %scan3A_127 = arith.constant 0 : i32
    %scan3A_128 = arith.constant 40 : i32
    %scan3A_129 = arith.addi %scan3A_127, %scan3A_128 : i32
    %scan3A_130 = arith.constant 1 : i32
    scf.for %scan3A_188 = %scan3A_127 to %scan3A_129 step %scan3A_130  : i32 {
      %mul3A_189 = arith.constant 512 : i32
      %mul3A_190 = arith.muli %scan3A_188, %mul3A_189 : i32
      %add3A_191 = arith.constant 0 : i32
      %add3A_192 = arith.addi %add3A_191, %mul3A_190 : i32
      %add3A_193 = arith.addi %mul3A_0, %add3A_192 : i32
      %add3A_194 = arith.addi %mul3A_2, %add3A_193 : i32
      "tpu.region"() ({
        %run_scoped3A = tpu.sem_alloc : memref<!tpu.dma_semaphore, #tpu.memory_space<semaphore_mem>>
        %dma_start3A = tpu.memref_slice %arg5[%add3A_194] : memref<655360xi32, #tpu.memory_space<hbm>> -> memref<512xi32, #tpu.memory_space<hbm>>
        %dma_start3A_200 = tpu.memref_slice %arg5[%add3A_194] : memref<655360xi32, #tpu.memory_space<hbm>> -> memref<512xi32, #tpu.memory_space<hbm>>
        tpu.enqueue_dma source(%dma_start3A_200 : memref<512xi32, #tpu.memory_space<hbm>>) target(%arg15 : memref<512xi32, #tpu.memory_space<vmem>>) target_semaphore(%run_scoped3A : memref<!tpu.dma_semaphore, #tpu.memory_space<semaphore_mem>>)
        %dma_wait3A = tpu.memref_slice %arg5[%add3A_194] : memref<655360xi32, #tpu.memory_space<hbm>> -> memref<512xi32, #tpu.memory_space<hbm>>
        %dma_wait3A_201 = tpu.memref_slice %arg5[%add3A_194] : memref<655360xi32, #tpu.memory_space<hbm>> -> memref<512xi32, #tpu.memory_space<hbm>>
        tpu.wait_dma2 semaphore(%run_scoped3A : memref<!tpu.dma_semaphore, #tpu.memory_space<semaphore_mem>>) src(%dma_wait3A_201 : memref<512xi32, #tpu.memory_space<hbm>>) dst(%arg15 : memref<512xi32, #tpu.memory_space<vmem>>)
        tpu.yield
      }) : () -> ()
      "tpu.region"() ({
        %run_scoped3A = tpu.sem_alloc : memref<!tpu.dma_semaphore, #tpu.memory_space<semaphore_mem>>
        %dma_start3A = tpu.memref_slice %arg7[%add3A_193] : memref<327680xf32, #tpu.memory_space<hbm>> -> memref<512xf32, #tpu.memory_space<hbm>>
        %dma_start3A_200 = tpu.memref_slice %arg7[%add3A_193] : memref<327680xf32, #tpu.memory_space<hbm>> -> memref<512xf32, #tpu.memory_space<hbm>>
        tpu.enqueue_dma source(%dma_start3A_200 : memref<512xf32, #tpu.memory_space<hbm>>) target(%arg16 : memref<512xf32, #tpu.memory_space<vmem>>) target_semaphore(%run_scoped3A : memref<!tpu.dma_semaphore, #tpu.memory_space<semaphore_mem>>)
        %dma_wait3A = tpu.memref_slice %arg7[%add3A_193] : memref<327680xf32, #tpu.memory_space<hbm>> -> memref<512xf32, #tpu.memory_space<hbm>>
        %dma_wait3A_201 = tpu.memref_slice %arg7[%add3A_193] : memref<327680xf32, #tpu.memory_space<hbm>> -> memref<512xf32, #tpu.memory_space<hbm>>
        tpu.wait_dma2 semaphore(%run_scoped3A : memref<!tpu.dma_semaphore, #tpu.memory_space<semaphore_mem>>) src(%dma_wait3A_201 : memref<512xf32, #tpu.memory_space<hbm>>) dst(%arg16 : memref<512xf32, #tpu.memory_space<vmem>>)
        tpu.yield
      }) : () -> ()
      %scan3A_195 = arith.constant 0 : i32
      %scan3A_196 = arith.constant 4 : i32
      %scan3A_197 = arith.addi %scan3A_195, %scan3A_196 : i32
      %scan3A_198 = arith.constant 1 : i32
      scf.for %scan3A_200 = %scan3A_195 to %scan3A_197 step %scan3A_198  : i32 {
        %mul3A_201 = arith.constant 128 : i32
        %mul3A_202 = arith.muli %scan3A_200, %mul3A_201 : i32
        %add3A_203 = arith.constant 0 : i32
        %add3A_204 = arith.addi %add3A_203, %mul3A_202 : i32
        %add3A_205 = arith.addi %add3A_193, %add3A_204 : i32
        "tpu.region"() ({
          %run_scoped3A = tpu.sem_alloc : memref<!tpu.dma_semaphore, #tpu.memory_space<semaphore_mem>>
          %dma_start3A_380 = tpu.memref_slice %arg4[%add3A_205] : memref<327680xi32, #tpu.memory_space<hbm>> -> memref<64xi32, #tpu.memory_space<hbm>>
          %dma_start3A_381 = tpu.memref_slice %arg4[%add3A_205] : memref<327680xi32, #tpu.memory_space<hbm>> -> memref<64xi32, #tpu.memory_space<hbm>>
          tpu.enqueue_dma source(%dma_start3A_381 : memref<64xi32, #tpu.memory_space<hbm>>) target(%arg18 : memref<64xi32, #tpu.memory_space<vmem>>) target_semaphore(%run_scoped3A : memref<!tpu.dma_semaphore, #tpu.memory_space<semaphore_mem>>)
          %dma_wait3A_382 = tpu.memref_slice %arg4[%add3A_205] : memref<327680xi32, #tpu.memory_space<hbm>> -> memref<64xi32, #tpu.memory_space<hbm>>
          %dma_wait3A_383 = tpu.memref_slice %arg4[%add3A_205] : memref<327680xi32, #tpu.memory_space<hbm>> -> memref<64xi32, #tpu.memory_space<hbm>>
          tpu.wait_dma2 semaphore(%run_scoped3A : memref<!tpu.dma_semaphore, #tpu.memory_space<semaphore_mem>>) src(%dma_wait3A_383 : memref<64xi32, #tpu.memory_space<hbm>>) dst(%arg18 : memref<64xi32, #tpu.memory_space<vmem>>)
          tpu.yield
        }) : () -> ()
        %add3A_206 = arith.addi %add3A_193, %add3A_204 : i32
        %add3A_207 = arith.constant 64 : i32
        %add3A_208 = arith.addi %add3A_206, %add3A_207 : i32
        "tpu.region"() ({
          %run_scoped3A = tpu.sem_alloc : memref<!tpu.dma_semaphore, #tpu.memory_space<semaphore_mem>>
          %dma_start3A_380 = tpu.memref_slice %arg4[%add3A_208] : memref<327680xi32, #tpu.memory_space<hbm>> -> memref<64xi32, #tpu.memory_space<hbm>>
          %dma_start3A_381 = tpu.memref_slice %arg4[%add3A_208] : memref<327680xi32, #tpu.memory_space<hbm>> -> memref<64xi32, #tpu.memory_space<hbm>>
          tpu.enqueue_dma source(%dma_start3A_381 : memref<64xi32, #tpu.memory_space<hbm>>) target(%arg19 : memref<64xi32, #tpu.memory_space<vmem>>) target_semaphore(%run_scoped3A : memref<!tpu.dma_semaphore, #tpu.memory_space<semaphore_mem>>)
          %dma_wait3A_382 = tpu.memref_slice %arg4[%add3A_208] : memref<327680xi32, #tpu.memory_space<hbm>> -> memref<64xi32, #tpu.memory_space<hbm>>
          %dma_wait3A_383 = tpu.memref_slice %arg4[%add3A_208] : memref<327680xi32, #tpu.memory_space<hbm>> -> memref<64xi32, #tpu.memory_space<hbm>>
          tpu.wait_dma2 semaphore(%run_scoped3A : memref<!tpu.dma_semaphore, #tpu.memory_space<semaphore_mem>>) src(%dma_wait3A_383 : memref<64xi32, #tpu.memory_space<hbm>>) dst(%arg19 : memref<64xi32, #tpu.memory_space<vmem>>)
          tpu.yield
        }) : () -> ()
        %add3A_209 = arith.addi %mul3A_2, %add3A_193 : i32
        %add3A_210 = arith.addi %add3A_209, %add3A_204 : i32
        "tpu.region"() ({
          %run_scoped3A = tpu.sem_alloc : memref<!tpu.dma_semaphore, #tpu.memory_space<semaphore_mem>>
          %dma_start3A_380 = tpu.memref_slice %arg6[%add3A_210] : memref<655360xi32, #tpu.memory_space<hbm>> -> memref<64xi32, #tpu.memory_space<hbm>>
          %dma_start3A_381 = tpu.memref_slice %arg6[%add3A_210] : memref<655360xi32, #tpu.memory_space<hbm>> -> memref<64xi32, #tpu.memory_space<hbm>>
          tpu.enqueue_dma source(%dma_start3A_381 : memref<64xi32, #tpu.memory_space<hbm>>) target(%arg13 : memref<64xi32, #tpu.memory_space<vmem>>) target_semaphore(%run_scoped3A : memref<!tpu.dma_semaphore, #tpu.memory_space<semaphore_mem>>)
          %dma_wait3A_382 = tpu.memref_slice %arg6[%add3A_210] : memref<655360xi32, #tpu.memory_space<hbm>> -> memref<64xi32, #tpu.memory_space<hbm>>
          %dma_wait3A_383 = tpu.memref_slice %arg6[%add3A_210] : memref<655360xi32, #tpu.memory_space<hbm>> -> memref<64xi32, #tpu.memory_space<hbm>>
          tpu.wait_dma2 semaphore(%run_scoped3A : memref<!tpu.dma_semaphore, #tpu.memory_space<semaphore_mem>>) src(%dma_wait3A_383 : memref<64xi32, #tpu.memory_space<hbm>>) dst(%arg13 : memref<64xi32, #tpu.memory_space<vmem>>)
          tpu.yield
        }) : () -> ()
        %add3A_211 = arith.addi %mul3A_2, %add3A_193 : i32
        %add3A_212 = arith.addi %add3A_211, %add3A_204 : i32
        %add3A_213 = arith.constant 64 : i32
        %add3A_214 = arith.addi %add3A_212, %add3A_213 : i32
        "tpu.region"() ({
          %run_scoped3A = tpu.sem_alloc : memref<!tpu.dma_semaphore, #tpu.memory_space<semaphore_mem>>
          %dma_start3A_380 = tpu.memref_slice %arg6[%add3A_214] : memref<655360xi32, #tpu.memory_space<hbm>> -> memref<64xi32, #tpu.memory_space<hbm>>
          %dma_start3A_381 = tpu.memref_slice %arg6[%add3A_214] : memref<655360xi32, #tpu.memory_space<hbm>> -> memref<64xi32, #tpu.memory_space<hbm>>
          tpu.enqueue_dma source(%dma_start3A_381 : memref<64xi32, #tpu.memory_space<hbm>>) target(%arg14 : memref<64xi32, #tpu.memory_space<vmem>>) target_semaphore(%run_scoped3A : memref<!tpu.dma_semaphore, #tpu.memory_space<semaphore_mem>>)
          %dma_wait3A_382 = tpu.memref_slice %arg6[%add3A_214] : memref<655360xi32, #tpu.memory_space<hbm>> -> memref<64xi32, #tpu.memory_space<hbm>>
          %dma_wait3A_383 = tpu.memref_slice %arg6[%add3A_214] : memref<655360xi32, #tpu.memory_space<hbm>> -> memref<64xi32, #tpu.memory_space<hbm>>
          tpu.wait_dma2 semaphore(%run_scoped3A : memref<!tpu.dma_semaphore, #tpu.memory_space<semaphore_mem>>) src(%dma_wait3A_383 : memref<64xi32, #tpu.memory_space<hbm>>) dst(%arg14 : memref<64xi32, #tpu.memory_space<vmem>>)
          tpu.yield
        }) : () -> ()
        %dma_start3A = arith.constant 0 : i32
        %dma_start3A_215 = arith.constant 0 : i32
        %dma_start3A_216 = tpu.memref_slice %arg9[%dma_start3A, %dma_start3A_215] : memref<20000x128xf32, #tpu.memory_space<hbm>> -> memref<20000x128xf32, #tpu.memory_space<hbm>>
        tpu.enqueue_indirect_dma source(%dma_start3A_216 : memref<20000x128xf32, #tpu.memory_space<hbm>>) target(%arg11 : memref<64x128xf32, #tpu.memory_space<vmem>>) offsets(%arg13 : memref<64xi32, #tpu.memory_space<vmem>>) semaphore(%arg21 : memref<!tpu.dma_semaphore, #tpu.memory_space<semaphore_mem>>)
        %dma_start3A_217 = arith.constant 0 : i32
        %dma_start3A_218 = arith.constant 0 : i32
        %dma_start3A_219 = tpu.memref_slice %arg9[%dma_start3A_217, %dma_start3A_218] : memref<20000x128xf32, #tpu.memory_space<hbm>> -> memref<20000x128xf32, #tpu.memory_space<hbm>>
        tpu.enqueue_indirect_dma source(%dma_start3A_219 : memref<20000x128xf32, #tpu.memory_space<hbm>>) target(%arg12 : memref<64x128xf32, #tpu.memory_space<vmem>>) offsets(%arg14 : memref<64xi32, #tpu.memory_space<vmem>>) semaphore(%arg22 : memref<!tpu.dma_semaphore, #tpu.memory_space<semaphore_mem>>)
        %add3A_220 = arith.constant 64 : i32
        %add3A_221 = arith.addi %add3A_204, %add3A_220 : i32
        %add3A_222 = arith.constant 0 : i32
        %add3A_223 = arith.addi %add3A_204, %add3A_222 : i32
        %get3A = arith.index_cast %add3A_223 : i32 to index
        %get3A_224 = tpu.vector_load %arg15[%get3A] {strides = array<i32>} : memref<512xi32, #tpu.memory_space<vmem>>, vector<16xi32>,
        %gather3A = tpu.vector_load_idx %arg20[%get3A_224] : memref<10000xf32, #tpu.memory_space<vmem>>[vector<16xi32>], vector<16xf32>,
        %add3A_225 = arith.constant 0 : i32
        %add3A_226 = arith.addi %add3A_204, %add3A_225 : i32
        %get3A_227 = arith.index_cast %add3A_226 : i32 to index
        %get3A_228 = tpu.vector_load %arg16[%get3A_227] {strides = array<i32>} : memref<512xf32, #tpu.memory_space<vmem>>, vector<16xf32>,
        %max3A = arith.constant 1.000000e-30 : f32
        %max3A_229 = vector.broadcast %max3A : f32 to vector<16xf32>
        %max3A_230 = arith.maximumf %gather3A, %max3A_229 : vector<16xf32>
        %div3A = arith.divf %get3A_228, %max3A_230 : vector<16xf32>
        %add3A_231 = arith.constant 0 : i32
        %add3A_232 = arith.addi %add3A_204, %add3A_231 : i32
        %swap3A = arith.index_cast %add3A_232 : i32 to index
        %swap3A_233 = tpu.vector_load %arg17[%swap3A] {strides = array<i32>} : memref<512xf32, #tpu.memory_space<vmem>>, vector<16xf32>,
        tpu.vector_store %arg17[%swap3A], %div3A {strides = array<i32>} : memref<512xf32, #tpu.memory_space<vmem>>, vector<16xf32>,
        %add3A_234 = arith.constant 16 : i32
        %add3A_235 = arith.addi %add3A_204, %add3A_234 : i32
        %get3A_236 = arith.index_cast %add3A_235 : i32 to index
        %get3A_237 = tpu.vector_load %arg15[%get3A_236] {strides = array<i32>} : memref<512xi32, #tpu.memory_space<vmem>>, vector<16xi32>,
        %gather3A_238 = tpu.vector_load_idx %arg20[%get3A_237] : memref<10000xf32, #tpu.memory_space<vmem>>[vector<16xi32>], vector<16xf32>,
        %add3A_239 = arith.constant 16 : i32
        %add3A_240 = arith.addi %add3A_204, %add3A_239 : i32
        %get3A_241 = arith.index_cast %add3A_240 : i32 to index
        %get3A_242 = tpu.vector_load %arg16[%get3A_241] {strides = array<i32>} : memref<512xf32, #tpu.memory_space<vmem>>, vector<16xf32>,
        %max3A_243 = arith.constant 1.000000e-30 : f32
        %max3A_244 = vector.broadcast %max3A_243 : f32 to vector<16xf32>
        %max3A_245 = arith.maximumf %gather3A_238, %max3A_244 : vector<16xf32>
        %div3A_246 = arith.divf %get3A_242, %max3A_245 : vector<16xf32>
        %add3A_247 = arith.constant 16 : i32
        %add3A_248 = arith.addi %add3A_204, %add3A_247 : i32
        %swap3A_249 = arith.index_cast %add3A_248 : i32 to index
        %swap3A_250 = tpu.vector_load %arg17[%swap3A_249] {strides = array<i32>} : memref<512xf32, #tpu.memory_space<vmem>>, vector<16xf32>,
        tpu.vector_store %arg17[%swap3A_249], %div3A_246 {strides = array<i32>} : memref<512xf32, #tpu.memory_space<vmem>>, vector<16xf32>,
        %add3A_251 = arith.constant 32 : i32
        %add3A_252 = arith.addi %add3A_204, %add3A_251 : i32
        %get3A_253 = arith.index_cast %add3A_252 : i32 to index
        %get3A_254 = tpu.vector_load %arg15[%get3A_253] {strides = array<i32>} : memref<512xi32, #tpu.memory_space<vmem>>, vector<16xi32>,
        %gather3A_255 = tpu.vector_load_idx %arg20[%get3A_254] : memref<10000xf32, #tpu.memory_space<vmem>>[vector<16xi32>], vector<16xf32>,
        %add3A_256 = arith.constant 32 : i32
        %add3A_257 = arith.addi %add3A_204, %add3A_256 : i32
        %get3A_258 = arith.index_cast %add3A_257 : i32 to index
        %get3A_259 = tpu.vector_load %arg16[%get3A_258] {strides = array<i32>} : memref<512xf32, #tpu.memory_space<vmem>>, vector<16xf32>,
        %max3A_260 = arith.constant 1.000000e-30 : f32
        %max3A_261 = vector.broadcast %max3A_260 : f32 to vector<16xf32>
        %max3A_262 = arith.maximumf %gather3A_255, %max3A_261 : vector<16xf32>
        %div3A_263 = arith.divf %get3A_259, %max3A_262 : vector<16xf32>
        %add3A_264 = arith.constant 32 : i32
        %add3A_265 = arith.addi %add3A_204, %add3A_264 : i32
        %swap3A_266 = arith.index_cast %add3A_265 : i32 to index
        %swap3A_267 = tpu.vector_load %arg17[%swap3A_266] {strides = array<i32>} : memref<512xf32, #tpu.memory_space<vmem>>, vector<16xf32>,
        tpu.vector_store %arg17[%swap3A_266], %div3A_263 {strides = array<i32>} : memref<512xf32, #tpu.memory_space<vmem>>, vector<16xf32>,
        %add3A_268 = arith.constant 48 : i32
        %add3A_269 = arith.addi %add3A_204, %add3A_268 : i32
        %get3A_270 = arith.index_cast %add3A_269 : i32 to index
        %get3A_271 = tpu.vector_load %arg15[%get3A_270] {strides = array<i32>} : memref<512xi32, #tpu.memory_space<vmem>>, vector<16xi32>,
        %gather3A_272 = tpu.vector_load_idx %arg20[%get3A_271] : memref<10000xf32, #tpu.memory_space<vmem>>[vector<16xi32>], vector<16xf32>,
        %add3A_273 = arith.constant 48 : i32
        %add3A_274 = arith.addi %add3A_204, %add3A_273 : i32
        %get3A_275 = arith.index_cast %add3A_274 : i32 to index
        %get3A_276 = tpu.vector_load %arg16[%get3A_275] {strides = array<i32>} : memref<512xf32, #tpu.memory_space<vmem>>, vector<16xf32>,
        %max3A_277 = arith.constant 1.000000e-30 : f32
        %max3A_278 = vector.broadcast %max3A_277 : f32 to vector<16xf32>
        %max3A_279 = arith.maximumf %gather3A_272, %max3A_278 : vector<16xf32>
        %div3A_280 = arith.divf %get3A_276, %max3A_279 : vector<16xf32>
        %add3A_281 = arith.constant 48 : i32
        %add3A_282 = arith.addi %add3A_204, %add3A_281 : i32
        %swap3A_283 = arith.index_cast %add3A_282 : i32 to index
        %swap3A_284 = tpu.vector_load %arg17[%swap3A_283] {strides = array<i32>} : memref<512xf32, #tpu.memory_space<vmem>>, vector<16xf32>,
        tpu.vector_store %arg17[%swap3A_283], %div3A_280 {strides = array<i32>} : memref<512xf32, #tpu.memory_space<vmem>>, vector<16xf32>,
        %dma_wait3A = arith.constant 0 : i32
        %dma_wait3A_285 = arith.constant 0 : i32
        %dma_wait3A_286 = tpu.memref_slice %arg9[%dma_wait3A, %dma_wait3A_285] : memref<20000x128xf32, #tpu.memory_space<hbm>> -> memref<20000x128xf32, #tpu.memory_space<hbm>>
        tpu.wait_indirect_dma semaphore(%arg21 : memref<!tpu.dma_semaphore, #tpu.memory_space<semaphore_mem>>) src(%dma_wait3A_286 : memref<20000x128xf32, #tpu.memory_space<hbm>>) dst(%arg11 : memref<64x128xf32, #tpu.memory_space<vmem>>)
        %scan3A_287 = arith.constant 0 : i32
        %scan3A_288 = arith.constant 64 : i32
        %scan3A_289 = arith.addi %scan3A_287, %scan3A_288 : i32
        %scan3A_290 = arith.constant 1 : i32
        scf.for %scan3A_380 = %scan3A_287 to %scan3A_289 step %scan3A_290  : i32 {
          %mul3A_381 = arith.constant 1 : i32
          %mul3A_382 = arith.muli %scan3A_380, %mul3A_381 : i32
          %add3A_383 = arith.constant 0 : i32
          %add3A_384 = arith.addi %add3A_383, %mul3A_382 : i32
          %add3A_385 = arith.addi %add3A_204, %add3A_384 : i32
          %add3A_386 = vector.broadcast %add3A_385 : i32 to vector<16xi32>
          %add3A_387 = arith.addi %broadcast_in_dim3A_9, %add3A_386 : vector<16xi32>
          %gather3A_388 = tpu.vector_load_idx %arg17[%add3A_387] : memref<512xf32, #tpu.memory_space<vmem>>[vector<16xi32>], vector<16xf32>,
          %get3A_389 = arith.index_cast %add3A_384 : i32 to index
          %get3A_390 = arith.constant 0 : index
          %get3A_391 = tpu.vector_load %arg11[%get3A_389, %get3A_390] {strides = array<i32>} : memref<64x128xf32, #tpu.memory_space<vmem>>, vector<16xf32>,
          %mul3A_392 = arith.mulf %get3A_391, %gather3A_388 : vector<16xf32>
          %swap3A_393 = arith.index_cast %add3A_384 : i32 to index
          %swap3A_394 = arith.constant 0 : index
          %swap3A_395 = tpu.vector_load %arg11[%swap3A_393, %swap3A_394] {strides = array<i32>} : memref<64x128xf32, #tpu.memory_space<vmem>>, vector<16xf32>,
          tpu.vector_store %arg11[%swap3A_393, %swap3A_394], %mul3A_392 {strides = array<i32>} : memref<64x128xf32, #tpu.memory_space<vmem>>, vector<16xf32>,
          %get3A_396 = arith.index_cast %add3A_384 : i32 to index
          %get3A_397 = arith.constant 16 : index
          %get3A_398 = tpu.vector_load %arg11[%get3A_396, %get3A_397] {strides = array<i32>} : memref<64x128xf32, #tpu.memory_space<vmem>>, vector<16xf32>,
          %mul3A_399 = arith.mulf %get3A_398, %gather3A_388 : vector<16xf32>
          %swap3A_400 = arith.index_cast %add3A_384 : i32 to index
          %swap3A_401 = arith.constant 16 : index
          %swap3A_402 = tpu.vector_load %arg11[%swap3A_400, %swap3A_401] {strides = array<i32>} : memref<64x128xf32, #tpu.memory_space<vmem>>, vector<16xf32>,
          tpu.vector_store %arg11[%swap3A_400, %swap3A_401], %mul3A_399 {strides = array<i32>} : memref<64x128xf32, #tpu.memory_space<vmem>>, vector<16xf32>,
          %get3A_403 = arith.index_cast %add3A_384 : i32 to index
          %get3A_404 = arith.constant 32 : index
          %get3A_405 = tpu.vector_load %arg11[%get3A_403, %get3A_404] {strides = array<i32>} : memref<64x128xf32, #tpu.memory_space<vmem>>, vector<16xf32>,
          %mul3A_406 = arith.mulf %get3A_405, %gather3A_388 : vector<16xf32>
          %swap3A_407 = arith.index_cast %add3A_384 : i32 to index
          %swap3A_408 = arith.constant 32 : index
          %swap3A_409 = tpu.vector_load %arg11[%swap3A_407, %swap3A_408] {strides = array<i32>} : memref<64x128xf32, #tpu.memory_space<vmem>>, vector<16xf32>,
          tpu.vector_store %arg11[%swap3A_407, %swap3A_408], %mul3A_406 {strides = array<i32>} : memref<64x128xf32, #tpu.memory_space<vmem>>, vector<16xf32>,
          %get3A_410 = arith.index_cast %add3A_384 : i32 to index
          %get3A_411 = arith.constant 48 : index
          %get3A_412 = tpu.vector_load %arg11[%get3A_410, %get3A_411] {strides = array<i32>} : memref<64x128xf32, #tpu.memory_space<vmem>>, vector<16xf32>,
          %mul3A_413 = arith.mulf %get3A_412, %gather3A_388 : vector<16xf32>
          %swap3A_414 = arith.index_cast %add3A_384 : i32 to index
          %swap3A_415 = arith.constant 48 : index
          %swap3A_416 = tpu.vector_load %arg11[%swap3A_414, %swap3A_415] {strides = array<i32>} : memref<64x128xf32, #tpu.memory_space<vmem>>, vector<16xf32>,
          tpu.vector_store %arg11[%swap3A_414, %swap3A_415], %mul3A_413 {strides = array<i32>} : memref<64x128xf32, #tpu.memory_space<vmem>>, vector<16xf32>,
          %get3A_417 = arith.index_cast %add3A_384 : i32 to index
          %get3A_418 = arith.constant 64 : index
          %get3A_419 = tpu.vector_load %arg11[%get3A_417, %get3A_418] {strides = array<i32>} : memref<64x128xf32, #tpu.memory_space<vmem>>, vector<16xf32>,
          %mul3A_420 = arith.mulf %get3A_419, %gather3A_388 : vector<16xf32>
          %swap3A_421 = arith.index_cast %add3A_384 : i32 to index
          %swap3A_422 = arith.constant 64 : index
          %swap3A_423 = tpu.vector_load %arg11[%swap3A_421, %swap3A_422] {strides = array<i32>} : memref<64x128xf32, #tpu.memory_space<vmem>>, vector<16xf32>,
          tpu.vector_store %arg11[%swap3A_421, %swap3A_422], %mul3A_420 {strides = array<i32>} : memref<64x128xf32, #tpu.memory_space<vmem>>, vector<16xf32>,
          %get3A_424 = arith.index_cast %add3A_384 : i32 to index
          %get3A_425 = arith.constant 80 : index
          %get3A_426 = tpu.vector_load %arg11[%get3A_424, %get3A_425] {strides = array<i32>} : memref<64x128xf32, #tpu.memory_space<vmem>>, vector<16xf32>,
          %mul3A_427 = arith.mulf %get3A_426, %gather3A_388 : vector<16xf32>
          %swap3A_428 = arith.index_cast %add3A_384 : i32 to index
          %swap3A_429 = arith.constant 80 : index
          %swap3A_430 = tpu.vector_load %arg11[%swap3A_428, %swap3A_429] {strides = array<i32>} : memref<64x128xf32, #tpu.memory_space<vmem>>, vector<16xf32>,
          tpu.vector_store %arg11[%swap3A_428, %swap3A_429], %mul3A_427 {strides = array<i32>} : memref<64x128xf32, #tpu.memory_space<vmem>>, vector<16xf32>,
          %get3A_431 = arith.index_cast %add3A_384 : i32 to index
          %get3A_432 = arith.constant 96 : index
          %get3A_433 = tpu.vector_load %arg11[%get3A_431, %get3A_432] {strides = array<i32>} : memref<64x128xf32, #tpu.memory_space<vmem>>, vector<16xf32>,
          %mul3A_434 = arith.mulf %get3A_433, %gather3A_388 : vector<16xf32>
          %swap3A_435 = arith.index_cast %add3A_384 : i32 to index
          %swap3A_436 = arith.constant 96 : index
          %swap3A_437 = tpu.vector_load %arg11[%swap3A_435, %swap3A_436] {strides = array<i32>} : memref<64x128xf32, #tpu.memory_space<vmem>>, vector<16xf32>,
          tpu.vector_store %arg11[%swap3A_435, %swap3A_436], %mul3A_434 {strides = array<i32>} : memref<64x128xf32, #tpu.memory_space<vmem>>, vector<16xf32>,
          %get3A_438 = arith.index_cast %add3A_384 : i32 to index
          %get3A_439 = arith.constant 112 : index
          %get3A_440 = tpu.vector_load %arg11[%get3A_438, %get3A_439] {strides = array<i32>} : memref<64x128xf32, #tpu.memory_space<vmem>>, vector<16xf32>,
          %mul3A_441 = arith.mulf %get3A_440, %gather3A_388 : vector<16xf32>
          %swap3A_442 = arith.index_cast %add3A_384 : i32 to index
          %swap3A_443 = arith.constant 112 : index
          %swap3A_444 = tpu.vector_load %arg11[%swap3A_442, %swap3A_443] {strides = array<i32>} : memref<64x128xf32, #tpu.memory_space<vmem>>, vector<16xf32>,
          tpu.vector_store %arg11[%swap3A_442, %swap3A_443], %mul3A_441 {strides = array<i32>} : memref<64x128xf32, #tpu.memory_space<vmem>>, vector<16xf32>,
        }
        %scan3A_291 = arith.constant 64 : i32
        %dma_start3A_292 = arith.constant 0 : i32
        %dma_start3A_293 = arith.constant 0 : i32
        %dma_start3A_294 = tpu.memref_slice %arg25[%dma_start3A_292, %dma_start3A_293] : memref<10000x128xf32, #tpu.memory_space<vmem_shared>> -> memref<10000x128xf32, #tpu.memory_space<vmem_shared>>
        tpu.enqueue_indirect_dma source(%arg11 : memref<64x128xf32, #tpu.memory_space<vmem>>) target(%dma_start3A_294 : memref<10000x128xf32, #tpu.memory_space<vmem_shared>>) offsets(%arg18 : memref<64xi32, #tpu.memory_space<vmem>>) semaphore(%arg23 : memref<!tpu.dma_semaphore, #tpu.memory_space<semaphore_mem>>) {add = true}
        %add3A_295 = arith.constant 0 : i32
        %add3A_296 = arith.addi %add3A_221, %add3A_295 : i32
        %get3A_297 = arith.index_cast %add3A_296 : i32 to index
        %get3A_298 = tpu.vector_load %arg15[%get3A_297] {strides = array<i32>} : memref<512xi32, #tpu.memory_space<vmem>>, vector<16xi32>,
        %gather3A_299 = tpu.vector_load_idx %arg20[%get3A_298] : memref<10000xf32, #tpu.memory_space<vmem>>[vector<16xi32>], vector<16xf32>,
        %add3A_300 = arith.constant 0 : i32
        %add3A_301 = arith.addi %add3A_221, %add3A_300 : i32
        %get3A_302 = arith.index_cast %add3A_301 : i32 to index
        %get3A_303 = tpu.vector_load %arg16[%get3A_302] {strides = array<i32>} : memref<512xf32, #tpu.memory_space<vmem>>, vector<16xf32>,
        %max3A_304 = arith.constant 1.000000e-30 : f32
        %max3A_305 = vector.broadcast %max3A_304 : f32 to vector<16xf32>
        %max3A_306 = arith.maximumf %gather3A_299, %max3A_305 : vector<16xf32>
        %div3A_307 = arith.divf %get3A_303, %max3A_306 : vector<16xf32>
        %add3A_308 = arith.constant 0 : i32
        %add3A_309 = arith.addi %add3A_221, %add3A_308 : i32
        %swap3A_310 = arith.index_cast %add3A_309 : i32 to index
        %swap3A_311 = tpu.vector_load %arg17[%swap3A_310] {strides = array<i32>} : memref<512xf32, #tpu.memory_space<vmem>>, vector<16xf32>,
        tpu.vector_store %arg17[%swap3A_310], %div3A_307 {strides = array<i32>} : memref<512xf32, #tpu.memory_space<vmem>>, vector<16xf32>,
        %add3A_312 = arith.constant 16 : i32
        %add3A_313 = arith.addi %add3A_221, %add3A_312 : i32
        %get3A_314 = arith.index_cast %add3A_313 : i32 to index
        %get3A_315 = tpu.vector_load %arg15[%get3A_314] {strides = array<i32>} : memref<512xi32, #tpu.memory_space<vmem>>, vector<16xi32>,
        %gather3A_316 = tpu.vector_load_idx %arg20[%get3A_315] : memref<10000xf32, #tpu.memory_space<vmem>>[vector<16xi32>], vector<16xf32>,
        %add3A_317 = arith.constant 16 : i32
        %add3A_318 = arith.addi %add3A_221, %add3A_317 : i32
        %get3A_319 = arith.index_cast %add3A_318 : i32 to index
        %get3A_320 = tpu.vector_load %arg16[%get3A_319] {strides = array<i32>} : memref<512xf32, #tpu.memory_space<vmem>>, vector<16xf32>,
        %max3A_321 = arith.constant 1.000000e-30 : f32
        %max3A_322 = vector.broadcast %max3A_321 : f32 to vector<16xf32>
        %max3A_323 = arith.maximumf %gather3A_316, %max3A_322 : vector<16xf32>
        %div3A_324 = arith.divf %get3A_320, %max3A_323 : vector<16xf32>
        %add3A_325 = arith.constant 16 : i32
        %add3A_326 = arith.addi %add3A_221, %add3A_325 : i32
        %swap3A_327 = arith.index_cast %add3A_326 : i32 to index
        %swap3A_328 = tpu.vector_load %arg17[%swap3A_327] {strides = array<i32>} : memref<512xf32, #tpu.memory_space<vmem>>, vector<16xf32>,
        tpu.vector_store %arg17[%swap3A_327], %div3A_324 {strides = array<i32>} : memref<512xf32, #tpu.memory_space<vmem>>, vector<16xf32>,
        %add3A_329 = arith.constant 32 : i32
        %add3A_330 = arith.addi %add3A_221, %add3A_329 : i32
        %get3A_331 = arith.index_cast %add3A_330 : i32 to index
        %get3A_332 = tpu.vector_load %arg15[%get3A_331] {strides = array<i32>} : memref<512xi32, #tpu.memory_space<vmem>>, vector<16xi32>,
        %gather3A_333 = tpu.vector_load_idx %arg20[%get3A_332] : memref<10000xf32, #tpu.memory_space<vmem>>[vector<16xi32>], vector<16xf32>,
        %add3A_334 = arith.constant 32 : i32
        %add3A_335 = arith.addi %add3A_221, %add3A_334 : i32
        %get3A_336 = arith.index_cast %add3A_335 : i32 to index
        %get3A_337 = tpu.vector_load %arg16[%get3A_336] {strides = array<i32>} : memref<512xf32, #tpu.memory_space<vmem>>, vector<16xf32>,
        %max3A_338 = arith.constant 1.000000e-30 : f32
        %max3A_339 = vector.broadcast %max3A_338 : f32 to vector<16xf32>
        %max3A_340 = arith.maximumf %gather3A_333, %max3A_339 : vector<16xf32>
        %div3A_341 = arith.divf %get3A_337, %max3A_340 : vector<16xf32>
        %add3A_342 = arith.constant 32 : i32
        %add3A_343 = arith.addi %add3A_221, %add3A_342 : i32
        %swap3A_344 = arith.index_cast %add3A_343 : i32 to index
        %swap3A_345 = tpu.vector_load %arg17[%swap3A_344] {strides = array<i32>} : memref<512xf32, #tpu.memory_space<vmem>>, vector<16xf32>,
        tpu.vector_store %arg17[%swap3A_344], %div3A_341 {strides = array<i32>} : memref<512xf32, #tpu.memory_space<vmem>>, vector<16xf32>,
        %add3A_346 = arith.constant 48 : i32
        %add3A_347 = arith.addi %add3A_221, %add3A_346 : i32
        %get3A_348 = arith.index_cast %add3A_347 : i32 to index
        %get3A_349 = tpu.vector_load %arg15[%get3A_348] {strides = array<i32>} : memref<512xi32, #tpu.memory_space<vmem>>, vector<16xi32>,
        %gather3A_350 = tpu.vector_load_idx %arg20[%get3A_349] : memref<10000xf32, #tpu.memory_space<vmem>>[vector<16xi32>], vector<16xf32>,
        %add3A_351 = arith.constant 48 : i32
        %add3A_352 = arith.addi %add3A_221, %add3A_351 : i32
        %get3A_353 = arith.index_cast %add3A_352 : i32 to index
        %get3A_354 = tpu.vector_load %arg16[%get3A_353] {strides = array<i32>} : memref<512xf32, #tpu.memory_space<vmem>>, vector<16xf32>,
        %max3A_355 = arith.constant 1.000000e-30 : f32
        %max3A_356 = vector.broadcast %max3A_355 : f32 to vector<16xf32>
        %max3A_357 = arith.maximumf %gather3A_350, %max3A_356 : vector<16xf32>
        %div3A_358 = arith.divf %get3A_354, %max3A_357 : vector<16xf32>
        %add3A_359 = arith.constant 48 : i32
        %add3A_360 = arith.addi %add3A_221, %add3A_359 : i32
        %swap3A_361 = arith.index_cast %add3A_360 : i32 to index
        %swap3A_362 = tpu.vector_load %arg17[%swap3A_361] {strides = array<i32>} : memref<512xf32, #tpu.memory_space<vmem>>, vector<16xf32>,
        tpu.vector_store %arg17[%swap3A_361], %div3A_358 {strides = array<i32>} : memref<512xf32, #tpu.memory_space<vmem>>, vector<16xf32>,
        %dma_wait3A_363 = arith.constant 0 : i32
        %dma_wait3A_364 = arith.constant 0 : i32
        %dma_wait3A_365 = tpu.memref_slice %arg9[%dma_wait3A_363, %dma_wait3A_364] : memref<20000x128xf32, #tpu.memory_space<hbm>> -> memref<20000x128xf32, #tpu.memory_space<hbm>>
        tpu.wait_indirect_dma semaphore(%arg22 : memref<!tpu.dma_semaphore, #tpu.memory_space<semaphore_mem>>) src(%dma_wait3A_365 : memref<20000x128xf32, #tpu.memory_space<hbm>>) dst(%arg12 : memref<64x128xf32, #tpu.memory_space<vmem>>)
        %scan3A_366 = arith.constant 0 : i32
        %scan3A_367 = arith.constant 64 : i32
        %scan3A_368 = arith.addi %scan3A_366, %scan3A_367 : i32
        %scan3A_369 = arith.constant 1 : i32
        scf.for %scan3A_380 = %scan3A_366 to %scan3A_368 step %scan3A_369  : i32 {
          %mul3A_381 = arith.constant 1 : i32
          %mul3A_382 = arith.muli %scan3A_380, %mul3A_381 : i32
          %add3A_383 = arith.constant 0 : i32
          %add3A_384 = arith.addi %add3A_383, %mul3A_382 : i32
          %add3A_385 = arith.addi %add3A_221, %add3A_384 : i32
          %add3A_386 = vector.broadcast %add3A_385 : i32 to vector<16xi32>
          %add3A_387 = arith.addi %broadcast_in_dim3A_9, %add3A_386 : vector<16xi32>
          %gather3A_388 = tpu.vector_load_idx %arg17[%add3A_387] : memref<512xf32, #tpu.memory_space<vmem>>[vector<16xi32>], vector<16xf32>,
          %get3A_389 = arith.index_cast %add3A_384 : i32 to index
          %get3A_390 = arith.constant 0 : index
          %get3A_391 = tpu.vector_load %arg12[%get3A_389, %get3A_390] {strides = array<i32>} : memref<64x128xf32, #tpu.memory_space<vmem>>, vector<16xf32>,
          %mul3A_392 = arith.mulf %get3A_391, %gather3A_388 : vector<16xf32>
          %swap3A_393 = arith.index_cast %add3A_384 : i32 to index
          %swap3A_394 = arith.constant 0 : index
          %swap3A_395 = tpu.vector_load %arg12[%swap3A_393, %swap3A_394] {strides = array<i32>} : memref<64x128xf32, #tpu.memory_space<vmem>>, vector<16xf32>,
          tpu.vector_store %arg12[%swap3A_393, %swap3A_394], %mul3A_392 {strides = array<i32>} : memref<64x128xf32, #tpu.memory_space<vmem>>, vector<16xf32>,
          %get3A_396 = arith.index_cast %add3A_384 : i32 to index
          %get3A_397 = arith.constant 16 : index
          %get3A_398 = tpu.vector_load %arg12[%get3A_396, %get3A_397] {strides = array<i32>} : memref<64x128xf32, #tpu.memory_space<vmem>>, vector<16xf32>,
          %mul3A_399 = arith.mulf %get3A_398, %gather3A_388 : vector<16xf32>
          %swap3A_400 = arith.index_cast %add3A_384 : i32 to index
          %swap3A_401 = arith.constant 16 : index
          %swap3A_402 = tpu.vector_load %arg12[%swap3A_400, %swap3A_401] {strides = array<i32>} : memref<64x128xf32, #tpu.memory_space<vmem>>, vector<16xf32>,
          tpu.vector_store %arg12[%swap3A_400, %swap3A_401], %mul3A_399 {strides = array<i32>} : memref<64x128xf32, #tpu.memory_space<vmem>>, vector<16xf32>,
          %get3A_403 = arith.index_cast %add3A_384 : i32 to index
          %get3A_404 = arith.constant 32 : index
          %get3A_405 = tpu.vector_load %arg12[%get3A_403, %get3A_404] {strides = array<i32>} : memref<64x128xf32, #tpu.memory_space<vmem>>, vector<16xf32>,
          %mul3A_406 = arith.mulf %get3A_405, %gather3A_388 : vector<16xf32>
          %swap3A_407 = arith.index_cast %add3A_384 : i32 to index
          %swap3A_408 = arith.constant 32 : index
          %swap3A_409 = tpu.vector_load %arg12[%swap3A_407, %swap3A_408] {strides = array<i32>} : memref<64x128xf32, #tpu.memory_space<vmem>>, vector<16xf32>,
          tpu.vector_store %arg12[%swap3A_407, %swap3A_408], %mul3A_406 {strides = array<i32>} : memref<64x128xf32, #tpu.memory_space<vmem>>, vector<16xf32>,
          %get3A_410 = arith.index_cast %add3A_384 : i32 to index
          %get3A_411 = arith.constant 48 : index
          %get3A_412 = tpu.vector_load %arg12[%get3A_410, %get3A_411] {strides = array<i32>} : memref<64x128xf32, #tpu.memory_space<vmem>>, vector<16xf32>,
          %mul3A_413 = arith.mulf %get3A_412, %gather3A_388 : vector<16xf32>
          %swap3A_414 = arith.index_cast %add3A_384 : i32 to index
          %swap3A_415 = arith.constant 48 : index
          %swap3A_416 = tpu.vector_load %arg12[%swap3A_414, %swap3A_415] {strides = array<i32>} : memref<64x128xf32, #tpu.memory_space<vmem>>, vector<16xf32>,
          tpu.vector_store %arg12[%swap3A_414, %swap3A_415], %mul3A_413 {strides = array<i32>} : memref<64x128xf32, #tpu.memory_space<vmem>>, vector<16xf32>,
          %get3A_417 = arith.index_cast %add3A_384 : i32 to index
          %get3A_418 = arith.constant 64 : index
          %get3A_419 = tpu.vector_load %arg12[%get3A_417, %get3A_418] {strides = array<i32>} : memref<64x128xf32, #tpu.memory_space<vmem>>, vector<16xf32>,
          %mul3A_420 = arith.mulf %get3A_419, %gather3A_388 : vector<16xf32>
          %swap3A_421 = arith.index_cast %add3A_384 : i32 to index
          %swap3A_422 = arith.constant 64 : index
          %swap3A_423 = tpu.vector_load %arg12[%swap3A_421, %swap3A_422] {strides = array<i32>} : memref<64x128xf32, #tpu.memory_space<vmem>>, vector<16xf32>,
          tpu.vector_store %arg12[%swap3A_421, %swap3A_422], %mul3A_420 {strides = array<i32>} : memref<64x128xf32, #tpu.memory_space<vmem>>, vector<16xf32>,
          %get3A_424 = arith.index_cast %add3A_384 : i32 to index
          %get3A_425 = arith.constant 80 : index
          %get3A_426 = tpu.vector_load %arg12[%get3A_424, %get3A_425] {strides = array<i32>} : memref<64x128xf32, #tpu.memory_space<vmem>>, vector<16xf32>,
          %mul3A_427 = arith.mulf %get3A_426, %gather3A_388 : vector<16xf32>
          %swap3A_428 = arith.index_cast %add3A_384 : i32 to index
          %swap3A_429 = arith.constant 80 : index
          %swap3A_430 = tpu.vector_load %arg12[%swap3A_428, %swap3A_429] {strides = array<i32>} : memref<64x128xf32, #tpu.memory_space<vmem>>, vector<16xf32>,
          tpu.vector_store %arg12[%swap3A_428, %swap3A_429], %mul3A_427 {strides = array<i32>} : memref<64x128xf32, #tpu.memory_space<vmem>>, vector<16xf32>,
          %get3A_431 = arith.index_cast %add3A_384 : i32 to index
          %get3A_432 = arith.constant 96 : index
          %get3A_433 = tpu.vector_load %arg12[%get3A_431, %get3A_432] {strides = array<i32>} : memref<64x128xf32, #tpu.memory_space<vmem>>, vector<16xf32>,
          %mul3A_434 = arith.mulf %get3A_433, %gather3A_388 : vector<16xf32>
          %swap3A_435 = arith.index_cast %add3A_384 : i32 to index
          %swap3A_436 = arith.constant 96 : index
          %swap3A_437 = tpu.vector_load %arg12[%swap3A_435, %swap3A_436] {strides = array<i32>} : memref<64x128xf32, #tpu.memory_space<vmem>>, vector<16xf32>,
          tpu.vector_store %arg12[%swap3A_435, %swap3A_436], %mul3A_434 {strides = array<i32>} : memref<64x128xf32, #tpu.memory_space<vmem>>, vector<16xf32>,
          %get3A_438 = arith.index_cast %add3A_384 : i32 to index
          %get3A_439 = arith.constant 112 : index
          %get3A_440 = tpu.vector_load %arg12[%get3A_438, %get3A_439] {strides = array<i32>} : memref<64x128xf32, #tpu.memory_space<vmem>>, vector<16xf32>,
          %mul3A_441 = arith.mulf %get3A_440, %gather3A_388 : vector<16xf32>
          %swap3A_442 = arith.index_cast %add3A_384 : i32 to index
          %swap3A_443 = arith.constant 112 : index
          %swap3A_444 = tpu.vector_load %arg12[%swap3A_442, %swap3A_443] {strides = array<i32>} : memref<64x128xf32, #tpu.memory_space<vmem>>, vector<16xf32>,
          tpu.vector_store %arg12[%swap3A_442, %swap3A_443], %mul3A_441 {strides = array<i32>} : memref<64x128xf32, #tpu.memory_space<vmem>>, vector<16xf32>,
        }
        %scan3A_370 = arith.constant 64 : i32
        %dma_start3A_371 = arith.constant 0 : i32
        %dma_start3A_372 = arith.constant 0 : i32
        %dma_start3A_373 = tpu.memref_slice %arg25[%dma_start3A_371, %dma_start3A_372] : memref<10000x128xf32, #tpu.memory_space<vmem_shared>> -> memref<10000x128xf32, #tpu.memory_space<vmem_shared>>
        tpu.enqueue_indirect_dma source(%arg12 : memref<64x128xf32, #tpu.memory_space<vmem>>) target(%dma_start3A_373 : memref<10000x128xf32, #tpu.memory_space<vmem_shared>>) offsets(%arg19 : memref<64xi32, #tpu.memory_space<vmem>>) semaphore(%arg24 : memref<!tpu.dma_semaphore, #tpu.memory_space<semaphore_mem>>) {add = true}
        %dma_wait3A_374 = arith.constant 0 : i32
        %dma_wait3A_375 = arith.constant 0 : i32
        %dma_wait3A_376 = tpu.memref_slice %arg25[%dma_wait3A_374, %dma_wait3A_375] : memref<10000x128xf32, #tpu.memory_space<vmem_shared>> -> memref<10000x128xf32, #tpu.memory_space<vmem_shared>>
        tpu.wait_indirect_dma semaphore(%arg23 : memref<!tpu.dma_semaphore, #tpu.memory_space<semaphore_mem>>) src(%arg11 : memref<64x128xf32, #tpu.memory_space<vmem>>) dst(%dma_wait3A_376 : memref<10000x128xf32, #tpu.memory_space<vmem_shared>>)
        %dma_wait3A_377 = arith.constant 0 : i32
        %dma_wait3A_378 = arith.constant 0 : i32
        %dma_wait3A_379 = tpu.memref_slice %arg25[%dma_wait3A_377, %dma_wait3A_378] : memref<10000x128xf32, #tpu.memory_space<vmem_shared>> -> memref<10000x128xf32, #tpu.memory_space<vmem_shared>>
        tpu.wait_indirect_dma semaphore(%arg24 : memref<!tpu.dma_semaphore, #tpu.memory_space<semaphore_mem>>) src(%arg12 : memref<64x128xf32, #tpu.memory_space<vmem>>) dst(%dma_wait3A_379 : memref<10000x128xf32, #tpu.memory_space<vmem_shared>>)
      }
      %scan3A_199 = arith.constant 4 : i32
    }
    %scan3A_131 = arith.constant 40 : i32
    %barrier3A_132 = arith.constant 0 : index
    tpu.barrier barrier_id(%barrier3A_132)
    %add3A_133 = arith.constant 0 : i32
    %add3A_134 = arith.addi %mul3A_4, %add3A_133 : i32
    "tpu.region"() ({
      %run_scoped3A = tpu.sem_alloc : memref<!tpu.dma_semaphore, #tpu.memory_space<semaphore_mem>>
      %dma_start3A = arith.constant 0 : i32
      %dma_start3A_188 = arith.constant 0 : i32
      %dma_start3A_189 = tpu.memref_slice %arg11[%dma_start3A, %dma_start3A_188] : memref<64x128xf32, #tpu.memory_space<vmem>> -> memref<64x128xf32, #tpu.memory_space<vmem>>
      %dma_start3A_190 = arith.constant 0 : i32
      %dma_start3A_191 = tpu.memref_slice %arg25[%add3A_134, %dma_start3A_190] : memref<10000x128xf32, #tpu.memory_space<vmem_shared>> -> memref<64x128xf32, #tpu.memory_space<vmem_shared>>
      %dma_start3A_192 = arith.constant 0 : i32
      %dma_start3A_193 = arith.constant 0 : i32
      %dma_start3A_194 = tpu.memref_slice %arg11[%dma_start3A_192, %dma_start3A_193] : memref<64x128xf32, #tpu.memory_space<vmem>> -> memref<64x128xf32, #tpu.memory_space<vmem>>
      %dma_start3A_195 = arith.constant 0 : i32
      %dma_start3A_196 = tpu.memref_slice %arg25[%add3A_134, %dma_start3A_195] : memref<10000x128xf32, #tpu.memory_space<vmem_shared>> -> memref<64x128xf32, #tpu.memory_space<vmem_shared>>
      tpu.enqueue_dma source(%dma_start3A_196 : memref<64x128xf32, #tpu.memory_space<vmem_shared>>) target(%dma_start3A_194 : memref<64x128xf32, #tpu.memory_space<vmem>>) target_semaphore(%run_scoped3A : memref<!tpu.dma_semaphore, #tpu.memory_space<semaphore_mem>>)
      %dma_wait3A = arith.constant 0 : i32
      %dma_wait3A_197 = arith.constant 0 : i32
      %dma_wait3A_198 = tpu.memref_slice %arg11[%dma_wait3A, %dma_wait3A_197] : memref<64x128xf32, #tpu.memory_space<vmem>> -> memref<64x128xf32, #tpu.memory_space<vmem>>
      %dma_wait3A_199 = arith.constant 0 : i32
      %dma_wait3A_200 = tpu.memref_slice %arg25[%add3A_134, %dma_wait3A_199] : memref<10000x128xf32, #tpu.memory_space<vmem_shared>> -> memref<64x128xf32, #tpu.memory_space<vmem_shared>>
      %dma_wait3A_201 = arith.constant 0 : i32
      %dma_wait3A_202 = arith.constant 0 : i32
      %dma_wait3A_203 = tpu.memref_slice %arg11[%dma_wait3A_201, %dma_wait3A_202] : memref<64x128xf32, #tpu.memory_space<vmem>> -> memref<64x128xf32, #tpu.memory_space<vmem>>
      %dma_wait3A_204 = arith.constant 0 : i32
      %dma_wait3A_205 = tpu.memref_slice %arg25[%add3A_134, %dma_wait3A_204] : memref<10000x128xf32, #tpu.memory_space<vmem_shared>> -> memref<64x128xf32, #tpu.memory_space<vmem_shared>>
      tpu.wait_dma2 semaphore(%run_scoped3A : memref<!tpu.dma_semaphore, #tpu.memory_space<semaphore_mem>>) src(%dma_wait3A_205 : memref<64x128xf32, #tpu.memory_space<vmem_shared>>) dst(%dma_wait3A_203 : memref<64x128xf32, #tpu.memory_space<vmem>>)
      tpu.yield
    }) : () -> ()
    %add3A_135 = arith.addi %mul3A_6, %mul3A_4 : i32
    %add3A_136 = arith.constant 0 : i32
    %add3A_137 = arith.addi %add3A_135, %add3A_136 : i32
    "tpu.region"() ({
      %run_scoped3A = tpu.sem_alloc : memref<!tpu.dma_semaphore, #tpu.memory_space<semaphore_mem>>
      %dma_start3A = arith.constant 0 : i32
      %dma_start3A_188 = arith.constant 0 : i32
      %dma_start3A_189 = tpu.memref_slice %arg11[%dma_start3A, %dma_start3A_188] : memref<64x128xf32, #tpu.memory_space<vmem>> -> memref<64x128xf32, #tpu.memory_space<vmem>>
      %dma_start3A_190 = arith.constant 0 : i32
      %dma_start3A_191 = tpu.memref_slice %arg10[%add3A_137, %dma_start3A_190] : memref<20000x128xf32, #tpu.memory_space<hbm>> -> memref<64x128xf32, #tpu.memory_space<hbm>>
      %dma_start3A_192 = arith.constant 0 : i32
      %dma_start3A_193 = tpu.memref_slice %arg10[%add3A_137, %dma_start3A_192] : memref<20000x128xf32, #tpu.memory_space<hbm>> -> memref<64x128xf32, #tpu.memory_space<hbm>>
      %dma_start3A_194 = arith.constant 0 : i32
      %dma_start3A_195 = arith.constant 0 : i32
      %dma_start3A_196 = tpu.memref_slice %arg11[%dma_start3A_194, %dma_start3A_195] : memref<64x128xf32, #tpu.memory_space<vmem>> -> memref<64x128xf32, #tpu.memory_space<vmem>>
      tpu.enqueue_dma source(%dma_start3A_196 : memref<64x128xf32, #tpu.memory_space<vmem>>) target(%dma_start3A_193 : memref<64x128xf32, #tpu.memory_space<hbm>>) target_semaphore(%run_scoped3A : memref<!tpu.dma_semaphore, #tpu.memory_space<semaphore_mem>>)
      %dma_wait3A = arith.constant 0 : i32
      %dma_wait3A_197 = arith.constant 0 : i32
      %dma_wait3A_198 = tpu.memref_slice %arg11[%dma_wait3A, %dma_wait3A_197] : memref<64x128xf32, #tpu.memory_space<vmem>> -> memref<64x128xf32, #tpu.memory_space<vmem>>
      %dma_wait3A_199 = arith.constant 0 : i32
      %dma_wait3A_200 = tpu.memref_slice %arg10[%add3A_137, %dma_wait3A_199] : memref<20000x128xf32, #tpu.memory_space<hbm>> -> memref<64x128xf32, #tpu.memory_space<hbm>>
      %dma_wait3A_201 = arith.constant 0 : i32
      %dma_wait3A_202 = tpu.memref_slice %arg10[%add3A_137, %dma_wait3A_201] : memref<20000x128xf32, #tpu.memory_space<hbm>> -> memref<64x128xf32, #tpu.memory_space<hbm>>
      %dma_wait3A_203 = arith.constant 0 : i32
      %dma_wait3A_204 = arith.constant 0 : i32
      %dma_wait3A_205 = tpu.memref_slice %arg11[%dma_wait3A_203, %dma_wait3A_204] : memref<64x128xf32, #tpu.memory_space<vmem>> -> memref<64x128xf32, #tpu.memory_space<vmem>>
      tpu.wait_dma2 semaphore(%run_scoped3A : memref<!tpu.dma_semaphore, #tpu.memory_space<semaphore_mem>>) src(%dma_wait3A_205 : memref<64x128xf32, #tpu.memory_space<vmem>>) dst(%dma_wait3A_202 : memref<64x128xf32, #tpu.memory_space<hbm>>)
      tpu.yield
    }) : () -> ()
    %add3A_138 = arith.constant 64 : i32
    %add3A_139 = arith.addi %mul3A_4, %add3A_138 : i32
    "tpu.region"() ({
      %run_scoped3A = tpu.sem_alloc : memref<!tpu.dma_semaphore, #tpu.memory_space<semaphore_mem>>
      %dma_start3A = arith.constant 0 : i32
      %dma_start3A_188 = arith.constant 0 : i32
      %dma_start3A_189 = tpu.memref_slice %arg11[%dma_start3A, %dma_start3A_188] : memref<64x128xf32, #tpu.memory_space<vmem>> -> memref<64x128xf32, #tpu.memory_space<vmem>>
      %dma_start3A_190 = arith.constant 0 : i32
      %dma_start3A_191 = tpu.memref_slice %arg25[%add3A_139, %dma_start3A_190] : memref<10000x128xf32, #tpu.memory_space<vmem_shared>> -> memref<64x128xf32, #tpu.memory_space<vmem_shared>>
      %dma_start3A_192 = arith.constant 0 : i32
      %dma_start3A_193 = arith.constant 0 : i32
      %dma_start3A_194 = tpu.memref_slice %arg11[%dma_start3A_192, %dma_start3A_193] : memref<64x128xf32, #tpu.memory_space<vmem>> -> memref<64x128xf32, #tpu.memory_space<vmem>>
      %dma_start3A_195 = arith.constant 0 : i32
      %dma_start3A_196 = tpu.memref_slice %arg25[%add3A_139, %dma_start3A_195] : memref<10000x128xf32, #tpu.memory_space<vmem_shared>> -> memref<64x128xf32, #tpu.memory_space<vmem_shared>>
      tpu.enqueue_dma source(%dma_start3A_196 : memref<64x128xf32, #tpu.memory_space<vmem_shared>>) target(%dma_start3A_194 : memref<64x128xf32, #tpu.memory_space<vmem>>) target_semaphore(%run_scoped3A : memref<!tpu.dma_semaphore, #tpu.memory_space<semaphore_mem>>)
      %dma_wait3A = arith.constant 0 : i32
      %dma_wait3A_197 = arith.constant 0 : i32
      %dma_wait3A_198 = tpu.memref_slice %arg11[%dma_wait3A, %dma_wait3A_197] : memref<64x128xf32, #tpu.memory_space<vmem>> -> memref<64x128xf32, #tpu.memory_space<vmem>>
      %dma_wait3A_199 = arith.constant 0 : i32
      %dma_wait3A_200 = tpu.memref_slice %arg25[%add3A_139, %dma_wait3A_199] : memref<10000x128xf32, #tpu.memory_space<vmem_shared>> -> memref<64x128xf32, #tpu.memory_space<vmem_shared>>
      %dma_wait3A_201 = arith.constant 0 : i32
      %dma_wait3A_202 = arith.constant 0 : i32
      %dma_wait3A_203 = tpu.memref_slice %arg11[%dma_wait3A_201, %dma_wait3A_202] : memref<64x128xf32, #tpu.memory_space<vmem>> -> memref<64x128xf32, #tpu.memory_space<vmem>>
      %dma_wait3A_204 = arith.constant 0 : i32
      %dma_wait3A_205 = tpu.memref_slice %arg25[%add3A_139, %dma_wait3A_204] : memref<10000x128xf32, #tpu.memory_space<vmem_shared>> -> memref<64x128xf32, #tpu.memory_space<vmem_shared>>
      tpu.wait_dma2 semaphore(%run_scoped3A : memref<!tpu.dma_semaphore, #tpu.memory_space<semaphore_mem>>) src(%dma_wait3A_205 : memref<64x128xf32, #tpu.memory_space<vmem_shared>>) dst(%dma_wait3A_203 : memref<64x128xf32, #tpu.memory_space<vmem>>)
      tpu.yield
    }) : () -> ()
    %add3A_140 = arith.addi %mul3A_6, %mul3A_4 : i32
    %add3A_141 = arith.constant 64 : i32
    %add3A_142 = arith.addi %add3A_140, %add3A_141 : i32
    "tpu.region"() ({
      %run_scoped3A = tpu.sem_alloc : memref<!tpu.dma_semaphore, #tpu.memory_space<semaphore_mem>>
      %dma_start3A = arith.constant 0 : i32
      %dma_start3A_188 = arith.constant 0 : i32
      %dma_start3A_189 = tpu.memref_slice %arg11[%dma_start3A, %dma_start3A_188] : memref<64x128xf32, #tpu.memory_space<vmem>> -> memref<64x128xf32, #tpu.memory_space<vmem>>
      %dma_start3A_190 = arith.constant 0 : i32
      %dma_start3A_191 = tpu.memref_slice %arg10[%add3A_142, %dma_start3A_190] : memref<20000x128xf32, #tpu.memory_space<hbm>> -> memref<64x128xf32, #tpu.memory_space<hbm>>
      %dma_start3A_192 = arith.constant 0 : i32
      %dma_start3A_193 = tpu.memref_slice %arg10[%add3A_142, %dma_start3A_192] : memref<20000x128xf32, #tpu.memory_space<hbm>> -> memref<64x128xf32, #tpu.memory_space<hbm>>
      %dma_start3A_194 = arith.constant 0 : i32
      %dma_start3A_195 = arith.constant 0 : i32
      %dma_start3A_196 = tpu.memref_slice %arg11[%dma_start3A_194, %dma_start3A_195] : memref<64x128xf32, #tpu.memory_space<vmem>> -> memref<64x128xf32, #tpu.memory_space<vmem>>
      tpu.enqueue_dma source(%dma_start3A_196 : memref<64x128xf32, #tpu.memory_space<vmem>>) target(%dma_start3A_193 : memref<64x128xf32, #tpu.memory_space<hbm>>) target_semaphore(%run_scoped3A : memref<!tpu.dma_semaphore, #tpu.memory_space<semaphore_mem>>)
      %dma_wait3A = arith.constant 0 : i32
      %dma_wait3A_197 = arith.constant 0 : i32
      %dma_wait3A_198 = tpu.memref_slice %arg11[%dma_wait3A, %dma_wait3A_197] : memref<64x128xf32, #tpu.memory_space<vmem>> -> memref<64x128xf32, #tpu.memory_space<vmem>>
      %dma_wait3A_199 = arith.constant 0 : i32
      %dma_wait3A_200 = tpu.memref_slice %arg10[%add3A_142, %dma_wait3A_199] : memref<20000x128xf32, #tpu.memory_space<hbm>> -> memref<64x128xf32, #tpu.memory_space<hbm>>
      %dma_wait3A_201 = arith.constant 0 : i32
      %dma_wait3A_202 = tpu.memref_slice %arg10[%add3A_142, %dma_wait3A_201] : memref<20000x128xf32, #tpu.memory_space<hbm>> -> memref<64x128xf32, #tpu.memory_space<hbm>>
      %dma_wait3A_203 = arith.constant 0 : i32
      %dma_wait3A_204 = arith.constant 0 : i32
      %dma_wait3A_205 = tpu.memref_slice %arg11[%dma_wait3A_203, %dma_wait3A_204] : memref<64x128xf32, #tpu.memory_space<vmem>> -> memref<64x128xf32, #tpu.memory_space<vmem>>
      tpu.wait_dma2 semaphore(%run_scoped3A : memref<!tpu.dma_semaphore, #tpu.memory_space<semaphore_mem>>) src(%dma_wait3A_205 : memref<64x128xf32, #tpu.memory_space<vmem>>) dst(%dma_wait3A_202 : memref<64x128xf32, #tpu.memory_space<hbm>>)
      tpu.yield
    }) : () -> ()
    %add3A_143 = arith.constant 128 : i32
    %add3A_144 = arith.addi %mul3A_4, %add3A_143 : i32
    "tpu.region"() ({
      %run_scoped3A = tpu.sem_alloc : memref<!tpu.dma_semaphore, #tpu.memory_space<semaphore_mem>>
      %dma_start3A = arith.constant 0 : i32
      %dma_start3A_188 = arith.constant 0 : i32
      %dma_start3A_189 = tpu.memref_slice %arg11[%dma_start3A, %dma_start3A_188] : memref<64x128xf32, #tpu.memory_space<vmem>> -> memref<64x128xf32, #tpu.memory_space<vmem>>
      %dma_start3A_190 = arith.constant 0 : i32
      %dma_start3A_191 = tpu.memref_slice %arg25[%add3A_144, %dma_start3A_190] : memref<10000x128xf32, #tpu.memory_space<vmem_shared>> -> memref<64x128xf32, #tpu.memory_space<vmem_shared>>
      %dma_start3A_192 = arith.constant 0 : i32
      %dma_start3A_193 = arith.constant 0 : i32
      %dma_start3A_194 = tpu.memref_slice %arg11[%dma_start3A_192, %dma_start3A_193] : memref<64x128xf32, #tpu.memory_space<vmem>> -> memref<64x128xf32, #tpu.memory_space<vmem>>
      %dma_start3A_195 = arith.constant 0 : i32
      %dma_start3A_196 = tpu.memref_slice %arg25[%add3A_144, %dma_start3A_195] : memref<10000x128xf32, #tpu.memory_space<vmem_shared>> -> memref<64x128xf32, #tpu.memory_space<vmem_shared>>
      tpu.enqueue_dma source(%dma_start3A_196 : memref<64x128xf32, #tpu.memory_space<vmem_shared>>) target(%dma_start3A_194 : memref<64x128xf32, #tpu.memory_space<vmem>>) target_semaphore(%run_scoped3A : memref<!tpu.dma_semaphore, #tpu.memory_space<semaphore_mem>>)
      %dma_wait3A = arith.constant 0 : i32
      %dma_wait3A_197 = arith.constant 0 : i32
      %dma_wait3A_198 = tpu.memref_slice %arg11[%dma_wait3A, %dma_wait3A_197] : memref<64x128xf32, #tpu.memory_space<vmem>> -> memref<64x128xf32, #tpu.memory_space<vmem>>
      %dma_wait3A_199 = arith.constant 0 : i32
      %dma_wait3A_200 = tpu.memref_slice %arg25[%add3A_144, %dma_wait3A_199] : memref<10000x128xf32, #tpu.memory_space<vmem_shared>> -> memref<64x128xf32, #tpu.memory_space<vmem_shared>>
      %dma_wait3A_201 = arith.constant 0 : i32
      %dma_wait3A_202 = arith.constant 0 : i32
      %dma_wait3A_203 = tpu.memref_slice %arg11[%dma_wait3A_201, %dma_wait3A_202] : memref<64x128xf32, #tpu.memory_space<vmem>> -> memref<64x128xf32, #tpu.memory_space<vmem>>
      %dma_wait3A_204 = arith.constant 0 : i32
      %dma_wait3A_205 = tpu.memref_slice %arg25[%add3A_144, %dma_wait3A_204] : memref<10000x128xf32, #tpu.memory_space<vmem_shared>> -> memref<64x128xf32, #tpu.memory_space<vmem_shared>>
      tpu.wait_dma2 semaphore(%run_scoped3A : memref<!tpu.dma_semaphore, #tpu.memory_space<semaphore_mem>>) src(%dma_wait3A_205 : memref<64x128xf32, #tpu.memory_space<vmem_shared>>) dst(%dma_wait3A_203 : memref<64x128xf32, #tpu.memory_space<vmem>>)
      tpu.yield
    }) : () -> ()
    %add3A_145 = arith.addi %mul3A_6, %mul3A_4 : i32
    %add3A_146 = arith.constant 128 : i32
    %add3A_147 = arith.addi %add3A_145, %add3A_146 : i32
    "tpu.region"() ({
      %run_scoped3A = tpu.sem_alloc : memref<!tpu.dma_semaphore, #tpu.memory_space<semaphore_mem>>
      %dma_start3A = arith.constant 0 : i32
      %dma_start3A_188 = arith.constant 0 : i32
      %dma_start3A_189 = tpu.memref_slice %arg11[%dma_start3A, %dma_start3A_188] : memref<64x128xf32, #tpu.memory_space<vmem>> -> memref<64x128xf32, #tpu.memory_space<vmem>>
      %dma_start3A_190 = arith.constant 0 : i32
      %dma_start3A_191 = tpu.memref_slice %arg10[%add3A_147, %dma_start3A_190] : memref<20000x128xf32, #tpu.memory_space<hbm>> -> memref<64x128xf32, #tpu.memory_space<hbm>>
      %dma_start3A_192 = arith.constant 0 : i32
      %dma_start3A_193 = tpu.memref_slice %arg10[%add3A_147, %dma_start3A_192] : memref<20000x128xf32, #tpu.memory_space<hbm>> -> memref<64x128xf32, #tpu.memory_space<hbm>>
      %dma_start3A_194 = arith.constant 0 : i32
      %dma_start3A_195 = arith.constant 0 : i32
      %dma_start3A_196 = tpu.memref_slice %arg11[%dma_start3A_194, %dma_start3A_195] : memref<64x128xf32, #tpu.memory_space<vmem>> -> memref<64x128xf32, #tpu.memory_space<vmem>>
      tpu.enqueue_dma source(%dma_start3A_196 : memref<64x128xf32, #tpu.memory_space<vmem>>) target(%dma_start3A_193 : memref<64x128xf32, #tpu.memory_space<hbm>>) target_semaphore(%run_scoped3A : memref<!tpu.dma_semaphore, #tpu.memory_space<semaphore_mem>>)
      %dma_wait3A = arith.constant 0 : i32
      %dma_wait3A_197 = arith.constant 0 : i32
      %dma_wait3A_198 = tpu.memref_slice %arg11[%dma_wait3A, %dma_wait3A_197] : memref<64x128xf32, #tpu.memory_space<vmem>> -> memref<64x128xf32, #tpu.memory_space<vmem>>
      %dma_wait3A_199 = arith.constant 0 : i32
      %dma_wait3A_200 = tpu.memref_slice %arg10[%add3A_147, %dma_wait3A_199] : memref<20000x128xf32, #tpu.memory_space<hbm>> -> memref<64x128xf32, #tpu.memory_space<hbm>>
      %dma_wait3A_201 = arith.constant 0 : i32
      %dma_wait3A_202 = tpu.memref_slice %arg10[%add3A_147, %dma_wait3A_201] : memref<20000x128xf32, #tpu.memory_space<hbm>> -> memref<64x128xf32, #tpu.memory_space<hbm>>
      %dma_wait3A_203 = arith.constant 0 : i32
      %dma_wait3A_204 = arith.constant 0 : i32
      %dma_wait3A_205 = tpu.memref_slice %arg11[%dma_wait3A_203, %dma_wait3A_204] : memref<64x128xf32, #tpu.memory_space<vmem>> -> memref<64x128xf32, #tpu.memory_space<vmem>>
      tpu.wait_dma2 semaphore(%run_scoped3A : memref<!tpu.dma_semaphore, #tpu.memory_space<semaphore_mem>>) src(%dma_wait3A_205 : memref<64x128xf32, #tpu.memory_space<vmem>>) dst(%dma_wait3A_202 : memref<64x128xf32, #tpu.memory_space<hbm>>)
      tpu.yield
    }) : () -> ()
    %add3A_148 = arith.constant 192 : i32
    %add3A_149 = arith.addi %mul3A_4, %add3A_148 : i32
    "tpu.region"() ({
      %run_scoped3A = tpu.sem_alloc : memref<!tpu.dma_semaphore, #tpu.memory_space<semaphore_mem>>
      %dma_start3A = arith.constant 0 : i32
      %dma_start3A_188 = arith.constant 0 : i32
      %dma_start3A_189 = tpu.memref_slice %arg11[%dma_start3A, %dma_start3A_188] : memref<64x128xf32, #tpu.memory_space<vmem>> -> memref<64x128xf32, #tpu.memory_space<vmem>>
      %dma_start3A_190 = arith.constant 0 : i32
      %dma_start3A_191 = tpu.memref_slice %arg25[%add3A_149, %dma_start3A_190] : memref<10000x128xf32, #tpu.memory_space<vmem_shared>> -> memref<64x128xf32, #tpu.memory_space<vmem_shared>>
      %dma_start3A_192 = arith.constant 0 : i32
      %dma_start3A_193 = arith.constant 0 : i32
      %dma_start3A_194 = tpu.memref_slice %arg11[%dma_start3A_192, %dma_start3A_193] : memref<64x128xf32, #tpu.memory_space<vmem>> -> memref<64x128xf32, #tpu.memory_space<vmem>>
      %dma_start3A_195 = arith.constant 0 : i32
      %dma_start3A_196 = tpu.memref_slice %arg25[%add3A_149, %dma_start3A_195] : memref<10000x128xf32, #tpu.memory_space<vmem_shared>> -> memref<64x128xf32, #tpu.memory_space<vmem_shared>>
      tpu.enqueue_dma source(%dma_start3A_196 : memref<64x128xf32, #tpu.memory_space<vmem_shared>>) target(%dma_start3A_194 : memref<64x128xf32, #tpu.memory_space<vmem>>) target_semaphore(%run_scoped3A : memref<!tpu.dma_semaphore, #tpu.memory_space<semaphore_mem>>)
      %dma_wait3A = arith.constant 0 : i32
      %dma_wait3A_197 = arith.constant 0 : i32
      %dma_wait3A_198 = tpu.memref_slice %arg11[%dma_wait3A, %dma_wait3A_197] : memref<64x128xf32, #tpu.memory_space<vmem>> -> memref<64x128xf32, #tpu.memory_space<vmem>>
      %dma_wait3A_199 = arith.constant 0 : i32
      %dma_wait3A_200 = tpu.memref_slice %arg25[%add3A_149, %dma_wait3A_199] : memref<10000x128xf32, #tpu.memory_space<vmem_shared>> -> memref<64x128xf32, #tpu.memory_space<vmem_shared>>
      %dma_wait3A_201 = arith.constant 0 : i32
      %dma_wait3A_202 = arith.constant 0 : i32
      %dma_wait3A_203 = tpu.memref_slice %arg11[%dma_wait3A_201, %dma_wait3A_202] : memref<64x128xf32, #tpu.memory_space<vmem>> -> memref<64x128xf32, #tpu.memory_space<vmem>>
      %dma_wait3A_204 = arith.constant 0 : i32
      %dma_wait3A_205 = tpu.memref_slice %arg25[%add3A_149, %dma_wait3A_204] : memref<10000x128xf32, #tpu.memory_space<vmem_shared>> -> memref<64x128xf32, #tpu.memory_space<vmem_shared>>
      tpu.wait_dma2 semaphore(%run_scoped3A : memref<!tpu.dma_semaphore, #tpu.memory_space<semaphore_mem>>) src(%dma_wait3A_205 : memref<64x128xf32, #tpu.memory_space<vmem_shared>>) dst(%dma_wait3A_203 : memref<64x128xf32, #tpu.memory_space<vmem>>)
      tpu.yield
    }) : () -> ()
    %add3A_150 = arith.addi %mul3A_6, %mul3A_4 : i32
    %add3A_151 = arith.constant 192 : i32
    %add3A_152 = arith.addi %add3A_150, %add3A_151 : i32
    "tpu.region"() ({
      %run_scoped3A = tpu.sem_alloc : memref<!tpu.dma_semaphore, #tpu.memory_space<semaphore_mem>>
      %dma_start3A = arith.constant 0 : i32
      %dma_start3A_188 = arith.constant 0 : i32
      %dma_start3A_189 = tpu.memref_slice %arg11[%dma_start3A, %dma_start3A_188] : memref<64x128xf32, #tpu.memory_space<vmem>> -> memref<64x128xf32, #tpu.memory_space<vmem>>
      %dma_start3A_190 = arith.constant 0 : i32
      %dma_start3A_191 = tpu.memref_slice %arg10[%add3A_152, %dma_start3A_190] : memref<20000x128xf32, #tpu.memory_space<hbm>> -> memref<64x128xf32, #tpu.memory_space<hbm>>
      %dma_start3A_192 = arith.constant 0 : i32
      %dma_start3A_193 = tpu.memref_slice %arg10[%add3A_152, %dma_start3A_192] : memref<20000x128xf32, #tpu.memory_space<hbm>> -> memref<64x128xf32, #tpu.memory_space<hbm>>
      %dma_start3A_194 = arith.constant 0 : i32
      %dma_start3A_195 = arith.constant 0 : i32
      %dma_start3A_196 = tpu.memref_slice %arg11[%dma_start3A_194, %dma_start3A_195] : memref<64x128xf32, #tpu.memory_space<vmem>> -> memref<64x128xf32, #tpu.memory_space<vmem>>
      tpu.enqueue_dma source(%dma_start3A_196 : memref<64x128xf32, #tpu.memory_space<vmem>>) target(%dma_start3A_193 : memref<64x128xf32, #tpu.memory_space<hbm>>) target_semaphore(%run_scoped3A : memref<!tpu.dma_semaphore, #tpu.memory_space<semaphore_mem>>)
      %dma_wait3A = arith.constant 0 : i32
      %dma_wait3A_197 = arith.constant 0 : i32
      %dma_wait3A_198 = tpu.memref_slice %arg11[%dma_wait3A, %dma_wait3A_197] : memref<64x128xf32, #tpu.memory_space<vmem>> -> memref<64x128xf32, #tpu.memory_space<vmem>>
      %dma_wait3A_199 = arith.constant 0 : i32
      %dma_wait3A_200 = tpu.memref_slice %arg10[%add3A_152, %dma_wait3A_199] : memref<20000x128xf32, #tpu.memory_space<hbm>> -> memref<64x128xf32, #tpu.memory_space<hbm>>
      %dma_wait3A_201 = arith.constant 0 : i32
      %dma_wait3A_202 = tpu.memref_slice %arg10[%add3A_152, %dma_wait3A_201] : memref<20000x128xf32, #tpu.memory_space<hbm>> -> memref<64x128xf32, #tpu.memory_space<hbm>>
      %dma_wait3A_203 = arith.constant 0 : i32
      %dma_wait3A_204 = arith.constant 0 : i32
      %dma_wait3A_205 = tpu.memref_slice %arg11[%dma_wait3A_203, %dma_wait3A_204] : memref<64x128xf32, #tpu.memory_space<vmem>> -> memref<64x128xf32, #tpu.memory_space<vmem>>
      tpu.wait_dma2 semaphore(%run_scoped3A : memref<!tpu.dma_semaphore, #tpu.memory_space<semaphore_mem>>) src(%dma_wait3A_205 : memref<64x128xf32, #tpu.memory_space<vmem>>) dst(%dma_wait3A_202 : memref<64x128xf32, #tpu.memory_space<hbm>>)
      tpu.yield
    }) : () -> ()
    %add3A_153 = arith.constant 256 : i32
    %add3A_154 = arith.addi %mul3A_4, %add3A_153 : i32
    "tpu.region"() ({
      %run_scoped3A = tpu.sem_alloc : memref<!tpu.dma_semaphore, #tpu.memory_space<semaphore_mem>>
      %dma_start3A = arith.constant 0 : i32
      %dma_start3A_188 = arith.constant 0 : i32
      %dma_start3A_189 = tpu.memref_slice %arg11[%dma_start3A, %dma_start3A_188] : memref<64x128xf32, #tpu.memory_space<vmem>> -> memref<64x128xf32, #tpu.memory_space<vmem>>
      %dma_start3A_190 = arith.constant 0 : i32
      %dma_start3A_191 = tpu.memref_slice %arg25[%add3A_154, %dma_start3A_190] : memref<10000x128xf32, #tpu.memory_space<vmem_shared>> -> memref<64x128xf32, #tpu.memory_space<vmem_shared>>
      %dma_start3A_192 = arith.constant 0 : i32
      %dma_start3A_193 = arith.constant 0 : i32
      %dma_start3A_194 = tpu.memref_slice %arg11[%dma_start3A_192, %dma_start3A_193] : memref<64x128xf32, #tpu.memory_space<vmem>> -> memref<64x128xf32, #tpu.memory_space<vmem>>
      %dma_start3A_195 = arith.constant 0 : i32
      %dma_start3A_196 = tpu.memref_slice %arg25[%add3A_154, %dma_start3A_195] : memref<10000x128xf32, #tpu.memory_space<vmem_shared>> -> memref<64x128xf32, #tpu.memory_space<vmem_shared>>
      tpu.enqueue_dma source(%dma_start3A_196 : memref<64x128xf32, #tpu.memory_space<vmem_shared>>) target(%dma_start3A_194 : memref<64x128xf32, #tpu.memory_space<vmem>>) target_semaphore(%run_scoped3A : memref<!tpu.dma_semaphore, #tpu.memory_space<semaphore_mem>>)
      %dma_wait3A = arith.constant 0 : i32
      %dma_wait3A_197 = arith.constant 0 : i32
      %dma_wait3A_198 = tpu.memref_slice %arg11[%dma_wait3A, %dma_wait3A_197] : memref<64x128xf32, #tpu.memory_space<vmem>> -> memref<64x128xf32, #tpu.memory_space<vmem>>
      %dma_wait3A_199 = arith.constant 0 : i32
      %dma_wait3A_200 = tpu.memref_slice %arg25[%add3A_154, %dma_wait3A_199] : memref<10000x128xf32, #tpu.memory_space<vmem_shared>> -> memref<64x128xf32, #tpu.memory_space<vmem_shared>>
      %dma_wait3A_201 = arith.constant 0 : i32
      %dma_wait3A_202 = arith.constant 0 : i32
      %dma_wait3A_203 = tpu.memref_slice %arg11[%dma_wait3A_201, %dma_wait3A_202] : memref<64x128xf32, #tpu.memory_space<vmem>> -> memref<64x128xf32, #tpu.memory_space<vmem>>
      %dma_wait3A_204 = arith.constant 0 : i32
      %dma_wait3A_205 = tpu.memref_slice %arg25[%add3A_154, %dma_wait3A_204] : memref<10000x128xf32, #tpu.memory_space<vmem_shared>> -> memref<64x128xf32, #tpu.memory_space<vmem_shared>>
      tpu.wait_dma2 semaphore(%run_scoped3A : memref<!tpu.dma_semaphore, #tpu.memory_space<semaphore_mem>>) src(%dma_wait3A_205 : memref<64x128xf32, #tpu.memory_space<vmem_shared>>) dst(%dma_wait3A_203 : memref<64x128xf32, #tpu.memory_space<vmem>>)
      tpu.yield
    }) : () -> ()
    %add3A_155 = arith.addi %mul3A_6, %mul3A_4 : i32
    %add3A_156 = arith.constant 256 : i32
    %add3A_157 = arith.addi %add3A_155, %add3A_156 : i32
    "tpu.region"() ({
      %run_scoped3A = tpu.sem_alloc : memref<!tpu.dma_semaphore, #tpu.memory_space<semaphore_mem>>
      %dma_start3A = arith.constant 0 : i32
      %dma_start3A_188 = arith.constant 0 : i32
      %dma_start3A_189 = tpu.memref_slice %arg11[%dma_start3A, %dma_start3A_188] : memref<64x128xf32, #tpu.memory_space<vmem>> -> memref<64x128xf32, #tpu.memory_space<vmem>>
      %dma_start3A_190 = arith.constant 0 : i32
      %dma_start3A_191 = tpu.memref_slice %arg10[%add3A_157, %dma_start3A_190] : memref<20000x128xf32, #tpu.memory_space<hbm>> -> memref<64x128xf32, #tpu.memory_space<hbm>>
      %dma_start3A_192 = arith.constant 0 : i32
      %dma_start3A_193 = tpu.memref_slice %arg10[%add3A_157, %dma_start3A_192] : memref<20000x128xf32, #tpu.memory_space<hbm>> -> memref<64x128xf32, #tpu.memory_space<hbm>>
      %dma_start3A_194 = arith.constant 0 : i32
      %dma_start3A_195 = arith.constant 0 : i32
      %dma_start3A_196 = tpu.memref_slice %arg11[%dma_start3A_194, %dma_start3A_195] : memref<64x128xf32, #tpu.memory_space<vmem>> -> memref<64x128xf32, #tpu.memory_space<vmem>>
      tpu.enqueue_dma source(%dma_start3A_196 : memref<64x128xf32, #tpu.memory_space<vmem>>) target(%dma_start3A_193 : memref<64x128xf32, #tpu.memory_space<hbm>>) target_semaphore(%run_scoped3A : memref<!tpu.dma_semaphore, #tpu.memory_space<semaphore_mem>>)
      %dma_wait3A = arith.constant 0 : i32
      %dma_wait3A_197 = arith.constant 0 : i32
      %dma_wait3A_198 = tpu.memref_slice %arg11[%dma_wait3A, %dma_wait3A_197] : memref<64x128xf32, #tpu.memory_space<vmem>> -> memref<64x128xf32, #tpu.memory_space<vmem>>
      %dma_wait3A_199 = arith.constant 0 : i32
      %dma_wait3A_200 = tpu.memref_slice %arg10[%add3A_157, %dma_wait3A_199] : memref<20000x128xf32, #tpu.memory_space<hbm>> -> memref<64x128xf32, #tpu.memory_space<hbm>>
      %dma_wait3A_201 = arith.constant 0 : i32
      %dma_wait3A_202 = tpu.memref_slice %arg10[%add3A_157, %dma_wait3A_201] : memref<20000x128xf32, #tpu.memory_space<hbm>> -> memref<64x128xf32, #tpu.memory_space<hbm>>
      %dma_wait3A_203 = arith.constant 0 : i32
      %dma_wait3A_204 = arith.constant 0 : i32
      %dma_wait3A_205 = tpu.memref_slice %arg11[%dma_wait3A_203, %dma_wait3A_204] : memref<64x128xf32, #tpu.memory_space<vmem>> -> memref<64x128xf32, #tpu.memory_space<vmem>>
      tpu.wait_dma2 semaphore(%run_scoped3A : memref<!tpu.dma_semaphore, #tpu.memory_space<semaphore_mem>>) src(%dma_wait3A_205 : memref<64x128xf32, #tpu.memory_space<vmem>>) dst(%dma_wait3A_202 : memref<64x128xf32, #tpu.memory_space<hbm>>)
      tpu.yield
    }) : () -> ()
    %add3A_158 = arith.constant 320 : i32
    %add3A_159 = arith.addi %mul3A_4, %add3A_158 : i32
    "tpu.region"() ({
      %run_scoped3A = tpu.sem_alloc : memref<!tpu.dma_semaphore, #tpu.memory_space<semaphore_mem>>
      %dma_start3A = arith.constant 0 : i32
      %dma_start3A_188 = arith.constant 0 : i32
      %dma_start3A_189 = tpu.memref_slice %arg11[%dma_start3A, %dma_start3A_188] : memref<64x128xf32, #tpu.memory_space<vmem>> -> memref<64x128xf32, #tpu.memory_space<vmem>>
      %dma_start3A_190 = arith.constant 0 : i32
      %dma_start3A_191 = tpu.memref_slice %arg25[%add3A_159, %dma_start3A_190] : memref<10000x128xf32, #tpu.memory_space<vmem_shared>> -> memref<64x128xf32, #tpu.memory_space<vmem_shared>>
      %dma_start3A_192 = arith.constant 0 : i32
      %dma_start3A_193 = arith.constant 0 : i32
      %dma_start3A_194 = tpu.memref_slice %arg11[%dma_start3A_192, %dma_start3A_193] : memref<64x128xf32, #tpu.memory_space<vmem>> -> memref<64x128xf32, #tpu.memory_space<vmem>>
      %dma_start3A_195 = arith.constant 0 : i32
      %dma_start3A_196 = tpu.memref_slice %arg25[%add3A_159, %dma_start3A_195] : memref<10000x128xf32, #tpu.memory_space<vmem_shared>> -> memref<64x128xf32, #tpu.memory_space<vmem_shared>>
      tpu.enqueue_dma source(%dma_start3A_196 : memref<64x128xf32, #tpu.memory_space<vmem_shared>>) target(%dma_start3A_194 : memref<64x128xf32, #tpu.memory_space<vmem>>) target_semaphore(%run_scoped3A : memref<!tpu.dma_semaphore, #tpu.memory_space<semaphore_mem>>)
      %dma_wait3A = arith.constant 0 : i32
      %dma_wait3A_197 = arith.constant 0 : i32
      %dma_wait3A_198 = tpu.memref_slice %arg11[%dma_wait3A, %dma_wait3A_197] : memref<64x128xf32, #tpu.memory_space<vmem>> -> memref<64x128xf32, #tpu.memory_space<vmem>>
      %dma_wait3A_199 = arith.constant 0 : i32
      %dma_wait3A_200 = tpu.memref_slice %arg25[%add3A_159, %dma_wait3A_199] : memref<10000x128xf32, #tpu.memory_space<vmem_shared>> -> memref<64x128xf32, #tpu.memory_space<vmem_shared>>
      %dma_wait3A_201 = arith.constant 0 : i32
      %dma_wait3A_202 = arith.constant 0 : i32
      %dma_wait3A_203 = tpu.memref_slice %arg11[%dma_wait3A_201, %dma_wait3A_202] : memref<64x128xf32, #tpu.memory_space<vmem>> -> memref<64x128xf32, #tpu.memory_space<vmem>>
      %dma_wait3A_204 = arith.constant 0 : i32
      %dma_wait3A_205 = tpu.memref_slice %arg25[%add3A_159, %dma_wait3A_204] : memref<10000x128xf32, #tpu.memory_space<vmem_shared>> -> memref<64x128xf32, #tpu.memory_space<vmem_shared>>
      tpu.wait_dma2 semaphore(%run_scoped3A : memref<!tpu.dma_semaphore, #tpu.memory_space<semaphore_mem>>) src(%dma_wait3A_205 : memref<64x128xf32, #tpu.memory_space<vmem_shared>>) dst(%dma_wait3A_203 : memref<64x128xf32, #tpu.memory_space<vmem>>)
      tpu.yield
    }) : () -> ()
    %add3A_160 = arith.addi %mul3A_6, %mul3A_4 : i32
    %add3A_161 = arith.constant 320 : i32
    %add3A_162 = arith.addi %add3A_160, %add3A_161 : i32
    "tpu.region"() ({
      %run_scoped3A = tpu.sem_alloc : memref<!tpu.dma_semaphore, #tpu.memory_space<semaphore_mem>>
      %dma_start3A = arith.constant 0 : i32
      %dma_start3A_188 = arith.constant 0 : i32
      %dma_start3A_189 = tpu.memref_slice %arg11[%dma_start3A, %dma_start3A_188] : memref<64x128xf32, #tpu.memory_space<vmem>> -> memref<64x128xf32, #tpu.memory_space<vmem>>
      %dma_start3A_190 = arith.constant 0 : i32
      %dma_start3A_191 = tpu.memref_slice %arg10[%add3A_162, %dma_start3A_190] : memref<20000x128xf32, #tpu.memory_space<hbm>> -> memref<64x128xf32, #tpu.memory_space<hbm>>
      %dma_start3A_192 = arith.constant 0 : i32
      %dma_start3A_193 = tpu.memref_slice %arg10[%add3A_162, %dma_start3A_192] : memref<20000x128xf32, #tpu.memory_space<hbm>> -> memref<64x128xf32, #tpu.memory_space<hbm>>
      %dma_start3A_194 = arith.constant 0 : i32
      %dma_start3A_195 = arith.constant 0 : i32
      %dma_start3A_196 = tpu.memref_slice %arg11[%dma_start3A_194, %dma_start3A_195] : memref<64x128xf32, #tpu.memory_space<vmem>> -> memref<64x128xf32, #tpu.memory_space<vmem>>
      tpu.enqueue_dma source(%dma_start3A_196 : memref<64x128xf32, #tpu.memory_space<vmem>>) target(%dma_start3A_193 : memref<64x128xf32, #tpu.memory_space<hbm>>) target_semaphore(%run_scoped3A : memref<!tpu.dma_semaphore, #tpu.memory_space<semaphore_mem>>)
      %dma_wait3A = arith.constant 0 : i32
      %dma_wait3A_197 = arith.constant 0 : i32
      %dma_wait3A_198 = tpu.memref_slice %arg11[%dma_wait3A, %dma_wait3A_197] : memref<64x128xf32, #tpu.memory_space<vmem>> -> memref<64x128xf32, #tpu.memory_space<vmem>>
      %dma_wait3A_199 = arith.constant 0 : i32
      %dma_wait3A_200 = tpu.memref_slice %arg10[%add3A_162, %dma_wait3A_199] : memref<20000x128xf32, #tpu.memory_space<hbm>> -> memref<64x128xf32, #tpu.memory_space<hbm>>
      %dma_wait3A_201 = arith.constant 0 : i32
      %dma_wait3A_202 = tpu.memref_slice %arg10[%add3A_162, %dma_wait3A_201] : memref<20000x128xf32, #tpu.memory_space<hbm>> -> memref<64x128xf32, #tpu.memory_space<hbm>>
      %dma_wait3A_203 = arith.constant 0 : i32
      %dma_wait3A_204 = arith.constant 0 : i32
      %dma_wait3A_205 = tpu.memref_slice %arg11[%dma_wait3A_203, %dma_wait3A_204] : memref<64x128xf32, #tpu.memory_space<vmem>> -> memref<64x128xf32, #tpu.memory_space<vmem>>
      tpu.wait_dma2 semaphore(%run_scoped3A : memref<!tpu.dma_semaphore, #tpu.memory_space<semaphore_mem>>) src(%dma_wait3A_205 : memref<64x128xf32, #tpu.memory_space<vmem>>) dst(%dma_wait3A_202 : memref<64x128xf32, #tpu.memory_space<hbm>>)
      tpu.yield
    }) : () -> ()
    %add3A_163 = arith.constant 384 : i32
    %add3A_164 = arith.addi %mul3A_4, %add3A_163 : i32
    "tpu.region"() ({
      %run_scoped3A = tpu.sem_alloc : memref<!tpu.dma_semaphore, #tpu.memory_space<semaphore_mem>>
      %dma_start3A = arith.constant 0 : i32
      %dma_start3A_188 = arith.constant 0 : i32
      %dma_start3A_189 = tpu.memref_slice %arg11[%dma_start3A, %dma_start3A_188] : memref<64x128xf32, #tpu.memory_space<vmem>> -> memref<64x128xf32, #tpu.memory_space<vmem>>
      %dma_start3A_190 = arith.constant 0 : i32
      %dma_start3A_191 = tpu.memref_slice %arg25[%add3A_164, %dma_start3A_190] : memref<10000x128xf32, #tpu.memory_space<vmem_shared>> -> memref<64x128xf32, #tpu.memory_space<vmem_shared>>
      %dma_start3A_192 = arith.constant 0 : i32
      %dma_start3A_193 = arith.constant 0 : i32
      %dma_start3A_194 = tpu.memref_slice %arg11[%dma_start3A_192, %dma_start3A_193] : memref<64x128xf32, #tpu.memory_space<vmem>> -> memref<64x128xf32, #tpu.memory_space<vmem>>
      %dma_start3A_195 = arith.constant 0 : i32
      %dma_start3A_196 = tpu.memref_slice %arg25[%add3A_164, %dma_start3A_195] : memref<10000x128xf32, #tpu.memory_space<vmem_shared>> -> memref<64x128xf32, #tpu.memory_space<vmem_shared>>
      tpu.enqueue_dma source(%dma_start3A_196 : memref<64x128xf32, #tpu.memory_space<vmem_shared>>) target(%dma_start3A_194 : memref<64x128xf32, #tpu.memory_space<vmem>>) target_semaphore(%run_scoped3A : memref<!tpu.dma_semaphore, #tpu.memory_space<semaphore_mem>>)
      %dma_wait3A = arith.constant 0 : i32
      %dma_wait3A_197 = arith.constant 0 : i32
      %dma_wait3A_198 = tpu.memref_slice %arg11[%dma_wait3A, %dma_wait3A_197] : memref<64x128xf32, #tpu.memory_space<vmem>> -> memref<64x128xf32, #tpu.memory_space<vmem>>
      %dma_wait3A_199 = arith.constant 0 : i32
      %dma_wait3A_200 = tpu.memref_slice %arg25[%add3A_164, %dma_wait3A_199] : memref<10000x128xf32, #tpu.memory_space<vmem_shared>> -> memref<64x128xf32, #tpu.memory_space<vmem_shared>>
      %dma_wait3A_201 = arith.constant 0 : i32
      %dma_wait3A_202 = arith.constant 0 : i32
      %dma_wait3A_203 = tpu.memref_slice %arg11[%dma_wait3A_201, %dma_wait3A_202] : memref<64x128xf32, #tpu.memory_space<vmem>> -> memref<64x128xf32, #tpu.memory_space<vmem>>
      %dma_wait3A_204 = arith.constant 0 : i32
      %dma_wait3A_205 = tpu.memref_slice %arg25[%add3A_164, %dma_wait3A_204] : memref<10000x128xf32, #tpu.memory_space<vmem_shared>> -> memref<64x128xf32, #tpu.memory_space<vmem_shared>>
      tpu.wait_dma2 semaphore(%run_scoped3A : memref<!tpu.dma_semaphore, #tpu.memory_space<semaphore_mem>>) src(%dma_wait3A_205 : memref<64x128xf32, #tpu.memory_space<vmem_shared>>) dst(%dma_wait3A_203 : memref<64x128xf32, #tpu.memory_space<vmem>>)
      tpu.yield
    }) : () -> ()
    %add3A_165 = arith.addi %mul3A_6, %mul3A_4 : i32
    %add3A_166 = arith.constant 384 : i32
    %add3A_167 = arith.addi %add3A_165, %add3A_166 : i32
    "tpu.region"() ({
      %run_scoped3A = tpu.sem_alloc : memref<!tpu.dma_semaphore, #tpu.memory_space<semaphore_mem>>
      %dma_start3A = arith.constant 0 : i32
      %dma_start3A_188 = arith.constant 0 : i32
      %dma_start3A_189 = tpu.memref_slice %arg11[%dma_start3A, %dma_start3A_188] : memref<64x128xf32, #tpu.memory_space<vmem>> -> memref<64x128xf32, #tpu.memory_space<vmem>>
      %dma_start3A_190 = arith.constant 0 : i32
      %dma_start3A_191 = tpu.memref_slice %arg10[%add3A_167, %dma_start3A_190] : memref<20000x128xf32, #tpu.memory_space<hbm>> -> memref<64x128xf32, #tpu.memory_space<hbm>>
      %dma_start3A_192 = arith.constant 0 : i32
      %dma_start3A_193 = tpu.memref_slice %arg10[%add3A_167, %dma_start3A_192] : memref<20000x128xf32, #tpu.memory_space<hbm>> -> memref<64x128xf32, #tpu.memory_space<hbm>>
      %dma_start3A_194 = arith.constant 0 : i32
      %dma_start3A_195 = arith.constant 0 : i32
      %dma_start3A_196 = tpu.memref_slice %arg11[%dma_start3A_194, %dma_start3A_195] : memref<64x128xf32, #tpu.memory_space<vmem>> -> memref<64x128xf32, #tpu.memory_space<vmem>>
      tpu.enqueue_dma source(%dma_start3A_196 : memref<64x128xf32, #tpu.memory_space<vmem>>) target(%dma_start3A_193 : memref<64x128xf32, #tpu.memory_space<hbm>>) target_semaphore(%run_scoped3A : memref<!tpu.dma_semaphore, #tpu.memory_space<semaphore_mem>>)
      %dma_wait3A = arith.constant 0 : i32
      %dma_wait3A_197 = arith.constant 0 : i32
      %dma_wait3A_198 = tpu.memref_slice %arg11[%dma_wait3A, %dma_wait3A_197] : memref<64x128xf32, #tpu.memory_space<vmem>> -> memref<64x128xf32, #tpu.memory_space<vmem>>
      %dma_wait3A_199 = arith.constant 0 : i32
      %dma_wait3A_200 = tpu.memref_slice %arg10[%add3A_167, %dma_wait3A_199] : memref<20000x128xf32, #tpu.memory_space<hbm>> -> memref<64x128xf32, #tpu.memory_space<hbm>>
      %dma_wait3A_201 = arith.constant 0 : i32
      %dma_wait3A_202 = tpu.memref_slice %arg10[%add3A_167, %dma_wait3A_201] : memref<20000x128xf32, #tpu.memory_space<hbm>> -> memref<64x128xf32, #tpu.memory_space<hbm>>
      %dma_wait3A_203 = arith.constant 0 : i32
      %dma_wait3A_204 = arith.constant 0 : i32
      %dma_wait3A_205 = tpu.memref_slice %arg11[%dma_wait3A_203, %dma_wait3A_204] : memref<64x128xf32, #tpu.memory_space<vmem>> -> memref<64x128xf32, #tpu.memory_space<vmem>>
      tpu.wait_dma2 semaphore(%run_scoped3A : memref<!tpu.dma_semaphore, #tpu.memory_space<semaphore_mem>>) src(%dma_wait3A_205 : memref<64x128xf32, #tpu.memory_space<vmem>>) dst(%dma_wait3A_202 : memref<64x128xf32, #tpu.memory_space<hbm>>)
      tpu.yield
    }) : () -> ()
    %add3A_168 = arith.constant 448 : i32
    %add3A_169 = arith.addi %mul3A_4, %add3A_168 : i32
    "tpu.region"() ({
      %run_scoped3A = tpu.sem_alloc : memref<!tpu.dma_semaphore, #tpu.memory_space<semaphore_mem>>
      %dma_start3A = arith.constant 0 : i32
      %dma_start3A_188 = arith.constant 0 : i32
      %dma_start3A_189 = tpu.memref_slice %arg11[%dma_start3A, %dma_start3A_188] : memref<64x128xf32, #tpu.memory_space<vmem>> -> memref<64x128xf32, #tpu.memory_space<vmem>>
      %dma_start3A_190 = arith.constant 0 : i32
      %dma_start3A_191 = tpu.memref_slice %arg25[%add3A_169, %dma_start3A_190] : memref<10000x128xf32, #tpu.memory_space<vmem_shared>> -> memref<64x128xf32, #tpu.memory_space<vmem_shared>>
      %dma_start3A_192 = arith.constant 0 : i32
      %dma_start3A_193 = arith.constant 0 : i32
      %dma_start3A_194 = tpu.memref_slice %arg11[%dma_start3A_192, %dma_start3A_193] : memref<64x128xf32, #tpu.memory_space<vmem>> -> memref<64x128xf32, #tpu.memory_space<vmem>>
      %dma_start3A_195 = arith.constant 0 : i32
      %dma_start3A_196 = tpu.memref_slice %arg25[%add3A_169, %dma_start3A_195] : memref<10000x128xf32, #tpu.memory_space<vmem_shared>> -> memref<64x128xf32, #tpu.memory_space<vmem_shared>>
      tpu.enqueue_dma source(%dma_start3A_196 : memref<64x128xf32, #tpu.memory_space<vmem_shared>>) target(%dma_start3A_194 : memref<64x128xf32, #tpu.memory_space<vmem>>) target_semaphore(%run_scoped3A : memref<!tpu.dma_semaphore, #tpu.memory_space<semaphore_mem>>)
      %dma_wait3A = arith.constant 0 : i32
      %dma_wait3A_197 = arith.constant 0 : i32
      %dma_wait3A_198 = tpu.memref_slice %arg11[%dma_wait3A, %dma_wait3A_197] : memref<64x128xf32, #tpu.memory_space<vmem>> -> memref<64x128xf32, #tpu.memory_space<vmem>>
      %dma_wait3A_199 = arith.constant 0 : i32
      %dma_wait3A_200 = tpu.memref_slice %arg25[%add3A_169, %dma_wait3A_199] : memref<10000x128xf32, #tpu.memory_space<vmem_shared>> -> memref<64x128xf32, #tpu.memory_space<vmem_shared>>
      %dma_wait3A_201 = arith.constant 0 : i32
      %dma_wait3A_202 = arith.constant 0 : i32
      %dma_wait3A_203 = tpu.memref_slice %arg11[%dma_wait3A_201, %dma_wait3A_202] : memref<64x128xf32, #tpu.memory_space<vmem>> -> memref<64x128xf32, #tpu.memory_space<vmem>>
      %dma_wait3A_204 = arith.constant 0 : i32
      %dma_wait3A_205 = tpu.memref_slice %arg25[%add3A_169, %dma_wait3A_204] : memref<10000x128xf32, #tpu.memory_space<vmem_shared>> -> memref<64x128xf32, #tpu.memory_space<vmem_shared>>
      tpu.wait_dma2 semaphore(%run_scoped3A : memref<!tpu.dma_semaphore, #tpu.memory_space<semaphore_mem>>) src(%dma_wait3A_205 : memref<64x128xf32, #tpu.memory_space<vmem_shared>>) dst(%dma_wait3A_203 : memref<64x128xf32, #tpu.memory_space<vmem>>)
      tpu.yield
    }) : () -> ()
    %add3A_170 = arith.addi %mul3A_6, %mul3A_4 : i32
    %add3A_171 = arith.constant 448 : i32
    %add3A_172 = arith.addi %add3A_170, %add3A_171 : i32
    "tpu.region"() ({
      %run_scoped3A = tpu.sem_alloc : memref<!tpu.dma_semaphore, #tpu.memory_space<semaphore_mem>>
      %dma_start3A = arith.constant 0 : i32
      %dma_start3A_188 = arith.constant 0 : i32
      %dma_start3A_189 = tpu.memref_slice %arg11[%dma_start3A, %dma_start3A_188] : memref<64x128xf32, #tpu.memory_space<vmem>> -> memref<64x128xf32, #tpu.memory_space<vmem>>
      %dma_start3A_190 = arith.constant 0 : i32
      %dma_start3A_191 = tpu.memref_slice %arg10[%add3A_172, %dma_start3A_190] : memref<20000x128xf32, #tpu.memory_space<hbm>> -> memref<64x128xf32, #tpu.memory_space<hbm>>
      %dma_start3A_192 = arith.constant 0 : i32
      %dma_start3A_193 = tpu.memref_slice %arg10[%add3A_172, %dma_start3A_192] : memref<20000x128xf32, #tpu.memory_space<hbm>> -> memref<64x128xf32, #tpu.memory_space<hbm>>
      %dma_start3A_194 = arith.constant 0 : i32
      %dma_start3A_195 = arith.constant 0 : i32
      %dma_start3A_196 = tpu.memref_slice %arg11[%dma_start3A_194, %dma_start3A_195] : memref<64x128xf32, #tpu.memory_space<vmem>> -> memref<64x128xf32, #tpu.memory_space<vmem>>
      tpu.enqueue_dma source(%dma_start3A_196 : memref<64x128xf32, #tpu.memory_space<vmem>>) target(%dma_start3A_193 : memref<64x128xf32, #tpu.memory_space<hbm>>) target_semaphore(%run_scoped3A : memref<!tpu.dma_semaphore, #tpu.memory_space<semaphore_mem>>)
      %dma_wait3A = arith.constant 0 : i32
      %dma_wait3A_197 = arith.constant 0 : i32
      %dma_wait3A_198 = tpu.memref_slice %arg11[%dma_wait3A, %dma_wait3A_197] : memref<64x128xf32, #tpu.memory_space<vmem>> -> memref<64x128xf32, #tpu.memory_space<vmem>>
      %dma_wait3A_199 = arith.constant 0 : i32
      %dma_wait3A_200 = tpu.memref_slice %arg10[%add3A_172, %dma_wait3A_199] : memref<20000x128xf32, #tpu.memory_space<hbm>> -> memref<64x128xf32, #tpu.memory_space<hbm>>
      %dma_wait3A_201 = arith.constant 0 : i32
      %dma_wait3A_202 = tpu.memref_slice %arg10[%add3A_172, %dma_wait3A_201] : memref<20000x128xf32, #tpu.memory_space<hbm>> -> memref<64x128xf32, #tpu.memory_space<hbm>>
      %dma_wait3A_203 = arith.constant 0 : i32
      %dma_wait3A_204 = arith.constant 0 : i32
      %dma_wait3A_205 = tpu.memref_slice %arg11[%dma_wait3A_203, %dma_wait3A_204] : memref<64x128xf32, #tpu.memory_space<vmem>> -> memref<64x128xf32, #tpu.memory_space<vmem>>
      tpu.wait_dma2 semaphore(%run_scoped3A : memref<!tpu.dma_semaphore, #tpu.memory_space<semaphore_mem>>) src(%dma_wait3A_205 : memref<64x128xf32, #tpu.memory_space<vmem>>) dst(%dma_wait3A_202 : memref<64x128xf32, #tpu.memory_space<hbm>>)
      tpu.yield
    }) : () -> ()
    %add3A_173 = arith.constant 512 : i32
    %add3A_174 = arith.addi %mul3A_4, %add3A_173 : i32
    "tpu.region"() ({
      %run_scoped3A = tpu.sem_alloc : memref<!tpu.dma_semaphore, #tpu.memory_space<semaphore_mem>>
      %dma_start3A = arith.constant 0 : i32
      %dma_start3A_188 = arith.constant 0 : i32
      %dma_start3A_189 = tpu.memref_slice %arg11[%dma_start3A, %dma_start3A_188] : memref<64x128xf32, #tpu.memory_space<vmem>> -> memref<64x128xf32, #tpu.memory_space<vmem>>
      %dma_start3A_190 = arith.constant 0 : i32
      %dma_start3A_191 = tpu.memref_slice %arg25[%add3A_174, %dma_start3A_190] : memref<10000x128xf32, #tpu.memory_space<vmem_shared>> -> memref<64x128xf32, #tpu.memory_space<vmem_shared>>
      %dma_start3A_192 = arith.constant 0 : i32
      %dma_start3A_193 = arith.constant 0 : i32
      %dma_start3A_194 = tpu.memref_slice %arg11[%dma_start3A_192, %dma_start3A_193] : memref<64x128xf32, #tpu.memory_space<vmem>> -> memref<64x128xf32, #tpu.memory_space<vmem>>
      %dma_start3A_195 = arith.constant 0 : i32
      %dma_start3A_196 = tpu.memref_slice %arg25[%add3A_174, %dma_start3A_195] : memref<10000x128xf32, #tpu.memory_space<vmem_shared>> -> memref<64x128xf32, #tpu.memory_space<vmem_shared>>
      tpu.enqueue_dma source(%dma_start3A_196 : memref<64x128xf32, #tpu.memory_space<vmem_shared>>) target(%dma_start3A_194 : memref<64x128xf32, #tpu.memory_space<vmem>>) target_semaphore(%run_scoped3A : memref<!tpu.dma_semaphore, #tpu.memory_space<semaphore_mem>>)
      %dma_wait3A = arith.constant 0 : i32
      %dma_wait3A_197 = arith.constant 0 : i32
      %dma_wait3A_198 = tpu.memref_slice %arg11[%dma_wait3A, %dma_wait3A_197] : memref<64x128xf32, #tpu.memory_space<vmem>> -> memref<64x128xf32, #tpu.memory_space<vmem>>
      %dma_wait3A_199 = arith.constant 0 : i32
      %dma_wait3A_200 = tpu.memref_slice %arg25[%add3A_174, %dma_wait3A_199] : memref<10000x128xf32, #tpu.memory_space<vmem_shared>> -> memref<64x128xf32, #tpu.memory_space<vmem_shared>>
      %dma_wait3A_201 = arith.constant 0 : i32
      %dma_wait3A_202 = arith.constant 0 : i32
      %dma_wait3A_203 = tpu.memref_slice %arg11[%dma_wait3A_201, %dma_wait3A_202] : memref<64x128xf32, #tpu.memory_space<vmem>> -> memref<64x128xf32, #tpu.memory_space<vmem>>
      %dma_wait3A_204 = arith.constant 0 : i32
      %dma_wait3A_205 = tpu.memref_slice %arg25[%add3A_174, %dma_wait3A_204] : memref<10000x128xf32, #tpu.memory_space<vmem_shared>> -> memref<64x128xf32, #tpu.memory_space<vmem_shared>>
      tpu.wait_dma2 semaphore(%run_scoped3A : memref<!tpu.dma_semaphore, #tpu.memory_space<semaphore_mem>>) src(%dma_wait3A_205 : memref<64x128xf32, #tpu.memory_space<vmem_shared>>) dst(%dma_wait3A_203 : memref<64x128xf32, #tpu.memory_space<vmem>>)
      tpu.yield
    }) : () -> ()
    %add3A_175 = arith.addi %mul3A_6, %mul3A_4 : i32
    %add3A_176 = arith.constant 512 : i32
    %add3A_177 = arith.addi %add3A_175, %add3A_176 : i32
    "tpu.region"() ({
      %run_scoped3A = tpu.sem_alloc : memref<!tpu.dma_semaphore, #tpu.memory_space<semaphore_mem>>
      %dma_start3A = arith.constant 0 : i32
      %dma_start3A_188 = arith.constant 0 : i32
      %dma_start3A_189 = tpu.memref_slice %arg11[%dma_start3A, %dma_start3A_188] : memref<64x128xf32, #tpu.memory_space<vmem>> -> memref<64x128xf32, #tpu.memory_space<vmem>>
      %dma_start3A_190 = arith.constant 0 : i32
      %dma_start3A_191 = tpu.memref_slice %arg10[%add3A_177, %dma_start3A_190] : memref<20000x128xf32, #tpu.memory_space<hbm>> -> memref<64x128xf32, #tpu.memory_space<hbm>>
      %dma_start3A_192 = arith.constant 0 : i32
      %dma_start3A_193 = tpu.memref_slice %arg10[%add3A_177, %dma_start3A_192] : memref<20000x128xf32, #tpu.memory_space<hbm>> -> memref<64x128xf32, #tpu.memory_space<hbm>>
      %dma_start3A_194 = arith.constant 0 : i32
      %dma_start3A_195 = arith.constant 0 : i32
      %dma_start3A_196 = tpu.memref_slice %arg11[%dma_start3A_194, %dma_start3A_195] : memref<64x128xf32, #tpu.memory_space<vmem>> -> memref<64x128xf32, #tpu.memory_space<vmem>>
      tpu.enqueue_dma source(%dma_start3A_196 : memref<64x128xf32, #tpu.memory_space<vmem>>) target(%dma_start3A_193 : memref<64x128xf32, #tpu.memory_space<hbm>>) target_semaphore(%run_scoped3A : memref<!tpu.dma_semaphore, #tpu.memory_space<semaphore_mem>>)
      %dma_wait3A = arith.constant 0 : i32
      %dma_wait3A_197 = arith.constant 0 : i32
      %dma_wait3A_198 = tpu.memref_slice %arg11[%dma_wait3A, %dma_wait3A_197] : memref<64x128xf32, #tpu.memory_space<vmem>> -> memref<64x128xf32, #tpu.memory_space<vmem>>
      %dma_wait3A_199 = arith.constant 0 : i32
      %dma_wait3A_200 = tpu.memref_slice %arg10[%add3A_177, %dma_wait3A_199] : memref<20000x128xf32, #tpu.memory_space<hbm>> -> memref<64x128xf32, #tpu.memory_space<hbm>>
      %dma_wait3A_201 = arith.constant 0 : i32
      %dma_wait3A_202 = tpu.memref_slice %arg10[%add3A_177, %dma_wait3A_201] : memref<20000x128xf32, #tpu.memory_space<hbm>> -> memref<64x128xf32, #tpu.memory_space<hbm>>
      %dma_wait3A_203 = arith.constant 0 : i32
      %dma_wait3A_204 = arith.constant 0 : i32
      %dma_wait3A_205 = tpu.memref_slice %arg11[%dma_wait3A_203, %dma_wait3A_204] : memref<64x128xf32, #tpu.memory_space<vmem>> -> memref<64x128xf32, #tpu.memory_space<vmem>>
      tpu.wait_dma2 semaphore(%run_scoped3A : memref<!tpu.dma_semaphore, #tpu.memory_space<semaphore_mem>>) src(%dma_wait3A_205 : memref<64x128xf32, #tpu.memory_space<vmem>>) dst(%dma_wait3A_202 : memref<64x128xf32, #tpu.memory_space<hbm>>)
      tpu.yield
    }) : () -> ()
    %add3A_178 = arith.constant 576 : i32
    %add3A_179 = arith.addi %mul3A_4, %add3A_178 : i32
    "tpu.region"() ({
      %run_scoped3A = tpu.sem_alloc : memref<!tpu.dma_semaphore, #tpu.memory_space<semaphore_mem>>
      %dma_start3A = arith.constant 0 : i32
      %dma_start3A_188 = arith.constant 0 : i32
      %dma_start3A_189 = tpu.memref_slice %arg11[%dma_start3A, %dma_start3A_188] : memref<64x128xf32, #tpu.memory_space<vmem>> -> memref<48x128xf32, #tpu.memory_space<vmem>>
      %dma_start3A_190 = arith.constant 0 : i32
      %dma_start3A_191 = tpu.memref_slice %arg25[%add3A_179, %dma_start3A_190] : memref<10000x128xf32, #tpu.memory_space<vmem_shared>> -> memref<48x128xf32, #tpu.memory_space<vmem_shared>>
      %dma_start3A_192 = arith.constant 0 : i32
      %dma_start3A_193 = arith.constant 0 : i32
      %dma_start3A_194 = tpu.memref_slice %arg11[%dma_start3A_192, %dma_start3A_193] : memref<64x128xf32, #tpu.memory_space<vmem>> -> memref<48x128xf32, #tpu.memory_space<vmem>>
      %dma_start3A_195 = arith.constant 0 : i32
      %dma_start3A_196 = tpu.memref_slice %arg25[%add3A_179, %dma_start3A_195] : memref<10000x128xf32, #tpu.memory_space<vmem_shared>> -> memref<48x128xf32, #tpu.memory_space<vmem_shared>>
      tpu.enqueue_dma source(%dma_start3A_196 : memref<48x128xf32, #tpu.memory_space<vmem_shared>>) target(%dma_start3A_194 : memref<48x128xf32, #tpu.memory_space<vmem>>) target_semaphore(%run_scoped3A : memref<!tpu.dma_semaphore, #tpu.memory_space<semaphore_mem>>)
      %dma_wait3A = arith.constant 0 : i32
      %dma_wait3A_197 = arith.constant 0 : i32
      %dma_wait3A_198 = tpu.memref_slice %arg11[%dma_wait3A, %dma_wait3A_197] : memref<64x128xf32, #tpu.memory_space<vmem>> -> memref<48x128xf32, #tpu.memory_space<vmem>>
      %dma_wait3A_199 = arith.constant 0 : i32
      %dma_wait3A_200 = tpu.memref_slice %arg25[%add3A_179, %dma_wait3A_199] : memref<10000x128xf32, #tpu.memory_space<vmem_shared>> -> memref<48x128xf32, #tpu.memory_space<vmem_shared>>
      %dma_wait3A_201 = arith.constant 0 : i32
      %dma_wait3A_202 = arith.constant 0 : i32
      %dma_wait3A_203 = tpu.memref_slice %arg11[%dma_wait3A_201, %dma_wait3A_202] : memref<64x128xf32, #tpu.memory_space<vmem>> -> memref<48x128xf32, #tpu.memory_space<vmem>>
      %dma_wait3A_204 = arith.constant 0 : i32
      %dma_wait3A_205 = tpu.memref_slice %arg25[%add3A_179, %dma_wait3A_204] : memref<10000x128xf32, #tpu.memory_space<vmem_shared>> -> memref<48x128xf32, #tpu.memory_space<vmem_shared>>
      tpu.wait_dma2 semaphore(%run_scoped3A : memref<!tpu.dma_semaphore, #tpu.memory_space<semaphore_mem>>) src(%dma_wait3A_205 : memref<48x128xf32, #tpu.memory_space<vmem_shared>>) dst(%dma_wait3A_203 : memref<48x128xf32, #tpu.memory_space<vmem>>)
      tpu.yield
    }) : () -> ()
    %add3A_180 = arith.addi %mul3A_6, %mul3A_4 : i32
    %add3A_181 = arith.constant 576 : i32
    %add3A_182 = arith.addi %add3A_180, %add3A_181 : i32
    "tpu.region"() ({
      %run_scoped3A = tpu.sem_alloc : memref<!tpu.dma_semaphore, #tpu.memory_space<semaphore_mem>>
      %dma_start3A = arith.constant 0 : i32
      %dma_start3A_188 = arith.constant 0 : i32
      %dma_start3A_189 = tpu.memref_slice %arg11[%dma_start3A, %dma_start3A_188] : memref<64x128xf32, #tpu.memory_space<vmem>> -> memref<48x128xf32, #tpu.memory_space<vmem>>
      %dma_start3A_190 = arith.constant 0 : i32
      %dma_start3A_191 = tpu.memref_slice %arg10[%add3A_182, %dma_start3A_190] : memref<20000x128xf32, #tpu.memory_space<hbm>> -> memref<48x128xf32, #tpu.memory_space<hbm>>
      %dma_start3A_192 = arith.constant 0 : i32
      %dma_start3A_193 = tpu.memref_slice %arg10[%add3A_182, %dma_start3A_192] : memref<20000x128xf32, #tpu.memory_space<hbm>> -> memref<48x128xf32, #tpu.memory_space<hbm>>
      %dma_start3A_194 = arith.constant 0 : i32
      %dma_start3A_195 = arith.constant 0 : i32
      %dma_start3A_196 = tpu.memref_slice %arg11[%dma_start3A_194, %dma_start3A_195] : memref<64x128xf32, #tpu.memory_space<vmem>> -> memref<48x128xf32, #tpu.memory_space<vmem>>
      tpu.enqueue_dma source(%dma_start3A_196 : memref<48x128xf32, #tpu.memory_space<vmem>>) target(%dma_start3A_193 : memref<48x128xf32, #tpu.memory_space<hbm>>) target_semaphore(%run_scoped3A : memref<!tpu.dma_semaphore, #tpu.memory_space<semaphore_mem>>)
      %dma_wait3A = arith.constant 0 : i32
      %dma_wait3A_197 = arith.constant 0 : i32
      %dma_wait3A_198 = tpu.memref_slice %arg11[%dma_wait3A, %dma_wait3A_197] : memref<64x128xf32, #tpu.memory_space<vmem>> -> memref<48x128xf32, #tpu.memory_space<vmem>>
      %dma_wait3A_199 = arith.constant 0 : i32
      %dma_wait3A_200 = tpu.memref_slice %arg10[%add3A_182, %dma_wait3A_199] : memref<20000x128xf32, #tpu.memory_space<hbm>> -> memref<48x128xf32, #tpu.memory_space<hbm>>
      %dma_wait3A_201 = arith.constant 0 : i32
      %dma_wait3A_202 = tpu.memref_slice %arg10[%add3A_182, %dma_wait3A_201] : memref<20000x128xf32, #tpu.memory_space<hbm>> -> memref<48x128xf32, #tpu.memory_space<hbm>>
      %dma_wait3A_203 = arith.constant 0 : i32
      %dma_wait3A_204 = arith.constant 0 : i32
      %dma_wait3A_205 = tpu.memref_slice %arg11[%dma_wait3A_203, %dma_wait3A_204] : memref<64x128xf32, #tpu.memory_space<vmem>> -> memref<48x128xf32, #tpu.memory_space<vmem>>
      tpu.wait_dma2 semaphore(%run_scoped3A : memref<!tpu.dma_semaphore, #tpu.memory_space<semaphore_mem>>) src(%dma_wait3A_205 : memref<48x128xf32, #tpu.memory_space<vmem>>) dst(%dma_wait3A_202 : memref<48x128xf32, #tpu.memory_space<hbm>>)
      tpu.yield
    }) : () -> ()
    %eq3A_183 = arith.constant 15 : i32
    %eq3A_184 = arith.cmpi eq, %arg1, %eq3A_183 : i32
    %convert_element_type3A_185 = arith.extui %eq3A_184 : i1 to i32
    %cond3A_186 = arith.constant 0 : i32
    %cond3A_187 = arith.cmpi ne, %convert_element_type3A_185, %cond3A_186 : i32
    scf.if %cond3A_187 {
      "tpu.region"() ({
        %run_scoped3A = tpu.sem_alloc : memref<!tpu.dma_semaphore, #tpu.memory_space<semaphore_mem>>
        %dma_start3A = arith.constant 0 : i32
        %dma_start3A_190 = arith.constant 0 : i32
        %dma_start3A_191 = tpu.memref_slice %arg11[%dma_start3A, %dma_start3A_190] : memref<64x128xf32, #tpu.memory_space<vmem>> -> memref<16x128xf32, #tpu.memory_space<vmem>>
        %dma_start3A_192 = arith.constant 9984 : i32
        %dma_start3A_193 = arith.constant 0 : i32
        %dma_start3A_194 = tpu.memref_slice %arg25[%dma_start3A_192, %dma_start3A_193] : memref<10000x128xf32, #tpu.memory_space<vmem_shared>> -> memref<16x128xf32, #tpu.memory_space<vmem_shared>>
        %dma_start3A_195 = arith.constant 0 : i32
        %dma_start3A_196 = arith.constant 0 : i32
        %dma_start3A_197 = tpu.memref_slice %arg11[%dma_start3A_195, %dma_start3A_196] : memref<64x128xf32, #tpu.memory_space<vmem>> -> memref<16x128xf32, #tpu.memory_space<vmem>>
        %dma_start3A_198 = arith.constant 9984 : i32
        %dma_start3A_199 = arith.constant 0 : i32
        %dma_start3A_200 = tpu.memref_slice %arg25[%dma_start3A_198, %dma_start3A_199] : memref<10000x128xf32, #tpu.memory_space<vmem_shared>> -> memref<16x128xf32, #tpu.memory_space<vmem_shared>>
        tpu.enqueue_dma source(%dma_start3A_200 : memref<16x128xf32, #tpu.memory_space<vmem_shared>>) target(%dma_start3A_197 : memref<16x128xf32, #tpu.memory_space<vmem>>) target_semaphore(%run_scoped3A : memref<!tpu.dma_semaphore, #tpu.memory_space<semaphore_mem>>)
        %dma_wait3A = arith.constant 0 : i32
        %dma_wait3A_201 = arith.constant 0 : i32
        %dma_wait3A_202 = tpu.memref_slice %arg11[%dma_wait3A, %dma_wait3A_201] : memref<64x128xf32, #tpu.memory_space<vmem>> -> memref<16x128xf32, #tpu.memory_space<vmem>>
        %dma_wait3A_203 = arith.constant 9984 : i32
        %dma_wait3A_204 = arith.constant 0 : i32
        %dma_wait3A_205 = tpu.memref_slice %arg25[%dma_wait3A_203, %dma_wait3A_204] : memref<10000x128xf32, #tpu.memory_space<vmem_shared>> -> memref<16x128xf32, #tpu.memory_space<vmem_shared>>
        %dma_wait3A_206 = arith.constant 0 : i32
        %dma_wait3A_207 = arith.constant 0 : i32
        %dma_wait3A_208 = tpu.memref_slice %arg11[%dma_wait3A_206, %dma_wait3A_207] : memref<64x128xf32, #tpu.memory_space<vmem>> -> memref<16x128xf32, #tpu.memory_space<vmem>>
        %dma_wait3A_209 = arith.constant 9984 : i32
        %dma_wait3A_210 = arith.constant 0 : i32
        %dma_wait3A_211 = tpu.memref_slice %arg25[%dma_wait3A_209, %dma_wait3A_210] : memref<10000x128xf32, #tpu.memory_space<vmem_shared>> -> memref<16x128xf32, #tpu.memory_space<vmem_shared>>
        tpu.wait_dma2 semaphore(%run_scoped3A : memref<!tpu.dma_semaphore, #tpu.memory_space<semaphore_mem>>) src(%dma_wait3A_211 : memref<16x128xf32, #tpu.memory_space<vmem_shared>>) dst(%dma_wait3A_208 : memref<16x128xf32, #tpu.memory_space<vmem>>)
        tpu.yield
      }) : () -> ()
      %add3A_188 = arith.constant 9984 : i32
      %add3A_189 = arith.addi %mul3A_6, %add3A_188 : i32
      "tpu.region"() ({
        %run_scoped3A = tpu.sem_alloc : memref<!tpu.dma_semaphore, #tpu.memory_space<semaphore_mem>>
        %dma_start3A = arith.constant 0 : i32
        %dma_start3A_190 = arith.constant 0 : i32
        %dma_start3A_191 = tpu.memref_slice %arg11[%dma_start3A, %dma_start3A_190] : memref<64x128xf32, #tpu.memory_space<vmem>> -> memref<16x128xf32, #tpu.memory_space<vmem>>
        %dma_start3A_192 = arith.constant 0 : i32
        %dma_start3A_193 = tpu.memref_slice %arg10[%add3A_189, %dma_start3A_192] : memref<20000x128xf32, #tpu.memory_space<hbm>> -> memref<16x128xf32, #tpu.memory_space<hbm>>
        %dma_start3A_194 = arith.constant 0 : i32
        %dma_start3A_195 = tpu.memref_slice %arg10[%add3A_189, %dma_start3A_194] : memref<20000x128xf32, #tpu.memory_space<hbm>> -> memref<16x128xf32, #tpu.memory_space<hbm>>
        %dma_start3A_196 = arith.constant 0 : i32
        %dma_start3A_197 = arith.constant 0 : i32
        %dma_start3A_198 = tpu.memref_slice %arg11[%dma_start3A_196, %dma_start3A_197] : memref<64x128xf32, #tpu.memory_space<vmem>> -> memref<16x128xf32, #tpu.memory_space<vmem>>
        tpu.enqueue_dma source(%dma_start3A_198 : memref<16x128xf32, #tpu.memory_space<vmem>>) target(%dma_start3A_195 : memref<16x128xf32, #tpu.memory_space<hbm>>) target_semaphore(%run_scoped3A : memref<!tpu.dma_semaphore, #tpu.memory_space<semaphore_mem>>)
        %dma_wait3A = arith.constant 0 : i32
        %dma_wait3A_199 = arith.constant 0 : i32
        %dma_wait3A_200 = tpu.memref_slice %arg11[%dma_wait3A, %dma_wait3A_199] : memref<64x128xf32, #tpu.memory_space<vmem>> -> memref<16x128xf32, #tpu.memory_space<vmem>>
        %dma_wait3A_201 = arith.constant 0 : i32
        %dma_wait3A_202 = tpu.memref_slice %arg10[%add3A_189, %dma_wait3A_201] : memref<20000x128xf32, #tpu.memory_space<hbm>> -> memref<16x128xf32, #tpu.memory_space<hbm>>
        %dma_wait3A_203 = arith.constant 0 : i32
        %dma_wait3A_204 = tpu.memref_slice %arg10[%add3A_189, %dma_wait3A_203] : memref<20000x128xf32, #tpu.memory_space<hbm>> -> memref<16x128xf32, #tpu.memory_space<hbm>>
        %dma_wait3A_205 = arith.constant 0 : i32
        %dma_wait3A_206 = arith.constant 0 : i32
        %dma_wait3A_207 = tpu.memref_slice %arg11[%dma_wait3A_205, %dma_wait3A_206] : memref<64x128xf32, #tpu.memory_space<vmem>> -> memref<16x128xf32, #tpu.memory_space<vmem>>
        tpu.wait_dma2 semaphore(%run_scoped3A : memref<!tpu.dma_semaphore, #tpu.memory_space<semaphore_mem>>) src(%dma_wait3A_207 : memref<16x128xf32, #tpu.memory_space<vmem>>) dst(%dma_wait3A_204 : memref<16x128xf32, #tpu.memory_space<hbm>>)
        tpu.yield
      }) : () -> ()
    } else {
    }
    return
  }
}

#map = affine_map<(d0, d1) -> (0)>
module attributes {stable_mosaic.version = 14 : i64} {
  func.func @_deg_body(%arg0: i32, %arg1: i32, %arg2: memref<655360xi32, #tpu.memory_space<hbm>>, %arg3: memref<327680xf32, #tpu.memory_space<hbm>>, %arg4: memref<20000xf32, #tpu.memory_space<hbm>>, %arg5: memref<64x128xf32, #tpu.memory_space<vmem>>, %arg6: memref<64xi32, #tpu.memory_space<vmem>>, %arg7: memref<64xf32, #tpu.memory_space<vmem>>, %arg8: memref<624xf32, #tpu.memory_space<vmem>>, %arg9: memref<10000x128xf32, #tpu.memory_space<vmem_shared>>) attributes {dimension_semantics = [#tpu.dimension_semantics<core_parallel>, #tpu.dimension_semantics<subcore_parallel>], iteration_bounds = array<i64: 2, 16>, scalar_prefetch = 0 : i64, scratch_operands = 5 : i64, tpu.core_type = #tpu.core_type<sc_vector_subcore>, window_params = [{transform_indices = #map}, {transform_indices = #map}, {transform_indices = #map}]} {
    %mul3A = arith.constant 20480 : i32
    %mul3A_0 = arith.muli %arg1, %mul3A : i32
    %mul3A_1 = arith.constant 327680 : i32
    %mul3A_2 = arith.muli %arg0, %mul3A_1 : i32
    %mul3A_3 = arith.constant 624 : i32
    %mul3A_4 = arith.muli %arg1, %mul3A_3 : i32
    %mul3A_5 = arith.constant 10000 : i32
    %mul3A_6 = arith.muli %arg0, %mul3A_5 : i32
    %broadcast_in_dim3A = arith.constant 0.000000e+00 : f32
    %broadcast_in_dim3A_7 = vector.broadcast %broadcast_in_dim3A : f32 to vector<16xf32>
    %iota3A = tpu.iota {dimensions = array<i32: 0>} : vector<16xi32>
    %broadcast_in_dim3A_8 = arith.constant 0 : i32
    %broadcast_in_dim3A_9 = vector.broadcast %broadcast_in_dim3A_8 : i32 to vector<16xi32>
    %scan3A = arith.constant 0 : i32
    %scan3A_10 = arith.constant 64 : i32
    %scan3A_11 = arith.addi %scan3A, %scan3A_10 : i32
    %scan3A_12 = arith.constant 1 : i32
    scf.for %scan3A_300 = %scan3A to %scan3A_11 step %scan3A_12  : i32 {
      %mul3A_301 = arith.constant 1 : i32
      %mul3A_302 = arith.muli %scan3A_300, %mul3A_301 : i32
      %add3A_303 = arith.constant 0 : i32
      %add3A_304 = arith.addi %add3A_303, %mul3A_302 : i32
      %swap3A_305 = arith.index_cast %add3A_304 : i32 to index
      %swap3A_306 = arith.constant 0 : index
      %swap3A_307 = tpu.vector_load %arg5[%swap3A_305, %swap3A_306] {strides = array<i32>} : memref<64x128xf32, #tpu.memory_space<vmem>>, vector<16xf32>,
      tpu.vector_store %arg5[%swap3A_305, %swap3A_306], %broadcast_in_dim3A_7 {strides = array<i32>} : memref<64x128xf32, #tpu.memory_space<vmem>>, vector<16xf32>,
      %swap3A_308 = arith.index_cast %add3A_304 : i32 to index
      %swap3A_309 = arith.constant 16 : index
      %swap3A_310 = tpu.vector_load %arg5[%swap3A_308, %swap3A_309] {strides = array<i32>} : memref<64x128xf32, #tpu.memory_space<vmem>>, vector<16xf32>,
      tpu.vector_store %arg5[%swap3A_308, %swap3A_309], %broadcast_in_dim3A_7 {strides = array<i32>} : memref<64x128xf32, #tpu.memory_space<vmem>>, vector<16xf32>,
      %swap3A_311 = arith.index_cast %add3A_304 : i32 to index
      %swap3A_312 = arith.constant 32 : index
      %swap3A_313 = tpu.vector_load %arg5[%swap3A_311, %swap3A_312] {strides = array<i32>} : memref<64x128xf32, #tpu.memory_space<vmem>>, vector<16xf32>,
      tpu.vector_store %arg5[%swap3A_311, %swap3A_312], %broadcast_in_dim3A_7 {strides = array<i32>} : memref<64x128xf32, #tpu.memory_space<vmem>>, vector<16xf32>,
      %swap3A_314 = arith.index_cast %add3A_304 : i32 to index
      %swap3A_315 = arith.constant 48 : index
      %swap3A_316 = tpu.vector_load %arg5[%swap3A_314, %swap3A_315] {strides = array<i32>} : memref<64x128xf32, #tpu.memory_space<vmem>>, vector<16xf32>,
      tpu.vector_store %arg5[%swap3A_314, %swap3A_315], %broadcast_in_dim3A_7 {strides = array<i32>} : memref<64x128xf32, #tpu.memory_space<vmem>>, vector<16xf32>,
      %swap3A_317 = arith.index_cast %add3A_304 : i32 to index
      %swap3A_318 = arith.constant 64 : index
      %swap3A_319 = tpu.vector_load %arg5[%swap3A_317, %swap3A_318] {strides = array<i32>} : memref<64x128xf32, #tpu.memory_space<vmem>>, vector<16xf32>,
      tpu.vector_store %arg5[%swap3A_317, %swap3A_318], %broadcast_in_dim3A_7 {strides = array<i32>} : memref<64x128xf32, #tpu.memory_space<vmem>>, vector<16xf32>,
      %swap3A_320 = arith.index_cast %add3A_304 : i32 to index
      %swap3A_321 = arith.constant 80 : index
      %swap3A_322 = tpu.vector_load %arg5[%swap3A_320, %swap3A_321] {strides = array<i32>} : memref<64x128xf32, #tpu.memory_space<vmem>>, vector<16xf32>,
      tpu.vector_store %arg5[%swap3A_320, %swap3A_321], %broadcast_in_dim3A_7 {strides = array<i32>} : memref<64x128xf32, #tpu.memory_space<vmem>>, vector<16xf32>,
      %swap3A_323 = arith.index_cast %add3A_304 : i32 to index
      %swap3A_324 = arith.constant 96 : index
      %swap3A_325 = tpu.vector_load %arg5[%swap3A_323, %swap3A_324] {strides = array<i32>} : memref<64x128xf32, #tpu.memory_space<vmem>>, vector<16xf32>,
      tpu.vector_store %arg5[%swap3A_323, %swap3A_324], %broadcast_in_dim3A_7 {strides = array<i32>} : memref<64x128xf32, #tpu.memory_space<vmem>>, vector<16xf32>,
      %swap3A_326 = arith.index_cast %add3A_304 : i32 to index
      %swap3A_327 = arith.constant 112 : index
      %swap3A_328 = tpu.vector_load %arg5[%swap3A_326, %swap3A_327] {strides = array<i32>} : memref<64x128xf32, #tpu.memory_space<vmem>>, vector<16xf32>,
      tpu.vector_store %arg5[%swap3A_326, %swap3A_327], %broadcast_in_dim3A_7 {strides = array<i32>} : memref<64x128xf32, #tpu.memory_space<vmem>>, vector<16xf32>,
    }
    %scan3A_13 = arith.constant 64 : i32
    %add3A = arith.constant 0 : i32
    %add3A_14 = arith.addi %mul3A_4, %add3A : i32
    "tpu.region"() ({
      %run_scoped3A = tpu.sem_alloc : memref<!tpu.dma_semaphore, #tpu.memory_space<semaphore_mem>>
      %dma_start3A = arith.constant 0 : i32
      %dma_start3A_300 = arith.constant 0 : i32
      %dma_start3A_301 = tpu.memref_slice %arg5[%dma_start3A, %dma_start3A_300] : memref<64x128xf32, #tpu.memory_space<vmem>> -> memref<64x128xf32, #tpu.memory_space<vmem>>
      %dma_start3A_302 = arith.constant 0 : i32
      %dma_start3A_303 = tpu.memref_slice %arg9[%add3A_14, %dma_start3A_302] : memref<10000x128xf32, #tpu.memory_space<vmem_shared>> -> memref<64x128xf32, #tpu.memory_space<vmem_shared>>
      %dma_start3A_304 = arith.constant 0 : i32
      %dma_start3A_305 = tpu.memref_slice %arg9[%add3A_14, %dma_start3A_304] : memref<10000x128xf32, #tpu.memory_space<vmem_shared>> -> memref<64x128xf32, #tpu.memory_space<vmem_shared>>
      %dma_start3A_306 = arith.constant 0 : i32
      %dma_start3A_307 = arith.constant 0 : i32
      %dma_start3A_308 = tpu.memref_slice %arg5[%dma_start3A_306, %dma_start3A_307] : memref<64x128xf32, #tpu.memory_space<vmem>> -> memref<64x128xf32, #tpu.memory_space<vmem>>
      tpu.enqueue_dma source(%dma_start3A_308 : memref<64x128xf32, #tpu.memory_space<vmem>>) target(%dma_start3A_305 : memref<64x128xf32, #tpu.memory_space<vmem_shared>>) target_semaphore(%run_scoped3A : memref<!tpu.dma_semaphore, #tpu.memory_space<semaphore_mem>>)
      %dma_wait3A = arith.constant 0 : i32
      %dma_wait3A_309 = arith.constant 0 : i32
      %dma_wait3A_310 = tpu.memref_slice %arg5[%dma_wait3A, %dma_wait3A_309] : memref<64x128xf32, #tpu.memory_space<vmem>> -> memref<64x128xf32, #tpu.memory_space<vmem>>
      %dma_wait3A_311 = arith.constant 0 : i32
      %dma_wait3A_312 = tpu.memref_slice %arg9[%add3A_14, %dma_wait3A_311] : memref<10000x128xf32, #tpu.memory_space<vmem_shared>> -> memref<64x128xf32, #tpu.memory_space<vmem_shared>>
      %dma_wait3A_313 = arith.constant 0 : i32
      %dma_wait3A_314 = tpu.memref_slice %arg9[%add3A_14, %dma_wait3A_313] : memref<10000x128xf32, #tpu.memory_space<vmem_shared>> -> memref<64x128xf32, #tpu.memory_space<vmem_shared>>
      %dma_wait3A_315 = arith.constant 0 : i32
      %dma_wait3A_316 = arith.constant 0 : i32
      %dma_wait3A_317 = tpu.memref_slice %arg5[%dma_wait3A_315, %dma_wait3A_316] : memref<64x128xf32, #tpu.memory_space<vmem>> -> memref<64x128xf32, #tpu.memory_space<vmem>>
      tpu.wait_dma2 semaphore(%run_scoped3A : memref<!tpu.dma_semaphore, #tpu.memory_space<semaphore_mem>>) src(%dma_wait3A_317 : memref<64x128xf32, #tpu.memory_space<vmem>>) dst(%dma_wait3A_314 : memref<64x128xf32, #tpu.memory_space<vmem_shared>>)
      tpu.yield
    }) : () -> ()
    %add3A_15 = arith.constant 64 : i32
    %add3A_16 = arith.addi %mul3A_4, %add3A_15 : i32
    "tpu.region"() ({
      %run_scoped3A = tpu.sem_alloc : memref<!tpu.dma_semaphore, #tpu.memory_space<semaphore_mem>>
      %dma_start3A = arith.constant 0 : i32
      %dma_start3A_300 = arith.constant 0 : i32
      %dma_start3A_301 = tpu.memref_slice %arg5[%dma_start3A, %dma_start3A_300] : memref<64x128xf32, #tpu.memory_space<vmem>> -> memref<64x128xf32, #tpu.memory_space<vmem>>
      %dma_start3A_302 = arith.constant 0 : i32
      %dma_start3A_303 = tpu.memref_slice %arg9[%add3A_16, %dma_start3A_302] : memref<10000x128xf32, #tpu.memory_space<vmem_shared>> -> memref<64x128xf32, #tpu.memory_space<vmem_shared>>
      %dma_start3A_304 = arith.constant 0 : i32
      %dma_start3A_305 = tpu.memref_slice %arg9[%add3A_16, %dma_start3A_304] : memref<10000x128xf32, #tpu.memory_space<vmem_shared>> -> memref<64x128xf32, #tpu.memory_space<vmem_shared>>
      %dma_start3A_306 = arith.constant 0 : i32
      %dma_start3A_307 = arith.constant 0 : i32
      %dma_start3A_308 = tpu.memref_slice %arg5[%dma_start3A_306, %dma_start3A_307] : memref<64x128xf32, #tpu.memory_space<vmem>> -> memref<64x128xf32, #tpu.memory_space<vmem>>
      tpu.enqueue_dma source(%dma_start3A_308 : memref<64x128xf32, #tpu.memory_space<vmem>>) target(%dma_start3A_305 : memref<64x128xf32, #tpu.memory_space<vmem_shared>>) target_semaphore(%run_scoped3A : memref<!tpu.dma_semaphore, #tpu.memory_space<semaphore_mem>>)
      %dma_wait3A = arith.constant 0 : i32
      %dma_wait3A_309 = arith.constant 0 : i32
      %dma_wait3A_310 = tpu.memref_slice %arg5[%dma_wait3A, %dma_wait3A_309] : memref<64x128xf32, #tpu.memory_space<vmem>> -> memref<64x128xf32, #tpu.memory_space<vmem>>
      %dma_wait3A_311 = arith.constant 0 : i32
      %dma_wait3A_312 = tpu.memref_slice %arg9[%add3A_16, %dma_wait3A_311] : memref<10000x128xf32, #tpu.memory_space<vmem_shared>> -> memref<64x128xf32, #tpu.memory_space<vmem_shared>>
      %dma_wait3A_313 = arith.constant 0 : i32
      %dma_wait3A_314 = tpu.memref_slice %arg9[%add3A_16, %dma_wait3A_313] : memref<10000x128xf32, #tpu.memory_space<vmem_shared>> -> memref<64x128xf32, #tpu.memory_space<vmem_shared>>
      %dma_wait3A_315 = arith.constant 0 : i32
      %dma_wait3A_316 = arith.constant 0 : i32
      %dma_wait3A_317 = tpu.memref_slice %arg5[%dma_wait3A_315, %dma_wait3A_316] : memref<64x128xf32, #tpu.memory_space<vmem>> -> memref<64x128xf32, #tpu.memory_space<vmem>>
      tpu.wait_dma2 semaphore(%run_scoped3A : memref<!tpu.dma_semaphore, #tpu.memory_space<semaphore_mem>>) src(%dma_wait3A_317 : memref<64x128xf32, #tpu.memory_space<vmem>>) dst(%dma_wait3A_314 : memref<64x128xf32, #tpu.memory_space<vmem_shared>>)
      tpu.yield
    }) : () -> ()
    %add3A_17 = arith.constant 128 : i32
    %add3A_18 = arith.addi %mul3A_4, %add3A_17 : i32
    "tpu.region"() ({
      %run_scoped3A = tpu.sem_alloc : memref<!tpu.dma_semaphore, #tpu.memory_space<semaphore_mem>>
      %dma_start3A = arith.constant 0 : i32
      %dma_start3A_300 = arith.constant 0 : i32
      %dma_start3A_301 = tpu.memref_slice %arg5[%dma_start3A, %dma_start3A_300] : memref<64x128xf32, #tpu.memory_space<vmem>> -> memref<64x128xf32, #tpu.memory_space<vmem>>
      %dma_start3A_302 = arith.constant 0 : i32
      %dma_start3A_303 = tpu.memref_slice %arg9[%add3A_18, %dma_start3A_302] : memref<10000x128xf32, #tpu.memory_space<vmem_shared>> -> memref<64x128xf32, #tpu.memory_space<vmem_shared>>
      %dma_start3A_304 = arith.constant 0 : i32
      %dma_start3A_305 = tpu.memref_slice %arg9[%add3A_18, %dma_start3A_304] : memref<10000x128xf32, #tpu.memory_space<vmem_shared>> -> memref<64x128xf32, #tpu.memory_space<vmem_shared>>
      %dma_start3A_306 = arith.constant 0 : i32
      %dma_start3A_307 = arith.constant 0 : i32
      %dma_start3A_308 = tpu.memref_slice %arg5[%dma_start3A_306, %dma_start3A_307] : memref<64x128xf32, #tpu.memory_space<vmem>> -> memref<64x128xf32, #tpu.memory_space<vmem>>
      tpu.enqueue_dma source(%dma_start3A_308 : memref<64x128xf32, #tpu.memory_space<vmem>>) target(%dma_start3A_305 : memref<64x128xf32, #tpu.memory_space<vmem_shared>>) target_semaphore(%run_scoped3A : memref<!tpu.dma_semaphore, #tpu.memory_space<semaphore_mem>>)
      %dma_wait3A = arith.constant 0 : i32
      %dma_wait3A_309 = arith.constant 0 : i32
      %dma_wait3A_310 = tpu.memref_slice %arg5[%dma_wait3A, %dma_wait3A_309] : memref<64x128xf32, #tpu.memory_space<vmem>> -> memref<64x128xf32, #tpu.memory_space<vmem>>
      %dma_wait3A_311 = arith.constant 0 : i32
      %dma_wait3A_312 = tpu.memref_slice %arg9[%add3A_18, %dma_wait3A_311] : memref<10000x128xf32, #tpu.memory_space<vmem_shared>> -> memref<64x128xf32, #tpu.memory_space<vmem_shared>>
      %dma_wait3A_313 = arith.constant 0 : i32
      %dma_wait3A_314 = tpu.memref_slice %arg9[%add3A_18, %dma_wait3A_313] : memref<10000x128xf32, #tpu.memory_space<vmem_shared>> -> memref<64x128xf32, #tpu.memory_space<vmem_shared>>
      %dma_wait3A_315 = arith.constant 0 : i32
      %dma_wait3A_316 = arith.constant 0 : i32
      %dma_wait3A_317 = tpu.memref_slice %arg5[%dma_wait3A_315, %dma_wait3A_316] : memref<64x128xf32, #tpu.memory_space<vmem>> -> memref<64x128xf32, #tpu.memory_space<vmem>>
      tpu.wait_dma2 semaphore(%run_scoped3A : memref<!tpu.dma_semaphore, #tpu.memory_space<semaphore_mem>>) src(%dma_wait3A_317 : memref<64x128xf32, #tpu.memory_space<vmem>>) dst(%dma_wait3A_314 : memref<64x128xf32, #tpu.memory_space<vmem_shared>>)
      tpu.yield
    }) : () -> ()
    %add3A_19 = arith.constant 192 : i32
    %add3A_20 = arith.addi %mul3A_4, %add3A_19 : i32
    "tpu.region"() ({
      %run_scoped3A = tpu.sem_alloc : memref<!tpu.dma_semaphore, #tpu.memory_space<semaphore_mem>>
      %dma_start3A = arith.constant 0 : i32
      %dma_start3A_300 = arith.constant 0 : i32
      %dma_start3A_301 = tpu.memref_slice %arg5[%dma_start3A, %dma_start3A_300] : memref<64x128xf32, #tpu.memory_space<vmem>> -> memref<64x128xf32, #tpu.memory_space<vmem>>
      %dma_start3A_302 = arith.constant 0 : i32
      %dma_start3A_303 = tpu.memref_slice %arg9[%add3A_20, %dma_start3A_302] : memref<10000x128xf32, #tpu.memory_space<vmem_shared>> -> memref<64x128xf32, #tpu.memory_space<vmem_shared>>
      %dma_start3A_304 = arith.constant 0 : i32
      %dma_start3A_305 = tpu.memref_slice %arg9[%add3A_20, %dma_start3A_304] : memref<10000x128xf32, #tpu.memory_space<vmem_shared>> -> memref<64x128xf32, #tpu.memory_space<vmem_shared>>
      %dma_start3A_306 = arith.constant 0 : i32
      %dma_start3A_307 = arith.constant 0 : i32
      %dma_start3A_308 = tpu.memref_slice %arg5[%dma_start3A_306, %dma_start3A_307] : memref<64x128xf32, #tpu.memory_space<vmem>> -> memref<64x128xf32, #tpu.memory_space<vmem>>
      tpu.enqueue_dma source(%dma_start3A_308 : memref<64x128xf32, #tpu.memory_space<vmem>>) target(%dma_start3A_305 : memref<64x128xf32, #tpu.memory_space<vmem_shared>>) target_semaphore(%run_scoped3A : memref<!tpu.dma_semaphore, #tpu.memory_space<semaphore_mem>>)
      %dma_wait3A = arith.constant 0 : i32
      %dma_wait3A_309 = arith.constant 0 : i32
      %dma_wait3A_310 = tpu.memref_slice %arg5[%dma_wait3A, %dma_wait3A_309] : memref<64x128xf32, #tpu.memory_space<vmem>> -> memref<64x128xf32, #tpu.memory_space<vmem>>
      %dma_wait3A_311 = arith.constant 0 : i32
      %dma_wait3A_312 = tpu.memref_slice %arg9[%add3A_20, %dma_wait3A_311] : memref<10000x128xf32, #tpu.memory_space<vmem_shared>> -> memref<64x128xf32, #tpu.memory_space<vmem_shared>>
      %dma_wait3A_313 = arith.constant 0 : i32
      %dma_wait3A_314 = tpu.memref_slice %arg9[%add3A_20, %dma_wait3A_313] : memref<10000x128xf32, #tpu.memory_space<vmem_shared>> -> memref<64x128xf32, #tpu.memory_space<vmem_shared>>
      %dma_wait3A_315 = arith.constant 0 : i32
      %dma_wait3A_316 = arith.constant 0 : i32
      %dma_wait3A_317 = tpu.memref_slice %arg5[%dma_wait3A_315, %dma_wait3A_316] : memref<64x128xf32, #tpu.memory_space<vmem>> -> memref<64x128xf32, #tpu.memory_space<vmem>>
      tpu.wait_dma2 semaphore(%run_scoped3A : memref<!tpu.dma_semaphore, #tpu.memory_space<semaphore_mem>>) src(%dma_wait3A_317 : memref<64x128xf32, #tpu.memory_space<vmem>>) dst(%dma_wait3A_314 : memref<64x128xf32, #tpu.memory_space<vmem_shared>>)
      tpu.yield
    }) : () -> ()
    %add3A_21 = arith.constant 256 : i32
    %add3A_22 = arith.addi %mul3A_4, %add3A_21 : i32
    "tpu.region"() ({
      %run_scoped3A = tpu.sem_alloc : memref<!tpu.dma_semaphore, #tpu.memory_space<semaphore_mem>>
      %dma_start3A = arith.constant 0 : i32
      %dma_start3A_300 = arith.constant 0 : i32
      %dma_start3A_301 = tpu.memref_slice %arg5[%dma_start3A, %dma_start3A_300] : memref<64x128xf32, #tpu.memory_space<vmem>> -> memref<64x128xf32, #tpu.memory_space<vmem>>
      %dma_start3A_302 = arith.constant 0 : i32
      %dma_start3A_303 = tpu.memref_slice %arg9[%add3A_22, %dma_start3A_302] : memref<10000x128xf32, #tpu.memory_space<vmem_shared>> -> memref<64x128xf32, #tpu.memory_space<vmem_shared>>
      %dma_start3A_304 = arith.constant 0 : i32
      %dma_start3A_305 = tpu.memref_slice %arg9[%add3A_22, %dma_start3A_304] : memref<10000x128xf32, #tpu.memory_space<vmem_shared>> -> memref<64x128xf32, #tpu.memory_space<vmem_shared>>
      %dma_start3A_306 = arith.constant 0 : i32
      %dma_start3A_307 = arith.constant 0 : i32
      %dma_start3A_308 = tpu.memref_slice %arg5[%dma_start3A_306, %dma_start3A_307] : memref<64x128xf32, #tpu.memory_space<vmem>> -> memref<64x128xf32, #tpu.memory_space<vmem>>
      tpu.enqueue_dma source(%dma_start3A_308 : memref<64x128xf32, #tpu.memory_space<vmem>>) target(%dma_start3A_305 : memref<64x128xf32, #tpu.memory_space<vmem_shared>>) target_semaphore(%run_scoped3A : memref<!tpu.dma_semaphore, #tpu.memory_space<semaphore_mem>>)
      %dma_wait3A = arith.constant 0 : i32
      %dma_wait3A_309 = arith.constant 0 : i32
      %dma_wait3A_310 = tpu.memref_slice %arg5[%dma_wait3A, %dma_wait3A_309] : memref<64x128xf32, #tpu.memory_space<vmem>> -> memref<64x128xf32, #tpu.memory_space<vmem>>
      %dma_wait3A_311 = arith.constant 0 : i32
      %dma_wait3A_312 = tpu.memref_slice %arg9[%add3A_22, %dma_wait3A_311] : memref<10000x128xf32, #tpu.memory_space<vmem_shared>> -> memref<64x128xf32, #tpu.memory_space<vmem_shared>>
      %dma_wait3A_313 = arith.constant 0 : i32
      %dma_wait3A_314 = tpu.memref_slice %arg9[%add3A_22, %dma_wait3A_313] : memref<10000x128xf32, #tpu.memory_space<vmem_shared>> -> memref<64x128xf32, #tpu.memory_space<vmem_shared>>
      %dma_wait3A_315 = arith.constant 0 : i32
      %dma_wait3A_316 = arith.constant 0 : i32
      %dma_wait3A_317 = tpu.memref_slice %arg5[%dma_wait3A_315, %dma_wait3A_316] : memref<64x128xf32, #tpu.memory_space<vmem>> -> memref<64x128xf32, #tpu.memory_space<vmem>>
      tpu.wait_dma2 semaphore(%run_scoped3A : memref<!tpu.dma_semaphore, #tpu.memory_space<semaphore_mem>>) src(%dma_wait3A_317 : memref<64x128xf32, #tpu.memory_space<vmem>>) dst(%dma_wait3A_314 : memref<64x128xf32, #tpu.memory_space<vmem_shared>>)
      tpu.yield
    }) : () -> ()
    %add3A_23 = arith.constant 320 : i32
    %add3A_24 = arith.addi %mul3A_4, %add3A_23 : i32
    "tpu.region"() ({
      %run_scoped3A = tpu.sem_alloc : memref<!tpu.dma_semaphore, #tpu.memory_space<semaphore_mem>>
      %dma_start3A = arith.constant 0 : i32
      %dma_start3A_300 = arith.constant 0 : i32
      %dma_start3A_301 = tpu.memref_slice %arg5[%dma_start3A, %dma_start3A_300] : memref<64x128xf32, #tpu.memory_space<vmem>> -> memref<64x128xf32, #tpu.memory_space<vmem>>
      %dma_start3A_302 = arith.constant 0 : i32
      %dma_start3A_303 = tpu.memref_slice %arg9[%add3A_24, %dma_start3A_302] : memref<10000x128xf32, #tpu.memory_space<vmem_shared>> -> memref<64x128xf32, #tpu.memory_space<vmem_shared>>
      %dma_start3A_304 = arith.constant 0 : i32
      %dma_start3A_305 = tpu.memref_slice %arg9[%add3A_24, %dma_start3A_304] : memref<10000x128xf32, #tpu.memory_space<vmem_shared>> -> memref<64x128xf32, #tpu.memory_space<vmem_shared>>
      %dma_start3A_306 = arith.constant 0 : i32
      %dma_start3A_307 = arith.constant 0 : i32
      %dma_start3A_308 = tpu.memref_slice %arg5[%dma_start3A_306, %dma_start3A_307] : memref<64x128xf32, #tpu.memory_space<vmem>> -> memref<64x128xf32, #tpu.memory_space<vmem>>
      tpu.enqueue_dma source(%dma_start3A_308 : memref<64x128xf32, #tpu.memory_space<vmem>>) target(%dma_start3A_305 : memref<64x128xf32, #tpu.memory_space<vmem_shared>>) target_semaphore(%run_scoped3A : memref<!tpu.dma_semaphore, #tpu.memory_space<semaphore_mem>>)
      %dma_wait3A = arith.constant 0 : i32
      %dma_wait3A_309 = arith.constant 0 : i32
      %dma_wait3A_310 = tpu.memref_slice %arg5[%dma_wait3A, %dma_wait3A_309] : memref<64x128xf32, #tpu.memory_space<vmem>> -> memref<64x128xf32, #tpu.memory_space<vmem>>
      %dma_wait3A_311 = arith.constant 0 : i32
      %dma_wait3A_312 = tpu.memref_slice %arg9[%add3A_24, %dma_wait3A_311] : memref<10000x128xf32, #tpu.memory_space<vmem_shared>> -> memref<64x128xf32, #tpu.memory_space<vmem_shared>>
      %dma_wait3A_313 = arith.constant 0 : i32
      %dma_wait3A_314 = tpu.memref_slice %arg9[%add3A_24, %dma_wait3A_313] : memref<10000x128xf32, #tpu.memory_space<vmem_shared>> -> memref<64x128xf32, #tpu.memory_space<vmem_shared>>
      %dma_wait3A_315 = arith.constant 0 : i32
      %dma_wait3A_316 = arith.constant 0 : i32
      %dma_wait3A_317 = tpu.memref_slice %arg5[%dma_wait3A_315, %dma_wait3A_316] : memref<64x128xf32, #tpu.memory_space<vmem>> -> memref<64x128xf32, #tpu.memory_space<vmem>>
      tpu.wait_dma2 semaphore(%run_scoped3A : memref<!tpu.dma_semaphore, #tpu.memory_space<semaphore_mem>>) src(%dma_wait3A_317 : memref<64x128xf32, #tpu.memory_space<vmem>>) dst(%dma_wait3A_314 : memref<64x128xf32, #tpu.memory_space<vmem_shared>>)
      tpu.yield
    }) : () -> ()
    %add3A_25 = arith.constant 384 : i32
    %add3A_26 = arith.addi %mul3A_4, %add3A_25 : i32
    "tpu.region"() ({
      %run_scoped3A = tpu.sem_alloc : memref<!tpu.dma_semaphore, #tpu.memory_space<semaphore_mem>>
      %dma_start3A = arith.constant 0 : i32
      %dma_start3A_300 = arith.constant 0 : i32
      %dma_start3A_301 = tpu.memref_slice %arg5[%dma_start3A, %dma_start3A_300] : memref<64x128xf32, #tpu.memory_space<vmem>> -> memref<64x128xf32, #tpu.memory_space<vmem>>
      %dma_start3A_302 = arith.constant 0 : i32
      %dma_start3A_303 = tpu.memref_slice %arg9[%add3A_26, %dma_start3A_302] : memref<10000x128xf32, #tpu.memory_space<vmem_shared>> -> memref<64x128xf32, #tpu.memory_space<vmem_shared>>
      %dma_start3A_304 = arith.constant 0 : i32
      %dma_start3A_305 = tpu.memref_slice %arg9[%add3A_26, %dma_start3A_304] : memref<10000x128xf32, #tpu.memory_space<vmem_shared>> -> memref<64x128xf32, #tpu.memory_space<vmem_shared>>
      %dma_start3A_306 = arith.constant 0 : i32
      %dma_start3A_307 = arith.constant 0 : i32
      %dma_start3A_308 = tpu.memref_slice %arg5[%dma_start3A_306, %dma_start3A_307] : memref<64x128xf32, #tpu.memory_space<vmem>> -> memref<64x128xf32, #tpu.memory_space<vmem>>
      tpu.enqueue_dma source(%dma_start3A_308 : memref<64x128xf32, #tpu.memory_space<vmem>>) target(%dma_start3A_305 : memref<64x128xf32, #tpu.memory_space<vmem_shared>>) target_semaphore(%run_scoped3A : memref<!tpu.dma_semaphore, #tpu.memory_space<semaphore_mem>>)
      %dma_wait3A = arith.constant 0 : i32
      %dma_wait3A_309 = arith.constant 0 : i32
      %dma_wait3A_310 = tpu.memref_slice %arg5[%dma_wait3A, %dma_wait3A_309] : memref<64x128xf32, #tpu.memory_space<vmem>> -> memref<64x128xf32, #tpu.memory_space<vmem>>
      %dma_wait3A_311 = arith.constant 0 : i32
      %dma_wait3A_312 = tpu.memref_slice %arg9[%add3A_26, %dma_wait3A_311] : memref<10000x128xf32, #tpu.memory_space<vmem_shared>> -> memref<64x128xf32, #tpu.memory_space<vmem_shared>>
      %dma_wait3A_313 = arith.constant 0 : i32
      %dma_wait3A_314 = tpu.memref_slice %arg9[%add3A_26, %dma_wait3A_313] : memref<10000x128xf32, #tpu.memory_space<vmem_shared>> -> memref<64x128xf32, #tpu.memory_space<vmem_shared>>
      %dma_wait3A_315 = arith.constant 0 : i32
      %dma_wait3A_316 = arith.constant 0 : i32
      %dma_wait3A_317 = tpu.memref_slice %arg5[%dma_wait3A_315, %dma_wait3A_316] : memref<64x128xf32, #tpu.memory_space<vmem>> -> memref<64x128xf32, #tpu.memory_space<vmem>>
      tpu.wait_dma2 semaphore(%run_scoped3A : memref<!tpu.dma_semaphore, #tpu.memory_space<semaphore_mem>>) src(%dma_wait3A_317 : memref<64x128xf32, #tpu.memory_space<vmem>>) dst(%dma_wait3A_314 : memref<64x128xf32, #tpu.memory_space<vmem_shared>>)
      tpu.yield
    }) : () -> ()
    %add3A_27 = arith.constant 448 : i32
    %add3A_28 = arith.addi %mul3A_4, %add3A_27 : i32
    "tpu.region"() ({
      %run_scoped3A = tpu.sem_alloc : memref<!tpu.dma_semaphore, #tpu.memory_space<semaphore_mem>>
      %dma_start3A = arith.constant 0 : i32
      %dma_start3A_300 = arith.constant 0 : i32
      %dma_start3A_301 = tpu.memref_slice %arg5[%dma_start3A, %dma_start3A_300] : memref<64x128xf32, #tpu.memory_space<vmem>> -> memref<64x128xf32, #tpu.memory_space<vmem>>
      %dma_start3A_302 = arith.constant 0 : i32
      %dma_start3A_303 = tpu.memref_slice %arg9[%add3A_28, %dma_start3A_302] : memref<10000x128xf32, #tpu.memory_space<vmem_shared>> -> memref<64x128xf32, #tpu.memory_space<vmem_shared>>
      %dma_start3A_304 = arith.constant 0 : i32
      %dma_start3A_305 = tpu.memref_slice %arg9[%add3A_28, %dma_start3A_304] : memref<10000x128xf32, #tpu.memory_space<vmem_shared>> -> memref<64x128xf32, #tpu.memory_space<vmem_shared>>
      %dma_start3A_306 = arith.constant 0 : i32
      %dma_start3A_307 = arith.constant 0 : i32
      %dma_start3A_308 = tpu.memref_slice %arg5[%dma_start3A_306, %dma_start3A_307] : memref<64x128xf32, #tpu.memory_space<vmem>> -> memref<64x128xf32, #tpu.memory_space<vmem>>
      tpu.enqueue_dma source(%dma_start3A_308 : memref<64x128xf32, #tpu.memory_space<vmem>>) target(%dma_start3A_305 : memref<64x128xf32, #tpu.memory_space<vmem_shared>>) target_semaphore(%run_scoped3A : memref<!tpu.dma_semaphore, #tpu.memory_space<semaphore_mem>>)
      %dma_wait3A = arith.constant 0 : i32
      %dma_wait3A_309 = arith.constant 0 : i32
      %dma_wait3A_310 = tpu.memref_slice %arg5[%dma_wait3A, %dma_wait3A_309] : memref<64x128xf32, #tpu.memory_space<vmem>> -> memref<64x128xf32, #tpu.memory_space<vmem>>
      %dma_wait3A_311 = arith.constant 0 : i32
      %dma_wait3A_312 = tpu.memref_slice %arg9[%add3A_28, %dma_wait3A_311] : memref<10000x128xf32, #tpu.memory_space<vmem_shared>> -> memref<64x128xf32, #tpu.memory_space<vmem_shared>>
      %dma_wait3A_313 = arith.constant 0 : i32
      %dma_wait3A_314 = tpu.memref_slice %arg9[%add3A_28, %dma_wait3A_313] : memref<10000x128xf32, #tpu.memory_space<vmem_shared>> -> memref<64x128xf32, #tpu.memory_space<vmem_shared>>
      %dma_wait3A_315 = arith.constant 0 : i32
      %dma_wait3A_316 = arith.constant 0 : i32
      %dma_wait3A_317 = tpu.memref_slice %arg5[%dma_wait3A_315, %dma_wait3A_316] : memref<64x128xf32, #tpu.memory_space<vmem>> -> memref<64x128xf32, #tpu.memory_space<vmem>>
      tpu.wait_dma2 semaphore(%run_scoped3A : memref<!tpu.dma_semaphore, #tpu.memory_space<semaphore_mem>>) src(%dma_wait3A_317 : memref<64x128xf32, #tpu.memory_space<vmem>>) dst(%dma_wait3A_314 : memref<64x128xf32, #tpu.memory_space<vmem_shared>>)
      tpu.yield
    }) : () -> ()
    %add3A_29 = arith.constant 512 : i32
    %add3A_30 = arith.addi %mul3A_4, %add3A_29 : i32
    "tpu.region"() ({
      %run_scoped3A = tpu.sem_alloc : memref<!tpu.dma_semaphore, #tpu.memory_space<semaphore_mem>>
      %dma_start3A = arith.constant 0 : i32
      %dma_start3A_300 = arith.constant 0 : i32
      %dma_start3A_301 = tpu.memref_slice %arg5[%dma_start3A, %dma_start3A_300] : memref<64x128xf32, #tpu.memory_space<vmem>> -> memref<64x128xf32, #tpu.memory_space<vmem>>
      %dma_start3A_302 = arith.constant 0 : i32
      %dma_start3A_303 = tpu.memref_slice %arg9[%add3A_30, %dma_start3A_302] : memref<10000x128xf32, #tpu.memory_space<vmem_shared>> -> memref<64x128xf32, #tpu.memory_space<vmem_shared>>
      %dma_start3A_304 = arith.constant 0 : i32
      %dma_start3A_305 = tpu.memref_slice %arg9[%add3A_30, %dma_start3A_304] : memref<10000x128xf32, #tpu.memory_space<vmem_shared>> -> memref<64x128xf32, #tpu.memory_space<vmem_shared>>
      %dma_start3A_306 = arith.constant 0 : i32
      %dma_start3A_307 = arith.constant 0 : i32
      %dma_start3A_308 = tpu.memref_slice %arg5[%dma_start3A_306, %dma_start3A_307] : memref<64x128xf32, #tpu.memory_space<vmem>> -> memref<64x128xf32, #tpu.memory_space<vmem>>
      tpu.enqueue_dma source(%dma_start3A_308 : memref<64x128xf32, #tpu.memory_space<vmem>>) target(%dma_start3A_305 : memref<64x128xf32, #tpu.memory_space<vmem_shared>>) target_semaphore(%run_scoped3A : memref<!tpu.dma_semaphore, #tpu.memory_space<semaphore_mem>>)
      %dma_wait3A = arith.constant 0 : i32
      %dma_wait3A_309 = arith.constant 0 : i32
      %dma_wait3A_310 = tpu.memref_slice %arg5[%dma_wait3A, %dma_wait3A_309] : memref<64x128xf32, #tpu.memory_space<vmem>> -> memref<64x128xf32, #tpu.memory_space<vmem>>
      %dma_wait3A_311 = arith.constant 0 : i32
      %dma_wait3A_312 = tpu.memref_slice %arg9[%add3A_30, %dma_wait3A_311] : memref<10000x128xf32, #tpu.memory_space<vmem_shared>> -> memref<64x128xf32, #tpu.memory_space<vmem_shared>>
      %dma_wait3A_313 = arith.constant 0 : i32
      %dma_wait3A_314 = tpu.memref_slice %arg9[%add3A_30, %dma_wait3A_313] : memref<10000x128xf32, #tpu.memory_space<vmem_shared>> -> memref<64x128xf32, #tpu.memory_space<vmem_shared>>
      %dma_wait3A_315 = arith.constant 0 : i32
      %dma_wait3A_316 = arith.constant 0 : i32
      %dma_wait3A_317 = tpu.memref_slice %arg5[%dma_wait3A_315, %dma_wait3A_316] : memref<64x128xf32, #tpu.memory_space<vmem>> -> memref<64x128xf32, #tpu.memory_space<vmem>>
      tpu.wait_dma2 semaphore(%run_scoped3A : memref<!tpu.dma_semaphore, #tpu.memory_space<semaphore_mem>>) src(%dma_wait3A_317 : memref<64x128xf32, #tpu.memory_space<vmem>>) dst(%dma_wait3A_314 : memref<64x128xf32, #tpu.memory_space<vmem_shared>>)
      tpu.yield
    }) : () -> ()
    %add3A_31 = arith.constant 576 : i32
    %add3A_32 = arith.addi %mul3A_4, %add3A_31 : i32
    "tpu.region"() ({
      %run_scoped3A = tpu.sem_alloc : memref<!tpu.dma_semaphore, #tpu.memory_space<semaphore_mem>>
      %dma_start3A = arith.constant 0 : i32
      %dma_start3A_300 = arith.constant 0 : i32
      %dma_start3A_301 = tpu.memref_slice %arg5[%dma_start3A, %dma_start3A_300] : memref<64x128xf32, #tpu.memory_space<vmem>> -> memref<48x128xf32, #tpu.memory_space<vmem>>
      %dma_start3A_302 = arith.constant 0 : i32
      %dma_start3A_303 = tpu.memref_slice %arg9[%add3A_32, %dma_start3A_302] : memref<10000x128xf32, #tpu.memory_space<vmem_shared>> -> memref<48x128xf32, #tpu.memory_space<vmem_shared>>
      %dma_start3A_304 = arith.constant 0 : i32
      %dma_start3A_305 = tpu.memref_slice %arg9[%add3A_32, %dma_start3A_304] : memref<10000x128xf32, #tpu.memory_space<vmem_shared>> -> memref<48x128xf32, #tpu.memory_space<vmem_shared>>
      %dma_start3A_306 = arith.constant 0 : i32
      %dma_start3A_307 = arith.constant 0 : i32
      %dma_start3A_308 = tpu.memref_slice %arg5[%dma_start3A_306, %dma_start3A_307] : memref<64x128xf32, #tpu.memory_space<vmem>> -> memref<48x128xf32, #tpu.memory_space<vmem>>
      tpu.enqueue_dma source(%dma_start3A_308 : memref<48x128xf32, #tpu.memory_space<vmem>>) target(%dma_start3A_305 : memref<48x128xf32, #tpu.memory_space<vmem_shared>>) target_semaphore(%run_scoped3A : memref<!tpu.dma_semaphore, #tpu.memory_space<semaphore_mem>>)
      %dma_wait3A = arith.constant 0 : i32
      %dma_wait3A_309 = arith.constant 0 : i32
      %dma_wait3A_310 = tpu.memref_slice %arg5[%dma_wait3A, %dma_wait3A_309] : memref<64x128xf32, #tpu.memory_space<vmem>> -> memref<48x128xf32, #tpu.memory_space<vmem>>
      %dma_wait3A_311 = arith.constant 0 : i32
      %dma_wait3A_312 = tpu.memref_slice %arg9[%add3A_32, %dma_wait3A_311] : memref<10000x128xf32, #tpu.memory_space<vmem_shared>> -> memref<48x128xf32, #tpu.memory_space<vmem_shared>>
      %dma_wait3A_313 = arith.constant 0 : i32
      %dma_wait3A_314 = tpu.memref_slice %arg9[%add3A_32, %dma_wait3A_313] : memref<10000x128xf32, #tpu.memory_space<vmem_shared>> -> memref<48x128xf32, #tpu.memory_space<vmem_shared>>
      %dma_wait3A_315 = arith.constant 0 : i32
      %dma_wait3A_316 = arith.constant 0 : i32
      %dma_wait3A_317 = tpu.memref_slice %arg5[%dma_wait3A_315, %dma_wait3A_316] : memref<64x128xf32, #tpu.memory_space<vmem>> -> memref<48x128xf32, #tpu.memory_space<vmem>>
      tpu.wait_dma2 semaphore(%run_scoped3A : memref<!tpu.dma_semaphore, #tpu.memory_space<semaphore_mem>>) src(%dma_wait3A_317 : memref<48x128xf32, #tpu.memory_space<vmem>>) dst(%dma_wait3A_314 : memref<48x128xf32, #tpu.memory_space<vmem_shared>>)
      tpu.yield
    }) : () -> ()
    %eq3A = arith.constant 15 : i32
    %eq3A_33 = arith.cmpi eq, %arg1, %eq3A : i32
    %convert_element_type3A = arith.extui %eq3A_33 : i1 to i32
    %cond3A = arith.constant 0 : i32
    %cond3A_34 = arith.cmpi ne, %convert_element_type3A, %cond3A : i32
    scf.if %cond3A_34 {
      "tpu.region"() ({
        %run_scoped3A = tpu.sem_alloc : memref<!tpu.dma_semaphore, #tpu.memory_space<semaphore_mem>>
        %dma_start3A = arith.constant 0 : i32
        %dma_start3A_300 = arith.constant 0 : i32
        %dma_start3A_301 = tpu.memref_slice %arg5[%dma_start3A, %dma_start3A_300] : memref<64x128xf32, #tpu.memory_space<vmem>> -> memref<16x128xf32, #tpu.memory_space<vmem>>
        %dma_start3A_302 = arith.constant 9984 : i32
        %dma_start3A_303 = arith.constant 0 : i32
        %dma_start3A_304 = tpu.memref_slice %arg9[%dma_start3A_302, %dma_start3A_303] : memref<10000x128xf32, #tpu.memory_space<vmem_shared>> -> memref<16x128xf32, #tpu.memory_space<vmem_shared>>
        %dma_start3A_305 = arith.constant 9984 : i32
        %dma_start3A_306 = arith.constant 0 : i32
        %dma_start3A_307 = tpu.memref_slice %arg9[%dma_start3A_305, %dma_start3A_306] : memref<10000x128xf32, #tpu.memory_space<vmem_shared>> -> memref<16x128xf32, #tpu.memory_space<vmem_shared>>
        %dma_start3A_308 = arith.constant 0 : i32
        %dma_start3A_309 = arith.constant 0 : i32
        %dma_start3A_310 = tpu.memref_slice %arg5[%dma_start3A_308, %dma_start3A_309] : memref<64x128xf32, #tpu.memory_space<vmem>> -> memref<16x128xf32, #tpu.memory_space<vmem>>
        tpu.enqueue_dma source(%dma_start3A_310 : memref<16x128xf32, #tpu.memory_space<vmem>>) target(%dma_start3A_307 : memref<16x128xf32, #tpu.memory_space<vmem_shared>>) target_semaphore(%run_scoped3A : memref<!tpu.dma_semaphore, #tpu.memory_space<semaphore_mem>>)
        %dma_wait3A = arith.constant 0 : i32
        %dma_wait3A_311 = arith.constant 0 : i32
        %dma_wait3A_312 = tpu.memref_slice %arg5[%dma_wait3A, %dma_wait3A_311] : memref<64x128xf32, #tpu.memory_space<vmem>> -> memref<16x128xf32, #tpu.memory_space<vmem>>
        %dma_wait3A_313 = arith.constant 9984 : i32
        %dma_wait3A_314 = arith.constant 0 : i32
        %dma_wait3A_315 = tpu.memref_slice %arg9[%dma_wait3A_313, %dma_wait3A_314] : memref<10000x128xf32, #tpu.memory_space<vmem_shared>> -> memref<16x128xf32, #tpu.memory_space<vmem_shared>>
        %dma_wait3A_316 = arith.constant 9984 : i32
        %dma_wait3A_317 = arith.constant 0 : i32
        %dma_wait3A_318 = tpu.memref_slice %arg9[%dma_wait3A_316, %dma_wait3A_317] : memref<10000x128xf32, #tpu.memory_space<vmem_shared>> -> memref<16x128xf32, #tpu.memory_space<vmem_shared>>
        %dma_wait3A_319 = arith.constant 0 : i32
        %dma_wait3A_320 = arith.constant 0 : i32
        %dma_wait3A_321 = tpu.memref_slice %arg5[%dma_wait3A_319, %dma_wait3A_320] : memref<64x128xf32, #tpu.memory_space<vmem>> -> memref<16x128xf32, #tpu.memory_space<vmem>>
        tpu.wait_dma2 semaphore(%run_scoped3A : memref<!tpu.dma_semaphore, #tpu.memory_space<semaphore_mem>>) src(%dma_wait3A_321 : memref<16x128xf32, #tpu.memory_space<vmem>>) dst(%dma_wait3A_318 : memref<16x128xf32, #tpu.memory_space<vmem_shared>>)
        tpu.yield
      }) : () -> ()
    } else {
    }
    %barrier3A = arith.constant 0 : index
    tpu.barrier barrier_id(%barrier3A)
    %scan3A_35 = arith.constant 0 : i32
    %scan3A_36 = arith.constant 320 : i32
    %scan3A_37 = arith.addi %scan3A_35, %scan3A_36 : i32
    %scan3A_38 = arith.constant 1 : i32
    scf.for %scan3A_300 = %scan3A_35 to %scan3A_37 step %scan3A_38  : i32 {
      %mul3A_301 = arith.constant 64 : i32
      %mul3A_302 = arith.muli %scan3A_300, %mul3A_301 : i32
      %add3A_303 = arith.constant 0 : i32
      %add3A_304 = arith.addi %add3A_303, %mul3A_302 : i32
      %add3A_305 = arith.addi %mul3A_0, %add3A_304 : i32
      %add3A_306 = arith.addi %mul3A_2, %add3A_305 : i32
      "tpu.region"() ({
        %run_scoped3A = tpu.sem_alloc : memref<!tpu.dma_semaphore, #tpu.memory_space<semaphore_mem>>
        %dma_start3A = tpu.memref_slice %arg2[%add3A_306] : memref<655360xi32, #tpu.memory_space<hbm>> -> memref<64xi32, #tpu.memory_space<hbm>>
        %dma_start3A_326 = tpu.memref_slice %arg2[%add3A_306] : memref<655360xi32, #tpu.memory_space<hbm>> -> memref<64xi32, #tpu.memory_space<hbm>>
        tpu.enqueue_dma source(%dma_start3A_326 : memref<64xi32, #tpu.memory_space<hbm>>) target(%arg6 : memref<64xi32, #tpu.memory_space<vmem>>) target_semaphore(%run_scoped3A : memref<!tpu.dma_semaphore, #tpu.memory_space<semaphore_mem>>)
        %dma_wait3A = tpu.memref_slice %arg2[%add3A_306] : memref<655360xi32, #tpu.memory_space<hbm>> -> memref<64xi32, #tpu.memory_space<hbm>>
        %dma_wait3A_327 = tpu.memref_slice %arg2[%add3A_306] : memref<655360xi32, #tpu.memory_space<hbm>> -> memref<64xi32, #tpu.memory_space<hbm>>
        tpu.wait_dma2 semaphore(%run_scoped3A : memref<!tpu.dma_semaphore, #tpu.memory_space<semaphore_mem>>) src(%dma_wait3A_327 : memref<64xi32, #tpu.memory_space<hbm>>) dst(%arg6 : memref<64xi32, #tpu.memory_space<vmem>>)
        tpu.yield
      }) : () -> ()
      "tpu.region"() ({
        %run_scoped3A = tpu.sem_alloc : memref<!tpu.dma_semaphore, #tpu.memory_space<semaphore_mem>>
        %dma_start3A = tpu.memref_slice %arg3[%add3A_305] : memref<327680xf32, #tpu.memory_space<hbm>> -> memref<64xf32, #tpu.memory_space<hbm>>
        %dma_start3A_326 = tpu.memref_slice %arg3[%add3A_305] : memref<327680xf32, #tpu.memory_space<hbm>> -> memref<64xf32, #tpu.memory_space<hbm>>
        tpu.enqueue_dma source(%dma_start3A_326 : memref<64xf32, #tpu.memory_space<hbm>>) target(%arg7 : memref<64xf32, #tpu.memory_space<vmem>>) target_semaphore(%run_scoped3A : memref<!tpu.dma_semaphore, #tpu.memory_space<semaphore_mem>>)
        %dma_wait3A = tpu.memref_slice %arg3[%add3A_305] : memref<327680xf32, #tpu.memory_space<hbm>> -> memref<64xf32, #tpu.memory_space<hbm>>
        %dma_wait3A_327 = tpu.memref_slice %arg3[%add3A_305] : memref<327680xf32, #tpu.memory_space<hbm>> -> memref<64xf32, #tpu.memory_space<hbm>>
        tpu.wait_dma2 semaphore(%run_scoped3A : memref<!tpu.dma_semaphore, #tpu.memory_space<semaphore_mem>>) src(%dma_wait3A_327 : memref<64xf32, #tpu.memory_space<hbm>>) dst(%arg7 : memref<64xf32, #tpu.memory_space<vmem>>)
        tpu.yield
      }) : () -> ()
      %get3A = arith.constant 0 : index
      %get3A_307 = tpu.vector_load %arg7[%get3A] {strides = array<i32>} : memref<64xf32, #tpu.memory_space<vmem>>, vector<16xf32>,
      %add3A_308 = arith.constant 0 : i32
      %add3A_309 = vector.broadcast %add3A_308 : i32 to vector<16xi32>
      %add3A_310 = arith.addi %iota3A, %add3A_309 : vector<16xi32>
      tpu.vector_store_idx %arg5[%add3A_310, %broadcast_in_dim3A_9], %get3A_307 : memref<64x128xf32, #tpu.memory_space<vmem>>[vector<16xi32>, vector<16xi32>], vector<16xf32>,
      %get3A_311 = arith.constant 16 : index
      %get3A_312 = tpu.vector_load %arg7[%get3A_311] {strides = array<i32>} : memref<64xf32, #tpu.memory_space<vmem>>, vector<16xf32>,
      %add3A_313 = arith.constant 16 : i32
      %add3A_314 = vector.broadcast %add3A_313 : i32 to vector<16xi32>
      %add3A_315 = arith.addi %iota3A, %add3A_314 : vector<16xi32>
      tpu.vector_store_idx %arg5[%add3A_315, %broadcast_in_dim3A_9], %get3A_312 : memref<64x128xf32, #tpu.memory_space<vmem>>[vector<16xi32>, vector<16xi32>], vector<16xf32>,
      %get3A_316 = arith.constant 32 : index
      %get3A_317 = tpu.vector_load %arg7[%get3A_316] {strides = array<i32>} : memref<64xf32, #tpu.memory_space<vmem>>, vector<16xf32>,
      %add3A_318 = arith.constant 32 : i32
      %add3A_319 = vector.broadcast %add3A_318 : i32 to vector<16xi32>
      %add3A_320 = arith.addi %iota3A, %add3A_319 : vector<16xi32>
      tpu.vector_store_idx %arg5[%add3A_320, %broadcast_in_dim3A_9], %get3A_317 : memref<64x128xf32, #tpu.memory_space<vmem>>[vector<16xi32>, vector<16xi32>], vector<16xf32>,
      %get3A_321 = arith.constant 48 : index
      %get3A_322 = tpu.vector_load %arg7[%get3A_321] {strides = array<i32>} : memref<64xf32, #tpu.memory_space<vmem>>, vector<16xf32>,
      %add3A_323 = arith.constant 48 : i32
      %add3A_324 = vector.broadcast %add3A_323 : i32 to vector<16xi32>
      %add3A_325 = arith.addi %iota3A, %add3A_324 : vector<16xi32>
      tpu.vector_store_idx %arg5[%add3A_325, %broadcast_in_dim3A_9], %get3A_322 : memref<64x128xf32, #tpu.memory_space<vmem>>[vector<16xi32>, vector<16xi32>], vector<16xf32>,
      "tpu.region"() ({
        %run_scoped3A = tpu.sem_alloc : memref<!tpu.dma_semaphore, #tpu.memory_space<semaphore_mem>>
        %dma_start3A = arith.constant 0 : i32
        %dma_start3A_326 = arith.constant 0 : i32
        %dma_start3A_327 = tpu.memref_slice %arg9[%dma_start3A, %dma_start3A_326] : memref<10000x128xf32, #tpu.memory_space<vmem_shared>> -> memref<10000x128xf32, #tpu.memory_space<vmem_shared>>
        tpu.enqueue_indirect_dma source(%arg5 : memref<64x128xf32, #tpu.memory_space<vmem>>) target(%dma_start3A_327 : memref<10000x128xf32, #tpu.memory_space<vmem_shared>>) offsets(%arg6 : memref<64xi32, #tpu.memory_space<vmem>>) semaphore(%run_scoped3A : memref<!tpu.dma_semaphore, #tpu.memory_space<semaphore_mem>>) {add = true}
        %dma_wait3A = arith.constant 0 : i32
        %dma_wait3A_328 = arith.constant 0 : i32
        %dma_wait3A_329 = tpu.memref_slice %arg9[%dma_wait3A, %dma_wait3A_328] : memref<10000x128xf32, #tpu.memory_space<vmem_shared>> -> memref<10000x128xf32, #tpu.memory_space<vmem_shared>>
        tpu.wait_indirect_dma semaphore(%run_scoped3A : memref<!tpu.dma_semaphore, #tpu.memory_space<semaphore_mem>>) src(%arg5 : memref<64x128xf32, #tpu.memory_space<vmem>>) dst(%dma_wait3A_329 : memref<10000x128xf32, #tpu.memory_space<vmem_shared>>)
        tpu.yield
      }) : () -> ()
    }
    %scan3A_39 = arith.constant 320 : i32
    %barrier3A_40 = arith.constant 0 : index
    tpu.barrier barrier_id(%barrier3A_40)
    %add3A_41 = arith.constant 0 : i32
    %add3A_42 = arith.addi %mul3A_4, %add3A_41 : i32
    "tpu.region"() ({
      %run_scoped3A = tpu.sem_alloc : memref<!tpu.dma_semaphore, #tpu.memory_space<semaphore_mem>>
      %dma_start3A = arith.constant 0 : i32
      %dma_start3A_300 = tpu.memref_slice %arg9[%add3A_42, %dma_start3A] : memref<10000x128xf32, #tpu.memory_space<vmem_shared>> -> memref<64x128xf32, #tpu.memory_space<vmem_shared>>
      %dma_start3A_301 = arith.constant 0 : i32
      %dma_start3A_302 = tpu.memref_slice %arg9[%add3A_42, %dma_start3A_301] : memref<10000x128xf32, #tpu.memory_space<vmem_shared>> -> memref<64x128xf32, #tpu.memory_space<vmem_shared>>
      tpu.enqueue_dma source(%dma_start3A_302 : memref<64x128xf32, #tpu.memory_space<vmem_shared>>) target(%arg5 : memref<64x128xf32, #tpu.memory_space<vmem>>) target_semaphore(%run_scoped3A : memref<!tpu.dma_semaphore, #tpu.memory_space<semaphore_mem>>)
      %dma_wait3A = arith.constant 0 : i32
      %dma_wait3A_303 = tpu.memref_slice %arg9[%add3A_42, %dma_wait3A] : memref<10000x128xf32, #tpu.memory_space<vmem_shared>> -> memref<64x128xf32, #tpu.memory_space<vmem_shared>>
      %dma_wait3A_304 = arith.constant 0 : i32
      %dma_wait3A_305 = tpu.memref_slice %arg9[%add3A_42, %dma_wait3A_304] : memref<10000x128xf32, #tpu.memory_space<vmem_shared>> -> memref<64x128xf32, #tpu.memory_space<vmem_shared>>
      tpu.wait_dma2 semaphore(%run_scoped3A : memref<!tpu.dma_semaphore, #tpu.memory_space<semaphore_mem>>) src(%dma_wait3A_305 : memref<64x128xf32, #tpu.memory_space<vmem_shared>>) dst(%arg5 : memref<64x128xf32, #tpu.memory_space<vmem>>)
      tpu.yield
    }) : () -> ()
    %add3A_43 = arith.constant 0 : i32
    %add3A_44 = vector.broadcast %add3A_43 : i32 to vector<16xi32>
    %add3A_45 = arith.addi %iota3A, %add3A_44 : vector<16xi32>
    %gather3A = tpu.vector_load_idx %arg5[%add3A_45, %broadcast_in_dim3A_9] : memref<64x128xf32, #tpu.memory_space<vmem>>[vector<16xi32>, vector<16xi32>], vector<16xf32>,
    %swap3A = arith.constant 0 : index
    %swap3A_46 = tpu.vector_load %arg8[%swap3A] {strides = array<i32>} : memref<624xf32, #tpu.memory_space<vmem>>, vector<16xf32>,
    tpu.vector_store %arg8[%swap3A], %gather3A {strides = array<i32>} : memref<624xf32, #tpu.memory_space<vmem>>, vector<16xf32>,
    %add3A_47 = arith.constant 16 : i32
    %add3A_48 = vector.broadcast %add3A_47 : i32 to vector<16xi32>
    %add3A_49 = arith.addi %iota3A, %add3A_48 : vector<16xi32>
    %gather3A_50 = tpu.vector_load_idx %arg5[%add3A_49, %broadcast_in_dim3A_9] : memref<64x128xf32, #tpu.memory_space<vmem>>[vector<16xi32>, vector<16xi32>], vector<16xf32>,
    %swap3A_51 = arith.constant 16 : index
    %swap3A_52 = tpu.vector_load %arg8[%swap3A_51] {strides = array<i32>} : memref<624xf32, #tpu.memory_space<vmem>>, vector<16xf32>,
    tpu.vector_store %arg8[%swap3A_51], %gather3A_50 {strides = array<i32>} : memref<624xf32, #tpu.memory_space<vmem>>, vector<16xf32>,
    %add3A_53 = arith.constant 32 : i32
    %add3A_54 = vector.broadcast %add3A_53 : i32 to vector<16xi32>
    %add3A_55 = arith.addi %iota3A, %add3A_54 : vector<16xi32>
    %gather3A_56 = tpu.vector_load_idx %arg5[%add3A_55, %broadcast_in_dim3A_9] : memref<64x128xf32, #tpu.memory_space<vmem>>[vector<16xi32>, vector<16xi32>], vector<16xf32>,
    %swap3A_57 = arith.constant 32 : index
    %swap3A_58 = tpu.vector_load %arg8[%swap3A_57] {strides = array<i32>} : memref<624xf32, #tpu.memory_space<vmem>>, vector<16xf32>,
    tpu.vector_store %arg8[%swap3A_57], %gather3A_56 {strides = array<i32>} : memref<624xf32, #tpu.memory_space<vmem>>, vector<16xf32>,
    %add3A_59 = arith.constant 48 : i32
    %add3A_60 = vector.broadcast %add3A_59 : i32 to vector<16xi32>
    %add3A_61 = arith.addi %iota3A, %add3A_60 : vector<16xi32>
    %gather3A_62 = tpu.vector_load_idx %arg5[%add3A_61, %broadcast_in_dim3A_9] : memref<64x128xf32, #tpu.memory_space<vmem>>[vector<16xi32>, vector<16xi32>], vector<16xf32>,
    %swap3A_63 = arith.constant 48 : index
    %swap3A_64 = tpu.vector_load %arg8[%swap3A_63] {strides = array<i32>} : memref<624xf32, #tpu.memory_space<vmem>>, vector<16xf32>,
    tpu.vector_store %arg8[%swap3A_63], %gather3A_62 {strides = array<i32>} : memref<624xf32, #tpu.memory_space<vmem>>, vector<16xf32>,
    %add3A_65 = arith.constant 64 : i32
    %add3A_66 = arith.addi %mul3A_4, %add3A_65 : i32
    "tpu.region"() ({
      %run_scoped3A = tpu.sem_alloc : memref<!tpu.dma_semaphore, #tpu.memory_space<semaphore_mem>>
      %dma_start3A = arith.constant 0 : i32
      %dma_start3A_300 = tpu.memref_slice %arg9[%add3A_66, %dma_start3A] : memref<10000x128xf32, #tpu.memory_space<vmem_shared>> -> memref<64x128xf32, #tpu.memory_space<vmem_shared>>
      %dma_start3A_301 = arith.constant 0 : i32
      %dma_start3A_302 = tpu.memref_slice %arg9[%add3A_66, %dma_start3A_301] : memref<10000x128xf32, #tpu.memory_space<vmem_shared>> -> memref<64x128xf32, #tpu.memory_space<vmem_shared>>
      tpu.enqueue_dma source(%dma_start3A_302 : memref<64x128xf32, #tpu.memory_space<vmem_shared>>) target(%arg5 : memref<64x128xf32, #tpu.memory_space<vmem>>) target_semaphore(%run_scoped3A : memref<!tpu.dma_semaphore, #tpu.memory_space<semaphore_mem>>)
      %dma_wait3A = arith.constant 0 : i32
      %dma_wait3A_303 = tpu.memref_slice %arg9[%add3A_66, %dma_wait3A] : memref<10000x128xf32, #tpu.memory_space<vmem_shared>> -> memref<64x128xf32, #tpu.memory_space<vmem_shared>>
      %dma_wait3A_304 = arith.constant 0 : i32
      %dma_wait3A_305 = tpu.memref_slice %arg9[%add3A_66, %dma_wait3A_304] : memref<10000x128xf32, #tpu.memory_space<vmem_shared>> -> memref<64x128xf32, #tpu.memory_space<vmem_shared>>
      tpu.wait_dma2 semaphore(%run_scoped3A : memref<!tpu.dma_semaphore, #tpu.memory_space<semaphore_mem>>) src(%dma_wait3A_305 : memref<64x128xf32, #tpu.memory_space<vmem_shared>>) dst(%arg5 : memref<64x128xf32, #tpu.memory_space<vmem>>)
      tpu.yield
    }) : () -> ()
    %add3A_67 = arith.constant 0 : i32
    %add3A_68 = vector.broadcast %add3A_67 : i32 to vector<16xi32>
    %add3A_69 = arith.addi %iota3A, %add3A_68 : vector<16xi32>
    %gather3A_70 = tpu.vector_load_idx %arg5[%add3A_69, %broadcast_in_dim3A_9] : memref<64x128xf32, #tpu.memory_space<vmem>>[vector<16xi32>, vector<16xi32>], vector<16xf32>,
    %swap3A_71 = arith.constant 64 : index
    %swap3A_72 = tpu.vector_load %arg8[%swap3A_71] {strides = array<i32>} : memref<624xf32, #tpu.memory_space<vmem>>, vector<16xf32>,
    tpu.vector_store %arg8[%swap3A_71], %gather3A_70 {strides = array<i32>} : memref<624xf32, #tpu.memory_space<vmem>>, vector<16xf32>,
    %add3A_73 = arith.constant 16 : i32
    %add3A_74 = vector.broadcast %add3A_73 : i32 to vector<16xi32>
    %add3A_75 = arith.addi %iota3A, %add3A_74 : vector<16xi32>
    %gather3A_76 = tpu.vector_load_idx %arg5[%add3A_75, %broadcast_in_dim3A_9] : memref<64x128xf32, #tpu.memory_space<vmem>>[vector<16xi32>, vector<16xi32>], vector<16xf32>,
    %swap3A_77 = arith.constant 80 : index
    %swap3A_78 = tpu.vector_load %arg8[%swap3A_77] {strides = array<i32>} : memref<624xf32, #tpu.memory_space<vmem>>, vector<16xf32>,
    tpu.vector_store %arg8[%swap3A_77], %gather3A_76 {strides = array<i32>} : memref<624xf32, #tpu.memory_space<vmem>>, vector<16xf32>,
    %add3A_79 = arith.constant 32 : i32
    %add3A_80 = vector.broadcast %add3A_79 : i32 to vector<16xi32>
    %add3A_81 = arith.addi %iota3A, %add3A_80 : vector<16xi32>
    %gather3A_82 = tpu.vector_load_idx %arg5[%add3A_81, %broadcast_in_dim3A_9] : memref<64x128xf32, #tpu.memory_space<vmem>>[vector<16xi32>, vector<16xi32>], vector<16xf32>,
    %swap3A_83 = arith.constant 96 : index
    %swap3A_84 = tpu.vector_load %arg8[%swap3A_83] {strides = array<i32>} : memref<624xf32, #tpu.memory_space<vmem>>, vector<16xf32>,
    tpu.vector_store %arg8[%swap3A_83], %gather3A_82 {strides = array<i32>} : memref<624xf32, #tpu.memory_space<vmem>>, vector<16xf32>,
    %add3A_85 = arith.constant 48 : i32
    %add3A_86 = vector.broadcast %add3A_85 : i32 to vector<16xi32>
    %add3A_87 = arith.addi %iota3A, %add3A_86 : vector<16xi32>
    %gather3A_88 = tpu.vector_load_idx %arg5[%add3A_87, %broadcast_in_dim3A_9] : memref<64x128xf32, #tpu.memory_space<vmem>>[vector<16xi32>, vector<16xi32>], vector<16xf32>,
    %swap3A_89 = arith.constant 112 : index
    %swap3A_90 = tpu.vector_load %arg8[%swap3A_89] {strides = array<i32>} : memref<624xf32, #tpu.memory_space<vmem>>, vector<16xf32>,
    tpu.vector_store %arg8[%swap3A_89], %gather3A_88 {strides = array<i32>} : memref<624xf32, #tpu.memory_space<vmem>>, vector<16xf32>,
    %add3A_91 = arith.constant 128 : i32
    %add3A_92 = arith.addi %mul3A_4, %add3A_91 : i32
    "tpu.region"() ({
      %run_scoped3A = tpu.sem_alloc : memref<!tpu.dma_semaphore, #tpu.memory_space<semaphore_mem>>
      %dma_start3A = arith.constant 0 : i32
      %dma_start3A_300 = tpu.memref_slice %arg9[%add3A_92, %dma_start3A] : memref<10000x128xf32, #tpu.memory_space<vmem_shared>> -> memref<64x128xf32, #tpu.memory_space<vmem_shared>>
      %dma_start3A_301 = arith.constant 0 : i32
      %dma_start3A_302 = tpu.memref_slice %arg9[%add3A_92, %dma_start3A_301] : memref<10000x128xf32, #tpu.memory_space<vmem_shared>> -> memref<64x128xf32, #tpu.memory_space<vmem_shared>>
      tpu.enqueue_dma source(%dma_start3A_302 : memref<64x128xf32, #tpu.memory_space<vmem_shared>>) target(%arg5 : memref<64x128xf32, #tpu.memory_space<vmem>>) target_semaphore(%run_scoped3A : memref<!tpu.dma_semaphore, #tpu.memory_space<semaphore_mem>>)
      %dma_wait3A = arith.constant 0 : i32
      %dma_wait3A_303 = tpu.memref_slice %arg9[%add3A_92, %dma_wait3A] : memref<10000x128xf32, #tpu.memory_space<vmem_shared>> -> memref<64x128xf32, #tpu.memory_space<vmem_shared>>
      %dma_wait3A_304 = arith.constant 0 : i32
      %dma_wait3A_305 = tpu.memref_slice %arg9[%add3A_92, %dma_wait3A_304] : memref<10000x128xf32, #tpu.memory_space<vmem_shared>> -> memref<64x128xf32, #tpu.memory_space<vmem_shared>>
      tpu.wait_dma2 semaphore(%run_scoped3A : memref<!tpu.dma_semaphore, #tpu.memory_space<semaphore_mem>>) src(%dma_wait3A_305 : memref<64x128xf32, #tpu.memory_space<vmem_shared>>) dst(%arg5 : memref<64x128xf32, #tpu.memory_space<vmem>>)
      tpu.yield
    }) : () -> ()
    %add3A_93 = arith.constant 0 : i32
    %add3A_94 = vector.broadcast %add3A_93 : i32 to vector<16xi32>
    %add3A_95 = arith.addi %iota3A, %add3A_94 : vector<16xi32>
    %gather3A_96 = tpu.vector_load_idx %arg5[%add3A_95, %broadcast_in_dim3A_9] : memref<64x128xf32, #tpu.memory_space<vmem>>[vector<16xi32>, vector<16xi32>], vector<16xf32>,
    %swap3A_97 = arith.constant 128 : index
    %swap3A_98 = tpu.vector_load %arg8[%swap3A_97] {strides = array<i32>} : memref<624xf32, #tpu.memory_space<vmem>>, vector<16xf32>,
    tpu.vector_store %arg8[%swap3A_97], %gather3A_96 {strides = array<i32>} : memref<624xf32, #tpu.memory_space<vmem>>, vector<16xf32>,
    %add3A_99 = arith.constant 16 : i32
    %add3A_100 = vector.broadcast %add3A_99 : i32 to vector<16xi32>
    %add3A_101 = arith.addi %iota3A, %add3A_100 : vector<16xi32>
    %gather3A_102 = tpu.vector_load_idx %arg5[%add3A_101, %broadcast_in_dim3A_9] : memref<64x128xf32, #tpu.memory_space<vmem>>[vector<16xi32>, vector<16xi32>], vector<16xf32>,
    %swap3A_103 = arith.constant 144 : index
    %swap3A_104 = tpu.vector_load %arg8[%swap3A_103] {strides = array<i32>} : memref<624xf32, #tpu.memory_space<vmem>>, vector<16xf32>,
    tpu.vector_store %arg8[%swap3A_103], %gather3A_102 {strides = array<i32>} : memref<624xf32, #tpu.memory_space<vmem>>, vector<16xf32>,
    %add3A_105 = arith.constant 32 : i32
    %add3A_106 = vector.broadcast %add3A_105 : i32 to vector<16xi32>
    %add3A_107 = arith.addi %iota3A, %add3A_106 : vector<16xi32>
    %gather3A_108 = tpu.vector_load_idx %arg5[%add3A_107, %broadcast_in_dim3A_9] : memref<64x128xf32, #tpu.memory_space<vmem>>[vector<16xi32>, vector<16xi32>], vector<16xf32>,
    %swap3A_109 = arith.constant 160 : index
    %swap3A_110 = tpu.vector_load %arg8[%swap3A_109] {strides = array<i32>} : memref<624xf32, #tpu.memory_space<vmem>>, vector<16xf32>,
    tpu.vector_store %arg8[%swap3A_109], %gather3A_108 {strides = array<i32>} : memref<624xf32, #tpu.memory_space<vmem>>, vector<16xf32>,
    %add3A_111 = arith.constant 48 : i32
    %add3A_112 = vector.broadcast %add3A_111 : i32 to vector<16xi32>
    %add3A_113 = arith.addi %iota3A, %add3A_112 : vector<16xi32>
    %gather3A_114 = tpu.vector_load_idx %arg5[%add3A_113, %broadcast_in_dim3A_9] : memref<64x128xf32, #tpu.memory_space<vmem>>[vector<16xi32>, vector<16xi32>], vector<16xf32>,
    %swap3A_115 = arith.constant 176 : index
    %swap3A_116 = tpu.vector_load %arg8[%swap3A_115] {strides = array<i32>} : memref<624xf32, #tpu.memory_space<vmem>>, vector<16xf32>,
    tpu.vector_store %arg8[%swap3A_115], %gather3A_114 {strides = array<i32>} : memref<624xf32, #tpu.memory_space<vmem>>, vector<16xf32>,
    %add3A_117 = arith.constant 192 : i32
    %add3A_118 = arith.addi %mul3A_4, %add3A_117 : i32
    "tpu.region"() ({
      %run_scoped3A = tpu.sem_alloc : memref<!tpu.dma_semaphore, #tpu.memory_space<semaphore_mem>>
      %dma_start3A = arith.constant 0 : i32
      %dma_start3A_300 = tpu.memref_slice %arg9[%add3A_118, %dma_start3A] : memref<10000x128xf32, #tpu.memory_space<vmem_shared>> -> memref<64x128xf32, #tpu.memory_space<vmem_shared>>
      %dma_start3A_301 = arith.constant 0 : i32
      %dma_start3A_302 = tpu.memref_slice %arg9[%add3A_118, %dma_start3A_301] : memref<10000x128xf32, #tpu.memory_space<vmem_shared>> -> memref<64x128xf32, #tpu.memory_space<vmem_shared>>
      tpu.enqueue_dma source(%dma_start3A_302 : memref<64x128xf32, #tpu.memory_space<vmem_shared>>) target(%arg5 : memref<64x128xf32, #tpu.memory_space<vmem>>) target_semaphore(%run_scoped3A : memref<!tpu.dma_semaphore, #tpu.memory_space<semaphore_mem>>)
      %dma_wait3A = arith.constant 0 : i32
      %dma_wait3A_303 = tpu.memref_slice %arg9[%add3A_118, %dma_wait3A] : memref<10000x128xf32, #tpu.memory_space<vmem_shared>> -> memref<64x128xf32, #tpu.memory_space<vmem_shared>>
      %dma_wait3A_304 = arith.constant 0 : i32
      %dma_wait3A_305 = tpu.memref_slice %arg9[%add3A_118, %dma_wait3A_304] : memref<10000x128xf32, #tpu.memory_space<vmem_shared>> -> memref<64x128xf32, #tpu.memory_space<vmem_shared>>
      tpu.wait_dma2 semaphore(%run_scoped3A : memref<!tpu.dma_semaphore, #tpu.memory_space<semaphore_mem>>) src(%dma_wait3A_305 : memref<64x128xf32, #tpu.memory_space<vmem_shared>>) dst(%arg5 : memref<64x128xf32, #tpu.memory_space<vmem>>)
      tpu.yield
    }) : () -> ()
    %add3A_119 = arith.constant 0 : i32
    %add3A_120 = vector.broadcast %add3A_119 : i32 to vector<16xi32>
    %add3A_121 = arith.addi %iota3A, %add3A_120 : vector<16xi32>
    %gather3A_122 = tpu.vector_load_idx %arg5[%add3A_121, %broadcast_in_dim3A_9] : memref<64x128xf32, #tpu.memory_space<vmem>>[vector<16xi32>, vector<16xi32>], vector<16xf32>,
    %swap3A_123 = arith.constant 192 : index
    %swap3A_124 = tpu.vector_load %arg8[%swap3A_123] {strides = array<i32>} : memref<624xf32, #tpu.memory_space<vmem>>, vector<16xf32>,
    tpu.vector_store %arg8[%swap3A_123], %gather3A_122 {strides = array<i32>} : memref<624xf32, #tpu.memory_space<vmem>>, vector<16xf32>,
    %add3A_125 = arith.constant 16 : i32
    %add3A_126 = vector.broadcast %add3A_125 : i32 to vector<16xi32>
    %add3A_127 = arith.addi %iota3A, %add3A_126 : vector<16xi32>
    %gather3A_128 = tpu.vector_load_idx %arg5[%add3A_127, %broadcast_in_dim3A_9] : memref<64x128xf32, #tpu.memory_space<vmem>>[vector<16xi32>, vector<16xi32>], vector<16xf32>,
    %swap3A_129 = arith.constant 208 : index
    %swap3A_130 = tpu.vector_load %arg8[%swap3A_129] {strides = array<i32>} : memref<624xf32, #tpu.memory_space<vmem>>, vector<16xf32>,
    tpu.vector_store %arg8[%swap3A_129], %gather3A_128 {strides = array<i32>} : memref<624xf32, #tpu.memory_space<vmem>>, vector<16xf32>,
    %add3A_131 = arith.constant 32 : i32
    %add3A_132 = vector.broadcast %add3A_131 : i32 to vector<16xi32>
    %add3A_133 = arith.addi %iota3A, %add3A_132 : vector<16xi32>
    %gather3A_134 = tpu.vector_load_idx %arg5[%add3A_133, %broadcast_in_dim3A_9] : memref<64x128xf32, #tpu.memory_space<vmem>>[vector<16xi32>, vector<16xi32>], vector<16xf32>,
    %swap3A_135 = arith.constant 224 : index
    %swap3A_136 = tpu.vector_load %arg8[%swap3A_135] {strides = array<i32>} : memref<624xf32, #tpu.memory_space<vmem>>, vector<16xf32>,
    tpu.vector_store %arg8[%swap3A_135], %gather3A_134 {strides = array<i32>} : memref<624xf32, #tpu.memory_space<vmem>>, vector<16xf32>,
    %add3A_137 = arith.constant 48 : i32
    %add3A_138 = vector.broadcast %add3A_137 : i32 to vector<16xi32>
    %add3A_139 = arith.addi %iota3A, %add3A_138 : vector<16xi32>
    %gather3A_140 = tpu.vector_load_idx %arg5[%add3A_139, %broadcast_in_dim3A_9] : memref<64x128xf32, #tpu.memory_space<vmem>>[vector<16xi32>, vector<16xi32>], vector<16xf32>,
    %swap3A_141 = arith.constant 240 : index
    %swap3A_142 = tpu.vector_load %arg8[%swap3A_141] {strides = array<i32>} : memref<624xf32, #tpu.memory_space<vmem>>, vector<16xf32>,
    tpu.vector_store %arg8[%swap3A_141], %gather3A_140 {strides = array<i32>} : memref<624xf32, #tpu.memory_space<vmem>>, vector<16xf32>,
    %add3A_143 = arith.constant 256 : i32
    %add3A_144 = arith.addi %mul3A_4, %add3A_143 : i32
    "tpu.region"() ({
      %run_scoped3A = tpu.sem_alloc : memref<!tpu.dma_semaphore, #tpu.memory_space<semaphore_mem>>
      %dma_start3A = arith.constant 0 : i32
      %dma_start3A_300 = tpu.memref_slice %arg9[%add3A_144, %dma_start3A] : memref<10000x128xf32, #tpu.memory_space<vmem_shared>> -> memref<64x128xf32, #tpu.memory_space<vmem_shared>>
      %dma_start3A_301 = arith.constant 0 : i32
      %dma_start3A_302 = tpu.memref_slice %arg9[%add3A_144, %dma_start3A_301] : memref<10000x128xf32, #tpu.memory_space<vmem_shared>> -> memref<64x128xf32, #tpu.memory_space<vmem_shared>>
      tpu.enqueue_dma source(%dma_start3A_302 : memref<64x128xf32, #tpu.memory_space<vmem_shared>>) target(%arg5 : memref<64x128xf32, #tpu.memory_space<vmem>>) target_semaphore(%run_scoped3A : memref<!tpu.dma_semaphore, #tpu.memory_space<semaphore_mem>>)
      %dma_wait3A = arith.constant 0 : i32
      %dma_wait3A_303 = tpu.memref_slice %arg9[%add3A_144, %dma_wait3A] : memref<10000x128xf32, #tpu.memory_space<vmem_shared>> -> memref<64x128xf32, #tpu.memory_space<vmem_shared>>
      %dma_wait3A_304 = arith.constant 0 : i32
      %dma_wait3A_305 = tpu.memref_slice %arg9[%add3A_144, %dma_wait3A_304] : memref<10000x128xf32, #tpu.memory_space<vmem_shared>> -> memref<64x128xf32, #tpu.memory_space<vmem_shared>>
      tpu.wait_dma2 semaphore(%run_scoped3A : memref<!tpu.dma_semaphore, #tpu.memory_space<semaphore_mem>>) src(%dma_wait3A_305 : memref<64x128xf32, #tpu.memory_space<vmem_shared>>) dst(%arg5 : memref<64x128xf32, #tpu.memory_space<vmem>>)
      tpu.yield
    }) : () -> ()
    %add3A_145 = arith.constant 0 : i32
    %add3A_146 = vector.broadcast %add3A_145 : i32 to vector<16xi32>
    %add3A_147 = arith.addi %iota3A, %add3A_146 : vector<16xi32>
    %gather3A_148 = tpu.vector_load_idx %arg5[%add3A_147, %broadcast_in_dim3A_9] : memref<64x128xf32, #tpu.memory_space<vmem>>[vector<16xi32>, vector<16xi32>], vector<16xf32>,
    %swap3A_149 = arith.constant 256 : index
    %swap3A_150 = tpu.vector_load %arg8[%swap3A_149] {strides = array<i32>} : memref<624xf32, #tpu.memory_space<vmem>>, vector<16xf32>,
    tpu.vector_store %arg8[%swap3A_149], %gather3A_148 {strides = array<i32>} : memref<624xf32, #tpu.memory_space<vmem>>, vector<16xf32>,
    %add3A_151 = arith.constant 16 : i32
    %add3A_152 = vector.broadcast %add3A_151 : i32 to vector<16xi32>
    %add3A_153 = arith.addi %iota3A, %add3A_152 : vector<16xi32>
    %gather3A_154 = tpu.vector_load_idx %arg5[%add3A_153, %broadcast_in_dim3A_9] : memref<64x128xf32, #tpu.memory_space<vmem>>[vector<16xi32>, vector<16xi32>], vector<16xf32>,
    %swap3A_155 = arith.constant 272 : index
    %swap3A_156 = tpu.vector_load %arg8[%swap3A_155] {strides = array<i32>} : memref<624xf32, #tpu.memory_space<vmem>>, vector<16xf32>,
    tpu.vector_store %arg8[%swap3A_155], %gather3A_154 {strides = array<i32>} : memref<624xf32, #tpu.memory_space<vmem>>, vector<16xf32>,
    %add3A_157 = arith.constant 32 : i32
    %add3A_158 = vector.broadcast %add3A_157 : i32 to vector<16xi32>
    %add3A_159 = arith.addi %iota3A, %add3A_158 : vector<16xi32>
    %gather3A_160 = tpu.vector_load_idx %arg5[%add3A_159, %broadcast_in_dim3A_9] : memref<64x128xf32, #tpu.memory_space<vmem>>[vector<16xi32>, vector<16xi32>], vector<16xf32>,
    %swap3A_161 = arith.constant 288 : index
    %swap3A_162 = tpu.vector_load %arg8[%swap3A_161] {strides = array<i32>} : memref<624xf32, #tpu.memory_space<vmem>>, vector<16xf32>,
    tpu.vector_store %arg8[%swap3A_161], %gather3A_160 {strides = array<i32>} : memref<624xf32, #tpu.memory_space<vmem>>, vector<16xf32>,
    %add3A_163 = arith.constant 48 : i32
    %add3A_164 = vector.broadcast %add3A_163 : i32 to vector<16xi32>
    %add3A_165 = arith.addi %iota3A, %add3A_164 : vector<16xi32>
    %gather3A_166 = tpu.vector_load_idx %arg5[%add3A_165, %broadcast_in_dim3A_9] : memref<64x128xf32, #tpu.memory_space<vmem>>[vector<16xi32>, vector<16xi32>], vector<16xf32>,
    %swap3A_167 = arith.constant 304 : index
    %swap3A_168 = tpu.vector_load %arg8[%swap3A_167] {strides = array<i32>} : memref<624xf32, #tpu.memory_space<vmem>>, vector<16xf32>,
    tpu.vector_store %arg8[%swap3A_167], %gather3A_166 {strides = array<i32>} : memref<624xf32, #tpu.memory_space<vmem>>, vector<16xf32>,
    %add3A_169 = arith.constant 320 : i32
    %add3A_170 = arith.addi %mul3A_4, %add3A_169 : i32
    "tpu.region"() ({
      %run_scoped3A = tpu.sem_alloc : memref<!tpu.dma_semaphore, #tpu.memory_space<semaphore_mem>>
      %dma_start3A = arith.constant 0 : i32
      %dma_start3A_300 = tpu.memref_slice %arg9[%add3A_170, %dma_start3A] : memref<10000x128xf32, #tpu.memory_space<vmem_shared>> -> memref<64x128xf32, #tpu.memory_space<vmem_shared>>
      %dma_start3A_301 = arith.constant 0 : i32
      %dma_start3A_302 = tpu.memref_slice %arg9[%add3A_170, %dma_start3A_301] : memref<10000x128xf32, #tpu.memory_space<vmem_shared>> -> memref<64x128xf32, #tpu.memory_space<vmem_shared>>
      tpu.enqueue_dma source(%dma_start3A_302 : memref<64x128xf32, #tpu.memory_space<vmem_shared>>) target(%arg5 : memref<64x128xf32, #tpu.memory_space<vmem>>) target_semaphore(%run_scoped3A : memref<!tpu.dma_semaphore, #tpu.memory_space<semaphore_mem>>)
      %dma_wait3A = arith.constant 0 : i32
      %dma_wait3A_303 = tpu.memref_slice %arg9[%add3A_170, %dma_wait3A] : memref<10000x128xf32, #tpu.memory_space<vmem_shared>> -> memref<64x128xf32, #tpu.memory_space<vmem_shared>>
      %dma_wait3A_304 = arith.constant 0 : i32
      %dma_wait3A_305 = tpu.memref_slice %arg9[%add3A_170, %dma_wait3A_304] : memref<10000x128xf32, #tpu.memory_space<vmem_shared>> -> memref<64x128xf32, #tpu.memory_space<vmem_shared>>
      tpu.wait_dma2 semaphore(%run_scoped3A : memref<!tpu.dma_semaphore, #tpu.memory_space<semaphore_mem>>) src(%dma_wait3A_305 : memref<64x128xf32, #tpu.memory_space<vmem_shared>>) dst(%arg5 : memref<64x128xf32, #tpu.memory_space<vmem>>)
      tpu.yield
    }) : () -> ()
    %add3A_171 = arith.constant 0 : i32
    %add3A_172 = vector.broadcast %add3A_171 : i32 to vector<16xi32>
    %add3A_173 = arith.addi %iota3A, %add3A_172 : vector<16xi32>
    %gather3A_174 = tpu.vector_load_idx %arg5[%add3A_173, %broadcast_in_dim3A_9] : memref<64x128xf32, #tpu.memory_space<vmem>>[vector<16xi32>, vector<16xi32>], vector<16xf32>,
    %swap3A_175 = arith.constant 320 : index
    %swap3A_176 = tpu.vector_load %arg8[%swap3A_175] {strides = array<i32>} : memref<624xf32, #tpu.memory_space<vmem>>, vector<16xf32>,
    tpu.vector_store %arg8[%swap3A_175], %gather3A_174 {strides = array<i32>} : memref<624xf32, #tpu.memory_space<vmem>>, vector<16xf32>,
    %add3A_177 = arith.constant 16 : i32
    %add3A_178 = vector.broadcast %add3A_177 : i32 to vector<16xi32>
    %add3A_179 = arith.addi %iota3A, %add3A_178 : vector<16xi32>
    %gather3A_180 = tpu.vector_load_idx %arg5[%add3A_179, %broadcast_in_dim3A_9] : memref<64x128xf32, #tpu.memory_space<vmem>>[vector<16xi32>, vector<16xi32>], vector<16xf32>,
    %swap3A_181 = arith.constant 336 : index
    %swap3A_182 = tpu.vector_load %arg8[%swap3A_181] {strides = array<i32>} : memref<624xf32, #tpu.memory_space<vmem>>, vector<16xf32>,
    tpu.vector_store %arg8[%swap3A_181], %gather3A_180 {strides = array<i32>} : memref<624xf32, #tpu.memory_space<vmem>>, vector<16xf32>,
    %add3A_183 = arith.constant 32 : i32
    %add3A_184 = vector.broadcast %add3A_183 : i32 to vector<16xi32>
    %add3A_185 = arith.addi %iota3A, %add3A_184 : vector<16xi32>
    %gather3A_186 = tpu.vector_load_idx %arg5[%add3A_185, %broadcast_in_dim3A_9] : memref<64x128xf32, #tpu.memory_space<vmem>>[vector<16xi32>, vector<16xi32>], vector<16xf32>,
    %swap3A_187 = arith.constant 352 : index
    %swap3A_188 = tpu.vector_load %arg8[%swap3A_187] {strides = array<i32>} : memref<624xf32, #tpu.memory_space<vmem>>, vector<16xf32>,
    tpu.vector_store %arg8[%swap3A_187], %gather3A_186 {strides = array<i32>} : memref<624xf32, #tpu.memory_space<vmem>>, vector<16xf32>,
    %add3A_189 = arith.constant 48 : i32
    %add3A_190 = vector.broadcast %add3A_189 : i32 to vector<16xi32>
    %add3A_191 = arith.addi %iota3A, %add3A_190 : vector<16xi32>
    %gather3A_192 = tpu.vector_load_idx %arg5[%add3A_191, %broadcast_in_dim3A_9] : memref<64x128xf32, #tpu.memory_space<vmem>>[vector<16xi32>, vector<16xi32>], vector<16xf32>,
    %swap3A_193 = arith.constant 368 : index
    %swap3A_194 = tpu.vector_load %arg8[%swap3A_193] {strides = array<i32>} : memref<624xf32, #tpu.memory_space<vmem>>, vector<16xf32>,
    tpu.vector_store %arg8[%swap3A_193], %gather3A_192 {strides = array<i32>} : memref<624xf32, #tpu.memory_space<vmem>>, vector<16xf32>,
    %add3A_195 = arith.constant 384 : i32
    %add3A_196 = arith.addi %mul3A_4, %add3A_195 : i32
    "tpu.region"() ({
      %run_scoped3A = tpu.sem_alloc : memref<!tpu.dma_semaphore, #tpu.memory_space<semaphore_mem>>
      %dma_start3A = arith.constant 0 : i32
      %dma_start3A_300 = tpu.memref_slice %arg9[%add3A_196, %dma_start3A] : memref<10000x128xf32, #tpu.memory_space<vmem_shared>> -> memref<64x128xf32, #tpu.memory_space<vmem_shared>>
      %dma_start3A_301 = arith.constant 0 : i32
      %dma_start3A_302 = tpu.memref_slice %arg9[%add3A_196, %dma_start3A_301] : memref<10000x128xf32, #tpu.memory_space<vmem_shared>> -> memref<64x128xf32, #tpu.memory_space<vmem_shared>>
      tpu.enqueue_dma source(%dma_start3A_302 : memref<64x128xf32, #tpu.memory_space<vmem_shared>>) target(%arg5 : memref<64x128xf32, #tpu.memory_space<vmem>>) target_semaphore(%run_scoped3A : memref<!tpu.dma_semaphore, #tpu.memory_space<semaphore_mem>>)
      %dma_wait3A = arith.constant 0 : i32
      %dma_wait3A_303 = tpu.memref_slice %arg9[%add3A_196, %dma_wait3A] : memref<10000x128xf32, #tpu.memory_space<vmem_shared>> -> memref<64x128xf32, #tpu.memory_space<vmem_shared>>
      %dma_wait3A_304 = arith.constant 0 : i32
      %dma_wait3A_305 = tpu.memref_slice %arg9[%add3A_196, %dma_wait3A_304] : memref<10000x128xf32, #tpu.memory_space<vmem_shared>> -> memref<64x128xf32, #tpu.memory_space<vmem_shared>>
      tpu.wait_dma2 semaphore(%run_scoped3A : memref<!tpu.dma_semaphore, #tpu.memory_space<semaphore_mem>>) src(%dma_wait3A_305 : memref<64x128xf32, #tpu.memory_space<vmem_shared>>) dst(%arg5 : memref<64x128xf32, #tpu.memory_space<vmem>>)
      tpu.yield
    }) : () -> ()
    %add3A_197 = arith.constant 0 : i32
    %add3A_198 = vector.broadcast %add3A_197 : i32 to vector<16xi32>
    %add3A_199 = arith.addi %iota3A, %add3A_198 : vector<16xi32>
    %gather3A_200 = tpu.vector_load_idx %arg5[%add3A_199, %broadcast_in_dim3A_9] : memref<64x128xf32, #tpu.memory_space<vmem>>[vector<16xi32>, vector<16xi32>], vector<16xf32>,
    %swap3A_201 = arith.constant 384 : index
    %swap3A_202 = tpu.vector_load %arg8[%swap3A_201] {strides = array<i32>} : memref<624xf32, #tpu.memory_space<vmem>>, vector<16xf32>,
    tpu.vector_store %arg8[%swap3A_201], %gather3A_200 {strides = array<i32>} : memref<624xf32, #tpu.memory_space<vmem>>, vector<16xf32>,
    %add3A_203 = arith.constant 16 : i32
    %add3A_204 = vector.broadcast %add3A_203 : i32 to vector<16xi32>
    %add3A_205 = arith.addi %iota3A, %add3A_204 : vector<16xi32>
    %gather3A_206 = tpu.vector_load_idx %arg5[%add3A_205, %broadcast_in_dim3A_9] : memref<64x128xf32, #tpu.memory_space<vmem>>[vector<16xi32>, vector<16xi32>], vector<16xf32>,
    %swap3A_207 = arith.constant 400 : index
    %swap3A_208 = tpu.vector_load %arg8[%swap3A_207] {strides = array<i32>} : memref<624xf32, #tpu.memory_space<vmem>>, vector<16xf32>,
    tpu.vector_store %arg8[%swap3A_207], %gather3A_206 {strides = array<i32>} : memref<624xf32, #tpu.memory_space<vmem>>, vector<16xf32>,
    %add3A_209 = arith.constant 32 : i32
    %add3A_210 = vector.broadcast %add3A_209 : i32 to vector<16xi32>
    %add3A_211 = arith.addi %iota3A, %add3A_210 : vector<16xi32>
    %gather3A_212 = tpu.vector_load_idx %arg5[%add3A_211, %broadcast_in_dim3A_9] : memref<64x128xf32, #tpu.memory_space<vmem>>[vector<16xi32>, vector<16xi32>], vector<16xf32>,
    %swap3A_213 = arith.constant 416 : index
    %swap3A_214 = tpu.vector_load %arg8[%swap3A_213] {strides = array<i32>} : memref<624xf32, #tpu.memory_space<vmem>>, vector<16xf32>,
    tpu.vector_store %arg8[%swap3A_213], %gather3A_212 {strides = array<i32>} : memref<624xf32, #tpu.memory_space<vmem>>, vector<16xf32>,
    %add3A_215 = arith.constant 48 : i32
    %add3A_216 = vector.broadcast %add3A_215 : i32 to vector<16xi32>
    %add3A_217 = arith.addi %iota3A, %add3A_216 : vector<16xi32>
    %gather3A_218 = tpu.vector_load_idx %arg5[%add3A_217, %broadcast_in_dim3A_9] : memref<64x128xf32, #tpu.memory_space<vmem>>[vector<16xi32>, vector<16xi32>], vector<16xf32>,
    %swap3A_219 = arith.constant 432 : index
    %swap3A_220 = tpu.vector_load %arg8[%swap3A_219] {strides = array<i32>} : memref<624xf32, #tpu.memory_space<vmem>>, vector<16xf32>,
    tpu.vector_store %arg8[%swap3A_219], %gather3A_218 {strides = array<i32>} : memref<624xf32, #tpu.memory_space<vmem>>, vector<16xf32>,
    %add3A_221 = arith.constant 448 : i32
    %add3A_222 = arith.addi %mul3A_4, %add3A_221 : i32
    "tpu.region"() ({
      %run_scoped3A = tpu.sem_alloc : memref<!tpu.dma_semaphore, #tpu.memory_space<semaphore_mem>>
      %dma_start3A = arith.constant 0 : i32
      %dma_start3A_300 = tpu.memref_slice %arg9[%add3A_222, %dma_start3A] : memref<10000x128xf32, #tpu.memory_space<vmem_shared>> -> memref<64x128xf32, #tpu.memory_space<vmem_shared>>
      %dma_start3A_301 = arith.constant 0 : i32
      %dma_start3A_302 = tpu.memref_slice %arg9[%add3A_222, %dma_start3A_301] : memref<10000x128xf32, #tpu.memory_space<vmem_shared>> -> memref<64x128xf32, #tpu.memory_space<vmem_shared>>
      tpu.enqueue_dma source(%dma_start3A_302 : memref<64x128xf32, #tpu.memory_space<vmem_shared>>) target(%arg5 : memref<64x128xf32, #tpu.memory_space<vmem>>) target_semaphore(%run_scoped3A : memref<!tpu.dma_semaphore, #tpu.memory_space<semaphore_mem>>)
      %dma_wait3A = arith.constant 0 : i32
      %dma_wait3A_303 = tpu.memref_slice %arg9[%add3A_222, %dma_wait3A] : memref<10000x128xf32, #tpu.memory_space<vmem_shared>> -> memref<64x128xf32, #tpu.memory_space<vmem_shared>>
      %dma_wait3A_304 = arith.constant 0 : i32
      %dma_wait3A_305 = tpu.memref_slice %arg9[%add3A_222, %dma_wait3A_304] : memref<10000x128xf32, #tpu.memory_space<vmem_shared>> -> memref<64x128xf32, #tpu.memory_space<vmem_shared>>
      tpu.wait_dma2 semaphore(%run_scoped3A : memref<!tpu.dma_semaphore, #tpu.memory_space<semaphore_mem>>) src(%dma_wait3A_305 : memref<64x128xf32, #tpu.memory_space<vmem_shared>>) dst(%arg5 : memref<64x128xf32, #tpu.memory_space<vmem>>)
      tpu.yield
    }) : () -> ()
    %add3A_223 = arith.constant 0 : i32
    %add3A_224 = vector.broadcast %add3A_223 : i32 to vector<16xi32>
    %add3A_225 = arith.addi %iota3A, %add3A_224 : vector<16xi32>
    %gather3A_226 = tpu.vector_load_idx %arg5[%add3A_225, %broadcast_in_dim3A_9] : memref<64x128xf32, #tpu.memory_space<vmem>>[vector<16xi32>, vector<16xi32>], vector<16xf32>,
    %swap3A_227 = arith.constant 448 : index
    %swap3A_228 = tpu.vector_load %arg8[%swap3A_227] {strides = array<i32>} : memref<624xf32, #tpu.memory_space<vmem>>, vector<16xf32>,
    tpu.vector_store %arg8[%swap3A_227], %gather3A_226 {strides = array<i32>} : memref<624xf32, #tpu.memory_space<vmem>>, vector<16xf32>,
    %add3A_229 = arith.constant 16 : i32
    %add3A_230 = vector.broadcast %add3A_229 : i32 to vector<16xi32>
    %add3A_231 = arith.addi %iota3A, %add3A_230 : vector<16xi32>
    %gather3A_232 = tpu.vector_load_idx %arg5[%add3A_231, %broadcast_in_dim3A_9] : memref<64x128xf32, #tpu.memory_space<vmem>>[vector<16xi32>, vector<16xi32>], vector<16xf32>,
    %swap3A_233 = arith.constant 464 : index
    %swap3A_234 = tpu.vector_load %arg8[%swap3A_233] {strides = array<i32>} : memref<624xf32, #tpu.memory_space<vmem>>, vector<16xf32>,
    tpu.vector_store %arg8[%swap3A_233], %gather3A_232 {strides = array<i32>} : memref<624xf32, #tpu.memory_space<vmem>>, vector<16xf32>,
    %add3A_235 = arith.constant 32 : i32
    %add3A_236 = vector.broadcast %add3A_235 : i32 to vector<16xi32>
    %add3A_237 = arith.addi %iota3A, %add3A_236 : vector<16xi32>
    %gather3A_238 = tpu.vector_load_idx %arg5[%add3A_237, %broadcast_in_dim3A_9] : memref<64x128xf32, #tpu.memory_space<vmem>>[vector<16xi32>, vector<16xi32>], vector<16xf32>,
    %swap3A_239 = arith.constant 480 : index
    %swap3A_240 = tpu.vector_load %arg8[%swap3A_239] {strides = array<i32>} : memref<624xf32, #tpu.memory_space<vmem>>, vector<16xf32>,
    tpu.vector_store %arg8[%swap3A_239], %gather3A_238 {strides = array<i32>} : memref<624xf32, #tpu.memory_space<vmem>>, vector<16xf32>,
    %add3A_241 = arith.constant 48 : i32
    %add3A_242 = vector.broadcast %add3A_241 : i32 to vector<16xi32>
    %add3A_243 = arith.addi %iota3A, %add3A_242 : vector<16xi32>
    %gather3A_244 = tpu.vector_load_idx %arg5[%add3A_243, %broadcast_in_dim3A_9] : memref<64x128xf32, #tpu.memory_space<vmem>>[vector<16xi32>, vector<16xi32>], vector<16xf32>,
    %swap3A_245 = arith.constant 496 : index
    %swap3A_246 = tpu.vector_load %arg8[%swap3A_245] {strides = array<i32>} : memref<624xf32, #tpu.memory_space<vmem>>, vector<16xf32>,
    tpu.vector_store %arg8[%swap3A_245], %gather3A_244 {strides = array<i32>} : memref<624xf32, #tpu.memory_space<vmem>>, vector<16xf32>,
    %add3A_247 = arith.constant 512 : i32
    %add3A_248 = arith.addi %mul3A_4, %add3A_247 : i32
    "tpu.region"() ({
      %run_scoped3A = tpu.sem_alloc : memref<!tpu.dma_semaphore, #tpu.memory_space<semaphore_mem>>
      %dma_start3A = arith.constant 0 : i32
      %dma_start3A_300 = tpu.memref_slice %arg9[%add3A_248, %dma_start3A] : memref<10000x128xf32, #tpu.memory_space<vmem_shared>> -> memref<64x128xf32, #tpu.memory_space<vmem_shared>>
      %dma_start3A_301 = arith.constant 0 : i32
      %dma_start3A_302 = tpu.memref_slice %arg9[%add3A_248, %dma_start3A_301] : memref<10000x128xf32, #tpu.memory_space<vmem_shared>> -> memref<64x128xf32, #tpu.memory_space<vmem_shared>>
      tpu.enqueue_dma source(%dma_start3A_302 : memref<64x128xf32, #tpu.memory_space<vmem_shared>>) target(%arg5 : memref<64x128xf32, #tpu.memory_space<vmem>>) target_semaphore(%run_scoped3A : memref<!tpu.dma_semaphore, #tpu.memory_space<semaphore_mem>>)
      %dma_wait3A = arith.constant 0 : i32
      %dma_wait3A_303 = tpu.memref_slice %arg9[%add3A_248, %dma_wait3A] : memref<10000x128xf32, #tpu.memory_space<vmem_shared>> -> memref<64x128xf32, #tpu.memory_space<vmem_shared>>
      %dma_wait3A_304 = arith.constant 0 : i32
      %dma_wait3A_305 = tpu.memref_slice %arg9[%add3A_248, %dma_wait3A_304] : memref<10000x128xf32, #tpu.memory_space<vmem_shared>> -> memref<64x128xf32, #tpu.memory_space<vmem_shared>>
      tpu.wait_dma2 semaphore(%run_scoped3A : memref<!tpu.dma_semaphore, #tpu.memory_space<semaphore_mem>>) src(%dma_wait3A_305 : memref<64x128xf32, #tpu.memory_space<vmem_shared>>) dst(%arg5 : memref<64x128xf32, #tpu.memory_space<vmem>>)
      tpu.yield
    }) : () -> ()
    %add3A_249 = arith.constant 0 : i32
    %add3A_250 = vector.broadcast %add3A_249 : i32 to vector<16xi32>
    %add3A_251 = arith.addi %iota3A, %add3A_250 : vector<16xi32>
    %gather3A_252 = tpu.vector_load_idx %arg5[%add3A_251, %broadcast_in_dim3A_9] : memref<64x128xf32, #tpu.memory_space<vmem>>[vector<16xi32>, vector<16xi32>], vector<16xf32>,
    %swap3A_253 = arith.constant 512 : index
    %swap3A_254 = tpu.vector_load %arg8[%swap3A_253] {strides = array<i32>} : memref<624xf32, #tpu.memory_space<vmem>>, vector<16xf32>,
    tpu.vector_store %arg8[%swap3A_253], %gather3A_252 {strides = array<i32>} : memref<624xf32, #tpu.memory_space<vmem>>, vector<16xf32>,
    %add3A_255 = arith.constant 16 : i32
    %add3A_256 = vector.broadcast %add3A_255 : i32 to vector<16xi32>
    %add3A_257 = arith.addi %iota3A, %add3A_256 : vector<16xi32>
    %gather3A_258 = tpu.vector_load_idx %arg5[%add3A_257, %broadcast_in_dim3A_9] : memref<64x128xf32, #tpu.memory_space<vmem>>[vector<16xi32>, vector<16xi32>], vector<16xf32>,
    %swap3A_259 = arith.constant 528 : index
    %swap3A_260 = tpu.vector_load %arg8[%swap3A_259] {strides = array<i32>} : memref<624xf32, #tpu.memory_space<vmem>>, vector<16xf32>,
    tpu.vector_store %arg8[%swap3A_259], %gather3A_258 {strides = array<i32>} : memref<624xf32, #tpu.memory_space<vmem>>, vector<16xf32>,
    %add3A_261 = arith.constant 32 : i32
    %add3A_262 = vector.broadcast %add3A_261 : i32 to vector<16xi32>
    %add3A_263 = arith.addi %iota3A, %add3A_262 : vector<16xi32>
    %gather3A_264 = tpu.vector_load_idx %arg5[%add3A_263, %broadcast_in_dim3A_9] : memref<64x128xf32, #tpu.memory_space<vmem>>[vector<16xi32>, vector<16xi32>], vector<16xf32>,
    %swap3A_265 = arith.constant 544 : index
    %swap3A_266 = tpu.vector_load %arg8[%swap3A_265] {strides = array<i32>} : memref<624xf32, #tpu.memory_space<vmem>>, vector<16xf32>,
    tpu.vector_store %arg8[%swap3A_265], %gather3A_264 {strides = array<i32>} : memref<624xf32, #tpu.memory_space<vmem>>, vector<16xf32>,
    %add3A_267 = arith.constant 48 : i32
    %add3A_268 = vector.broadcast %add3A_267 : i32 to vector<16xi32>
    %add3A_269 = arith.addi %iota3A, %add3A_268 : vector<16xi32>
    %gather3A_270 = tpu.vector_load_idx %arg5[%add3A_269, %broadcast_in_dim3A_9] : memref<64x128xf32, #tpu.memory_space<vmem>>[vector<16xi32>, vector<16xi32>], vector<16xf32>,
    %swap3A_271 = arith.constant 560 : index
    %swap3A_272 = tpu.vector_load %arg8[%swap3A_271] {strides = array<i32>} : memref<624xf32, #tpu.memory_space<vmem>>, vector<16xf32>,
    tpu.vector_store %arg8[%swap3A_271], %gather3A_270 {strides = array<i32>} : memref<624xf32, #tpu.memory_space<vmem>>, vector<16xf32>,
    %add3A_273 = arith.constant 624 : i32
    %add3A_274 = arith.addi %mul3A_4, %add3A_273 : i32
    %sub3A = arith.constant 48 : i32
    %sub3A_275 = arith.subi %add3A_274, %sub3A : i32
    "tpu.region"() ({
      %run_scoped3A = tpu.sem_alloc : memref<!tpu.dma_semaphore, #tpu.memory_space<semaphore_mem>>
      %dma_start3A = arith.constant 0 : i32
      %dma_start3A_300 = arith.constant 0 : i32
      %dma_start3A_301 = tpu.memref_slice %arg5[%dma_start3A, %dma_start3A_300] : memref<64x128xf32, #tpu.memory_space<vmem>> -> memref<48x128xf32, #tpu.memory_space<vmem>>
      %dma_start3A_302 = arith.constant 0 : i32
      %dma_start3A_303 = tpu.memref_slice %arg9[%sub3A_275, %dma_start3A_302] : memref<10000x128xf32, #tpu.memory_space<vmem_shared>> -> memref<48x128xf32, #tpu.memory_space<vmem_shared>>
      %dma_start3A_304 = arith.constant 0 : i32
      %dma_start3A_305 = arith.constant 0 : i32
      %dma_start3A_306 = tpu.memref_slice %arg5[%dma_start3A_304, %dma_start3A_305] : memref<64x128xf32, #tpu.memory_space<vmem>> -> memref<48x128xf32, #tpu.memory_space<vmem>>
      %dma_start3A_307 = arith.constant 0 : i32
      %dma_start3A_308 = tpu.memref_slice %arg9[%sub3A_275, %dma_start3A_307] : memref<10000x128xf32, #tpu.memory_space<vmem_shared>> -> memref<48x128xf32, #tpu.memory_space<vmem_shared>>
      tpu.enqueue_dma source(%dma_start3A_308 : memref<48x128xf32, #tpu.memory_space<vmem_shared>>) target(%dma_start3A_306 : memref<48x128xf32, #tpu.memory_space<vmem>>) target_semaphore(%run_scoped3A : memref<!tpu.dma_semaphore, #tpu.memory_space<semaphore_mem>>)
      %dma_wait3A = arith.constant 0 : i32
      %dma_wait3A_309 = arith.constant 0 : i32
      %dma_wait3A_310 = tpu.memref_slice %arg5[%dma_wait3A, %dma_wait3A_309] : memref<64x128xf32, #tpu.memory_space<vmem>> -> memref<48x128xf32, #tpu.memory_space<vmem>>
      %dma_wait3A_311 = arith.constant 0 : i32
      %dma_wait3A_312 = tpu.memref_slice %arg9[%sub3A_275, %dma_wait3A_311] : memref<10000x128xf32, #tpu.memory_space<vmem_shared>> -> memref<48x128xf32, #tpu.memory_space<vmem_shared>>
      %dma_wait3A_313 = arith.constant 0 : i32
      %dma_wait3A_314 = arith.constant 0 : i32
      %dma_wait3A_315 = tpu.memref_slice %arg5[%dma_wait3A_313, %dma_wait3A_314] : memref<64x128xf32, #tpu.memory_space<vmem>> -> memref<48x128xf32, #tpu.memory_space<vmem>>
      %dma_wait3A_316 = arith.constant 0 : i32
      %dma_wait3A_317 = tpu.memref_slice %arg9[%sub3A_275, %dma_wait3A_316] : memref<10000x128xf32, #tpu.memory_space<vmem_shared>> -> memref<48x128xf32, #tpu.memory_space<vmem_shared>>
      tpu.wait_dma2 semaphore(%run_scoped3A : memref<!tpu.dma_semaphore, #tpu.memory_space<semaphore_mem>>) src(%dma_wait3A_317 : memref<48x128xf32, #tpu.memory_space<vmem_shared>>) dst(%dma_wait3A_315 : memref<48x128xf32, #tpu.memory_space<vmem>>)
      tpu.yield
    }) : () -> ()
    %add3A_276 = arith.constant 0 : i32
    %add3A_277 = vector.broadcast %add3A_276 : i32 to vector<16xi32>
    %add3A_278 = arith.addi %iota3A, %add3A_277 : vector<16xi32>
    %gather3A_279 = tpu.vector_load_idx %arg5[%add3A_278, %broadcast_in_dim3A_9] : memref<64x128xf32, #tpu.memory_space<vmem>>[vector<16xi32>, vector<16xi32>], vector<16xf32>,
    %swap3A_280 = arith.constant 576 : index
    %swap3A_281 = tpu.vector_load %arg8[%swap3A_280] {strides = array<i32>} : memref<624xf32, #tpu.memory_space<vmem>>, vector<16xf32>,
    tpu.vector_store %arg8[%swap3A_280], %gather3A_279 {strides = array<i32>} : memref<624xf32, #tpu.memory_space<vmem>>, vector<16xf32>,
    %add3A_282 = arith.constant 16 : i32
    %add3A_283 = vector.broadcast %add3A_282 : i32 to vector<16xi32>
    %add3A_284 = arith.addi %iota3A, %add3A_283 : vector<16xi32>
    %gather3A_285 = tpu.vector_load_idx %arg5[%add3A_284, %broadcast_in_dim3A_9] : memref<64x128xf32, #tpu.memory_space<vmem>>[vector<16xi32>, vector<16xi32>], vector<16xf32>,
    %swap3A_286 = arith.constant 592 : index
    %swap3A_287 = tpu.vector_load %arg8[%swap3A_286] {strides = array<i32>} : memref<624xf32, #tpu.memory_space<vmem>>, vector<16xf32>,
    tpu.vector_store %arg8[%swap3A_286], %gather3A_285 {strides = array<i32>} : memref<624xf32, #tpu.memory_space<vmem>>, vector<16xf32>,
    %add3A_288 = arith.constant 32 : i32
    %add3A_289 = vector.broadcast %add3A_288 : i32 to vector<16xi32>
    %add3A_290 = arith.addi %iota3A, %add3A_289 : vector<16xi32>
    %gather3A_291 = tpu.vector_load_idx %arg5[%add3A_290, %broadcast_in_dim3A_9] : memref<64x128xf32, #tpu.memory_space<vmem>>[vector<16xi32>, vector<16xi32>], vector<16xf32>,
    %swap3A_292 = arith.constant 608 : index
    %swap3A_293 = tpu.vector_load %arg8[%swap3A_292] {strides = array<i32>} : memref<624xf32, #tpu.memory_space<vmem>>, vector<16xf32>,
    tpu.vector_store %arg8[%swap3A_292], %gather3A_291 {strides = array<i32>} : memref<624xf32, #tpu.memory_space<vmem>>, vector<16xf32>,
    %add3A_294 = arith.addi %mul3A_6, %mul3A_4 : i32
    "tpu.region"() ({
      %run_scoped3A = tpu.sem_alloc : memref<!tpu.dma_semaphore, #tpu.memory_space<semaphore_mem>>
      %dma_start3A = tpu.memref_slice %arg4[%add3A_294] : memref<20000xf32, #tpu.memory_space<hbm>> -> memref<624xf32, #tpu.memory_space<hbm>>
      %dma_start3A_300 = tpu.memref_slice %arg4[%add3A_294] : memref<20000xf32, #tpu.memory_space<hbm>> -> memref<624xf32, #tpu.memory_space<hbm>>
      tpu.enqueue_dma source(%arg8 : memref<624xf32, #tpu.memory_space<vmem>>) target(%dma_start3A_300 : memref<624xf32, #tpu.memory_space<hbm>>) target_semaphore(%run_scoped3A : memref<!tpu.dma_semaphore, #tpu.memory_space<semaphore_mem>>)
      %dma_wait3A = tpu.memref_slice %arg4[%add3A_294] : memref<20000xf32, #tpu.memory_space<hbm>> -> memref<624xf32, #tpu.memory_space<hbm>>
      %dma_wait3A_301 = tpu.memref_slice %arg4[%add3A_294] : memref<20000xf32, #tpu.memory_space<hbm>> -> memref<624xf32, #tpu.memory_space<hbm>>
      tpu.wait_dma2 semaphore(%run_scoped3A : memref<!tpu.dma_semaphore, #tpu.memory_space<semaphore_mem>>) src(%arg8 : memref<624xf32, #tpu.memory_space<vmem>>) dst(%dma_wait3A_301 : memref<624xf32, #tpu.memory_space<hbm>>)
      tpu.yield
    }) : () -> ()
    %eq3A_295 = arith.constant 15 : i32
    %eq3A_296 = arith.cmpi eq, %arg1, %eq3A_295 : i32
    %convert_element_type3A_297 = arith.extui %eq3A_296 : i1 to i32
    %cond3A_298 = arith.constant 0 : i32
    %cond3A_299 = arith.cmpi ne, %convert_element_type3A_297, %cond3A_298 : i32
    scf.if %cond3A_299 {
      "tpu.region"() ({
        %run_scoped3A = tpu.sem_alloc : memref<!tpu.dma_semaphore, #tpu.memory_space<semaphore_mem>>
        %dma_start3A = arith.constant 0 : i32
        %dma_start3A_305 = arith.constant 0 : i32
        %dma_start3A_306 = tpu.memref_slice %arg5[%dma_start3A, %dma_start3A_305] : memref<64x128xf32, #tpu.memory_space<vmem>> -> memref<16x128xf32, #tpu.memory_space<vmem>>
        %dma_start3A_307 = arith.constant 9984 : i32
        %dma_start3A_308 = arith.constant 0 : i32
        %dma_start3A_309 = tpu.memref_slice %arg9[%dma_start3A_307, %dma_start3A_308] : memref<10000x128xf32, #tpu.memory_space<vmem_shared>> -> memref<16x128xf32, #tpu.memory_space<vmem_shared>>
        %dma_start3A_310 = arith.constant 0 : i32
        %dma_start3A_311 = arith.constant 0 : i32
        %dma_start3A_312 = tpu.memref_slice %arg5[%dma_start3A_310, %dma_start3A_311] : memref<64x128xf32, #tpu.memory_space<vmem>> -> memref<16x128xf32, #tpu.memory_space<vmem>>
        %dma_start3A_313 = arith.constant 9984 : i32
        %dma_start3A_314 = arith.constant 0 : i32
        %dma_start3A_315 = tpu.memref_slice %arg9[%dma_start3A_313, %dma_start3A_314] : memref<10000x128xf32, #tpu.memory_space<vmem_shared>> -> memref<16x128xf32, #tpu.memory_space<vmem_shared>>
        tpu.enqueue_dma source(%dma_start3A_315 : memref<16x128xf32, #tpu.memory_space<vmem_shared>>) target(%dma_start3A_312 : memref<16x128xf32, #tpu.memory_space<vmem>>) target_semaphore(%run_scoped3A : memref<!tpu.dma_semaphore, #tpu.memory_space<semaphore_mem>>)
        %dma_wait3A = arith.constant 0 : i32
        %dma_wait3A_316 = arith.constant 0 : i32
        %dma_wait3A_317 = tpu.memref_slice %arg5[%dma_wait3A, %dma_wait3A_316] : memref<64x128xf32, #tpu.memory_space<vmem>> -> memref<16x128xf32, #tpu.memory_space<vmem>>
        %dma_wait3A_318 = arith.constant 9984 : i32
        %dma_wait3A_319 = arith.constant 0 : i32
        %dma_wait3A_320 = tpu.memref_slice %arg9[%dma_wait3A_318, %dma_wait3A_319] : memref<10000x128xf32, #tpu.memory_space<vmem_shared>> -> memref<16x128xf32, #tpu.memory_space<vmem_shared>>
        %dma_wait3A_321 = arith.constant 0 : i32
        %dma_wait3A_322 = arith.constant 0 : i32
        %dma_wait3A_323 = tpu.memref_slice %arg5[%dma_wait3A_321, %dma_wait3A_322] : memref<64x128xf32, #tpu.memory_space<vmem>> -> memref<16x128xf32, #tpu.memory_space<vmem>>
        %dma_wait3A_324 = arith.constant 9984 : i32
        %dma_wait3A_325 = arith.constant 0 : i32
        %dma_wait3A_326 = tpu.memref_slice %arg9[%dma_wait3A_324, %dma_wait3A_325] : memref<10000x128xf32, #tpu.memory_space<vmem_shared>> -> memref<16x128xf32, #tpu.memory_space<vmem_shared>>
        tpu.wait_dma2 semaphore(%run_scoped3A : memref<!tpu.dma_semaphore, #tpu.memory_space<semaphore_mem>>) src(%dma_wait3A_326 : memref<16x128xf32, #tpu.memory_space<vmem_shared>>) dst(%dma_wait3A_323 : memref<16x128xf32, #tpu.memory_space<vmem>>)
        tpu.yield
      }) : () -> ()
      %gather3A_300 = tpu.vector_load_idx %arg5[%iota3A, %broadcast_in_dim3A_9] : memref<64x128xf32, #tpu.memory_space<vmem>>[vector<16xi32>, vector<16xi32>], vector<16xf32>,
      %swap3A_301 = arith.constant 0 : index
      %swap3A_302 = tpu.vector_load %arg8[%swap3A_301] {strides = array<i32>} : memref<624xf32, #tpu.memory_space<vmem>>, vector<16xf32>,
      tpu.vector_store %arg8[%swap3A_301], %gather3A_300 {strides = array<i32>} : memref<624xf32, #tpu.memory_space<vmem>>, vector<16xf32>,
      %add3A_303 = arith.constant 9984 : i32
      %add3A_304 = arith.addi %mul3A_6, %add3A_303 : i32
      "tpu.region"() ({
        %run_scoped3A = tpu.sem_alloc : memref<!tpu.dma_semaphore, #tpu.memory_space<semaphore_mem>>
        %dma_start3A = arith.constant 0 : i32
        %dma_start3A_305 = tpu.memref_slice %arg8[%dma_start3A] : memref<624xf32, #tpu.memory_space<vmem>> -> memref<16xf32, #tpu.memory_space<vmem>>
        %dma_start3A_306 = tpu.memref_slice %arg4[%add3A_304] : memref<20000xf32, #tpu.memory_space<hbm>> -> memref<16xf32, #tpu.memory_space<hbm>>
        %dma_start3A_307 = tpu.memref_slice %arg4[%add3A_304] : memref<20000xf32, #tpu.memory_space<hbm>> -> memref<16xf32, #tpu.memory_space<hbm>>
        %dma_start3A_308 = arith.constant 0 : i32
        %dma_start3A_309 = tpu.memref_slice %arg8[%dma_start3A_308] : memref<624xf32, #tpu.memory_space<vmem>> -> memref<16xf32, #tpu.memory_space<vmem>>
        tpu.enqueue_dma source(%dma_start3A_309 : memref<16xf32, #tpu.memory_space<vmem>>) target(%dma_start3A_307 : memref<16xf32, #tpu.memory_space<hbm>>) target_semaphore(%run_scoped3A : memref<!tpu.dma_semaphore, #tpu.memory_space<semaphore_mem>>)
        %dma_wait3A = arith.constant 0 : i32
        %dma_wait3A_310 = tpu.memref_slice %arg8[%dma_wait3A] : memref<624xf32, #tpu.memory_space<vmem>> -> memref<16xf32, #tpu.memory_space<vmem>>
        %dma_wait3A_311 = tpu.memref_slice %arg4[%add3A_304] : memref<20000xf32, #tpu.memory_space<hbm>> -> memref<16xf32, #tpu.memory_space<hbm>>
        %dma_wait3A_312 = tpu.memref_slice %arg4[%add3A_304] : memref<20000xf32, #tpu.memory_space<hbm>> -> memref<16xf32, #tpu.memory_space<hbm>>
        %dma_wait3A_313 = arith.constant 0 : i32
        %dma_wait3A_314 = tpu.memref_slice %arg8[%dma_wait3A_313] : memref<624xf32, #tpu.memory_space<vmem>> -> memref<16xf32, #tpu.memory_space<vmem>>
        tpu.wait_dma2 semaphore(%run_scoped3A : memref<!tpu.dma_semaphore, #tpu.memory_space<semaphore_mem>>) src(%dma_wait3A_314 : memref<16xf32, #tpu.memory_space<vmem>>) dst(%dma_wait3A_312 : memref<16xf32, #tpu.memory_space<hbm>>)
        tpu.yield
      }) : () -> ()
    } else {
    }
    return
  }
}

module attributes {stable_mosaic.version = 14 : i64} {
  func.func @_tc_body(%arg0: i32, %arg1: memref<400x128xf32, #tpu.memory_space<vmem>>, %arg2: memref<400x128xf32, #tpu.memory_space<vmem>>, %arg3: memref<400x128xf32, #tpu.memory_space<vmem>>, %arg4: memref<400x128xf32, #tpu.memory_space<vmem>>, %arg5: memref<400x128xf32, #tpu.memory_space<vmem>>, %arg6: memref<640x256xf32, #tpu.memory_space<vmem>>, %arg7: memref<1x256xf32, #tpu.memory_space<vmem>>, %arg8: memref<128x12xf32, #tpu.memory_space<vmem>>, %arg9: memref<1x12xf32, #tpu.memory_space<vmem>>, %arg10: memref<400x12xf32, #tpu.memory_space<vmem>>) attributes {dimension_semantics = [#tpu.dimension_semantics<arbitrary>], iteration_bounds = array<i64: 25>, scalar_prefetch = 0 : i64, scratch_operands = 0 : i64, tpu.core_type = #tpu.core_type<tc>, window_params = [{transform_indices = @transform_0, window_bounds = array<i64: 400, 128>}, {transform_indices = @transform_1, window_bounds = array<i64: 400, 128>}, {transform_indices = @transform_2, window_bounds = array<i64: 400, 128>}, {transform_indices = @transform_3, window_bounds = array<i64: 400, 128>}, {transform_indices = @transform_4, window_bounds = array<i64: 400, 128>}, {pipeline_mode = #tpu.pipeline_mode<synchronous>, transform_indices = @transform_5, window_bounds = array<i64: 640, 256>}, {pipeline_mode = #tpu.pipeline_mode<synchronous>, transform_indices = @transform_6, window_bounds = array<i64: 1, 256>}, {pipeline_mode = #tpu.pipeline_mode<synchronous>, transform_indices = @transform_7, window_bounds = array<i64: 128, 12>}, {pipeline_mode = #tpu.pipeline_mode<synchronous>, transform_indices = @transform_8, window_bounds = array<i64: 1, 12>}, {transform_indices = @transform_9, window_bounds = array<i64: 400, 12>}]} {
    %get3A = arith.constant 0 : index
    %get3A_0 = arith.constant 0 : index
    %get3A_1 = vector.load %arg6[%get3A, %get3A_0] : memref<640x256xf32, #tpu.memory_space<vmem>>, vector<640x256xf32>
    %get3A_2 = arith.constant 0 : index
    %get3A_3 = arith.constant 0 : index
    %get3A_4 = vector.load %arg1[%get3A_2, %get3A_3] : memref<400x128xf32, #tpu.memory_space<vmem>>, vector<400x128xf32>
    %slice3A = vector.extract_strided_slice %get3A_1 {offsets = [0, 0], sizes = [128, 256], strides = [1, 1]} : vector<640x256xf32> to vector<128x256xf32>
    %dot_general3A = arith.constant dense<0.000000e+00> : vector<400x256xf32>
    %dot_general3A_5 = tpu.matmul %get3A_4, %slice3A, %dot_general3A {dimension_numbers = #tpu.dot_dimension_numbers<[1], [0], [0], [1], [0, 0, 1, 1], [], []>, precision = #tpu.contract_precision<fp32>, transpose_lhs_hint = false} : vector<400x128xf32>, vector<128x256xf32>, vector<400x256xf32> -> vector<400x256xf32>
    %get3A_6 = arith.constant 0 : index
    %get3A_7 = arith.constant 0 : index
    %get3A_8 = vector.load %arg2[%get3A_6, %get3A_7] : memref<400x128xf32, #tpu.memory_space<vmem>>, vector<400x128xf32>
    %slice3A_9 = vector.extract_strided_slice %get3A_1 {offsets = [128, 0], sizes = [128, 256], strides = [1, 1]} : vector<640x256xf32> to vector<128x256xf32>
    %dot_general3A_10 = arith.constant dense<0.000000e+00> : vector<400x256xf32>
    %dot_general3A_11 = tpu.matmul %get3A_8, %slice3A_9, %dot_general3A_10 {dimension_numbers = #tpu.dot_dimension_numbers<[1], [0], [0], [1], [0, 0, 1, 1], [], []>, precision = #tpu.contract_precision<fp32>, transpose_lhs_hint = false} : vector<400x128xf32>, vector<128x256xf32>, vector<400x256xf32> -> vector<400x256xf32>
    %add3A = arith.addf %dot_general3A_5, %dot_general3A_11 : vector<400x256xf32>
    %get3A_12 = arith.constant 0 : index
    %get3A_13 = arith.constant 0 : index
    %get3A_14 = vector.load %arg3[%get3A_12, %get3A_13] : memref<400x128xf32, #tpu.memory_space<vmem>>, vector<400x128xf32>
    %slice3A_15 = vector.extract_strided_slice %get3A_1 {offsets = [256, 0], sizes = [128, 256], strides = [1, 1]} : vector<640x256xf32> to vector<128x256xf32>
    %dot_general3A_16 = arith.constant dense<0.000000e+00> : vector<400x256xf32>
    %dot_general3A_17 = tpu.matmul %get3A_14, %slice3A_15, %dot_general3A_16 {dimension_numbers = #tpu.dot_dimension_numbers<[1], [0], [0], [1], [0, 0, 1, 1], [], []>, precision = #tpu.contract_precision<fp32>, transpose_lhs_hint = false} : vector<400x128xf32>, vector<128x256xf32>, vector<400x256xf32> -> vector<400x256xf32>
    %add3A_18 = arith.addf %add3A, %dot_general3A_17 : vector<400x256xf32>
    %get3A_19 = arith.constant 0 : index
    %get3A_20 = arith.constant 0 : index
    %get3A_21 = vector.load %arg4[%get3A_19, %get3A_20] : memref<400x128xf32, #tpu.memory_space<vmem>>, vector<400x128xf32>
    %slice3A_22 = vector.extract_strided_slice %get3A_1 {offsets = [384, 0], sizes = [128, 256], strides = [1, 1]} : vector<640x256xf32> to vector<128x256xf32>
    %dot_general3A_23 = arith.constant dense<0.000000e+00> : vector<400x256xf32>
    %dot_general3A_24 = tpu.matmul %get3A_21, %slice3A_22, %dot_general3A_23 {dimension_numbers = #tpu.dot_dimension_numbers<[1], [0], [0], [1], [0, 0, 1, 1], [], []>, precision = #tpu.contract_precision<fp32>, transpose_lhs_hint = false} : vector<400x128xf32>, vector<128x256xf32>, vector<400x256xf32> -> vector<400x256xf32>
    %add3A_25 = arith.addf %add3A_18, %dot_general3A_24 : vector<400x256xf32>
    %get3A_26 = arith.constant 0 : index
    %get3A_27 = arith.constant 0 : index
    %get3A_28 = vector.load %arg5[%get3A_26, %get3A_27] : memref<400x128xf32, #tpu.memory_space<vmem>>, vector<400x128xf32>
    %slice3A_29 = vector.extract_strided_slice %get3A_1 {offsets = [512, 0], sizes = [128, 256], strides = [1, 1]} : vector<640x256xf32> to vector<128x256xf32>
    %dot_general3A_30 = arith.constant dense<0.000000e+00> : vector<400x256xf32>
    %dot_general3A_31 = tpu.matmul %get3A_28, %slice3A_29, %dot_general3A_30 {dimension_numbers = #tpu.dot_dimension_numbers<[1], [0], [0], [1], [0, 0, 1, 1], [], []>, precision = #tpu.contract_precision<fp32>, transpose_lhs_hint = false} : vector<400x128xf32>, vector<128x256xf32>, vector<400x256xf32> -> vector<400x256xf32>
    %add3A_32 = arith.addf %add3A_25, %dot_general3A_31 : vector<400x256xf32>
    %get3A_33 = arith.constant 0 : index
    %get3A_34 = arith.constant 0 : index
    %get3A_35 = vector.load %arg7[%get3A_33, %get3A_34] : memref<1x256xf32, #tpu.memory_space<vmem>>, vector<1x256xf32>
    %add3A_36 = vector.broadcast %get3A_35 : vector<1x256xf32> to vector<400x256xf32>
    %add3A_37 = arith.addf %add3A_32, %add3A_36 : vector<400x256xf32>
    %slice3A_38 = vector.extract_strided_slice %add3A_37 {offsets = [0, 0], sizes = [400, 128], strides = [1, 1]} : vector<400x256xf32> to vector<400x128xf32>
    %logistic3A = arith.negf %slice3A_38 : vector<400x128xf32>
    %logistic3A_39 = math.exp %logistic3A : vector<400x128xf32>
    %logistic3A_40 = arith.constant 1.000000e+00 : f32
    %logistic3A_41 = vector.broadcast %logistic3A_40 : f32 to vector<400x128xf32>
    %logistic3A_42 = arith.addf %logistic3A_41, %logistic3A_39 : vector<400x128xf32>
    %logistic3A_43 = arith.divf %logistic3A_41, %logistic3A_42 : vector<400x128xf32>
    %slice3A_44 = vector.extract_strided_slice %add3A_37 {offsets = [0, 128], sizes = [400, 128], strides = [1, 1]} : vector<400x256xf32> to vector<400x128xf32>
    %tanh3A = math.tanh %slice3A_44 : vector<400x128xf32>
    %sub3A = arith.constant 1.000000e+00 : f32
    %sub3A_45 = vector.broadcast %sub3A : f32 to vector<400x128xf32>
    %sub3A_46 = arith.subf %sub3A_45, %logistic3A_43 : vector<400x128xf32>
    %mul3A = arith.mulf %sub3A_46, %tanh3A : vector<400x128xf32>
    %gt3A = arith.constant 0.000000e+00 : f32
    %gt3A_47 = vector.broadcast %gt3A : f32 to vector<400x128xf32>
    %gt3A_48 = arith.cmpf ogt, %mul3A, %gt3A_47 : vector<400x128xf32>
    %exp3A = math.exp %mul3A : vector<400x128xf32>
    %sub3A_49 = arith.constant 1.000000e+00 : f32
    %sub3A_50 = vector.broadcast %sub3A_49 : f32 to vector<400x128xf32>
    %sub3A_51 = arith.subf %exp3A, %sub3A_50 : vector<400x128xf32>
    %mul3A_52 = arith.constant 1.67326319 : f32
    %mul3A_53 = vector.broadcast %mul3A_52 : f32 to vector<400x128xf32>
    %mul3A_54 = arith.mulf %mul3A_53, %sub3A_51 : vector<400x128xf32>
    %select_n3A = arith.select %gt3A_48, %mul3A, %mul3A_54 : vector<400x128xi1>, vector<400x128xf32>
    %mul3A_55 = arith.constant 1.05070102 : f32
    %mul3A_56 = vector.broadcast %mul3A_55 : f32 to vector<400x128xf32>
    %mul3A_57 = arith.mulf %mul3A_56, %select_n3A : vector<400x128xf32>
    %get3A_58 = arith.constant 0 : index
    %get3A_59 = arith.constant 0 : index
    %get3A_60 = vector.load %arg8[%get3A_58, %get3A_59] : memref<128x12xf32, #tpu.memory_space<vmem>>, vector<128x12xf32>
    %dot_general3A_61 = arith.constant dense<0.000000e+00> : vector<400x12xf32>
    %dot_general3A_62 = tpu.matmul %mul3A_57, %get3A_60, %dot_general3A_61 {dimension_numbers = #tpu.dot_dimension_numbers<[1], [0], [0], [1], [0, 0, 1, 1], [], []>, precision = #tpu.contract_precision<fp32>, transpose_lhs_hint = false} : vector<400x128xf32>, vector<128x12xf32>, vector<400x12xf32> -> vector<400x12xf32>
    %get3A_63 = arith.constant 0 : index
    %get3A_64 = arith.constant 0 : index
    %get3A_65 = vector.load %arg9[%get3A_63, %get3A_64] : memref<1x12xf32, #tpu.memory_space<vmem>>, vector<1x12xf32>
    %add3A_66 = vector.broadcast %get3A_65 : vector<1x12xf32> to vector<400x12xf32>
    %add3A_67 = arith.addf %dot_general3A_62, %add3A_66 : vector<400x12xf32>
    %swap3A = arith.constant 0 : index
    %swap3A_68 = arith.constant 0 : index
    %swap3A_69 = vector.load %arg10[%swap3A, %swap3A_68] : memref<400x12xf32, #tpu.memory_space<vmem>>, vector<400x12xf32>
    tpu.vector_store %arg10[%swap3A, %swap3A_68], %add3A_67 {strides = array<i32>} : memref<400x12xf32, #tpu.memory_space<vmem>>, vector<400x12xf32>,
    return
  }
  func.func @transform_0(%arg0: i32) -> (i32, i32) {
    %c0_i32 = arith.constant 0 : i32
    %c0_i32_0 = arith.constant 0 : i32
    return %arg0, %c0_i32 : i32, i32
  }
  func.func @transform_1(%arg0: i32) -> (i32, i32) {
    %c0_i32 = arith.constant 0 : i32
    %c0_i32_0 = arith.constant 0 : i32
    return %arg0, %c0_i32 : i32, i32
  }
  func.func @transform_2(%arg0: i32) -> (i32, i32) {
    %add3A = arith.constant 25 : i32
    %add3A_0 = arith.addi %arg0, %add3A : i32
    %c0_i32 = arith.constant 0 : i32
    %c0_i32_1 = arith.constant 0 : i32
    return %add3A_0, %c0_i32 : i32, i32
  }
  func.func @transform_3(%arg0: i32) -> (i32, i32) {
    %c0_i32 = arith.constant 0 : i32
    %c0_i32_0 = arith.constant 0 : i32
    return %arg0, %c0_i32 : i32, i32
  }
  func.func @transform_4(%arg0: i32) -> (i32, i32) {
    %add3A = arith.constant 25 : i32
    %add3A_0 = arith.addi %arg0, %add3A : i32
    %c0_i32 = arith.constant 0 : i32
    %c0_i32_1 = arith.constant 0 : i32
    return %add3A_0, %c0_i32 : i32, i32
  }
  func.func @transform_5(%arg0: i32) -> (i32, i32) {
    %c0_i32 = arith.constant 0 : i32
    %c0_i32_0 = arith.constant 0 : i32
    %c0_i32_1 = arith.constant 0 : i32
    return %c0_i32, %c0_i32_0 : i32, i32
  }
  func.func @transform_6(%arg0: i32) -> (i32, i32) {
    %c0_i32 = arith.constant 0 : i32
    %c0_i32_0 = arith.constant 0 : i32
    %c0_i32_1 = arith.constant 0 : i32
    return %c0_i32, %c0_i32_0 : i32, i32
  }
  func.func @transform_7(%arg0: i32) -> (i32, i32) {
    %c0_i32 = arith.constant 0 : i32
    %c0_i32_0 = arith.constant 0 : i32
    %c0_i32_1 = arith.constant 0 : i32
    return %c0_i32, %c0_i32_0 : i32, i32
  }
  func.func @transform_8(%arg0: i32) -> (i32, i32) {
    %c0_i32 = arith.constant 0 : i32
    %c0_i32_0 = arith.constant 0 : i32
    %c0_i32_1 = arith.constant 0 : i32
    return %c0_i32, %c0_i32_0 : i32, i32
  }
  func.func @transform_9(%arg0: i32) -> (i32, i32) {
    %c0_i32 = arith.constant 0 : i32
    %c0_i32_0 = arith.constant 0 : i32
    return %arg0, %c0_i32 : i32, i32
  }
}

</mosaic_0001>

<sc_bundles>
// kernel: kernel.5.cloned.1.call-start
scs
__scs_entry_jumppad:
0x0: {  	(pc) =	sbr.rel $0x88, $3  }
0x1: {  	(tag) =	ssettag $0x0;
	lr =	simm.s32 $0x1  }
0x2: {  	[smem:$0x3F98] =	sst lr;
	_ =	strace $0xD0000000  }
0x3: {  	_ = 	snop  }
0x4: {  	_ = 	snop  }
0x5: {  	_ = 	snop  }
0x6: {  	_ = 	snop  }
0x7: {  	_ = 	snop  }
__scs_overlays_trampoline_lowered:
0x8: {  	[smem:$0x3FA7] =	sst s0  }
0x9: {  	[smem:$0x3FA8] =	sst s1  }
0xa: {  	[smem:$0x3FA9] =	sst s2  }
0xb: {  	[smem:$0x3FAA] =	sst s3  }
0xc: {  	[smem:$0x3FAB] =	sst s4  }
0xd: {  	[smem:$0x3FAC] =	sst s5  }
0xe: {  	[smem:$0x3FAD] =	sst s6  }
0xf: {  	[smem:$0x3FAE] =	sst s7  }
0x10: {  	[smem:$0x3FAF] =	sst s8  }
0x11: {  	[smem:$0x3FB0] =	sst s9;
	s0 =	simm.s32 @!p0 $0x0  }
0x12: {  	s1 =	sld [smem:$0x3F96];
	s0 =	simm.s32 @p0 $0x1  }
0x13: {  	[smem:$0x3FB1] =	sst s0;
	s0 =	simm.s32 @!p1 $0x0  }
0x14: {  	s2 =	sld [smem:$0x3F95];
	s0 =	simm.s32 @p1 $0x1  }
0x15: {  	[smem:$0x3FB2] =	sst s0;
	s0 =	simm.s32 @!p2 $0x0  }
0x16: {  	s3 =	sld [smem:$0x3FDB];
	s0 =	simm.s32 @p2 $0x1  }
0x17: {  	s4 =	simm.s32 $0x1BF5;
	[smem:$0x3FB4] =	sst s0  }
0x18: {  	s0 =	sld [smem:$0x3F97];
	_ =	swait.ge [sflag:s4], $0x0  }
0x19: {  	s7 =	sld [smem:$0x3F98]  }
0x1a: {  	s8 =	sadd.s32 $0xFFFFE003, lr  }
0x1b: {  	s9 =	sadd.s32 $0xFFFFFEF7, lr;
	s5 =	simm.s32 $0xFFFFFFFF;
	p2 =	slt.u32 s8, $0xFFFFF086  }
0x1c: {  	p1 =	slt.u32 s9, $0xF7A;
	s5 =	simm.s32 @!p2 $0x0  }
0x1d: {  	s5 =	simm.s32 @p1 $0x1;
	p0 =	seq.s32 s7, s2  }
0x1e: {  	s7 =	smul.u32 @!p0 $0xF7A, s2;
	p2 =	seq.s32 @!p0 s5, $0x0  }
0x1f: {  	s9 =	smul.u32 $0xF7A, s1;
	s8 =	simm.s32 @!p0 $0x1BF5;
	p2 =	por !p2, p0  }
0x20: {  	[sflag:s8] =	ssyncset.s32 @!p0 $0xFFFFF086;
	s6 =	sadd.s32 @!p0 s3, s7;
	s7 =	simm.s32 @!p0 $0x108  }
0x21: {  	s3 =	sadd.s32 s3, s9;
	s6 =	sadd.s32 @!p0 $0x88, s6;
	s7 =	simm.s32 @p2 $0x1082  }
0x22: {  	[simem:s7], [sflag:s8] =	dma.local @!p0 [hbm:s6], $0xF7A  }
0x23: {  	s9 =	sor.u32 $0xD0000000, s2;
	s6 =	simm.s32 $0x108;
	_ =	swait.ge @!p0 [sflag:s8], $0x0  }
0x24: {  	s3 =	sadd.s32 $0x88, s3;
	s6 =	simm.s32 @!p1 $0x1082;
	[sflag:s4] =	ssyncset.s32 $0xFFFFF086  }
0x25: {  	[simem:s6], [sflag:s4] =	dma.local [hbm:s3], $0xF7A  }
0x26: {  	[smem:$0x3F98] =	sst s1;
	(tag) =	ssettag s2;
	_ =	strace s9  }
0x27: {  	s1 =	sld [smem:$0x3FA8]  }
0x28: {  	s2 =	sld [smem:$0x3FA9]  }
0x29: {  	s4 =	sld [smem:$0x3FAB]  }
0x2a: {  	p0 =	seq.s32 s5, $0x0;
	s5 =	sld [smem:$0x3FAC]  }
0x2b: {  	s6 =	sld [smem:$0x3FAD]  }
0x2c: {  	s7 =	sld [smem:$0x3FAE]  }
0x2d: {  	s3 =	simm.s32 $0x108;
	s8 =	sld [smem:$0x3FAF]  }
0x2e: {  	s3 =	simm.s32 @!p0 $0x1082;
	s9 =	sld [smem:$0x3FB0]  }
0x2f: {  	lr =	sadd.s32 s0, s3;
	s0 =	sld [smem:$0x3FA7]  }
0x30: {  	s3 =	sld [smem:$0x3FAA]  }
0x31: {  	[smem:$0x3FB3] =	sst s10  }
0x32: {  	s10 =	sld [smem:$0x3FB1];
	_ =	sdelay $0x3  }
0x33: {  	p0 =	seq.s32 s10, $0x1;
	s10 =	sld [smem:$0x3FB3];
	_ =	sdelay $0x3  }
0x34: {  	[smem:$0x3FB3] =	sst s10  }
0x35: {  	s10 =	sld [smem:$0x3FB2];
	_ =	sdelay $0x3  }
0x36: {  	p1 =	seq.s32 s10, $0x1;
	s10 =	sld [smem:$0x3FB3];
	_ =	sdelay $0x3  }
0x37: {  	[smem:$0x3FB3] =	sst s10  }
0x38: {  	s10 =	sld [smem:$0x3FB4]  }
0x39: {  	_ = 	snop;
	(pc) =	sbr.ind lr, $3  }
0x3a: {  	_ = 	snop  }
0x3b: {  	_ = 	snop  }
0x3c: {  	p2 =	seq.s32 s10, $0x1;
	s10 =	sld [smem:$0x3FB3]  }
0x3d: {  	_ =	shalt  }
0x3e: {  	_ =	shalt  }
0x3f: {  	_ =	shalt  }
0x40: {  	_ =	shalt  }
0x41: {  	_ =	shalt  }
0x42: {  	_ =	shalt  }
0x43: {  	_ =	shalt  }
0x44: {  	_ =	shalt  }
0x45: {  	_ =	shalt  }
0x46: {  	_ =	shalt  }
0x47: {  	_ =	shalt  }
0x48: {  	_ =	shalt  }
0x49: {  	_ =	shalt  }
0x4a: {  	_ =	shalt  }
0x4b: {  	_ =	shalt  }
0x4c: {  	_ =	shalt  }
0x4d: {  	_ =	shalt  }
0x4e: {  	_ =	shalt  }
0x4f: {  	_ =	shalt  }
0x50: {  	_ =	shalt  }
0x51: {  	_ =	shalt  }
0x52: {  	_ =	shalt  }
0x53: {  	_ =	shalt  }
0x54: {  	_ =	shalt  }
0x55: {  	_ =	shalt  }
0x56: {  	_ =	shalt  }
0x57: {  	_ =	shalt  }
0x58: {  	_ =	shalt  }
0x59: {  	_ =	shalt  }
0x5a: {  	_ =	shalt  }
0x5b: {  	_ =	shalt  }
0x5c: {  	_ =	shalt  }
0x5d: {  	_ =	shalt  }
0x5e: {  	_ =	shalt  }
0x5f: {  	_ =	shalt  }
0x60: {  	_ =	shalt  }
0x61: {  	_ =	shalt  }
0x62: {  	_ =	shalt  }
0x63: {  	_ =	shalt  }
0x64: {  	_ =	shalt  }
0x65: {  	_ =	shalt  }
0x66: {  	_ =	shalt  }
0x67: {  	_ =	shalt  }
0x68: {  	_ =	shalt  }
0x69: {  	_ =	shalt  }
0x6a: {  	_ =	shalt  }
0x6b: {  	_ =	shalt  }
0x6c: {  	_ =	shalt  }
0x6d: {  	_ =	shalt  }
0x6e: {  	_ =	shalt  }
0x6f: {  	_ =	shalt  }
0x70: {  	_ =	shalt  }
0x71: {  	_ =	shalt  }
0x72: {  	_ =	shalt  }
0x73: {  	_ =	shalt  }
0x74: {  	_ =	shalt  }
0x75: {  	_ =	shalt  }
0x76: {  	_ =	shalt  }
0x77: {  	_ =	shalt  }
0x78: {  	_ =	shalt  }
0x79: {  	_ =	shalt  }
0x7a: {  	_ =	shalt  }
0x7b: {  	_ =	shalt  }
0x7c: {  	_ =	shalt  }
0x7d: {  	_ =	shalt  }
0x7e: {  	_ =	shalt  }
0x7f: {  	_ =	shalt  }
0x80: {  	_ =	shalt  }
0x81: {  	_ =	shalt  }
0x82: {  	_ =	shalt  }
0x83: {  	_ =	shalt  }
0x84: {  	_ =	shalt  }
0x85: {  	_ =	shalt  }
0x86: {  	_ =	shalt  }
0x87: {  	_ =	shalt  }
.Lfunc_end0:
.L_simem_size_0:
called_computation_lowered:
.L_overlay_start_0:
0x88: {  	s2 =	sld [smem:$0x3FD9]  }
0x89: {  	s3 =	sld [smem:$0x3FFE];
	_ =	sdelay $0x1  }
0x8a: {  	s1 =	srdreg.scid  }
0x8b: {  	s0 =	sand.u32 $0x1, s1  }
0x8c: {  	s17 =	sshll.u32 s0, $0xA;
	s2 =	sadd.s32 s3, s2  }
0x8d: {  	s2 =	sadd.s32 s2, s17  }
0x8e: {  	[smem:$0x3FBF] =	sst s2  }
0x8f: {  	_ = 	snop  }
0x90: {  	s2 =	sld [smem:$0x3FD0];
	(tm) =	ssettm $0x1  }
0x91: {  	s18 =	sld [smem:$0x3FFB];
	_ =	sdelay $0x3  }
0x92: {  	_ =	strace s18  }
0x93: {  	s3 =	sld [smem:$0x3FFC];
	_ =	sdelay $0x3  }
0x94: {  	_ =	strace s3  }
0x95: {  	s3 =	sld [smem:$0x3FFD];
	_ =	sdelay $0x3  }
0x96: {  	_ =	strace s3  }
0x97: {  	_ =	strace $0x8FFFFFFF  }
0x98: {  	s19 =	sld [smem:$0x3FDB];
	_ =	sdelay $0x1  }
0x99: {  	s4 =	simm.s32 $_scs_section_size  }
0x9a: {  	s5 =	simm.s32 $_size__tile_overlayer_lowered;
	s6 =	simm.s32 $_tile_overlayer_lowered  }
0x9b: {  	s22 =	simm.s32 $0x1BFF;
	s21 =	sshll.u32 s6, $0x1;
	s3 =	sadd.s32 s4, s19  }
0x9c: {  	s7 =	simm.s32 $0x0;
	s20 =	sshll.u32 s5, $0x1;
	s5 =	sadd.s32 s21, s3  }
0x9d: {  	[timem:s7], [sflag:s22] =	dma.local [hbm:s5], s20  }
0x9e: {  	_ =	swait.ge [sflag:s22], s20  }
0x9f: {  	s4 =	ssub.s32 $0x0, s20;
	[sflag:s22] =	ssyncset.done $0x0  }
0xa0: {  	[sflag:s22] =	ssyncadd.s32 s4;
	_ =	sdelay $0x1  }
0xa1: {  	s23 =	simm.s32 $0x1B8B  }
0xa2: {  	_ =	swait.ge [sflag:s23], $0x1  }
0xa3: {  	[sflag:s23] =	ssyncset.done $0x0  }
0xa4: {  	s25 =	simm.s32 $0x1B8E;
	s24 =	sld [smem:$0x3FFE];
	[sflag:s23] =	ssyncadd.s32 $0xFFFFFFFF  }
0xa5: {  	s26 =	simm.s32 $execute0_lowered;
	[smem:$0x3FD2] =	sst s25  }
0xa6: {  	s5 =	sshll.u32 s26, $0x1;
	_ =	strace $0x80000046;
	[dreg:$0x1] =	wrdreg $0xFFFFFFFF  }
0xa7: {  	s28 =	simm.s32 $_size_execute0_lowered;
	s3 =	sadd.s32 s3, s5;
	[dreg:$0x0] =	wrdreg $0x0  }
0xa8: {  	s5 =	sshll.u32 s28, $0x1;
	[dreg:$0x2] =	wrdreg s3  }
0xa9: {  	[dreg:$0x3] =	wrdreg s5  }
0xaa: {  	[dreg:$0x4] =	wrdreg $0xC0  }
0xab: {  	_ =	task [dreg:s7], $0x5FFFF  }
0xac: {  	[dreg:$0x1] =	wrdreg $0xFFFFFFFF  }
0xad: {  	[dreg:$0x0] =	wrdreg $0x60  }
0xae: {  	[dreg:$0x2] =	wrdreg s24  }
0xaf: {  	[dreg:$0x3] =	wrdreg s2  }
0xb0: {  	[dreg:$0x4] =	wrdreg $0x23800  }
0xb1: {  	[dreg:$0x5] =	wrdreg $0x9  }
0xb2: {  	_ =	task.clear_ibuf [dreg:s7], $0x6FFFF;
	_ =	strace $0x90000046  }
0xb3: {  	s29 =	simm.s32 $0x9;
	_ =	strace $0x80000048  }
0xb4: {  	_ =	swait.ge [sflag:s29], $0x1  }
0xb5: {  	[sflag:s29] =	ssyncadd.s32 $0xFFFFFFFF  }
0xb6: {  	_ =	strace $0x90000048  }
0xb7: {  	_ =	sfence  }
0xb8: {  	s30 =	sld [smem:$0x0];
	_ =	sdelay $0x2  }
0xb9: {  	s31 =	sshll.u32 s1, $0xD;
	s1 =	sshrl.u32 s1, $0x2  }
0xba: {  	s3 =	sand.u32 $0x4000, s31;
	s1 =	sadd.s32 s1, s30  }
0xbb: {  	s0 =	sor.u32 s3, s0;
	s1 =	sshll.u32 s1, $0x11  }
0xbc: {  	s0 =	sor.u32 s1, s0  }
0xbd: {  	s0 =	sadd.s32 $0x8F2B, s0  }
0xbe: {  	[sflag:s0] =	ssyncadd.remote.s32 $0x1  }
0xbf: {  	_ =	sfence.sel $0xFFFF  }
0xc0: {  	[dreg:$0x0] =	wrdreg $0xFFFFFFFF;
	(pc) =	sbr.abs _section_cstart, $3  }
0xc1: {  	[dreg:$0x1] =	wrdreg $0xFFFFFFFF  }
0xc2: {  	_ =	task.clear_ibuf [dreg:s7], $0x2FFFF;
	_ =	strace $0x9FFFFFFF  }
0xc3: {  	(tm) =	ssettm $0x7FFFFFFF  }
tec
execute0_lowered:
.L_overlay_start_1:
0x0: {  	(tag) =	ssettag $0x1  }
0x1: {  	s4 =	rddreg [dreg:$0x0]  }
0x2: {  	s1 =	srdreg.scid;
	s15 =	rddreg [dreg:$0x1]  }
0x3: {  	s0 =	stileid.u32;
	s2 =	rddreg [dreg:$0x2];
	s3 =	simm.s32 $0x0  }
0x4: {  	s21 =	simm.s32 $0x2000;
	s22 =	simm.s32 $0x2080;
	s6 =	smul.u32 $0x5000, s0  }
0x5: {  	s23 =	simm.s32 $0x40;
	s24 =	simm.s32 $0x2100;
	s28 =	smul.u32 $0xA00, s0  }
0x6: {  	s5 =	sand.u32 $0x1, s1;
	s1 =	rddreg [dreg:$0x3];
	s8 =	smul.u32 $0x4E000, s0  }
0x7: {  	s25 =	simm.s32 $0x0;
	[smem:$0x7FF] =	sst s3;
	s14 =	smul.u32 $0x270, s0  }
0x8: {  	p0 =	sne.s32 s0, $0xF;
	s7 =	smul.u32 $0x50000, s5;
	_ =	strace $0x80000047  }
0x9: {  	s29 =	ssub.s32 $0x2, s5;
	s16 =	smul.u32 $0x2710, s5;
	s18 =	sadd.s32 s28, s4  }
0xa: {  	s30 =	sshrl.u32 s29, $0x1;
	s31 =	sshrl.u32 s8, $0x2;
	s6 =	sadd.s32 s6, s7  }
0xb: {  	s17 =	ssub.s32 s29, s30;
	s20 =	sadd.s32 s14, s16;
	s16 =	sshrl.u32 s16, $0x3  }
0xc: {  	s14 =	sadd.s32 $0x138000, s2;
	s18 =	sadd.s32 $0x16600, s18;
	s6 =	sshrl.u32 s6, $0x3  }
0xd: {  	s20 =	sshrl.u32 s20, $0x3;
	s16 =	sadd.s32 s15, s16;
	s17 =	smax.u32 s17, $0x1  }
0xe: {  	s19 =	sadd.s32 s6, s4;
	s4 =	sadd.s32 s31, s2;
	s15 =	sadd.s32 s15, s20  }
0xf: {  	v0 =	vlaneseq.u32;
	s16 =	sadd.s32 $0x4E0, s16;
	s20 =	simm.s32 $0x1;
	s5 =	sadd.s32 $0x2000, s4  }
0x10: {  	v0 =	vmul.u32 $0x80, v0;
	s6 =	sadd.s32 $0x4000, s4;
	s7 =	sadd.s32 $0x6000, s4;
	s8 =	sadd.s32 $0x8000, s4  }
0x11: {  	v1 =	vimm.f32 $0.0e+00;
	s9 =	sadd.s32 $0xA000, s4;
	s10 =	sadd.s32 $0xC000, s4;
	s11 =	sadd.s32 $0xE000, s4  }
0x12: {  	v2 =	vor.u32 $0x800, v0;
	v3 =	vor.u32 $0x1000, v0;
	v4 =	vor.u32 $0x1800, v0;
	s12 =	sadd.s32 $0x10000, s4;
	s13 =	sadd.s32 $0x12000, s4;
	s19 =	sadd.s32 $0x34600, s19  }
.LBB2_1:
0x13: {  	s26 =	simm.s32 $0x0;
	s28 =	simm.s32 $0x200  }
.LBB2_2:
0x14: {  	p1 =	sne.s32 s28, $0x7E00;
	[tilespmem:s26+$0x70] =	vst v1  }
0x15: {  	[tilespmem:s26+$0x0] =	vst v1  }
0x16: {  	[tilespmem:s26+$0x10] =	vst v1  }
.Ltmp0:
0x17: {  	[tilespmem:s26+$0x20] =	vst v1;
	(pc) =	sbr.rel @p1 .LBB2_2-.Ltmp0, $4  }
0x18: {  	[tilespmem:s26+$0x30] =	vst v1  }
0x19: {  	[tilespmem:s26+$0x40] =	vst v1  }
0x1a: {  	[tilespmem:s26+$0x50] =	vst v1  }
0x1b: {  	[tilespmem:s26+$0x60] =	vst v1;
	s26 =	sshra.s32 s28, $0x2;
	s28 =	sadd.s32 $0x200, s28  }
0x1c: {  	[tilespmem:s26+$0x70] =	vst v1  }
0x1d: {  	[tilespmem:s26+$0x0] =	vst v1  }
0x1e: {  	[tilespmem:s26+$0x10] =	vst v1  }
0x1f: {  	[tilespmem:s26+$0x20] =	vst v1  }
0x20: {  	[tilespmem:s26+$0x30] =	vst v1  }
0x21: {  	[tilespmem:s26+$0x40] =	vst v1  }
0x22: {  	[tilespmem:s26+$0x50] =	vst v1  }
0x23: {  	[tilespmem:s26+$0x60] =	vst v1  }
0x24: {  	[spmem:s4] =	stream.linear.scatter [tilespmem:s3], [sflag:$0x1], $0x2000, $0x38;
	[tilespmem:$0x15C00] =	vst v63  }
0x25: {  	_ =	swait.ge [sflag:s20], $0x2000  }
0x26: {  	[sflag:s20] =	ssyncset.done $0x0  }
0x27: {  	[sflag:s20] =	ssyncadd.s32 $0xFFFFE000  }
0x28: {  	[spmem:s5] =	stream.linear.scatter [tilespmem:s3], [sflag:$0x1], $0x2000, $0x38;
	[tilespmem:$0x15C00] =	vst v63  }
0x29: {  	_ =	swait.ge [sflag:s20], $0x2000  }
0x2a: {  	[sflag:s20] =	ssyncset.done $0x0  }
0x2b: {  	[sflag:s20] =	ssyncadd.s32 $0xFFFFE000  }
0x2c: {  	[spmem:s6] =	stream.linear.scatter [tilespmem:s3], [sflag:$0x1], $0x2000, $0x38;
	[tilespmem:$0x15C00] =	vst v63  }
0x2d: {  	_ =	swait.ge [sflag:s20], $0x2000  }
0x2e: {  	[sflag:s20] =	ssyncset.done $0x0  }
0x2f: {  	[sflag:s20] =	ssyncadd.s32 $0xFFFFE000  }
0x30: {  	[spmem:s7] =	stream.linear.scatter [tilespmem:s3], [sflag:$0x1], $0x2000, $0x38;
	[tilespmem:$0x15C00] =	vst v63  }
0x31: {  	_ =	swait.ge [sflag:s20], $0x2000  }
0x32: {  	[sflag:s20] =	ssyncset.done $0x0  }
0x33: {  	[sflag:s20] =	ssyncadd.s32 $0xFFFFE000  }
0x34: {  	[spmem:s8] =	stream.linear.scatter [tilespmem:s3], [sflag:$0x1], $0x2000, $0x38;
	[tilespmem:$0x15C00] =	vst v63  }
0x35: {  	_ =	swait.ge [sflag:s20], $0x2000  }
0x36: {  	[sflag:s20] =	ssyncset.done $0x0  }
0x37: {  	[sflag:s20] =	ssyncadd.s32 $0xFFFFE000  }
0x38: {  	[spmem:s9] =	stream.linear.scatter [tilespmem:s3], [sflag:$0x1], $0x2000, $0x38;
	[tilespmem:$0x15C00] =	vst v63  }
0x39: {  	_ =	swait.ge [sflag:s20], $0x2000  }
0x3a: {  	[sflag:s20] =	ssyncset.done $0x0  }
0x3b: {  	[sflag:s20] =	ssyncadd.s32 $0xFFFFE000  }
0x3c: {  	[spmem:s10] =	stream.linear.scatter [tilespmem:s3], [sflag:$0x1], $0x2000, $0x38;
	[tilespmem:$0x15C00] =	vst v63  }
0x3d: {  	_ =	swait.ge [sflag:s20], $0x2000  }
0x3e: {  	[sflag:s20] =	ssyncset.done $0x0  }
0x3f: {  	[sflag:s20] =	ssyncadd.s32 $0xFFFFE000  }
0x40: {  	[spmem:s11] =	stream.linear.scatter [tilespmem:s3], [sflag:$0x1], $0x2000, $0x38;
	[tilespmem:$0x15C00] =	vst v63  }
0x41: {  	_ =	swait.ge [sflag:s20], $0x2000  }
0x42: {  	[sflag:s20] =	ssyncset.done $0x0  }
0x43: {  	[sflag:s20] =	ssyncadd.s32 $0xFFFFE000  }
0x44: {  	[spmem:s12] =	stream.linear.scatter [tilespmem:s3], [sflag:$0x1], $0x2000, $0x38;
	[tilespmem:$0x15C00] =	vst v63  }
0x45: {  	_ =	swait.ge [sflag:s20], $0x2000  }
0x46: {  	[sflag:s20] =	ssyncset.done $0x0  }
0x47: {  	[sflag:s20] =	ssyncadd.s32 $0xFFFFE000  }
0x48: {  	[spmem:s13] =	stream.linear.scatter [tilespmem:s3], [sflag:$0x1], $0x1800, $0x38;
	[tilespmem:$0x15C00] =	vst v63  }
0x49: {  	_ =	swait.ge [sflag:s20], $0x1800  }
0x4a: {  	[sflag:s20] =	ssyncset.done $0x0  }
0x4b: {  	s26 =	simm.s32 @!p0 $0x0;
	[sflag:s20] =	ssyncadd.s32 $0xFFFFE800  }
0x4c: {  	[spmem:s14] =	stream.linear.scatter @!p0 [tilespmem:s26], [sflag:$0x1], $0x800, $0x38;
	[tilespmem:$0x15C00] =	vst v63  }
0x4d: {  	s26 =	simm.s32 @!p0 $0x1  }
0x4e: {  	_ =	swait.ge @!p0 [sflag:s26], $0x800  }
0x4f: {  	[sflag:s26] =	ssyncset.done @!p0 $0x0  }
0x50: {  	[sflag:s26] =	ssyncadd.s32 @!p0 $0xFFFFF800  }
0x51: {  	s30 =	sadd.s32 $0x0, s19;
	[bflag:$0x0] =	sbarrier.arrive $0xFFFF  }
0x52: {  	[tilespmem:s21], [sflag:$0x1] =	stream.linear.gather [hbm4b:s30+s3], $0x40, $0x38;
	[tilespmem:$0x15C00] =	vst v63  }
0x53: {  	_ =	swait.ge [sflag:s20], $0x40  }
0x54: {  	[sflag:s20] =	ssyncset.done $0x0  }
0x55: {  	s31 =	sadd.s32 $0x0, s18;
	[sflag:s20] =	ssyncadd.s32 $0xFFFFFFC0  }
0x56: {  	[tilespmem:s22], [sflag:$0x1] =	stream.linear.gather [hbm4b:s31+s3], $0x40, $0x38;
	[tilespmem:$0x15C00] =	vst v63  }
0x57: {  	_ =	swait.ge [sflag:s20], $0x40  }
0x58: {  	[sflag:s20] =	ssyncset.done $0x0  }
0x59: {  	[sflag:s20] =	ssyncadd.s32 $0xFFFFFFC0  }
0x5a: {  	v5 =	vld [tilespmem:$0x2080];
	_ =	sdelay $0x4  }
0x5b: {  	[tilespmem:v0+s3+$0x0] =	vst.idx.msk $0xffff, v5  }
0x5c: {  	v5 =	vld [tilespmem:$0x2090];
	_ =	sdelay $0x4  }
0x5d: {  	[tilespmem:v2+s3+$0x0] =	vst.idx.msk $0xffff, v5  }
0x5e: {  	v5 =	vld [tilespmem:$0x20A0];
	_ =	sdelay $0x4  }
0x5f: {  	[tilespmem:v3+s3+$0x0] =	vst.idx.msk $0xffff, v5  }
0x60: {  	v5 =	vld [tilespmem:$0x20B0];
	_ =	sdelay $0x4  }
0x61: {  	[tilespmem:v4+s3+$0x0] =	vst.idx.msk $0xffff, v5  }
0x62: {  	[spmem:s2] =	stream.indirect.scatter.add.f32 [tilespmem:s3], [sflag:$0x1], $0x80, s21, s23, $0xb8;
	[tilespmem:$0x15C00] =	vst v63  }
0x63: {  	_ =	swait.ge [sflag:s20], $0x2000  }
0x64: {  	s28 =	simm.s32 $0x10;
	s26 =	simm.s32 $0x8;
	[sflag:s20] =	ssyncset.done $0x0  }
.LBB2_4:
0x65: {  	s29 =	sadd.s32 s26, s19  }
0x66: {  	[sflag:s20] =	ssyncadd.s32 $0xFFFFE000;
	s30 =	smov.u32 s28;
	s31 =	sadd.s32 $0x8, s28  }
0x67: {  	[tilespmem:s21], [sflag:$0x1] =	stream.linear.gather [hbm4b:s29+s3], $0x40, $0x38;
	[tilespmem:$0x15C00] =	vst v63  }
0x68: {  	p1 =	sne.s32 s28, $0x9F8;
	_ =	swait.ge [sflag:s20], $0x40  }
0x69: {  	[sflag:s20] =	ssyncset.done $0x0  }
0x6a: {  	s28 =	sadd.s32 s26, s18;
	s26 =	smov.u32 s30;
	[sflag:s20] =	ssyncadd.s32 $0xFFFFFFC0  }
0x6b: {  	[tilespmem:s22], [sflag:$0x1] =	stream.linear.gather [hbm4b:s28+s3], $0x40, $0x38;
	[tilespmem:$0x15C00] =	vst v63  }
0x6c: {  	_ =	swait.ge [sflag:s20], $0x40  }
0x6d: {  	[sflag:s20] =	ssyncset.done $0x0  }
0x6e: {  	[sflag:s20] =	ssyncadd.s32 $0xFFFFFFC0  }
0x6f: {  	v5 =	vld [tilespmem:$0x2080];
	_ =	sdelay $0x4  }
0x70: {  	[tilespmem:v0+s3+$0x0] =	vst.idx.msk $0xffff, v5  }
0x71: {  	v5 =	vld [tilespmem:$0x2090];
	_ =	sdelay $0x4  }
0x72: {  	[tilespmem:v2+s3+$0x0] =	vst.idx.msk $0xffff, v5  }
0x73: {  	v5 =	vld [tilespmem:$0x20A0];
	_ =	sdelay $0x4  }
0x74: {  	[tilespmem:v3+s3+$0x0] =	vst.idx.msk $0xffff, v5  }
0x75: {  	v5 =	vld [tilespmem:$0x20B0];
	_ =	sdelay $0x3  }
.Ltmp1:
0x76: {  	(pc) =	sbr.rel @p1 .LBB2_4-.Ltmp1, $4  }
0x77: {  	[tilespmem:v4+s3+$0x0] =	vst.idx.msk $0xffff, v5  }
0x78: {  	[spmem:s2] =	stream.indirect.scatter.add.f32 [tilespmem:s3], [sflag:$0x1], $0x80, s21, s23, $0xb8;
	[tilespmem:$0x15C00] =	vst v63  }
0x79: {  	_ =	swait.ge [sflag:s20], $0x2000  }
0x7a: {  	s28 =	smov.u32 s31;
	[sflag:s20] =	ssyncset.done $0x0  }
0x7b: {  	s28 =	sadd.s32 s26, s19;
	[sflag:s20] =	ssyncadd.s32 $0xFFFFE000  }
0x7c: {  	[tilespmem:s21], [sflag:$0x1] =	stream.linear.gather [hbm4b:s28+s3], $0x40, $0x38;
	[tilespmem:$0x15C00] =	vst v63  }
0x7d: {  	_ =	swait.ge [sflag:s20], $0x40  }
0x7e: {  	[sflag:s20] =	ssyncset.done $0x0  }
0x7f: {  	s31 =	sadd.s32 s26, s18;
	[sflag:s20] =	ssyncadd.s32 $0xFFFFFFC0  }
0x80: {  	[tilespmem:s22], [sflag:$0x1] =	stream.linear.gather [hbm4b:s31+s3], $0x40, $0x38;
	[tilespmem:$0x15C00] =	vst v63  }
0x81: {  	_ =	swait.ge [sflag:s20], $0x40  }
0x82: {  	[sflag:s20] =	ssyncset.done $0x0  }
0x83: {  	[sflag:s20] =	ssyncadd.s32 $0xFFFFFFC0  }
0x84: {  	v5 =	vld [tilespmem:$0x2080];
	_ =	sdelay $0x4  }
0x85: {  	[tilespmem:v0+s3+$0x0] =	vst.idx.msk $0xffff, v5  }
0x86: {  	v5 =	vld [tilespmem:$0x2090];
	_ =	sdelay $0x4  }
0x87: {  	[tilespmem:v2+s3+$0x0] =	vst.idx.msk $0xffff, v5  }
0x88: {  	v5 =	vld [tilespmem:$0x20A0];
	_ =	sdelay $0x4  }
0x89: {  	[tilespmem:v3+s3+$0x0] =	vst.idx.msk $0xffff, v5  }
0x8a: {  	v5 =	vld [tilespmem:$0x20B0];
	_ =	sdelay $0x4  }
0x8b: {  	[tilespmem:v4+s3+$0x0] =	vst.idx.msk $0xffff, v5  }
0x8c: {  	[spmem:s2] =	stream.indirect.scatter.add.f32 [tilespmem:s3], [sflag:$0x1], $0x80, s21, s23, $0xb8;
	[tilespmem:$0x15C00] =	vst v63  }
0x8d: {  	_ =	swait.ge [sflag:s20], $0x2000  }
0x8e: {  	[sflag:s20] =	ssyncset.done $0x0  }
0x8f: {  	[sflag:s20] =	ssyncadd.s32 $0xFFFFE000  }
0x90: {  	[bflag:$0x0] =	sbarrier.arrive $0xFFFF  }
0x91: {  	[tilespmem:s3], [sflag:$0x1] =	stream.linear.gather [spmem:s4], $0x2000, $0x38;
	[tilespmem:$0x15C00] =	vst v63  }
0x92: {  	_ =	swait.ge [sflag:s20], $0x2000  }
0x93: {  	[sflag:s20] =	ssyncset.done $0x0  }
0x94: {  	[sflag:s20] =	ssyncadd.s32 $0xFFFFE000  }
0x95: {  	v5 =	vld.idx.msk [tilespmem:v0+s3+$0x0], $0xffff;
	_ =	sdelay $0x4  }
0x96: {  	[tilespmem:$0x2100] =	vst v5  }
0x97: {  	v5 =	vld.idx.msk [tilespmem:v2+s3+$0x0], $0xffff;
	_ =	sdelay $0x4  }
0x98: {  	[tilespmem:$0x2110] =	vst v5  }
0x99: {  	v5 =	vld.idx.msk [tilespmem:v3+s3+$0x0], $0xffff;
	_ =	sdelay $0x4  }
0x9a: {  	[tilespmem:$0x2120] =	vst v5  }
0x9b: {  	v5 =	vld.idx.msk [tilespmem:v4+s3+$0x0], $0xffff;
	_ =	sdelay $0x4  }
0x9c: {  	[tilespmem:$0x2130] =	vst v5  }
0x9d: {  	[tilespmem:s3], [sflag:$0x1] =	stream.linear.gather [spmem:s5], $0x2000, $0x38;
	[tilespmem:$0x15C00] =	vst v63  }
0x9e: {  	_ =	swait.ge [sflag:s20], $0x2000  }
0x9f: {  	[sflag:s20] =	ssyncset.done $0x0  }
0xa0: {  	[sflag:s20] =	ssyncadd.s32 $0xFFFFE000  }
0xa1: {  	v5 =	vld.idx.msk [tilespmem:v0+s3+$0x0], $0xffff;
	_ =	sdelay $0x4  }
0xa2: {  	[tilespmem:$0x2140] =	vst v5  }
0xa3: {  	v5 =	vld.idx.msk [tilespmem:v2+s3+$0x0], $0xffff;
	_ =	sdelay $0x4  }
0xa4: {  	[tilespmem:$0x2150] =	vst v5  }
0xa5: {  	v5 =	vld.idx.msk [tilespmem:v3+s3+$0x0], $0xffff;
	_ =	sdelay $0x4  }
0xa6: {  	[tilespmem:$0x2160] =	vst v5  }
0xa7: {  	v5 =	vld.idx.msk [tilespmem:v4+s3+$0x0], $0xffff;
	_ =	sdelay $0x4  }
0xa8: {  	[tilespmem:$0x2170] =	vst v5  }
0xa9: {  	[tilespmem:s3], [sflag:$0x1] =	stream.linear.gather [spmem:s6], $0x2000, $0x38;
	[tilespmem:$0x15C00] =	vst v63  }
0xaa: {  	_ =	swait.ge [sflag:s20], $0x2000  }
0xab: {  	[sflag:s20] =	ssyncset.done $0x0  }
0xac: {  	[sflag:s20] =	ssyncadd.s32 $0xFFFFE000  }
0xad: {  	v5 =	vld.idx.msk [tilespmem:v0+s3+$0x0], $0xffff;
	_ =	sdelay $0x4  }
0xae: {  	[tilespmem:$0x2180] =	vst v5  }
0xaf: {  	v5 =	vld.idx.msk [tilespmem:v2+s3+$0x0], $0xffff;
	_ =	sdelay $0x4  }
0xb0: {  	[tilespmem:$0x2190] =	vst v5  }
0xb1: {  	v5 =	vld.idx.msk [tilespmem:v3+s3+$0x0], $0xffff;
	_ =	sdelay $0x4  }
0xb2: {  	[tilespmem:$0x21A0] =	vst v5  }
0xb3: {  	v5 =	vld.idx.msk [tilespmem:v4+s3+$0x0], $0xffff;
	_ =	sdelay $0x4  }
0xb4: {  	[tilespmem:$0x21B0] =	vst v5  }
0xb5: {  	[tilespmem:s3], [sflag:$0x1] =	stream.linear.gather [spmem:s7], $0x2000, $0x38;
	[tilespmem:$0x15C00] =	vst v63  }
0xb6: {  	_ =	swait.ge [sflag:s20], $0x2000  }
0xb7: {  	[sflag:s20] =	ssyncset.done $0x0  }
0xb8: {  	[sflag:s20] =	ssyncadd.s32 $0xFFFFE000  }
0xb9: {  	v5 =	vld.idx.msk [tilespmem:v0+s3+$0x0], $0xffff;
	_ =	sdelay $0x4  }
0xba: {  	[tilespmem:$0x21C0] =	vst v5  }
0xbb: {  	v5 =	vld.idx.msk [tilespmem:v2+s3+$0x0], $0xffff;
	_ =	sdelay $0x4  }
0xbc: {  	[tilespmem:$0x21D0] =	vst v5  }
0xbd: {  	v5 =	vld.idx.msk [tilespmem:v3+s3+$0x0], $0xffff;
	_ =	sdelay $0x4  }
0xbe: {  	[tilespmem:$0x21E0] =	vst v5  }
0xbf: {  	v5 =	vld.idx.msk [tilespmem:v4+s3+$0x0], $0xffff;
	_ =	sdelay $0x4  }
0xc0: {  	[tilespmem:$0x21F0] =	vst v5  }
0xc1: {  	[tilespmem:s3], [sflag:$0x1] =	stream.linear.gather [spmem:s8], $0x2000, $0x38;
	[tilespmem:$0x15C00] =	vst v63  }
0xc2: {  	_ =	swait.ge [sflag:s20], $0x2000  }
0xc3: {  	[sflag:s20] =	ssyncset.done $0x0  }
0xc4: {  	[sflag:s20] =	ssyncadd.s32 $0xFFFFE000  }
0xc5: {  	v5 =	vld.idx.msk [tilespmem:v0+s3+$0x0], $0xffff;
	_ =	sdelay $0x4  }
0xc6: {  	[tilespmem:$0x2200] =	vst v5  }
0xc7: {  	v5 =	vld.idx.msk [tilespmem:v2+s3+$0x0], $0xffff;
	_ =	sdelay $0x4  }
0xc8: {  	[tilespmem:$0x2210] =	vst v5  }
0xc9: {  	v5 =	vld.idx.msk [tilespmem:v3+s3+$0x0], $0xffff;
	_ =	sdelay $0x4  }
0xca: {  	[tilespmem:$0x2220] =	vst v5  }
0xcb: {  	v5 =	vld.idx.msk [tilespmem:v4+s3+$0x0], $0xffff;
	_ =	sdelay $0x4  }
0xcc: {  	[tilespmem:$0x2230] =	vst v5  }
0xcd: {  	[tilespmem:s3], [sflag:$0x1] =	stream.linear.gather [spmem:s9], $0x2000, $0x38;
	[tilespmem:$0x15C00] =	vst v63  }
0xce: {  	_ =	swait.ge [sflag:s20], $0x2000  }
0xcf: {  	[sflag:s20] =	ssyncset.done $0x0  }
0xd0: {  	[sflag:s20] =	ssyncadd.s32 $0xFFFFE000  }
0xd1: {  	v5 =	vld.idx.msk [tilespmem:v0+s3+$0x0], $0xffff;
	_ =	sdelay $0x4  }
0xd2: {  	[tilespmem:$0x2240] =	vst v5  }
0xd3: {  	v5 =	vld.idx.msk [tilespmem:v2+s3+$0x0], $0xffff;
	_ =	sdelay $0x4  }
0xd4: {  	[tilespmem:$0x2250] =	vst v5  }
0xd5: {  	v5 =	vld.idx.msk [tilespmem:v3+s3+$0x0], $0xffff;
	_ =	sdelay $0x4  }
0xd6: {  	[tilespmem:$0x2260] =	vst v5  }
0xd7: {  	v5 =	vld.idx.msk [tilespmem:v4+s3+$0x0], $0xffff;
	_ =	sdelay $0x4  }
0xd8: {  	[tilespmem:$0x2270] =	vst v5  }
0xd9: {  	[tilespmem:s3], [sflag:$0x1] =	stream.linear.gather [spmem:s10], $0x2000, $0x38;
	[tilespmem:$0x15C00] =	vst v63  }
0xda: {  	_ =	swait.ge [sflag:s20], $0x2000  }
0xdb: {  	[sflag:s20] =	ssyncset.done $0x0  }
0xdc: {  	[sflag:s20] =	ssyncadd.s32 $0xFFFFE000  }
0xdd: {  	v5 =	vld.idx.msk [tilespmem:v0+s3+$0x0], $0xffff;
	_ =	sdelay $0x4  }
0xde: {  	[tilespmem:$0x2280] =	vst v5  }
0xdf: {  	v5 =	vld.idx.msk [tilespmem:v2+s3+$0x0], $0xffff;
	_ =	sdelay $0x4  }
0xe0: {  	[tilespmem:$0x2290] =	vst v5  }
0xe1: {  	v5 =	vld.idx.msk [tilespmem:v3+s3+$0x0], $0xffff;
	_ =	sdelay $0x4  }
0xe2: {  	[tilespmem:$0x22A0] =	vst v5  }
0xe3: {  	v5 =	vld.idx.msk [tilespmem:v4+s3+$0x0], $0xffff;
	_ =	sdelay $0x4  }
0xe4: {  	[tilespmem:$0x22B0] =	vst v5  }
0xe5: {  	[tilespmem:s3], [sflag:$0x1] =	stream.linear.gather [spmem:s11], $0x2000, $0x38;
	[tilespmem:$0x15C00] =	vst v63  }
0xe6: {  	_ =	swait.ge [sflag:s20], $0x2000  }
0xe7: {  	[sflag:s20] =	ssyncset.done $0x0  }
0xe8: {  	[sflag:s20] =	ssyncadd.s32 $0xFFFFE000  }
0xe9: {  	v5 =	vld.idx.msk [tilespmem:v0+s3+$0x0], $0xffff;
	_ =	sdelay $0x4  }
0xea: {  	[tilespmem:$0x22C0] =	vst v5  }
0xeb: {  	v5 =	vld.idx.msk [tilespmem:v2+s3+$0x0], $0xffff;
	_ =	sdelay $0x4  }
0xec: {  	[tilespmem:$0x22D0] =	vst v5  }
0xed: {  	v5 =	vld.idx.msk [tilespmem:v3+s3+$0x0], $0xffff;
	_ =	sdelay $0x4  }
0xee: {  	[tilespmem:$0x22E0] =	vst v5  }
0xef: {  	v5 =	vld.idx.msk [tilespmem:v4+s3+$0x0], $0xffff;
	_ =	sdelay $0x4  }
0xf0: {  	[tilespmem:$0x22F0] =	vst v5  }
0xf1: {  	[tilespmem:s3], [sflag:$0x1] =	stream.linear.gather [spmem:s12], $0x2000, $0x38;
	[tilespmem:$0x15C00] =	vst v63  }
0xf2: {  	_ =	swait.ge [sflag:s20], $0x2000  }
0xf3: {  	[sflag:s20] =	ssyncset.done $0x0  }
0xf4: {  	[sflag:s20] =	ssyncadd.s32 $0xFFFFE000  }
0xf5: {  	v5 =	vld.idx.msk [tilespmem:v0+s3+$0x0], $0xffff;
	_ =	sdelay $0x4  }
0xf6: {  	[tilespmem:$0x2300] =	vst v5  }
0xf7: {  	v5 =	vld.idx.msk [tilespmem:v2+s3+$0x0], $0xffff;
	_ =	sdelay $0x4  }
0xf8: {  	[tilespmem:$0x2310] =	vst v5  }
0xf9: {  	v5 =	vld.idx.msk [tilespmem:v3+s3+$0x0], $0xffff;
	_ =	sdelay $0x4  }
0xfa: {  	[tilespmem:$0x2320] =	vst v5  }
0xfb: {  	v5 =	vld.idx.msk [tilespmem:v4+s3+$0x0], $0xffff;
	_ =	sdelay $0x4  }
0xfc: {  	[tilespmem:$0x2330] =	vst v5  }
0xfd: {  	[tilespmem:s3], [sflag:$0x1] =	stream.linear.gather [spmem:s13], $0x1800, $0x38;
	[tilespmem:$0x15C00] =	vst v63  }
0xfe: {  	_ =	swait.ge [sflag:s20], $0x1800  }
0xff: {  	[sflag:s20] =	ssyncset.done $0x0  }
0x100: {  	[sflag:s20] =	ssyncadd.s32 $0xFFFFE800  }
0x101: {  	v5 =	vld.idx.msk [tilespmem:v0+s3+$0x0], $0xffff;
	_ =	sdelay $0x4  }
0x102: {  	[tilespmem:$0x2340] =	vst v5  }
0x103: {  	v5 =	vld.idx.msk [tilespmem:v2+s3+$0x0], $0xffff;
	_ =	sdelay $0x4  }
0x104: {  	[tilespmem:$0x2350] =	vst v5  }
0x105: {  	v5 =	vld.idx.msk [tilespmem:v3+s3+$0x0], $0xffff;
	_ =	sdelay $0x4  }
0x106: {  	[tilespmem:$0x2360] =	vst v5  }
0x107: {  	[hbm4b:s15+s3] =	stream.linear.scatter [tilespmem:s24], [sflag:$0x1], $0x270, $0x38;
	[tilespmem:$0x15C00] =	vst v63  }
0x108: {  	v5 =	vlaneseq.u32 @!p0;
	_ =	swait.ge [sflag:s20], $0x270  }
0x109: {  	v5 =	vmul.u32 @!p0 $0x80, v5;
	[sflag:s20] =	ssyncset.done $0x0  }
0x10a: {  	s26 =	simm.s32 @!p0 $0x0;
	s28 =	simm.s32 @!p0 $0x1;
	[sflag:s20] =	ssyncadd.s32 $0xFFFFFD90  }
0x10b: {  	[tilespmem:s26], [sflag:$0x1] =	stream.linear.gather @!p0 [spmem:s14], $0x800, $0x38;
	[tilespmem:$0x15C00] =	vst v63  }
0x10c: {  	_ =	swait.ge @!p0 [sflag:s28], $0x800  }
0x10d: {  	[sflag:s28] =	ssyncset.done @!p0 $0x0  }
0x10e: {  	[sflag:s28] =	ssyncadd.s32 @!p0 $0xFFFFF800  }
0x10f: {  	v5 =	vld.idx.msk @!p0 [tilespmem:v5+s26+$0x0], $0xffff;
	_ =	sdelay $0x2  }
0x110: {  	s25 =	sadd.s32 $0x1, s25  }
0x111: {  	p1 =	sne.s32 s25, s17  }
.Ltmp2:
0x112: {  	s29 =	simm.s32 @!p0 $0x2100;
	[tilespmem:$0x2100] =	vst @!p0 v5;
	(pc) =	sbr.rel @p1 .LBB2_1-.Ltmp2, $4  }
0x113: {  	[hbm4b:s16+s26] =	stream.linear.scatter @!p0 [tilespmem:s29], [sflag:$0x1], $0x10, $0x38;
	[tilespmem:$0x15C00] =	vst v63  }
0x114: {  	_ =	swait.ge @!p0 [sflag:s28], $0x10  }
0x115: {  	[sflag:s28] =	ssyncset.done @!p0 $0x0  }
0x116: {  	[sflag:s28] =	ssyncadd.s32 @!p0 $0xFFFFFFF0  }
0x117: {  	_ =	sfence.sel $0x180000  }
0x118: {  	[bflag:$0x0] =	sbarrier.arrive $0xFFFF  }
0x119: {  	p0 =	sne.s32 s0, $0x0;
	_ =	strace $0x90000047  }
0x11a: {  	s0 =	sadd.s32 @!p0 $0x100000, s1;
	[bflag:$0x2] =	sbarrier.arrive $0xFFFF  }
0x11b: {  	[sflag:s0] =	ssyncadd.tile.s32 @!p0 $0x1;
	_ =	shalt  }
.Lfunc_end2:
_tile_overlayer_lowered:
.L_overlay_start_2:
0x11c: {  	(tag) =	ssettag $0x2  }
0x11d: {  	s0 =	rddreg [dreg:$0x0];
	s2 =	stileid.u32  }
0x11e: {  	s1 =	rddreg [dreg:$0x1];
	p0 =	sne.s32 s2, $0x0  }
0x11f: {  	s3 =	rddreg [dreg:$0x2];
	[bflag:$0x3] =	sbarrier.arrive $0xFFFF;
	s2 =	simm.s32 @!p0 $0x1C01  }
0x120: {  	[timem:s3], [sflag:s2] =	dma.local @!p0 [hbm:s0], s1  }
0x121: {  	s0 =	simm.s32 @!p0 $0x1  }
0x122: {  	_ =	swait.ge @!p0 [sflag:s0], s1  }
0x123: {  	s1 =	ssub.s32 @!p0 $0x0, s1;
	[sflag:s0] =	ssyncset.done @!p0 $0x0  }
0x124: {  	[sflag:s0] =	ssyncadd.s32 @!p0 s1  }
0x125: {  	[bflag:$0x3] =	sbarrier.arrive $0xFFFF  }
0x126: {  	_ =	shalt  }

// kernel: kernel.8.cloned.1.call-start
scs
__scs_entry_jumppad:
0x0: {  	(pc) =	sbr.rel $0x88, $3  }
0x1: {  	(tag) =	ssettag $0x0;
	lr =	simm.s32 $0x1  }
0x2: {  	[smem:$0x3F98] =	sst lr;
	_ =	strace $0xD0000000  }
0x3: {  	_ = 	snop  }
0x4: {  	_ = 	snop  }
0x5: {  	_ = 	snop  }
0x6: {  	_ = 	snop  }
0x7: {  	_ = 	snop  }
__scs_overlays_trampoline_lowered:
0x8: {  	[smem:$0x3FA7] =	sst s0  }
0x9: {  	[smem:$0x3FA8] =	sst s1  }
0xa: {  	[smem:$0x3FA9] =	sst s2  }
0xb: {  	[smem:$0x3FAA] =	sst s3  }
0xc: {  	[smem:$0x3FAB] =	sst s4  }
0xd: {  	[smem:$0x3FAC] =	sst s5  }
0xe: {  	[smem:$0x3FAD] =	sst s6  }
0xf: {  	[smem:$0x3FAE] =	sst s7  }
0x10: {  	[smem:$0x3FAF] =	sst s8  }
0x11: {  	[smem:$0x3FB0] =	sst s9;
	s0 =	simm.s32 @!p0 $0x0  }
0x12: {  	s1 =	sld [smem:$0x3F96];
	s0 =	simm.s32 @p0 $0x1  }
0x13: {  	[smem:$0x3FB1] =	sst s0;
	s0 =	simm.s32 @!p1 $0x0  }
0x14: {  	s2 =	sld [smem:$0x3F95];
	s0 =	simm.s32 @p1 $0x1  }
0x15: {  	[smem:$0x3FB2] =	sst s0;
	s0 =	simm.s32 @!p2 $0x0  }
0x16: {  	s3 =	sld [smem:$0x3FDB];
	s0 =	simm.s32 @p2 $0x1  }
0x17: {  	s4 =	simm.s32 $0x1BF5;
	[smem:$0x3FB4] =	sst s0  }
0x18: {  	s0 =	sld [smem:$0x3F97];
	_ =	swait.ge [sflag:s4], $0x0  }
0x19: {  	s7 =	sld [smem:$0x3F98]  }
0x1a: {  	s8 =	sadd.s32 $0xFFFFE003, lr  }
0x1b: {  	s9 =	sadd.s32 $0xFFFFFEF7, lr;
	s5 =	simm.s32 $0xFFFFFFFF;
	p2 =	slt.u32 s8, $0xFFFFF086  }
0x1c: {  	p1 =	slt.u32 s9, $0xF7A;
	s5 =	simm.s32 @!p2 $0x0  }
0x1d: {  	s5 =	simm.s32 @p1 $0x1;
	p0 =	seq.s32 s7, s2  }
0x1e: {  	s7 =	smul.u32 @!p0 $0xF7A, s2;
	p2 =	seq.s32 @!p0 s5, $0x0  }
0x1f: {  	s9 =	smul.u32 $0xF7A, s1;
	s8 =	simm.s32 @!p0 $0x1BF5;
	p2 =	por !p2, p0  }
0x20: {  	[sflag:s8] =	ssyncset.s32 @!p0 $0xFFFFF086;
	s6 =	sadd.s32 @!p0 s3, s7;
	s7 =	simm.s32 @!p0 $0x108  }
0x21: {  	s3 =	sadd.s32 s3, s9;
	s6 =	sadd.s32 @!p0 $0x88, s6;
	s7 =	simm.s32 @p2 $0x1082  }
0x22: {  	[simem:s7], [sflag:s8] =	dma.local @!p0 [hbm:s6], $0xF7A  }
0x23: {  	s9 =	sor.u32 $0xD0000000, s2;
	s6 =	simm.s32 $0x108;
	_ =	swait.ge @!p0 [sflag:s8], $0x0  }
0x24: {  	s3 =	sadd.s32 $0x88, s3;
	s6 =	simm.s32 @!p1 $0x1082;
	[sflag:s4] =	ssyncset.s32 $0xFFFFF086  }
0x25: {  	[simem:s6], [sflag:s4] =	dma.local [hbm:s3], $0xF7A  }
0x26: {  	[smem:$0x3F98] =	sst s1;
	(tag) =	ssettag s2;
	_ =	strace s9  }
0x27: {  	s1 =	sld [smem:$0x3FA8]  }
0x28: {  	s2 =	sld [smem:$0x3FA9]  }
0x29: {  	s4 =	sld [smem:$0x3FAB]  }
0x2a: {  	p0 =	seq.s32 s5, $0x0;
	s5 =	sld [smem:$0x3FAC]  }
0x2b: {  	s6 =	sld [smem:$0x3FAD]  }
0x2c: {  	s7 =	sld [smem:$0x3FAE]  }
0x2d: {  	s3 =	simm.s32 $0x108;
	s8 =	sld [smem:$0x3FAF]  }
0x2e: {  	s3 =	simm.s32 @!p0 $0x1082;
	s9 =	sld [smem:$0x3FB0]  }
0x2f: {  	lr =	sadd.s32 s0, s3;
	s0 =	sld [smem:$0x3FA7]  }
0x30: {  	s3 =	sld [smem:$0x3FAA]  }
0x31: {  	[smem:$0x3FB3] =	sst s10  }
0x32: {  	s10 =	sld [smem:$0x3FB1];
	_ =	sdelay $0x3  }
0x33: {  	p0 =	seq.s32 s10, $0x1;
	s10 =	sld [smem:$0x3FB3];
	_ =	sdelay $0x3  }
0x34: {  	[smem:$0x3FB3] =	sst s10  }
0x35: {  	s10 =	sld [smem:$0x3FB2];
	_ =	sdelay $0x3  }
0x36: {  	p1 =	seq.s32 s10, $0x1;
	s10 =	sld [smem:$0x3FB3];
	_ =	sdelay $0x3  }
0x37: {  	[smem:$0x3FB3] =	sst s10  }
0x38: {  	s10 =	sld [smem:$0x3FB4]  }
0x39: {  	_ = 	snop;
	(pc) =	sbr.ind lr, $3  }
0x3a: {  	_ = 	snop  }
0x3b: {  	_ = 	snop  }
0x3c: {  	p2 =	seq.s32 s10, $0x1;
	s10 =	sld [smem:$0x3FB3]  }
0x3d: {  	_ =	shalt  }
0x3e: {  	_ =	shalt  }
0x3f: {  	_ =	shalt  }
0x40: {  	_ =	shalt  }
0x41: {  	_ =	shalt  }
0x42: {  	_ =	shalt  }
0x43: {  	_ =	shalt  }
0x44: {  	_ =	shalt  }
0x45: {  	_ =	shalt  }
0x46: {  	_ =	shalt  }
0x47: {  	_ =	shalt  }
0x48: {  	_ =	shalt  }
0x49: {  	_ =	shalt  }
0x4a: {  	_ =	shalt  }
0x4b: {  	_ =	shalt  }
0x4c: {  	_ =	shalt  }
0x4d: {  	_ =	shalt  }
0x4e: {  	_ =	shalt  }
0x4f: {  	_ =	shalt  }
0x50: {  	_ =	shalt  }
0x51: {  	_ =	shalt  }
0x52: {  	_ =	shalt  }
0x53: {  	_ =	shalt  }
0x54: {  	_ =	shalt  }
0x55: {  	_ =	shalt  }
0x56: {  	_ =	shalt  }
0x57: {  	_ =	shalt  }
0x58: {  	_ =	shalt  }
0x59: {  	_ =	shalt  }
0x5a: {  	_ =	shalt  }
0x5b: {  	_ =	shalt  }
0x5c: {  	_ =	shalt  }
0x5d: {  	_ =	shalt  }
0x5e: {  	_ =	shalt  }
0x5f: {  	_ =	shalt  }
0x60: {  	_ =	shalt  }
0x61: {  	_ =	shalt  }
0x62: {  	_ =	shalt  }
0x63: {  	_ =	shalt  }
0x64: {  	_ =	shalt  }
0x65: {  	_ =	shalt  }
0x66: {  	_ =	shalt  }
0x67: {  	_ =	shalt  }
0x68: {  	_ =	shalt  }
0x69: {  	_ =	shalt  }
0x6a: {  	_ =	shalt  }
0x6b: {  	_ =	shalt  }
0x6c: {  	_ =	shalt  }
0x6d: {  	_ =	shalt  }
0x6e: {  	_ =	shalt  }
0x6f: {  	_ =	shalt  }
0x70: {  	_ =	shalt  }
0x71: {  	_ =	shalt  }
0x72: {  	_ =	shalt  }
0x73: {  	_ =	shalt  }
0x74: {  	_ =	shalt  }
0x75: {  	_ =	shalt  }
0x76: {  	_ =	shalt  }
0x77: {  	_ =	shalt  }
0x78: {  	_ =	shalt  }
0x79: {  	_ =	shalt  }
0x7a: {  	_ =	shalt  }
0x7b: {  	_ =	shalt  }
0x7c: {  	_ =	shalt  }
0x7d: {  	_ =	shalt  }
0x7e: {  	_ =	shalt  }
0x7f: {  	_ =	shalt  }
0x80: {  	_ =	shalt  }
0x81: {  	_ =	shalt  }
0x82: {  	_ =	shalt  }
0x83: {  	_ =	shalt  }
0x84: {  	_ =	shalt  }
0x85: {  	_ =	shalt  }
0x86: {  	_ =	shalt  }
0x87: {  	_ =	shalt  }
.Lfunc_end0:
.L_simem_size_0:
called_computation.1_lowered:
.L_overlay_start_0:
0x88: {  	s2 =	sld [smem:$0x3FD9]  }
0x89: {  	s3 =	sld [smem:$0x3FFE];
	_ =	sdelay $0x1  }
0x8a: {  	s1 =	srdreg.scid  }
0x8b: {  	s0 =	sand.u32 $0x1, s1  }
0x8c: {  	s17 =	sshll.u32 s0, $0xA;
	s2 =	sadd.s32 s3, s2  }
0x8d: {  	s2 =	sadd.s32 s2, s17  }
0x8e: {  	[smem:$0x3FBF] =	sst s2  }
0x8f: {  	_ = 	snop  }
0x90: {  	s2 =	sld [smem:$0x3FC9]  }
0x91: {  	s18 =	sld [smem:$0x3FD0];
	(tm) =	ssettm $0x1  }
0x92: {  	s4 =	sld [smem:$0x3FFB];
	_ =	sdelay $0x3  }
0x93: {  	_ =	strace s4  }
0x94: {  	s4 =	sld [smem:$0x3FFC];
	_ =	sdelay $0x3  }
0x95: {  	_ =	strace s4  }
0x96: {  	s4 =	sld [smem:$0x3FFD];
	_ =	sdelay $0x3  }
0x97: {  	_ =	strace s4  }
0x98: {  	_ =	strace $0x8FFFFFFF  }
0x99: {  	s19 =	sld [smem:$0x3FDB];
	_ =	sdelay $0x1  }
0x9a: {  	s5 =	simm.s32 $_scs_section_size  }
0x9b: {  	s6 =	simm.s32 $_size__tile_overlayer_lowered;
	s7 =	simm.s32 $_tile_overlayer_lowered  }
0x9c: {  	s22 =	simm.s32 $0x1BFF;
	s21 =	sshll.u32 s7, $0x1;
	s4 =	sadd.s32 s5, s19  }
0x9d: {  	s8 =	simm.s32 $0x0;
	s20 =	sshll.u32 s6, $0x1;
	s6 =	sadd.s32 s21, s4  }
0x9e: {  	[timem:s8], [sflag:s22] =	dma.local [hbm:s6], s20  }
0x9f: {  	_ =	swait.ge [sflag:s22], s20  }
0xa0: {  	s5 =	ssub.s32 $0x0, s20;
	[sflag:s22] =	ssyncset.done $0x0  }
0xa1: {  	[sflag:s22] =	ssyncadd.s32 s5;
	_ =	sdelay $0x1  }
0xa2: {  	s23 =	simm.s32 $0x1B8B  }
0xa3: {  	_ =	swait.ge [sflag:s23], $0x1  }
0xa4: {  	[sflag:s23] =	ssyncset.done $0x0  }
0xa5: {  	s25 =	simm.s32 $0x1B8E;
	s24 =	sld [smem:$0x3FFE];
	[sflag:s23] =	ssyncadd.s32 $0xFFFFFFFF  }
0xa6: {  	s26 =	simm.s32 $execute0_lowered;
	[smem:$0x3FD2] =	sst s25  }
0xa7: {  	s6 =	sshll.u32 s26, $0x1;
	_ =	strace $0x80000049;
	[dreg:$0x1] =	wrdreg $0xFFFFFFFF  }
0xa8: {  	s28 =	simm.s32 $_size_execute0_lowered;
	s4 =	sadd.s32 s4, s6;
	[dreg:$0x0] =	wrdreg $0x0  }
0xa9: {  	s6 =	sshll.u32 s28, $0x1;
	[dreg:$0x2] =	wrdreg s4  }
0xaa: {  	[dreg:$0x3] =	wrdreg s6  }
0xab: {  	[dreg:$0x4] =	wrdreg $0xC0  }
0xac: {  	_ =	task [dreg:s8], $0x5FFFF  }
0xad: {  	[dreg:$0x1] =	wrdreg $0xFFFFFFFF  }
0xae: {  	[dreg:$0x0] =	wrdreg $0x60  }
0xaf: {  	[dreg:$0x2] =	wrdreg s2  }
0xb0: {  	[dreg:$0x3] =	wrdreg s24  }
0xb1: {  	[dreg:$0x4] =	wrdreg s18  }
0xb2: {  	[dreg:$0x5] =	wrdreg $0x6F800  }
0xb3: {  	[dreg:$0x6] =	wrdreg $0x9  }
0xb4: {  	_ =	task.clear_ibuf [dreg:s8], $0x7FFFF;
	_ =	strace $0x90000049  }
0xb5: {  	s29 =	simm.s32 $0x9;
	_ =	strace $0x8000004B  }
0xb6: {  	_ =	swait.ge [sflag:s29], $0x1  }
0xb7: {  	[sflag:s29] =	ssyncadd.s32 $0xFFFFFFFF  }
0xb8: {  	_ =	strace $0x9000004B  }
0xb9: {  	_ =	sfence  }
0xba: {  	s30 =	sld [smem:$0x0];
	_ =	sdelay $0x2  }
0xbb: {  	s31 =	sshll.u32 s1, $0xD;
	s1 =	sshrl.u32 s1, $0x2  }
0xbc: {  	s3 =	sand.u32 $0x4000, s31;
	s1 =	sadd.s32 s1, s30  }
0xbd: {  	s0 =	sor.u32 s3, s0;
	s1 =	sshll.u32 s1, $0x11  }
0xbe: {  	s0 =	sor.u32 s1, s0  }
0xbf: {  	s0 =	sadd.s32 $0x8F2B, s0  }
0xc0: {  	[sflag:s0] =	ssyncadd.remote.s32 $0x1  }
0xc1: {  	_ =	sfence.sel $0xFFFF  }
0xc2: {  	[dreg:$0x0] =	wrdreg $0xFFFFFFFF;
	(pc) =	sbr.abs _section_cstart, $3  }
0xc3: {  	[dreg:$0x1] =	wrdreg $0xFFFFFFFF  }
0xc4: {  	_ =	task.clear_ibuf [dreg:s8], $0x2FFFF;
	_ =	strace $0x9FFFFFFF  }
0xc5: {  	(tm) =	ssettm $0x7FFFFFFF  }
tec
execute0_lowered:
.L_overlay_start_1:
0x0: {  	(tag) =	ssettag $0x1  }
0x1: {  	s1 =	rddreg [dreg:$0x0]  }
0x2: {  	s4 =	rddreg [dreg:$0x1];
	s17 =	stileid.u32  }
0x3: {  	s3 =	srdreg.scid;
	s6 =	smul.u32 $0x270, s17  }
0x4: {  	s0 =	rddreg [dreg:$0x2];
	s3 =	sand.u32 $0x1, s3;
	s11 =	smul.u32 $0x4E000, s17  }
0x5: {  	s2 =	rddreg [dreg:$0x3];
	s23 =	simm.s32 $0x0;
	s8 =	smul.u32 $0x2710, s3  }
0x6: {  	[smem:$0x7FF] =	sst s23;
	s5 =	sadd.s32 $0x48600, s4;
	s15 =	smul.u32 $0x50000, s3  }
0x7: {  	s9 =	sadd.s32 $0x96800, s4;
	_ =	strace $0x8000004A;
	s16 =	sshrl.u32 s11, $0x2  }
0x8: {  	[dreg:$0x5] =	wrdreg s15;
	s6 =	sadd.s32 s6, s8;
	s8 =	sshrl.u32 s8, $0x3  }
0x9: {  	s24 =	sadd.s32 s16, s2;
	s6 =	sshll.u32 s6, $0x4;
	s0 =	sadd.s32 s0, s8  }
0xa: {  	s28 =	sadd.s32 $0xA000, s24;
	s29 =	sadd.s32 $0xC000, s24;
	[dreg:$0x7] =	wrdreg s24  }
0xb: {  	[dreg:$0x6] =	wrdreg s0;
	s18 =	sadd.s32 $0x400, s6;
	s19 =	sadd.s32 s5, s6  }
0xc: {  	s21 =	sadd.s32 $0x800, s6;
	s25 =	sadd.s32 $0xC00, s6;
	s26 =	sadd.s32 $0x1000, s6  }
0xd: {  	s12 =	sadd.s32 $0x1400, s6;
	s13 =	sadd.s32 $0x1800, s6;
	[smem:$0x7FC] =	sst s28  }
0xe: {  	s14 =	sadd.s32 $0x1C00, s6;
	s15 =	sadd.s32 $0x2000, s6;
	[smem:$0x7FD] =	sst s29  }
0xf: {  	s16 =	sadd.s32 $0x2400, s6;
	s6 =	sadd.s32 s9, s6;
	[dreg:$0x8] =	wrdreg s19  }
0x10: {  	s20 =	sadd.s32 s5, s18;
	[dreg:$0xb] =	wrdreg s6  }
0x11: {  	s22 =	sadd.s32 s5, s21;
	[dreg:$0x9] =	wrdreg s20  }
0x12: {  	s0 =	sadd.s32 s9, s18;
	[dreg:$0xa] =	wrdreg s22  }
0x13: {  	s6 =	sadd.s32 s9, s21;
	[dreg:$0xc] =	wrdreg s0  }
0x14: {  	s8 =	sadd.s32 s5, s25;
	[dreg:$0xd] =	wrdreg s6  }
0x15: {  	s7 =	ssub.s32 $0x2, s3;
	s18 =	sadd.s32 s9, s25;
	[dreg:$0xe] =	wrdreg s8  }
0x16: {  	s3 =	smul.u32 $0x138800, s3;
	s19 =	sadd.s32 s5, s26;
	[dreg:$0xf] =	wrdreg s18  }
0x17: {  	s10 =	sshrl.u32 s7, $0x1;
	s21 =	sadd.s32 s5, s12;
	[dreg:$0x10] =	wrdreg s19  }
0x18: {  	s7 =	ssub.s32 s7, s10;
	s25 =	sadd.s32 s5, s13;
	[dreg:$0x12] =	wrdreg s21  }
0x19: {  	s3 =	sshrl.u32 s3, $0x3;
	s10 =	sadd.s32 s5, s15;
	[dreg:$0x14] =	wrdreg s25  }
0x1a: {  	s3 =	sadd.s32 $0x27000, s3;
	s11 =	sadd.s32 s9, s15;
	[dreg:$0x18] =	wrdreg s10  }
0x1b: {  	s15 =	sadd.s32 s5, s3;
	[dreg:$0x19] =	wrdreg s11  }
0x1c: {  	s20 =	sadd.s32 s9, s26;
	[dreg:$0x1d] =	wrdreg s15  }
0x1d: {  	s22 =	sadd.s32 s9, s12;
	[dreg:$0x11] =	wrdreg s20  }
0x1e: {  	s30 =	simm.s32 $0x4700;
	s26 =	sadd.s32 s9, s13;
	[dreg:$0x13] =	wrdreg s22  }
0x1f: {  	s31 =	simm.s32 $0x4780;
	s6 =	sadd.s32 s5, s14;
	[dreg:$0x15] =	wrdreg s26  }
0x20: {  	p0 =	sne.s32 s17, $0xF;
	s8 =	sadd.s32 s9, s14;
	[dreg:$0x16] =	wrdreg s6  }
0x21: {  	s12 =	sadd.s32 s5, s16;
	s13 =	sadd.s32 s9, s16;
	[dreg:$0x17] =	wrdreg s8  }
0x22: {  	s14 =	sadd.s32 s9, s3;
	s0 =	sadd.s32 $0x2600, s4;
	[dreg:$0x1a] =	wrdreg s12  }
0x23: {  	s3 =	sadd.s32 $0xC600, s4;
	s16 =	sadd.s32 $0x34600, s4;
	[dreg:$0x1b] =	wrdreg s13  }
0x24: {  	s9 =	sadd.s32 $0x20600, s4;
	s18 =	sadd.s32 $0x16600, s4;
	[dreg:$0x1c] =	wrdreg s14  }
0x25: {  	s11 =	sadd.s32 $0xC608, s4;
	s19 =	smax.u32 s7, $0x1;
	[dreg:$0x1e] =	wrdreg s16  }
0x26: {  	s7 =	sadd.s32 $0x2000, s24;
	s10 =	sadd.s32 $0x6000, s24;
	[dreg:$0x1f] =	wrdreg s18  }
0x27: {  	s21 =	sadd.s32 $0xE000, s24;
	s25 =	sadd.s32 $0x12000, s24;
	[smem:$0x7F2] =	sst s19  }
0x28: {  	s15 =	simm.s32 $0x4080;
	s12 =	sadd.s32 $0x20608, s4;
	[smem:$0x7F4] =	sst s21  }
0x29: {  	s20 =	smul.u32 $0x5000, s17;
	s8 =	sadd.s32 $0x4000, s24;
	[smem:$0x7F6] =	sst s25  }
0x2a: {  	s14 =	sadd.s32 $0x8000, s24;
	s22 =	sadd.s32 $0x10000, s24;
	[smem:$0x7F8] =	sst s7  }
0x2b: {  	s26 =	sadd.s32 $0x138000, s2;
	s25 =	simm.s32 $0x4800;
	[smem:$0x7FA] =	sst s10  }
0x2c: {  	s13 =	simm.s32 $0x4000;
	s16 =	simm.s32 $0x2000;
	[smem:$0x7F5] =	sst s22  }
0x2d: {  	s17 =	simm.s32 $0x1;
	s18 =	simm.s32 $0x4500;
	[smem:$0x7F7] =	sst s26  }
0x2e: {  	s19 =	simm.s32 $0x40;
	s21 =	simm.s32 $0x3;
	[smem:$0x7F9] =	sst s8  }
0x2f: {  	s6 =	simm.s32 $0x0;
	s26 =	simm.s32 $0x5;
	[smem:$0x7FB] =	sst s14  }
0x30: {  	v0 =	vimm.f32 $0.0e+00;
	s22 =	simm.s32 $0x4;
	[smem:$0x7F3] =	sst s20;
	s20 =	simm.s32 $0x2  }
.LBB2_1:
0x31: {  	[smem:$0x7F1] =	sst s6  }
0x32: {  	s4 =	rddreg [dreg:$0x6]  }
0x33: {  	[tilespmem:s25], [sflag:$0x5] =	stream.linear.gather [hbm4b:s4+s23], $0x2710, $0x38;
	[tilespmem:$0x1A800] =	vst v63  }
0x34: {  	_ =	swait.ge [sflag:s26], $0x2710  }
0x35: {  	[sflag:s26] =	ssyncset.done $0x0  }
0x36: {  	s6 =	simm.s32 $0x200;
	s4 =	simm.s32 $0x0;
	[sflag:s26] =	ssyncadd.s32 $0xFFFFD8F0  }
.LBB2_2:
0x37: {  	p1 =	sne.s32 s6, $0x7E00;
	[tilespmem:s4+$0x70] =	vst v0  }
0x38: {  	[tilespmem:s4+$0x0] =	vst v0  }
0x39: {  	[tilespmem:s4+$0x10] =	vst v0  }
.Ltmp0:
0x3a: {  	[tilespmem:s4+$0x20] =	vst v0;
	(pc) =	sbr.rel @p1 .LBB2_2-.Ltmp0, $4  }
0x3b: {  	[tilespmem:s4+$0x30] =	vst v0  }
0x3c: {  	[tilespmem:s4+$0x40] =	vst v0  }
0x3d: {  	[tilespmem:s4+$0x50] =	vst v0  }
0x3e: {  	[tilespmem:s4+$0x60] =	vst v0;
	s4 =	sshra.s32 s6, $0x2;
	s6 =	sadd.s32 $0x200, s6  }
0x3f: {  	[tilespmem:s4+$0x70] =	vst v0  }
0x40: {  	[tilespmem:s4+$0x0] =	vst v0  }
0x41: {  	[tilespmem:s4+$0x10] =	vst v0  }
0x42: {  	[tilespmem:s4+$0x20] =	vst v0  }
0x43: {  	[tilespmem:s4+$0x30] =	vst v0  }
0x44: {  	[tilespmem:s4+$0x40] =	vst v0  }
0x45: {  	[tilespmem:s4+$0x50] =	vst v0  }
0x46: {  	[tilespmem:s4+$0x60] =	vst v0  }
0x47: {  	[spmem:s24] =	stream.linear.scatter [tilespmem:s23], [sflag:$0x5], $0x2000, $0x38;
	[tilespmem:$0x1A800] =	vst v63  }
0x48: {  	_ =	swait.ge [sflag:s26], $0x2000  }
0x49: {  	[sflag:s26] =	ssyncset.done $0x0  }
0x4a: {  	[sflag:s26] =	ssyncadd.s32 $0xFFFFE000  }
0x4b: {  	[spmem:s7] =	stream.linear.scatter [tilespmem:s23], [sflag:$0x5], $0x2000, $0x38;
	[tilespmem:$0x1A800] =	vst v63  }
0x4c: {  	_ =	swait.ge [sflag:s26], $0x2000  }
0x4d: {  	[sflag:s26] =	ssyncset.done $0x0  }
0x4e: {  	[sflag:s26] =	ssyncadd.s32 $0xFFFFE000  }
0x4f: {  	[spmem:s8] =	stream.linear.scatter [tilespmem:s23], [sflag:$0x5], $0x2000, $0x38;
	[tilespmem:$0x1A800] =	vst v63  }
0x50: {  	_ =	swait.ge [sflag:s26], $0x2000  }
0x51: {  	[sflag:s26] =	ssyncset.done $0x0  }
0x52: {  	[sflag:s26] =	ssyncadd.s32 $0xFFFFE000  }
0x53: {  	[spmem:s10] =	stream.linear.scatter [tilespmem:s23], [sflag:$0x5], $0x2000, $0x38;
	[tilespmem:$0x1A800] =	vst v63  }
0x54: {  	_ =	swait.ge [sflag:s26], $0x2000  }
0x55: {  	[sflag:s26] =	ssyncset.done $0x0  }
0x56: {  	[sflag:s26] =	ssyncadd.s32 $0xFFFFE000  }
0x57: {  	[spmem:s14] =	stream.linear.scatter [tilespmem:s23], [sflag:$0x5], $0x2000, $0x38;
	[tilespmem:$0x1A800] =	vst v63  }
0x58: {  	_ =	swait.ge [sflag:s26], $0x2000  }
0x59: {  	[sflag:s26] =	ssyncset.done $0x0  }
0x5a: {  	[sflag:s26] =	ssyncadd.s32 $0xFFFFE000  }
0x5b: {  	[spmem:s28] =	stream.linear.scatter [tilespmem:s23], [sflag:$0x5], $0x2000, $0x38;
	[tilespmem:$0x1A800] =	vst v63  }
0x5c: {  	_ =	swait.ge [sflag:s26], $0x2000  }
0x5d: {  	[sflag:s26] =	ssyncset.done $0x0  }
0x5e: {  	[sflag:s26] =	ssyncadd.s32 $0xFFFFE000  }
0x5f: {  	[spmem:s29] =	stream.linear.scatter [tilespmem:s23], [sflag:$0x5], $0x2000, $0x38;
	[tilespmem:$0x1A800] =	vst v63  }
0x60: {  	_ =	swait.ge [sflag:s26], $0x2000  }
0x61: {  	s24 =	sld [smem:$0x7F4]  }
0x62: {  	[sflag:s26] =	ssyncset.done $0x0  }
0x63: {  	[sflag:s26] =	ssyncadd.s32 $0xFFFFE000  }
0x64: {  	[spmem:s24] =	stream.linear.scatter [tilespmem:s23], [sflag:$0x5], $0x2000, $0x38;
	[tilespmem:$0x1A800] =	vst v63  }
0x65: {  	_ =	swait.ge [sflag:s26], $0x2000  }
0x66: {  	s28 =	sld [smem:$0x7F5]  }
0x67: {  	[sflag:s26] =	ssyncset.done $0x0  }
0x68: {  	[sflag:s26] =	ssyncadd.s32 $0xFFFFE000  }
0x69: {  	[spmem:s28] =	stream.linear.scatter [tilespmem:s23], [sflag:$0x5], $0x2000, $0x38;
	[tilespmem:$0x1A800] =	vst v63  }
0x6a: {  	_ =	swait.ge [sflag:s26], $0x2000  }
0x6b: {  	s29 =	sld [smem:$0x7F6]  }
0x6c: {  	[sflag:s26] =	ssyncset.done $0x0  }
0x6d: {  	[sflag:s26] =	ssyncadd.s32 $0xFFFFE000  }
0x6e: {  	[spmem:s29] =	stream.linear.scatter [tilespmem:s23], [sflag:$0x5], $0x1800, $0x38;
	[tilespmem:$0x1A800] =	vst v63  }
0x6f: {  	_ =	swait.ge [sflag:s26], $0x1800  }
0x70: {  	s6 =	sld [smem:$0x7F7]  }
0x71: {  	[sflag:s26] =	ssyncset.done $0x0  }
0x72: {  	s4 =	simm.s32 @!p0 $0x0;
	[sflag:s26] =	ssyncadd.s32 $0xFFFFE800  }
0x73: {  	[spmem:s6] =	stream.linear.scatter @!p0 [tilespmem:s4], [sflag:$0x5], $0x800, $0x38;
	[tilespmem:$0x1A800] =	vst v63  }
0x74: {  	s4 =	simm.s32 @!p0 $0x5  }
0x75: {  	_ =	swait.ge @!p0 [sflag:s4], $0x800  }
0x76: {  	[sflag:s4] =	ssyncset.done @!p0 $0x0  }
0x77: {  	[sflag:s4] =	ssyncadd.s32 @!p0 $0xFFFFF800  }
0x78: {  	s4 =	simm.s32 $0x0;
	[bflag:$0x0] =	sbarrier.arrive $0xFFFF  }
.LBB2_4:
0x79: {  	s6 =	sld [smem:$0x7F3];
	_ =	sdelay $0x1  }
0x7a: {  	s29 =	sshll.u32 s4, $0x9  }
0x7b: {  	s7 =	rddreg [dreg:$0x5];
	s23 =	sadd.s32 s6, s29  }
0x7c: {  	[smem:$0x7F0] =	sst s4;
	s4 =	sadd.s32 s7, s23  }
0x7d: {  	s8 =	rddreg [dreg:$0x1e];
	s4 =	sshrl.u32 s4, $0x3  }
0x7e: {  	s10 =	simm.s32 $0x4100;
	s7 =	simm.s32 $0x0;
	s4 =	sadd.s32 s8, s4  }
0x7f: {  	[tilespmem:s10], [sflag:$0x5] =	stream.linear.gather [hbm4b:s4+s7], $0x200, $0x38;
	[tilespmem:$0x1A800] =	vst v63  }
0x80: {  	_ =	swait.ge [sflag:s26], $0x200  }
0x81: {  	s14 =	sshrl.u32 s23, $0x3;
	[sflag:s26] =	ssyncset.done $0x0;
	s24 =	rddreg [dreg:$0x1f]  }
0x82: {  	s29 =	simm.s32 $0x4300;
	[sflag:s26] =	ssyncadd.s32 $0xFFFFFE00;
	s4 =	sadd.s32 s24, s14  }
0x83: {  	[tilespmem:s29], [sflag:$0x5] =	stream.linear.gather [hbm4b:s4+s7], $0x200, $0x38;
	[tilespmem:$0x1A800] =	vst v63  }
0x84: {  	_ =	swait.ge [sflag:s26], $0x200  }
0x85: {  	s28 =	simm.s32 $0x40;
	s6 =	simm.s32 $0x0;
	[sflag:s26] =	ssyncset.done $0x0  }
0x86: {  	s4 =	simm.s32 $0x40;
	s7 =	simm.s32 $0x0;
	[sflag:s26] =	ssyncadd.s32 $0xFFFFFE00  }
.LBB2_5:
0x87: {  	s10 =	sshll.u32 s7, $0x7  }
0x88: {  	s14 =	sor.u32 s23, s10  }
0x89: {  	s14 =	sshrl.u32 s14, $0x3  }
0x8a: {  	s29 =	simm.s32 $0x0;
	s24 =	sadd.s32 s3, s14  }
0x8b: {  	[tilespmem:s30], [sflag:$0x5] =	stream.linear.gather [hbm4b:s24+s29], $0x40, $0x38;
	[tilespmem:$0x1A800] =	vst v63  }
0x8c: {  	_ =	swait.ge [sflag:s26], $0x40  }
0x8d: {  	s24 =	sor.u32 $0x8, s14;
	[sflag:s26] =	ssyncset.done $0x0  }
0x8e: {  	s8 =	sadd.s32 s3, s24;
	[sflag:s26] =	ssyncadd.s32 $0xFFFFFFC0  }
0x8f: {  	[tilespmem:s31], [sflag:$0x5] =	stream.linear.gather [hbm4b:s8+s29], $0x40, $0x38;
	[tilespmem:$0x1A800] =	vst v63  }
0x90: {  	_ =	swait.ge [sflag:s26], $0x40  }
0x91: {  	[sflag:s26] =	ssyncset.done $0x0  }
0x92: {  	s14 =	sadd.s32 s0, s14;
	[sflag:s26] =	ssyncadd.s32 $0xFFFFFFC0  }
0x93: {  	[tilespmem:s13], [sflag:$0x5] =	stream.linear.gather [hbm4b:s14+s29], $0x40, $0x38;
	[tilespmem:$0x1A800] =	vst v63  }
0x94: {  	_ =	swait.ge [sflag:s26], $0x40  }
0x95: {  	[sflag:s26] =	ssyncset.done $0x0  }
0x96: {  	s14 =	sadd.s32 s0, s24;
	[sflag:s26] =	ssyncadd.s32 $0xFFFFFFC0  }
0x97: {  	[tilespmem:s15], [sflag:$0x5] =	stream.linear.gather [hbm4b:s14+s29], $0x40, $0x38;
	[tilespmem:$0x1A800] =	vst v63  }
0x98: {  	_ =	swait.ge [sflag:s26], $0x40  }
0x99: {  	[sflag:s26] =	ssyncset.done $0x0  }
0x9a: {  	[sflag:s26] =	ssyncadd.s32 $0xFFFFFFC0  }
0x9b: {  	[tilespmem:s29], [sflag:$0x1] =	stream.indirect.gather [hbm4b:s1+s4], $0x80, s13, s4, $0xb8;
	[tilespmem:$0x1A800] =	vst v63  }
0x9c: {  	_ = 	snop  }
0x9d: {  	[tilespmem:s16], [sflag:$0x2] =	stream.indirect.gather [hbm4b:s1+s4], $0x80, s15, s4, $0xb8;
	[tilespmem:$0x1A800] =	vst v63  }
0x9e: {  	v1 =	vld [tilespmem:s10+$0x4100];
	_ =	sdelay $0x7  }
0x9f: {  	v1 =	vld.idx.msk [tilespmem:v1+s25+$0x0], $0xffff;
	_ =	sdelay $0x4  }
0xa0: {  	v1 =	vmax.f32 v1, $1.000000000e-30  }
0xa1: {  	(erf) = vrcp.f32 v1;
	_ =	sdelay $0x3  }
0xa2: {  	v2 =	vld [tilespmem:s10+$0x4110]  }
0xa3: {  	v1 =	vld [tilespmem:s10+$0x4300];
	_ =	sdelay $0x3  }
0xa4: {  	v3 =	vpop (erf)  }
0xa5: {  	v1 =	vmul.f32 v3, v1;
	_ =	sdelay $0x1  }
0xa6: {  	[tilespmem:s10+$0x4500] =	vst v1  }
0xa7: {  	v1 =	vld.idx.msk [tilespmem:v2+s25+$0x0], $0xffff;
	_ =	sdelay $0x4  }
0xa8: {  	v1 =	vmax.f32 v1, $1.000000000e-30  }
0xa9: {  	(erf) = vrcp.f32 v1;
	_ =	sdelay $0x3  }
0xaa: {  	v2 =	vld [tilespmem:s10+$0x4120]  }
0xab: {  	v1 =	vld [tilespmem:s10+$0x4310];
	_ =	sdelay $0x3  }
0xac: {  	v3 =	vpop (erf)  }
0xad: {  	v1 =	vmul.f32 v3, v1;
	_ =	sdelay $0x1  }
0xae: {  	[tilespmem:s10+$0x4510] =	vst v1  }
0xaf: {  	v1 =	vld.idx.msk [tilespmem:v2+s25+$0x0], $0xffff;
	_ =	sdelay $0x4  }
0xb0: {  	v1 =	vmax.f32 v1, $1.000000000e-30  }
0xb1: {  	(erf) = vrcp.f32 v1;
	_ =	sdelay $0x3  }
0xb2: {  	v2 =	vld [tilespmem:s10+$0x4130]  }
0xb3: {  	v1 =	vld [tilespmem:s10+$0x4320];
	_ =	sdelay $0x3  }
0xb4: {  	v3 =	vpop (erf)  }
0xb5: {  	v1 =	vmul.f32 v3, v1;
	_ =	sdelay $0x1  }
0xb6: {  	[tilespmem:s10+$0x4520] =	vst v1  }
0xb7: {  	v1 =	vld.idx.msk [tilespmem:v2+s25+$0x0], $0xffff;
	_ =	sdelay $0x4  }
0xb8: {  	v1 =	vmax.f32 v1, $1.000000000e-30  }
0xb9: {  	(erf) = vrcp.f32 v1;
	_ =	sdelay $0x4  }
0xba: {  	v1 =	vld [tilespmem:s10+$0x4330];
	_ =	sdelay $0x3  }
0xbb: {  	v2 =	vpop (erf)  }
0xbc: {  	v1 =	vmul.f32 v2, v1;
	_ =	sdelay $0x1  }
0xbd: {  	[tilespmem:s10+$0x4530] =	vst v1  }
0xbe: {  	s24 =	sadd.s32 $0x0, s6;
	_ =	swait.ge [sflag:s17], $0x2000  }
0xbf: {  	v1 =	vmov s24;
	[sflag:s17] =	ssyncset.done $0x0  }
0xc0: {  	[sflag:s17] =	ssyncadd.s32 $0xFFFFE000  }
0xc1: {  	v5 =	vld [tilespmem:s4+$0x30]  }
0xc2: {  	v8 =	vld [tilespmem:s4+$0x10]  }
0xc3: {  	v6 =	vld [tilespmem:s4+$0xFFFFFFC0]  }
0xc4: {  	v2 =	vld.idx.msk [tilespmem:v1+s18+$0x0], $0xffff  }
0xc5: {  	v10 =	vld [tilespmem:s4+$0xFFFFFFE0]  }
0xc6: {  	v3 =	vld [tilespmem:s4+$0x20]  }
0xc7: {  	v4 =	vld [tilespmem:s4+$0xFFFFFFD0]  }
0xc8: {  	v1 =	vld [tilespmem:s4+$0xFFFFFFF0]  }
0xc9: {  	v9 =	vmul.f32 v5, v2;
	v5 =	vld [tilespmem:s4+$0x0]  }
0xca: {  	v7 =	vmul.f32 v6, v2  }
0xcb: {  	s14 =	simm.s32 $0x1;
	s29 =	simm.s32 $0x40;
	s24 =	simm.s32 $0x40;
	v6 =	vmul.f32 v10, v2;
	v8 =	vmul.f32 v8, v2  }
.LBB2_6:
0xcc: {  	p1 =	sne.s32 s14, $0x3F  }
0xcd: {  	v4 =	vmul.f32 v4, v2;
	v3 =	vmul.f32 v3, v2;
	[tilespmem:s29+$0x30] =	vst v9;
	s24 =	sadd.s32 $0x80, s24;
	s8 =	smov.u32 s14;
	s14 =	sadd.s32 $0x1, s14  }
0xce: {  	[tilespmem:s29+$0xFFFFFFC0] =	vst v7;
	v7 =	vmul.f32 v1, v2;
	v2 =	vmul.f32 v5, v2  }
0xcf: {  	s8 =	sadd.s32 s8, s6;
	[tilespmem:s29+$0x10] =	vst v8  }
0xd0: {  	v5 =	vmov s8;
	[tilespmem:s29+$0xFFFFFFE0] =	vst v6  }
0xd1: {  	v1 =	vld [tilespmem:s24+$0xFFFFFFF0];
	[tilespmem:s29+$0xFFFFFFF0] =	vst v7  }
0xd2: {  	v6 =	vld [tilespmem:s24+$0x30];
	[tilespmem:s29+$0x0] =	vst v2  }
0xd3: {  	v8 =	vld [tilespmem:s24+$0x10];
	[tilespmem:s29+$0x20] =	vst v3  }
0xd4: {  	v7 =	vld [tilespmem:s24+$0xFFFFFFC0];
	[tilespmem:s29+$0xFFFFFFD0] =	vst v4;
	s29 =	smov.u32 s24  }
0xd5: {  	v2 =	vld.idx.msk [tilespmem:v5+s18+$0x0], $0xffff  }
0xd6: {  	v10 =	vld [tilespmem:s24+$0xFFFFFFE0]  }
0xd7: {  	v3 =	vld [tilespmem:s24+$0x20]  }
.Ltmp1:
0xd8: {  	v4 =	vld [tilespmem:s24+$0xFFFFFFD0];
	(pc) =	sbr.rel @p1 .LBB2_6-.Ltmp1, $3  }
0xd9: {  	v5 =	vld [tilespmem:s24+$0x0];
	_ =	sdelay $0x1  }
0xda: {  	v7 =	vmul.f32 v7, v2;
	v9 =	vmul.f32 v6, v2  }
0xdb: {  	v8 =	vmul.f32 v8, v2;
	v6 =	vmul.f32 v10, v2  }
0xdc: {  	[tilespmem:s29+$0x30] =	vst v9  }
0xdd: {  	[tilespmem:s29+$0xFFFFFFC0] =	vst v7  }
0xde: {  	v1 =	vmul.f32 v1, v2;
	[tilespmem:s29+$0x10] =	vst v8  }
0xdf: {  	v3 =	vmul.f32 v3, v2;
	[tilespmem:s29+$0xFFFFFFE0] =	vst v6  }
0xe0: {  	v5 =	vmul.f32 v5, v2;
	[tilespmem:s29+$0xFFFFFFF0] =	vst v1  }
0xe1: {  	v1 =	vmul.f32 v4, v2;
	[tilespmem:s29+$0x20] =	vst v3  }
0xe2: {  	[tilespmem:s29+$0x0] =	vst v5  }
0xe3: {  	s8 =	simm.s32 $0x0;
	[tilespmem:s29+$0xFFFFFFD0] =	vst v1  }
0xe4: {  	[spmem:s2] =	stream.indirect.scatter.add.f32 [tilespmem:s8], [sflag:$0x3], $0x80, s30, s19, $0xb8;
	[tilespmem:$0x1A800] =	vst v63  }
0xe5: {  	v1 =	vld [tilespmem:s10+$0x4140];
	_ =	sdelay $0x7  }
0xe6: {  	v1 =	vld.idx.msk [tilespmem:v1+s25+$0x0], $0xffff;
	_ =	sdelay $0x4  }
0xe7: {  	v1 =	vmax.f32 v1, $1.000000000e-30  }
0xe8: {  	(erf) = vrcp.f32 v1;
	_ =	sdelay $0x3  }
0xe9: {  	v2 =	vld [tilespmem:s10+$0x4150]  }
0xea: {  	v1 =	vld [tilespmem:s10+$0x4340];
	_ =	sdelay $0x3  }
0xeb: {  	v3 =	vpop (erf)  }
0xec: {  	v1 =	vmul.f32 v3, v1;
	_ =	sdelay $0x1  }
0xed: {  	[tilespmem:s10+$0x4540] =	vst v1  }
0xee: {  	v1 =	vld.idx.msk [tilespmem:v2+s25+$0x0], $0xffff;
	_ =	sdelay $0x4  }
0xef: {  	v1 =	vmax.f32 v1, $1.000000000e-30  }
0xf0: {  	(erf) = vrcp.f32 v1;
	_ =	sdelay $0x3  }
0xf1: {  	v2 =	vld [tilespmem:s10+$0x4160]  }
0xf2: {  	v1 =	vld [tilespmem:s10+$0x4350];
	_ =	sdelay $0x3  }
0xf3: {  	v3 =	vpop (erf)  }
0xf4: {  	v1 =	vmul.f32 v3, v1;
	_ =	sdelay $0x1  }
0xf5: {  	[tilespmem:s10+$0x4550] =	vst v1  }
0xf6: {  	v1 =	vld.idx.msk [tilespmem:v2+s25+$0x0], $0xffff;
	_ =	sdelay $0x4  }
0xf7: {  	v1 =	vmax.f32 v1, $1.000000000e-30  }
0xf8: {  	(erf) = vrcp.f32 v1;
	_ =	sdelay $0x3  }
0xf9: {  	v2 =	vld [tilespmem:s10+$0x4170]  }
0xfa: {  	v1 =	vld [tilespmem:s10+$0x4360];
	_ =	sdelay $0x3  }
0xfb: {  	v3 =	vpop (erf)  }
0xfc: {  	v1 =	vmul.f32 v3, v1;
	_ =	sdelay $0x1  }
0xfd: {  	[tilespmem:s10+$0x4560] =	vst v1  }
0xfe: {  	v1 =	vld.idx.msk [tilespmem:v2+s25+$0x0], $0xffff;
	_ =	sdelay $0x4  }
0xff: {  	v1 =	vmax.f32 v1, $1.000000000e-30  }
0x100: {  	(erf) = vrcp.f32 v1;
	_ =	sdelay $0x4  }
0x101: {  	v1 =	vld [tilespmem:s10+$0x4370];
	_ =	sdelay $0x3  }
0x102: {  	v2 =	vpop (erf)  }
0x103: {  	v1 =	vmul.f32 v2, v1;
	_ =	sdelay $0x1  }
0x104: {  	[tilespmem:s10+$0x4570] =	vst v1  }
0x105: {  	s29 =	sadd.s32 $0x0, s28;
	_ =	swait.ge [sflag:s20], $0x2000  }
0x106: {  	v1 =	vmov s29;
	[sflag:s20] =	ssyncset.done $0x0  }
0x107: {  	s10 =	simm.s32 $0x2040;
	[sflag:s20] =	ssyncadd.s32 $0xFFFFE000  }
0x108: {  	v5 =	vld [tilespmem:s10+$0x30]  }
0x109: {  	v8 =	vld [tilespmem:s10+$0x10]  }
0x10a: {  	v6 =	vld [tilespmem:s10+$0xFFFFFFC0]  }
0x10b: {  	v2 =	vld.idx.msk [tilespmem:v1+s18+$0x0], $0xffff  }
0x10c: {  	v10 =	vld [tilespmem:s10+$0xFFFFFFE0]  }
0x10d: {  	v3 =	vld [tilespmem:s10+$0x20]  }
0x10e: {  	v4 =	vld [tilespmem:s10+$0xFFFFFFD0]  }
0x10f: {  	v1 =	vld [tilespmem:s10+$0xFFFFFFF0]  }
0x110: {  	v9 =	vmul.f32 v5, v2;
	v5 =	vld [tilespmem:s10+$0x0]  }
0x111: {  	v7 =	vmul.f32 v6, v2  }
0x112: {  	s14 =	simm.s32 $0x1;
	s24 =	simm.s32 $0x2040;
	v6 =	vmul.f32 v10, v2;
	v8 =	vmul.f32 v8, v2  }
.LBB2_8:
0x113: {  	p1 =	sne.s32 s14, $0x3F  }
0x114: {  	v4 =	vmul.f32 v4, v2;
	v3 =	vmul.f32 v3, v2;
	[tilespmem:s10+$0x30] =	vst v9;
	s24 =	sadd.s32 $0x80, s24;
	s8 =	smov.u32 s14;
	s14 =	sadd.s32 $0x1, s14  }
0x115: {  	[tilespmem:s10+$0xFFFFFFC0] =	vst v7;
	v7 =	vmul.f32 v1, v2;
	v2 =	vmul.f32 v5, v2  }
0x116: {  	s8 =	sadd.s32 s8, s28;
	[tilespmem:s10+$0x10] =	vst v8  }
0x117: {  	v5 =	vmov s8;
	[tilespmem:s10+$0xFFFFFFE0] =	vst v6  }
0x118: {  	v1 =	vld [tilespmem:s24+$0xFFFFFFF0];
	[tilespmem:s10+$0xFFFFFFF0] =	vst v7  }
0x119: {  	v6 =	vld [tilespmem:s24+$0x30];
	[tilespmem:s10+$0x0] =	vst v2  }
0x11a: {  	v8 =	vld [tilespmem:s24+$0x10];
	[tilespmem:s10+$0x20] =	vst v3  }
0x11b: {  	v7 =	vld [tilespmem:s24+$0xFFFFFFC0];
	[tilespmem:s10+$0xFFFFFFD0] =	vst v4;
	s10 =	smov.u32 s24  }
0x11c: {  	v2 =	vld.idx.msk [tilespmem:v5+s18+$0x0], $0xffff  }
0x11d: {  	v10 =	vld [tilespmem:s24+$0xFFFFFFE0]  }
0x11e: {  	v3 =	vld [tilespmem:s24+$0x20]  }
.Ltmp2:
0x11f: {  	v4 =	vld [tilespmem:s24+$0xFFFFFFD0];
	(pc) =	sbr.rel @p1 .LBB2_8-.Ltmp2, $3  }
0x120: {  	v5 =	vld [tilespmem:s24+$0x0];
	_ =	sdelay $0x1  }
0x121: {  	v7 =	vmul.f32 v7, v2;
	v9 =	vmul.f32 v6, v2  }
0x122: {  	v8 =	vmul.f32 v8, v2;
	v6 =	vmul.f32 v10, v2  }
0x123: {  	[tilespmem:s10+$0x30] =	vst v9  }
0x124: {  	[tilespmem:s10+$0xFFFFFFC0] =	vst v7  }
0x125: {  	v1 =	vmul.f32 v1, v2;
	[tilespmem:s10+$0x10] =	vst v8  }
0x126: {  	v3 =	vmul.f32 v3, v2;
	[tilespmem:s10+$0xFFFFFFE0] =	vst v6  }
0x127: {  	v5 =	vmul.f32 v5, v2;
	[tilespmem:s10+$0xFFFFFFF0] =	vst v1  }
0x128: {  	v1 =	vmul.f32 v4, v2;
	[tilespmem:s10+$0x20] =	vst v3  }
0x129: {  	[tilespmem:s10+$0x0] =	vst v5  }
0x12a: {  	s7 =	sadd.s32 $0x1, s7;
	[tilespmem:s10+$0xFFFFFFD0] =	vst v1  }
0x12b: {  	[spmem:s2] =	stream.indirect.scatter.add.f32 [tilespmem:s16], [sflag:$0x4], $0x80, s31, s19, $0xb8;
	[tilespmem:$0x1A800] =	vst v63  }
0x12c: {  	p1 =	sne.s32 s7, $0x4;
	_ =	swait.ge [sflag:s21], $0x2000  }
.Ltmp3:
0x12d: {  	[sflag:s21] =	ssyncset.done $0x0;
	(pc) =	sbr.rel @p1 .LBB2_5-.Ltmp3, $4  }
0x12e: {  	[sflag:s21] =	ssyncadd.s32 $0xFFFFE000  }
0x12f: {  	_ =	swait.ge [sflag:s22], $0x2000  }
0x130: {  	[sflag:s22] =	ssyncset.done $0x0  }
0x131: {  	s6 =	sadd.s32 $0x80, s6;
	s28 =	sadd.s32 $0x80, s28;
	[sflag:s22] =	ssyncadd.s32 $0xFFFFE000  }
0x132: {  	s4 =	sld [smem:$0x7F0];
	_ =	sdelay $0x2  }
0x133: {  	s4 =	sadd.s32 $0x1, s4  }
0x134: {  	p1 =	sne.s32 s4, $0x28  }
.Ltmp4:
0x135: {  	_ = 	snop;
	(pc) =	sbr.rel @p1 .LBB2_4-.Ltmp4, $1  }
0x136: {  	_ =	sdelay $0x3  }
0x137: {  	[bflag:$0x0] =	sbarrier.arrive $0xFFFF  }
0x138: {  	s1 =	simm.s32 $0x0;
	s7 =	rddreg [dreg:$0x7]  }
0x139: {  	[tilespmem:s1], [sflag:$0x5] =	stream.linear.gather [spmem:s7], $0x2000, $0x38;
	[tilespmem:$0x1A800] =	vst v63  }
0x13a: {  	_ =	swait.ge [sflag:s26], $0x2000  }
0x13b: {  	[sflag:s26] =	ssyncset.done $0x0  }
0x13c: {  	s4 =	rddreg [dreg:$0x8];
	[sflag:s26] =	ssyncadd.s32 $0xFFFFE000  }
0x13d: {  	[hbm4b:s4+s1] =	stream.linear.scatter [tilespmem:s1], [sflag:$0x5], $0x2000, $0x38;
	[tilespmem:$0x1A800] =	vst v63  }
0x13e: {  	_ =	swait.ge [sflag:s26], $0x2000  }
0x13f: {  	s10 =	sld [smem:$0x7F8]  }
0x140: {  	[sflag:s26] =	ssyncset.done $0x0  }
0x141: {  	[sflag:s26] =	ssyncadd.s32 $0xFFFFE000  }
0x142: {  	[tilespmem:s1], [sflag:$0x5] =	stream.linear.gather [spmem:s10], $0x2000, $0x38;
	[tilespmem:$0x1A800] =	vst v63  }
0x143: {  	_ =	swait.ge [sflag:s26], $0x2000  }
0x144: {  	[sflag:s26] =	ssyncset.done $0x0  }
0x145: {  	s23 =	rddreg [dreg:$0x9];
	[sflag:s26] =	ssyncadd.s32 $0xFFFFE000  }
0x146: {  	[hbm4b:s23+s1] =	stream.linear.scatter [tilespmem:s1], [sflag:$0x5], $0x2000, $0x38;
	[tilespmem:$0x1A800] =	vst v63  }
0x147: {  	_ =	swait.ge [sflag:s26], $0x2000  }
0x148: {  	s14 =	sld [smem:$0x7F9]  }
0x149: {  	[sflag:s26] =	ssyncset.done $0x0  }
0x14a: {  	[sflag:s26] =	ssyncadd.s32 $0xFFFFE000  }
0x14b: {  	[tilespmem:s1], [sflag:$0x5] =	stream.linear.gather [spmem:s14], $0x2000, $0x38;
	[tilespmem:$0x1A800] =	vst v63  }
0x14c: {  	_ =	swait.ge [sflag:s26], $0x2000  }
0x14d: {  	[sflag:s26] =	ssyncset.done $0x0  }
0x14e: {  	s24 =	rddreg [dreg:$0xa];
	[sflag:s26] =	ssyncadd.s32 $0xFFFFE000  }
0x14f: {  	[hbm4b:s24+s1] =	stream.linear.scatter [tilespmem:s1], [sflag:$0x5], $0x2000, $0x38;
	[tilespmem:$0x1A800] =	vst v63  }
0x150: {  	_ =	swait.ge [sflag:s26], $0x2000  }
0x151: {  	s23 =	sld [smem:$0x7FA]  }
0x152: {  	[sflag:s26] =	ssyncset.done $0x0  }
0x153: {  	[sflag:s26] =	ssyncadd.s32 $0xFFFFE000  }
0x154: {  	[tilespmem:s1], [sflag:$0x5] =	stream.linear.gather [spmem:s23], $0x2000, $0x38;
	[tilespmem:$0x1A800] =	vst v63  }
0x155: {  	_ =	swait.ge [sflag:s26], $0x2000  }
0x156: {  	[sflag:s26] =	ssyncset.done $0x0  }
0x157: {  	s6 =	rddreg [dreg:$0xe];
	[sflag:s26] =	ssyncadd.s32 $0xFFFFE000  }
0x158: {  	[hbm4b:s6+s1] =	stream.linear.scatter [tilespmem:s1], [sflag:$0x5], $0x2000, $0x38;
	[tilespmem:$0x1A800] =	vst v63  }
0x159: {  	_ =	swait.ge [sflag:s26], $0x2000  }
0x15a: {  	s24 =	sld [smem:$0x7FB]  }
0x15b: {  	[sflag:s26] =	ssyncset.done $0x0  }
0x15c: {  	[sflag:s26] =	ssyncadd.s32 $0xFFFFE000  }
0x15d: {  	[tilespmem:s1], [sflag:$0x5] =	stream.linear.gather [spmem:s24], $0x2000, $0x38;
	[tilespmem:$0x1A800] =	vst v63  }
0x15e: {  	_ =	swait.ge [sflag:s26], $0x2000  }
0x15f: {  	[sflag:s26] =	ssyncset.done $0x0  }
0x160: {  	s8 =	rddreg [dreg:$0x10];
	[sflag:s26] =	ssyncadd.s32 $0xFFFFE000  }
0x161: {  	[hbm4b:s8+s1] =	stream.linear.scatter [tilespmem:s1], [sflag:$0x5], $0x2000, $0x38;
	[tilespmem:$0x1A800] =	vst v63  }
0x162: {  	_ =	swait.ge [sflag:s26], $0x2000  }
0x163: {  	s28 =	sld [smem:$0x7FC]  }
0x164: {  	[sflag:s26] =	ssyncset.done $0x0  }
0x165: {  	[sflag:s26] =	ssyncadd.s32 $0xFFFFE000  }
0x166: {  	[tilespmem:s1], [sflag:$0x5] =	stream.linear.gather [spmem:s28], $0x2000, $0x38;
	[tilespmem:$0x1A800] =	vst v63  }
0x167: {  	_ =	swait.ge [sflag:s26], $0x2000  }
0x168: {  	[sflag:s26] =	ssyncset.done $0x0  }
0x169: {  	s6 =	rddreg [dreg:$0x12];
	[sflag:s26] =	ssyncadd.s32 $0xFFFFE000  }
0x16a: {  	[hbm4b:s6+s1] =	stream.linear.scatter [tilespmem:s1], [sflag:$0x5], $0x2000, $0x38;
	[tilespmem:$0x1A800] =	vst v63  }
0x16b: {  	_ =	swait.ge [sflag:s26], $0x2000  }
0x16c: {  	s29 =	sld [smem:$0x7FD]  }
0x16d: {  	[sflag:s26] =	ssyncset.done $0x0  }
0x16e: {  	[sflag:s26] =	ssyncadd.s32 $0xFFFFE000  }
0x16f: {  	[tilespmem:s1], [sflag:$0x5] =	stream.linear.gather [spmem:s29], $0x2000, $0x38;
	[tilespmem:$0x1A800] =	vst v63  }
0x170: {  	_ =	swait.ge [sflag:s26], $0x2000  }
0x171: {  	[sflag:s26] =	ssyncset.done $0x0  }
0x172: {  	s8 =	rddreg [dreg:$0x14];
	[sflag:s26] =	ssyncadd.s32 $0xFFFFE000  }
0x173: {  	[hbm4b:s8+s1] =	stream.linear.scatter [tilespmem:s1], [sflag:$0x5], $0x2000, $0x38;
	[tilespmem:$0x1A800] =	vst v63  }
0x174: {  	_ =	swait.ge [sflag:s26], $0x2000  }
0x175: {  	s6 =	sld [smem:$0x7F4]  }
0x176: {  	[sflag:s26] =	ssyncset.done $0x0  }
0x177: {  	[sflag:s26] =	ssyncadd.s32 $0xFFFFE000  }
0x178: {  	[tilespmem:s1], [sflag:$0x5] =	stream.linear.gather [spmem:s6], $0x2000, $0x38;
	[tilespmem:$0x1A800] =	vst v63  }
0x179: {  	_ =	swait.ge [sflag:s26], $0x2000  }
0x17a: {  	[sflag:s26] =	ssyncset.done $0x0  }
0x17b: {  	s8 =	rddreg [dreg:$0x16];
	[sflag:s26] =	ssyncadd.s32 $0xFFFFE000  }
0x17c: {  	[hbm4b:s8+s1] =	stream.linear.scatter [tilespmem:s1], [sflag:$0x5], $0x2000, $0x38;
	[tilespmem:$0x1A800] =	vst v63  }
0x17d: {  	_ =	swait.ge [sflag:s26], $0x2000  }
0x17e: {  	s6 =	sld [smem:$0x7F5]  }
0x17f: {  	[sflag:s26] =	ssyncset.done $0x0  }
0x180: {  	[sflag:s26] =	ssyncadd.s32 $0xFFFFE000  }
0x181: {  	[tilespmem:s1], [sflag:$0x5] =	stream.linear.gather [spmem:s6], $0x2000, $0x38;
	[tilespmem:$0x1A800] =	vst v63  }
0x182: {  	_ =	swait.ge [sflag:s26], $0x2000  }
0x183: {  	[sflag:s26] =	ssyncset.done $0x0  }
0x184: {  	s8 =	rddreg [dreg:$0x18];
	[sflag:s26] =	ssyncadd.s32 $0xFFFFE000  }
0x185: {  	[hbm4b:s8+s1] =	stream.linear.scatter [tilespmem:s1], [sflag:$0x5], $0x2000, $0x38;
	[tilespmem:$0x1A800] =	vst v63  }
0x186: {  	_ =	swait.ge [sflag:s26], $0x2000  }
0x187: {  	s6 =	sld [smem:$0x7F6]  }
0x188: {  	[sflag:s26] =	ssyncset.done $0x0  }
0x189: {  	[sflag:s26] =	ssyncadd.s32 $0xFFFFE000  }
0x18a: {  	[tilespmem:s1], [sflag:$0x5] =	stream.linear.gather [spmem:s6], $0x1800, $0x38;
	[tilespmem:$0x1A800] =	vst v63  }
0x18b: {  	_ =	swait.ge [sflag:s26], $0x1800  }
0x18c: {  	[sflag:s26] =	ssyncset.done $0x0  }
0x18d: {  	s8 =	rddreg [dreg:$0x1a];
	[sflag:s26] =	ssyncadd.s32 $0xFFFFE800  }
0x18e: {  	[hbm4b:s8+s1] =	stream.linear.scatter [tilespmem:s1], [sflag:$0x5], $0x1800, $0x38;
	[tilespmem:$0x1A800] =	vst v63  }
0x18f: {  	_ =	swait.ge [sflag:s26], $0x1800  }
0x190: {  	s6 =	sld [smem:$0x7F7]  }
0x191: {  	[sflag:s26] =	ssyncset.done $0x0  }
0x192: {  	s4 =	simm.s32 @!p0 $0x0;
	[sflag:s26] =	ssyncadd.s32 $0xFFFFE800  }
0x193: {  	[tilespmem:s4], [sflag:$0x5] =	stream.linear.gather @!p0 [spmem:s6], $0x800, $0x38;
	[tilespmem:$0x1A800] =	vst v63  }
0x194: {  	s6 =	simm.s32 @!p0 $0x5  }
0x195: {  	_ =	swait.ge @!p0 [sflag:s6], $0x800  }
0x196: {  	[sflag:s6] =	ssyncset.done @!p0 $0x0  }
0x197: {  	s8 =	rddreg [dreg:$0x1d];
	[sflag:s6] =	ssyncadd.s32 @!p0 $0xFFFFF800  }
0x198: {  	[hbm4b:s8+s4] =	stream.linear.scatter @!p0 [tilespmem:s4], [sflag:$0x5], $0x800, $0x38;
	[tilespmem:$0x1A800] =	vst v63  }
0x199: {  	_ =	swait.ge @!p0 [sflag:s6], $0x800  }
0x19a: {  	[sflag:s6] =	ssyncset.done @!p0 $0x0  }
0x19b: {  	s4 =	simm.s32 $0x0;
	[sflag:s6] =	ssyncadd.s32 @!p0 $0xFFFFF800;
	s6 =	simm.s32 $0x200  }
.LBB2_12:
0x19c: {  	p1 =	sne.s32 s6, $0x7E00;
	[tilespmem:s4+$0x70] =	vst v0  }
0x19d: {  	[tilespmem:s4+$0x0] =	vst v0  }
0x19e: {  	[tilespmem:s4+$0x10] =	vst v0  }
.Ltmp5:
0x19f: {  	[tilespmem:s4+$0x20] =	vst v0;
	(pc) =	sbr.rel @p1 .LBB2_12-.Ltmp5, $4  }
0x1a0: {  	[tilespmem:s4+$0x30] =	vst v0  }
0x1a1: {  	[tilespmem:s4+$0x40] =	vst v0  }
0x1a2: {  	[tilespmem:s4+$0x50] =	vst v0  }
0x1a3: {  	[tilespmem:s4+$0x60] =	vst v0;
	s4 =	sshra.s32 s6, $0x2;
	s6 =	sadd.s32 $0x200, s6  }
0x1a4: {  	[tilespmem:s4+$0x70] =	vst v0  }
0x1a5: {  	[tilespmem:s4+$0x0] =	vst v0  }
0x1a6: {  	[tilespmem:s4+$0x10] =	vst v0  }
0x1a7: {  	[tilespmem:s4+$0x20] =	vst v0  }
0x1a8: {  	[tilespmem:s4+$0x30] =	vst v0  }
0x1a9: {  	[tilespmem:s4+$0x40] =	vst v0  }
0x1aa: {  	[tilespmem:s4+$0x50] =	vst v0  }
0x1ab: {  	[tilespmem:s4+$0x60] =	vst v0  }
0x1ac: {  	[spmem:s7] =	stream.linear.scatter [tilespmem:s1], [sflag:$0x5], $0x2000, $0x38;
	[tilespmem:$0x1A800] =	vst v63  }
0x1ad: {  	_ =	swait.ge [sflag:s26], $0x2000  }
0x1ae: {  	[sflag:s26] =	ssyncset.done $0x0  }
0x1af: {  	[sflag:s26] =	ssyncadd.s32 $0xFFFFE000  }
0x1b0: {  	[spmem:s10] =	stream.linear.scatter [tilespmem:s1], [sflag:$0x5], $0x2000, $0x38;
	[tilespmem:$0x1A800] =	vst v63  }
0x1b1: {  	_ =	swait.ge [sflag:s26], $0x2000  }
0x1b2: {  	[sflag:s26] =	ssyncset.done $0x0  }
0x1b3: {  	[sflag:s26] =	ssyncadd.s32 $0xFFFFE000  }
0x1b4: {  	[spmem:s14] =	stream.linear.scatter [tilespmem:s1], [sflag:$0x5], $0x2000, $0x38;
	[tilespmem:$0x1A800] =	vst v63  }
0x1b5: {  	_ =	swait.ge [sflag:s26], $0x2000  }
0x1b6: {  	[sflag:s26] =	ssyncset.done $0x0  }
0x1b7: {  	[sflag:s26] =	ssyncadd.s32 $0xFFFFE000  }
0x1b8: {  	[spmem:s23] =	stream.linear.scatter [tilespmem:s1], [sflag:$0x5], $0x2000, $0x38;
	[tilespmem:$0x1A800] =	vst v63  }
0x1b9: {  	_ =	swait.ge [sflag:s26], $0x2000  }
0x1ba: {  	[sflag:s26] =	ssyncset.done $0x0  }
0x1bb: {  	[sflag:s26] =	ssyncadd.s32 $0xFFFFE000  }
0x1bc: {  	[spmem:s24] =	stream.linear.scatter [tilespmem:s1], [sflag:$0x5], $0x2000, $0x38;
	[tilespmem:$0x1A800] =	vst v63  }
0x1bd: {  	_ =	swait.ge [sflag:s26], $0x2000  }
0x1be: {  	[sflag:s26] =	ssyncset.done $0x0  }
0x1bf: {  	[sflag:s26] =	ssyncadd.s32 $0xFFFFE000  }
0x1c0: {  	[spmem:s28] =	stream.linear.scatter [tilespmem:s1], [sflag:$0x5], $0x2000, $0x38;
	[tilespmem:$0x1A800] =	vst v63  }
0x1c1: {  	_ =	swait.ge [sflag:s26], $0x2000  }
0x1c2: {  	[sflag:s26] =	ssyncset.done $0x0  }
0x1c3: {  	[sflag:s26] =	ssyncadd.s32 $0xFFFFE000  }
0x1c4: {  	[spmem:s29] =	stream.linear.scatter [tilespmem:s1], [sflag:$0x5], $0x2000, $0x38;
	[tilespmem:$0x1A800] =	vst v63  }
0x1c5: {  	_ =	swait.ge [sflag:s26], $0x2000  }
0x1c6: {  	s24 =	sld [smem:$0x7F4]  }
0x1c7: {  	[sflag:s26] =	ssyncset.done $0x0  }
0x1c8: {  	[sflag:s26] =	ssyncadd.s32 $0xFFFFE000  }
0x1c9: {  	[spmem:s24] =	stream.linear.scatter [tilespmem:s1], [sflag:$0x5], $0x2000, $0x38;
	[tilespmem:$0x1A800] =	vst v63  }
0x1ca: {  	_ =	swait.ge [sflag:s26], $0x2000  }
0x1cb: {  	s28 =	sld [smem:$0x7F5]  }
0x1cc: {  	[sflag:s26] =	ssyncset.done $0x0  }
0x1cd: {  	[sflag:s26] =	ssyncadd.s32 $0xFFFFE000  }
0x1ce: {  	[spmem:s28] =	stream.linear.scatter [tilespmem:s1], [sflag:$0x5], $0x2000, $0x38;
	[tilespmem:$0x1A800] =	vst v63  }
0x1cf: {  	_ =	swait.ge [sflag:s26], $0x2000  }
0x1d0: {  	s29 =	sld [smem:$0x7F6]  }
0x1d1: {  	[sflag:s26] =	ssyncset.done $0x0  }
0x1d2: {  	[sflag:s26] =	ssyncadd.s32 $0xFFFFE000  }
0x1d3: {  	[spmem:s29] =	stream.linear.scatter [tilespmem:s1], [sflag:$0x5], $0x1800, $0x38;
	[tilespmem:$0x1A800] =	vst v63  }
0x1d4: {  	_ =	swait.ge [sflag:s26], $0x1800  }
0x1d5: {  	s1 =	sld [smem:$0x7F7]  }
0x1d6: {  	[sflag:s26] =	ssyncset.done $0x0  }
0x1d7: {  	s4 =	simm.s32 @!p0 $0x0;
	[sflag:s26] =	ssyncadd.s32 $0xFFFFE800  }
0x1d8: {  	[spmem:s1] =	stream.linear.scatter @!p0 [tilespmem:s4], [sflag:$0x5], $0x800, $0x38;
	[tilespmem:$0x1A800] =	vst v63  }
0x1d9: {  	s4 =	simm.s32 @!p0 $0x5  }
0x1da: {  	_ =	swait.ge @!p0 [sflag:s4], $0x800  }
0x1db: {  	[sflag:s4] =	ssyncset.done @!p0 $0x0  }
0x1dc: {  	[sflag:s4] =	ssyncadd.s32 @!p0 $0xFFFFF800  }
0x1dd: {  	s1 =	simm.s32 $0x0;
	[bflag:$0x0] =	sbarrier.arrive $0xFFFF  }
.LBB2_14:
0x1de: {  	s24 =	sld [smem:$0x7F3];
	_ =	sdelay $0x1  }
0x1df: {  	s4 =	sshll.u32 s1, $0x9  }
0x1e0: {  	s6 =	rddreg [dreg:$0x5];
	s23 =	sadd.s32 s24, s4  }
0x1e1: {  	[smem:$0x7EF] =	sst s1;
	s4 =	sadd.s32 s6, s23  }
0x1e2: {  	s7 =	rddreg [dreg:$0x1e];
	s6 =	sshrl.u32 s4, $0x3  }
0x1e3: {  	s8 =	simm.s32 $0x4100;
	s6 =	sadd.s32 s7, s6;
	s7 =	simm.s32 $0x0  }
0x1e4: {  	[tilespmem:s8], [sflag:$0x5] =	stream.linear.gather [hbm4b:s6+s7], $0x200, $0x38;
	[tilespmem:$0x1A800] =	vst v63  }
0x1e5: {  	_ =	swait.ge [sflag:s26], $0x200  }
0x1e6: {  	s10 =	sshrl.u32 s23, $0x3;
	[sflag:s26] =	ssyncset.done $0x0;
	s14 =	rddreg [dreg:$0x1f]  }
0x1e7: {  	s24 =	simm.s32 $0x4300;
	[sflag:s26] =	ssyncadd.s32 $0xFFFFFE00;
	s6 =	sadd.s32 s14, s10  }
0x1e8: {  	[tilespmem:s24], [sflag:$0x5] =	stream.linear.gather [hbm4b:s6+s7], $0x200, $0x38;
	[tilespmem:$0x1A800] =	vst v63  }
0x1e9: {  	_ =	swait.ge [sflag:s26], $0x200  }
0x1ea: {  	s28 =	simm.s32 $0x40;
	s29 =	simm.s32 $0x40;
	[sflag:s26] =	ssyncset.done $0x0  }
0x1eb: {  	s6 =	simm.s32 $0x0;
	s7 =	simm.s32 $0x0;
	[sflag:s26] =	ssyncadd.s32 $0xFFFFFE00  }
.LBB2_15:
0x1ec: {  	s10 =	sshll.u32 s7, $0x7  }
0x1ed: {  	s8 =	sor.u32 s23, s10  }
0x1ee: {  	s8 =	sshrl.u32 s8, $0x3  }
0x1ef: {  	s24 =	simm.s32 $0x0;
	s14 =	sadd.s32 s3, s8  }
0x1f0: {  	[tilespmem:s30], [sflag:$0x5] =	stream.linear.gather [hbm4b:s14+s24], $0x40, $0x38;
	[tilespmem:$0x1A800] =	vst v63  }
0x1f1: {  	_ =	swait.ge [sflag:s26], $0x40  }
0x1f2: {  	[sflag:s26] =	ssyncset.done $0x0  }
0x1f3: {  	s8 =	sadd.s32 s8, s11;
	[sflag:s26] =	ssyncadd.s32 $0xFFFFFFC0  }
0x1f4: {  	[tilespmem:s31], [sflag:$0x5] =	stream.linear.gather [hbm4b:s8+s24], $0x40, $0x38;
	[tilespmem:$0x1A800] =	vst v63  }
0x1f5: {  	s14 =	sor.u32 s4, s10;
	_ =	swait.ge [sflag:s26], $0x40  }
0x1f6: {  	s8 =	sshrl.u32 s14, $0x3;
	[sflag:s26] =	ssyncset.done $0x0  }
0x1f7: {  	s1 =	sadd.s32 s9, s8;
	[sflag:s26] =	ssyncadd.s32 $0xFFFFFFC0  }
0x1f8: {  	[tilespmem:s13], [sflag:$0x5] =	stream.linear.gather [hbm4b:s1+s24], $0x40, $0x38;
	[tilespmem:$0x1A800] =	vst v63  }
0x1f9: {  	_ =	swait.ge [sflag:s26], $0x40  }
0x1fa: {  	[sflag:s26] =	ssyncset.done $0x0  }
0x1fb: {  	s8 =	sadd.s32 s8, s12;
	[sflag:s26] =	ssyncadd.s32 $0xFFFFFFC0  }
0x1fc: {  	[tilespmem:s15], [sflag:$0x5] =	stream.linear.gather [hbm4b:s8+s24], $0x40, $0x38;
	[tilespmem:$0x1A800] =	vst v63  }
0x1fd: {  	_ =	swait.ge [sflag:s26], $0x40  }
0x1fe: {  	[sflag:s26] =	ssyncset.done $0x0  }
0x1ff: {  	[sflag:s26] =	ssyncadd.s32 $0xFFFFFFC0  }
0x200: {  	[tilespmem:s24], [sflag:$0x1] =	stream.indirect.gather [hbm4b:s5+s28], $0x80, s13, s28, $0xb8;
	[tilespmem:$0x1A800] =	vst v63  }
0x201: {  	_ = 	snop  }
0x202: {  	[tilespmem:s16], [sflag:$0x2] =	stream.indirect.gather [hbm4b:s5+s28], $0x80, s15, s28, $0xb8;
	[tilespmem:$0x1A800] =	vst v63  }
0x203: {  	v1 =	vld [tilespmem:s10+$0x4100];
	_ =	sdelay $0x7  }
0x204: {  	v1 =	vld.idx.msk [tilespmem:v1+s25+$0x0], $0xffff;
	_ =	sdelay $0x4  }
0x205: {  	v1 =	vmax.f32 v1, $1.000000000e-30  }
0x206: {  	(erf) = vrcp.f32 v1;
	_ =	sdelay $0x3  }
0x207: {  	v2 =	vld [tilespmem:s10+$0x4110]  }
0x208: {  	v1 =	vld [tilespmem:s10+$0x4300];
	_ =	sdelay $0x3  }
0x209: {  	v3 =	vpop (erf)  }
0x20a: {  	v1 =	vmul.f32 v3, v1;
	_ =	sdelay $0x1  }
0x20b: {  	[tilespmem:s10+$0x4500] =	vst v1  }
0x20c: {  	v1 =	vld.idx.msk [tilespmem:v2+s25+$0x0], $0xffff;
	_ =	sdelay $0x4  }
0x20d: {  	v1 =	vmax.f32 v1, $1.000000000e-30  }
0x20e: {  	(erf) = vrcp.f32 v1;
	_ =	sdelay $0x3  }
0x20f: {  	v2 =	vld [tilespmem:s10+$0x4120]  }
0x210: {  	v1 =	vld [tilespmem:s10+$0x4310];
	_ =	sdelay $0x3  }
0x211: {  	v3 =	vpop (erf)  }
0x212: {  	v1 =	vmul.f32 v3, v1;
	_ =	sdelay $0x1  }
0x213: {  	[tilespmem:s10+$0x4510] =	vst v1  }
0x214: {  	v1 =	vld.idx.msk [tilespmem:v2+s25+$0x0], $0xffff;
	_ =	sdelay $0x4  }
0x215: {  	v1 =	vmax.f32 v1, $1.000000000e-30  }
0x216: {  	(erf) = vrcp.f32 v1;
	_ =	sdelay $0x3  }
0x217: {  	v2 =	vld [tilespmem:s10+$0x4130]  }
0x218: {  	v1 =	vld [tilespmem:s10+$0x4320];
	_ =	sdelay $0x3  }
0x219: {  	v3 =	vpop (erf)  }
0x21a: {  	v1 =	vmul.f32 v3, v1;
	_ =	sdelay $0x1  }
0x21b: {  	[tilespmem:s10+$0x4520] =	vst v1  }
0x21c: {  	v1 =	vld.idx.msk [tilespmem:v2+s25+$0x0], $0xffff;
	_ =	sdelay $0x4  }
0x21d: {  	v1 =	vmax.f32 v1, $1.000000000e-30  }
0x21e: {  	(erf) = vrcp.f32 v1;
	_ =	sdelay $0x4  }
0x21f: {  	v1 =	vld [tilespmem:s10+$0x4330];
	_ =	sdelay $0x3  }
0x220: {  	v2 =	vpop (erf)  }
0x221: {  	v1 =	vmul.f32 v2, v1;
	_ =	sdelay $0x1  }
0x222: {  	[tilespmem:s10+$0x4530] =	vst v1  }
0x223: {  	s24 =	sadd.s32 $0x0, s6;
	_ =	swait.ge [sflag:s17], $0x2000  }
0x224: {  	v1 =	vmov s24;
	[sflag:s17] =	ssyncset.done $0x0  }
0x225: {  	[sflag:s17] =	ssyncadd.s32 $0xFFFFE000  }
0x226: {  	v5 =	vld [tilespmem:s28+$0x30]  }
0x227: {  	v8 =	vld [tilespmem:s28+$0x10]  }
0x228: {  	v6 =	vld [tilespmem:s28+$0xFFFFFFC0]  }
0x229: {  	v2 =	vld.idx.msk [tilespmem:v1+s18+$0x0], $0xffff  }
0x22a: {  	v10 =	vld [tilespmem:s28+$0xFFFFFFE0]  }
0x22b: {  	v3 =	vld [tilespmem:s28+$0x20]  }
0x22c: {  	v4 =	vld [tilespmem:s28+$0xFFFFFFD0]  }
0x22d: {  	v1 =	vld [tilespmem:s28+$0xFFFFFFF0]  }
0x22e: {  	v9 =	vmul.f32 v5, v2;
	v5 =	vld [tilespmem:s28+$0x0]  }
0x22f: {  	v7 =	vmul.f32 v6, v2  }
0x230: {  	s14 =	simm.s32 $0x40;
	s8 =	simm.s32 $0x40;
	s24 =	simm.s32 $0x1;
	v6 =	vmul.f32 v10, v2;
	v8 =	vmul.f32 v8, v2  }
.LBB2_16:
0x231: {  	p1 =	sne.s32 s24, $0x3F  }
0x232: {  	v4 =	vmul.f32 v4, v2;
	v3 =	vmul.f32 v3, v2;
	[tilespmem:s14+$0x30] =	vst v9;
	s8 =	sadd.s32 $0x80, s8;
	s1 =	smov.u32 s24;
	s24 =	sadd.s32 $0x1, s24  }
0x233: {  	[tilespmem:s14+$0xFFFFFFC0] =	vst v7;
	v7 =	vmul.f32 v1, v2;
	v2 =	vmul.f32 v5, v2  }
0x234: {  	s1 =	sadd.s32 s1, s6;
	[tilespmem:s14+$0x10] =	vst v8  }
0x235: {  	v5 =	vmov s1;
	[tilespmem:s14+$0xFFFFFFE0] =	vst v6  }
0x236: {  	v1 =	vld [tilespmem:s8+$0xFFFFFFF0];
	[tilespmem:s14+$0xFFFFFFF0] =	vst v7  }
0x237: {  	v6 =	vld [tilespmem:s8+$0x30];
	[tilespmem:s14+$0x0] =	vst v2  }
0x238: {  	v8 =	vld [tilespmem:s8+$0x10];
	[tilespmem:s14+$0x20] =	vst v3  }
0x239: {  	v7 =	vld [tilespmem:s8+$0xFFFFFFC0];
	[tilespmem:s14+$0xFFFFFFD0] =	vst v4;
	s14 =	smov.u32 s8  }
0x23a: {  	v2 =	vld.idx.msk [tilespmem:v5+s18+$0x0], $0xffff  }
0x23b: {  	v10 =	vld [tilespmem:s8+$0xFFFFFFE0]  }
0x23c: {  	v3 =	vld [tilespmem:s8+$0x20]  }
.Ltmp6:
0x23d: {  	v4 =	vld [tilespmem:s8+$0xFFFFFFD0];
	(pc) =	sbr.rel @p1 .LBB2_16-.Ltmp6, $3  }
0x23e: {  	v5 =	vld [tilespmem:s8+$0x0];
	_ =	sdelay $0x1  }
0x23f: {  	v7 =	vmul.f32 v7, v2;
	v9 =	vmul.f32 v6, v2  }
0x240: {  	v8 =	vmul.f32 v8, v2;
	v6 =	vmul.f32 v10, v2  }
0x241: {  	[tilespmem:s14+$0x30] =	vst v9  }
0x242: {  	[tilespmem:s14+$0xFFFFFFC0] =	vst v7  }
0x243: {  	v1 =	vmul.f32 v1, v2;
	[tilespmem:s14+$0x10] =	vst v8  }
0x244: {  	v3 =	vmul.f32 v3, v2;
	[tilespmem:s14+$0xFFFFFFE0] =	vst v6  }
0x245: {  	v5 =	vmul.f32 v5, v2;
	[tilespmem:s14+$0xFFFFFFF0] =	vst v1  }
0x246: {  	v1 =	vmul.f32 v4, v2;
	[tilespmem:s14+$0x20] =	vst v3  }
0x247: {  	[tilespmem:s14+$0x0] =	vst v5  }
0x248: {  	s1 =	simm.s32 $0x0;
	[tilespmem:s14+$0xFFFFFFD0] =	vst v1  }
0x249: {  	[spmem:s2] =	stream.indirect.scatter.add.f32 [tilespmem:s1], [sflag:$0x3], $0x80, s30, s19, $0xb8;
	[tilespmem:$0x1A800] =	vst v63  }
0x24a: {  	v1 =	vld [tilespmem:s10+$0x4140];
	_ =	sdelay $0x7  }
0x24b: {  	v1 =	vld.idx.msk [tilespmem:v1+s25+$0x0], $0xffff;
	_ =	sdelay $0x4  }
0x24c: {  	v1 =	vmax.f32 v1, $1.000000000e-30  }
0x24d: {  	(erf) = vrcp.f32 v1;
	_ =	sdelay $0x3  }
0x24e: {  	v2 =	vld [tilespmem:s10+$0x4150]  }
0x24f: {  	v1 =	vld [tilespmem:s10+$0x4340];
	_ =	sdelay $0x3  }
0x250: {  	v3 =	vpop (erf)  }
0x251: {  	v1 =	vmul.f32 v3, v1;
	_ =	sdelay $0x1  }
0x252: {  	[tilespmem:s10+$0x4540] =	vst v1  }
0x253: {  	v1 =	vld.idx.msk [tilespmem:v2+s25+$0x0], $0xffff;
	_ =	sdelay $0x4  }
0x254: {  	v1 =	vmax.f32 v1, $1.000000000e-30  }
0x255: {  	(erf) = vrcp.f32 v1;
	_ =	sdelay $0x3  }
0x256: {  	v2 =	vld [tilespmem:s10+$0x4160]  }
0x257: {  	v1 =	vld [tilespmem:s10+$0x4350];
	_ =	sdelay $0x3  }
0x258: {  	v3 =	vpop (erf)  }
0x259: {  	v1 =	vmul.f32 v3, v1;
	_ =	sdelay $0x1  }
0x25a: {  	[tilespmem:s10+$0x4550] =	vst v1  }
0x25b: {  	v1 =	vld.idx.msk [tilespmem:v2+s25+$0x0], $0xffff;
	_ =	sdelay $0x4  }
0x25c: {  	v1 =	vmax.f32 v1, $1.000000000e-30  }
0x25d: {  	(erf) = vrcp.f32 v1;
	_ =	sdelay $0x3  }
0x25e: {  	v2 =	vld [tilespmem:s10+$0x4170]  }
0x25f: {  	v1 =	vld [tilespmem:s10+$0x4360];
	_ =	sdelay $0x3  }
0x260: {  	v3 =	vpop (erf)  }
0x261: {  	v1 =	vmul.f32 v3, v1;
	_ =	sdelay $0x1  }
0x262: {  	[tilespmem:s10+$0x4560] =	vst v1  }
0x263: {  	v1 =	vld.idx.msk [tilespmem:v2+s25+$0x0], $0xffff;
	_ =	sdelay $0x4  }
0x264: {  	v1 =	vmax.f32 v1, $1.000000000e-30  }
0x265: {  	(erf) = vrcp.f32 v1;
	_ =	sdelay $0x4  }
0x266: {  	v1 =	vld [tilespmem:s10+$0x4370];
	_ =	sdelay $0x3  }
0x267: {  	v2 =	vpop (erf)  }
0x268: {  	v1 =	vmul.f32 v2, v1;
	_ =	sdelay $0x1  }
0x269: {  	[tilespmem:s10+$0x4570] =	vst v1  }
0x26a: {  	s24 =	sadd.s32 $0x0, s29;
	_ =	swait.ge [sflag:s20], $0x2000  }
0x26b: {  	v1 =	vmov s24;
	[sflag:s20] =	ssyncset.done $0x0  }
0x26c: {  	s10 =	simm.s32 $0x2040;
	[sflag:s20] =	ssyncadd.s32 $0xFFFFE000  }
0x26d: {  	v5 =	vld [tilespmem:s10+$0x30]  }
0x26e: {  	v8 =	vld [tilespmem:s10+$0x10]  }
0x26f: {  	v6 =	vld [tilespmem:s10+$0xFFFFFFC0]  }
0x270: {  	v2 =	vld.idx.msk [tilespmem:v1+s18+$0x0], $0xffff  }
0x271: {  	v10 =	vld [tilespmem:s10+$0xFFFFFFE0]  }
0x272: {  	v3 =	vld [tilespmem:s10+$0x20]  }
0x273: {  	v4 =	vld [tilespmem:s10+$0xFFFFFFD0]  }
0x274: {  	v1 =	vld [tilespmem:s10+$0xFFFFFFF0]  }
0x275: {  	v9 =	vmul.f32 v5, v2;
	v5 =	vld [tilespmem:s10+$0x0]  }
0x276: {  	v7 =	vmul.f32 v6, v2  }
0x277: {  	s8 =	simm.s32 $0x2040;
	s14 =	simm.s32 $0x1;
	v6 =	vmul.f32 v10, v2;
	v8 =	vmul.f32 v8, v2  }
.LBB2_18:
0x278: {  	p1 =	sne.s32 s14, $0x3F  }
0x279: {  	v4 =	vmul.f32 v4, v2;
	v3 =	vmul.f32 v3, v2;
	[tilespmem:s10+$0x30] =	vst v9;
	s8 =	sadd.s32 $0x80, s8;
	s1 =	smov.u32 s14;
	s14 =	sadd.s32 $0x1, s14  }
0x27a: {  	[tilespmem:s10+$0xFFFFFFC0] =	vst v7;
	v7 =	vmul.f32 v1, v2;
	v2 =	vmul.f32 v5, v2  }
0x27b: {  	s1 =	sadd.s32 s1, s29;
	[tilespmem:s10+$0x10] =	vst v8  }
0x27c: {  	v5 =	vmov s1;
	[tilespmem:s10+$0xFFFFFFE0] =	vst v6  }
0x27d: {  	v1 =	vld [tilespmem:s8+$0xFFFFFFF0];
	[tilespmem:s10+$0xFFFFFFF0] =	vst v7  }
0x27e: {  	v6 =	vld [tilespmem:s8+$0x30];
	[tilespmem:s10+$0x0] =	vst v2  }
0x27f: {  	v8 =	vld [tilespmem:s8+$0x10];
	[tilespmem:s10+$0x20] =	vst v3  }
0x280: {  	v7 =	vld [tilespmem:s8+$0xFFFFFFC0];
	[tilespmem:s10+$0xFFFFFFD0] =	vst v4;
	s10 =	smov.u32 s8  }
0x281: {  	v2 =	vld.idx.msk [tilespmem:v5+s18+$0x0], $0xffff  }
0x282: {  	v10 =	vld [tilespmem:s8+$0xFFFFFFE0]  }
0x283: {  	v3 =	vld [tilespmem:s8+$0x20]  }
.Ltmp7:
0x284: {  	v4 =	vld [tilespmem:s8+$0xFFFFFFD0];
	(pc) =	sbr.rel @p1 .LBB2_18-.Ltmp7, $3  }
0x285: {  	v5 =	vld [tilespmem:s8+$0x0];
	_ =	sdelay $0x1  }
0x286: {  	v7 =	vmul.f32 v7, v2;
	v9 =	vmul.f32 v6, v2  }
0x287: {  	v8 =	vmul.f32 v8, v2;
	v6 =	vmul.f32 v10, v2  }
0x288: {  	[tilespmem:s10+$0x30] =	vst v9  }
0x289: {  	[tilespmem:s10+$0xFFFFFFC0] =	vst v7  }
0x28a: {  	v1 =	vmul.f32 v1, v2;
	[tilespmem:s10+$0x10] =	vst v8  }
0x28b: {  	v3 =	vmul.f32 v3, v2;
	[tilespmem:s10+$0xFFFFFFE0] =	vst v6  }
0x28c: {  	v5 =	vmul.f32 v5, v2;
	[tilespmem:s10+$0xFFFFFFF0] =	vst v1  }
0x28d: {  	v1 =	vmul.f32 v4, v2;
	[tilespmem:s10+$0x20] =	vst v3  }
0x28e: {  	[tilespmem:s10+$0x0] =	vst v5  }
0x28f: {  	s7 =	sadd.s32 $0x1, s7;
	[tilespmem:s10+$0xFFFFFFD0] =	vst v1  }
0x290: {  	[spmem:s2] =	stream.indirect.scatter.add.f32 [tilespmem:s16], [sflag:$0x4], $0x80, s31, s19, $0xb8;
	[tilespmem:$0x1A800] =	vst v63  }
0x291: {  	p1 =	sne.s32 s7, $0x4;
	_ =	swait.ge [sflag:s21], $0x2000  }
.Ltmp8:
0x292: {  	[sflag:s21] =	ssyncset.done $0x0;
	(pc) =	sbr.rel @p1 .LBB2_15-.Ltmp8, $4  }
0x293: {  	[sflag:s21] =	ssyncadd.s32 $0xFFFFE000  }
0x294: {  	_ =	swait.ge [sflag:s22], $0x2000  }
0x295: {  	[sflag:s22] =	ssyncset.done $0x0  }
0x296: {  	s6 =	sadd.s32 $0x80, s6;
	s29 =	sadd.s32 $0x80, s29;
	[sflag:s22] =	ssyncadd.s32 $0xFFFFE000  }
0x297: {  	s1 =	sld [smem:$0x7EF];
	_ =	sdelay $0x2  }
0x298: {  	s1 =	sadd.s32 $0x1, s1  }
0x299: {  	p1 =	sne.s32 s1, $0x28  }
.Ltmp9:
0x29a: {  	_ = 	snop;
	(pc) =	sbr.rel @p1 .LBB2_14-.Ltmp9, $1  }
0x29b: {  	_ =	sdelay $0x3  }
0x29c: {  	[bflag:$0x0] =	sbarrier.arrive $0xFFFF  }
0x29d: {  	s23 =	simm.s32 $0x0;
	s24 =	rddreg [dreg:$0x7]  }
0x29e: {  	[tilespmem:s23], [sflag:$0x5] =	stream.linear.gather [spmem:s24], $0x2000, $0x38;
	[tilespmem:$0x1A800] =	vst v63  }
0x29f: {  	_ =	swait.ge [sflag:s26], $0x2000  }
0x2a0: {  	[sflag:s26] =	ssyncset.done $0x0  }
0x2a1: {  	s1 =	rddreg [dreg:$0xb];
	[sflag:s26] =	ssyncadd.s32 $0xFFFFE000  }
0x2a2: {  	[hbm4b:s1+s23] =	stream.linear.scatter [tilespmem:s23], [sflag:$0x5], $0x2000, $0x38;
	[tilespmem:$0x1A800] =	vst v63  }
0x2a3: {  	_ =	swait.ge [sflag:s26], $0x2000  }
0x2a4: {  	s7 =	sld [smem:$0x7F8]  }
0x2a5: {  	[sflag:s26] =	ssyncset.done $0x0  }
0x2a6: {  	[sflag:s26] =	ssyncadd.s32 $0xFFFFE000  }
0x2a7: {  	[tilespmem:s23], [sflag:$0x5] =	stream.linear.gather [spmem:s7], $0x2000, $0x38;
	[tilespmem:$0x1A800] =	vst v63  }
0x2a8: {  	_ =	swait.ge [sflag:s26], $0x2000  }
0x2a9: {  	[sflag:s26] =	ssyncset.done $0x0  }
0x2aa: {  	s10 =	rddreg [dreg:$0xc];
	[sflag:s26] =	ssyncadd.s32 $0xFFFFE000  }
0x2ab: {  	[hbm4b:s10+s23] =	stream.linear.scatter [tilespmem:s23], [sflag:$0x5], $0x2000, $0x38;
	[tilespmem:$0x1A800] =	vst v63  }
0x2ac: {  	_ =	swait.ge [sflag:s26], $0x2000  }
0x2ad: {  	s8 =	sld [smem:$0x7F9]  }
0x2ae: {  	[sflag:s26] =	ssyncset.done $0x0  }
0x2af: {  	[sflag:s26] =	ssyncadd.s32 $0xFFFFE000  }
0x2b0: {  	[tilespmem:s23], [sflag:$0x5] =	stream.linear.gather [spmem:s8], $0x2000, $0x38;
	[tilespmem:$0x1A800] =	vst v63  }
0x2b1: {  	_ =	swait.ge [sflag:s26], $0x2000  }
0x2b2: {  	[sflag:s26] =	ssyncset.done $0x0  }
0x2b3: {  	s14 =	rddreg [dreg:$0xd];
	[sflag:s26] =	ssyncadd.s32 $0xFFFFE000  }
0x2b4: {  	[hbm4b:s14+s23] =	stream.linear.scatter [tilespmem:s23], [sflag:$0x5], $0x2000, $0x38;
	[tilespmem:$0x1A800] =	vst v63  }
0x2b5: {  	_ =	swait.ge [sflag:s26], $0x2000  }
0x2b6: {  	s10 =	sld [smem:$0x7FA]  }
0x2b7: {  	[sflag:s26] =	ssyncset.done $0x0  }
0x2b8: {  	[sflag:s26] =	ssyncadd.s32 $0xFFFFE000  }
0x2b9: {  	[tilespmem:s23], [sflag:$0x5] =	stream.linear.gather [spmem:s10], $0x2000, $0x38;
	[tilespmem:$0x1A800] =	vst v63  }
0x2ba: {  	_ =	swait.ge [sflag:s26], $0x2000  }
0x2bb: {  	[sflag:s26] =	ssyncset.done $0x0  }
0x2bc: {  	s4 =	rddreg [dreg:$0xf];
	[sflag:s26] =	ssyncadd.s32 $0xFFFFE000  }
0x2bd: {  	[hbm4b:s4+s23] =	stream.linear.scatter [tilespmem:s23], [sflag:$0x5], $0x2000, $0x38;
	[tilespmem:$0x1A800] =	vst v63  }
0x2be: {  	_ =	swait.ge [sflag:s26], $0x2000  }
0x2bf: {  	s14 =	sld [smem:$0x7FB]  }
0x2c0: {  	[sflag:s26] =	ssyncset.done $0x0  }
0x2c1: {  	[sflag:s26] =	ssyncadd.s32 $0xFFFFE000  }
0x2c2: {  	[tilespmem:s23], [sflag:$0x5] =	stream.linear.gather [spmem:s14], $0x2000, $0x38;
	[tilespmem:$0x1A800] =	vst v63  }
0x2c3: {  	_ =	swait.ge [sflag:s26], $0x2000  }
0x2c4: {  	[sflag:s26] =	ssyncset.done $0x0  }
0x2c5: {  	s6 =	rddreg [dreg:$0x11];
	[sflag:s26] =	ssyncadd.s32 $0xFFFFE000  }
0x2c6: {  	[hbm4b:s6+s23] =	stream.linear.scatter [tilespmem:s23], [sflag:$0x5], $0x2000, $0x38;
	[tilespmem:$0x1A800] =	vst v63  }
0x2c7: {  	_ =	swait.ge [sflag:s26], $0x2000  }
0x2c8: {  	s28 =	sld [smem:$0x7FC]  }
0x2c9: {  	[sflag:s26] =	ssyncset.done $0x0  }
0x2ca: {  	[sflag:s26] =	ssyncadd.s32 $0xFFFFE000  }
0x2cb: {  	[tilespmem:s23], [sflag:$0x5] =	stream.linear.gather [spmem:s28], $0x2000, $0x38;
	[tilespmem:$0x1A800] =	vst v63  }
0x2cc: {  	_ =	swait.ge [sflag:s26], $0x2000  }
0x2cd: {  	[sflag:s26] =	ssyncset.done $0x0  }
0x2ce: {  	s4 =	rddreg [dreg:$0x13];
	[sflag:s26] =	ssyncadd.s32 $0xFFFFE000  }
0x2cf: {  	[hbm4b:s4+s23] =	stream.linear.scatter [tilespmem:s23], [sflag:$0x5], $0x2000, $0x38;
	[tilespmem:$0x1A800] =	vst v63  }
0x2d0: {  	_ =	swait.ge [sflag:s26], $0x2000  }
0x2d1: {  	s29 =	sld [smem:$0x7FD]  }
0x2d2: {  	[sflag:s26] =	ssyncset.done $0x0  }
0x2d3: {  	[sflag:s26] =	ssyncadd.s32 $0xFFFFE000  }
0x2d4: {  	[tilespmem:s23], [sflag:$0x5] =	stream.linear.gather [spmem:s29], $0x2000, $0x38;
	[tilespmem:$0x1A800] =	vst v63  }
0x2d5: {  	_ =	swait.ge [sflag:s26], $0x2000  }
0x2d6: {  	[sflag:s26] =	ssyncset.done $0x0  }
0x2d7: {  	s6 =	rddreg [dreg:$0x15];
	[sflag:s26] =	ssyncadd.s32 $0xFFFFE000  }
0x2d8: {  	[hbm4b:s6+s23] =	stream.linear.scatter [tilespmem:s23], [sflag:$0x5], $0x2000, $0x38;
	[tilespmem:$0x1A800] =	vst v63  }
0x2d9: {  	_ =	swait.ge [sflag:s26], $0x2000  }
0x2da: {  	s4 =	sld [smem:$0x7F4]  }
0x2db: {  	[sflag:s26] =	ssyncset.done $0x0  }
0x2dc: {  	[sflag:s26] =	ssyncadd.s32 $0xFFFFE000  }
0x2dd: {  	[tilespmem:s23], [sflag:$0x5] =	stream.linear.gather [spmem:s4], $0x2000, $0x38;
	[tilespmem:$0x1A800] =	vst v63  }
0x2de: {  	_ =	swait.ge [sflag:s26], $0x2000  }
0x2df: {  	[sflag:s26] =	ssyncset.done $0x0  }
0x2e0: {  	s6 =	rddreg [dreg:$0x17];
	[sflag:s26] =	ssyncadd.s32 $0xFFFFE000  }
0x2e1: {  	[hbm4b:s6+s23] =	stream.linear.scatter [tilespmem:s23], [sflag:$0x5], $0x2000, $0x38;
	[tilespmem:$0x1A800] =	vst v63  }
0x2e2: {  	_ =	swait.ge [sflag:s26], $0x2000  }
0x2e3: {  	s4 =	sld [smem:$0x7F5]  }
0x2e4: {  	[sflag:s26] =	ssyncset.done $0x0  }
0x2e5: {  	[sflag:s26] =	ssyncadd.s32 $0xFFFFE000  }
0x2e6: {  	[tilespmem:s23], [sflag:$0x5] =	stream.linear.gather [spmem:s4], $0x2000, $0x38;
	[tilespmem:$0x1A800] =	vst v63  }
0x2e7: {  	_ =	swait.ge [sflag:s26], $0x2000  }
0x2e8: {  	[sflag:s26] =	ssyncset.done $0x0  }
0x2e9: {  	s6 =	rddreg [dreg:$0x19];
	[sflag:s26] =	ssyncadd.s32 $0xFFFFE000  }
0x2ea: {  	[hbm4b:s6+s23] =	stream.linear.scatter [tilespmem:s23], [sflag:$0x5], $0x2000, $0x38;
	[tilespmem:$0x1A800] =	vst v63  }
0x2eb: {  	_ =	swait.ge [sflag:s26], $0x2000  }
0x2ec: {  	s4 =	sld [smem:$0x7F6]  }
0x2ed: {  	[sflag:s26] =	ssyncset.done $0x0  }
0x2ee: {  	[sflag:s26] =	ssyncadd.s32 $0xFFFFE000  }
0x2ef: {  	[tilespmem:s23], [sflag:$0x5] =	stream.linear.gather [spmem:s4], $0x1800, $0x38;
	[tilespmem:$0x1A800] =	vst v63  }
0x2f0: {  	_ =	swait.ge [sflag:s26], $0x1800  }
0x2f1: {  	[sflag:s26] =	ssyncset.done $0x0  }
0x2f2: {  	s6 =	rddreg [dreg:$0x1b];
	[sflag:s26] =	ssyncadd.s32 $0xFFFFE800  }
0x2f3: {  	[hbm4b:s6+s23] =	stream.linear.scatter [tilespmem:s23], [sflag:$0x5], $0x1800, $0x38;
	[tilespmem:$0x1A800] =	vst v63  }
0x2f4: {  	_ =	swait.ge [sflag:s26], $0x1800  }
0x2f5: {  	s4 =	sld [smem:$0x7F7]  }
0x2f6: {  	[sflag:s26] =	ssyncset.done $0x0  }
0x2f7: {  	s1 =	simm.s32 @!p0 $0x0;
	[sflag:s26] =	ssyncadd.s32 $0xFFFFE800  }
0x2f8: {  	[tilespmem:s1], [sflag:$0x5] =	stream.linear.gather @!p0 [spmem:s4], $0x800, $0x38;
	[tilespmem:$0x1A800] =	vst v63  }
0x2f9: {  	s4 =	simm.s32 @!p0 $0x5  }
0x2fa: {  	_ =	swait.ge @!p0 [sflag:s4], $0x800  }
0x2fb: {  	[sflag:s4] =	ssyncset.done @!p0 $0x0  }
0x2fc: {  	s6 =	rddreg [dreg:$0x1c];
	[sflag:s4] =	ssyncadd.s32 @!p0 $0xFFFFF800  }
0x2fd: {  	[hbm4b:s6+s1] =	stream.linear.scatter @!p0 [tilespmem:s1], [sflag:$0x5], $0x800, $0x38;
	[tilespmem:$0x1A800] =	vst v63  }
0x2fe: {  	_ =	swait.ge @!p0 [sflag:s4], $0x800  }
0x2ff: {  	s1 =	sld [smem:$0x7F1];
	_ =	sdelay $0x2  }
0x300: {  	s6 =	sadd.s32 $0x1, s1;
	s1 =	sld [smem:$0x7F2];
	_ =	sdelay $0x2  }
0x301: {  	p1 =	sne.s32 s6, s1  }
.Ltmp10:
0x302: {  	_ = 	snop;
	(pc) =	sbr.rel @p1 .LBB2_1-.Ltmp10, $4  }
0x303: {  	_ = 	snop  }
0x304: {  	[sflag:s4] =	ssyncset.done @!p0 $0x0  }
0x305: {  	[sflag:s4] =	ssyncadd.s32 @!p0 $0xFFFFF800  }
0x306: {  	s1 =	rddreg [dreg:$0x0]  }
0x307: {  	_ =	sfence.sel $0x180000  }
0x308: {  	[bflag:$0x0] =	sbarrier.arrive $0xFFFF  }
0x309: {  	_ =	strace $0x9000004A  }
0x30a: {  	s0 =	stileid.u32;
	[bflag:$0x2] =	sbarrier.arrive $0xFFFF  }
0x30b: {  	p0 =	sne.s32 s0, $0x0;
	s0 =	rddreg [dreg:$0x4]  }
0x30c: {  	s0 =	sadd.s32 @!p0 $0x100000, s0  }
0x30d: {  	[sflag:s0] =	ssyncadd.tile.s32 @!p0 $0x1;
	_ =	shalt  }
.Lfunc_end2:
_tile_overlayer_lowered:
.L_overlay_start_2:
0x30e: {  	(tag) =	ssettag $0x2  }
0x30f: {  	s0 =	rddreg [dreg:$0x0];
	s2 =	stileid.u32  }
0x310: {  	s1 =	rddreg [dreg:$0x1];
	p0 =	sne.s32 s2, $0x0  }
0x311: {  	s3 =	rddreg [dreg:$0x2];
	[bflag:$0x3] =	sbarrier.arrive $0xFFFF;
	s2 =	simm.s32 @!p0 $0x1C05  }
0x312: {  	[timem:s3], [sflag:s2] =	dma.local @!p0 [hbm:s0], s1  }
0x313: {  	s0 =	simm.s32 @!p0 $0x5  }
0x314: {  	_ =	swait.ge @!p0 [sflag:s0], s1  }
0x315: {  	s1 =	ssub.s32 @!p0 $0x0, s1;
	[sflag:s0] =	ssyncset.done @!p0 $0x0  }
0x316: {  	[sflag:s0] =	ssyncadd.s32 @!p0 s1  }
0x317: {  	[bflag:$0x3] =	sbarrier.arrive $0xFFFF  }
0x318: {  	_ =	shalt  }

</sc_bundles>
